<compile_context>
chip_gen: v7x
topology: tpu7x:2x2x1
jax: 0.10.2.dev20260603
libtpu: 0.0.44.dev20260713+nightly
codegen_flags: <defaults>
</compile_context>

<pallas_src>
import functools

import jax
import jax.numpy as jnp
from jax import lax
from jax.experimental import pallas as pl
from jax.experimental.pallas import tpu as pltpu
from jax.experimental.pallas import tpu_sc as plsc

_N = 10000
_NP = 10240
_E = 320000
_D = 128
_H1 = 50
_HP1 = 64
_H2 = 2
_HP2 = 16
_C = 10
_DW = 8

_NC = 2
_NS = 16
_NW = _NC * _NS
_EP = 327680
_EB = 128
_EC = 80
_RPS = _NP // _NS
_ZB = 32
_ZC = _RPS // _ZB
_NB = 8
_NG = _EC // _NB

_mesh = functools.partial(
    plsc.VectorSubcoreMesh, core_axis_name="c", subcore_axis_name="s"
)


def _deg_body(edge_hbm, ones_hbm, zrows_hbm, out_hbm, dst_v, ones_v, zrows_v,
              acc_sh, sem):
    cid = lax.axis_index("c")
    sid = lax.axis_index("s")
    wid = sid * _NC + cid
    base = sid * _RPS
    pltpu.sync_copy(zrows_hbm, zrows_v)
    for t in range(_ZC):
        pltpu.sync_copy(zrows_v, acc_sh.at[pl.ds(base + t * _ZB, _ZB)])
    pltpu.sync_copy(ones_hbm, ones_v)
    pltpu.sync_copy(edge_hbm.at[0, pl.ds(wid * _EC, _EC)], dst_v)
    plsc.subcore_barrier()

    def group(g, carry):
        descs = []
        for b in range(_NB):
            descs.append(
                pltpu.async_copy(ones_v, acc_sh.at[dst_v.at[g * _NB + b]],
                                 sem.at[b], add=True))
        for d in descs:
            d.wait()
        return carry

    lax.fori_loop(0, _NG, group, 0)
    plsc.subcore_barrier()
    pltpu.sync_copy(acc_sh.at[pl.ds(base, _RPS)],
                    out_hbm.at[cid, pl.ds(base, _RPS)])


_deg = pl.kernel(
    _deg_body,
    out_type=jax.ShapeDtypeStruct((_NC, _NP, _DW), jnp.float32),
    mesh=_mesh(),
    scratch_types=[
        pltpu.VMEM((_EC, _EB), jnp.int32),
        pltpu.VMEM((_EB, _DW), jnp.float32),
        pltpu.VMEM((_ZB, _DW), jnp.float32),
        pltpu.VMEM_SHARED((_NP, _DW), jnp.float32),
        pltpu.SemaphoreType.DMA((_NB,)),
    ],
    compiler_params=pltpu.CompilerParams(use_tc_tiling_on_sc=False),
)


def _make_agg(width, srow, drow):
    def body(y_hbm, edge_hbm, zrows_hbm, out_hbm,
             src_v, dst_v, rows_v, zrows_v, acc_sh, sem_g, sem_s):
        cid = lax.axis_index("c")
        sid = lax.axis_index("s")
        wid = sid * _NC + cid
        base = sid * _RPS
        pltpu.sync_copy(zrows_hbm, zrows_v)
        for t in range(_ZC):
            pltpu.sync_copy(zrows_v, acc_sh.at[pl.ds(base + t * _ZB, _ZB)])
        pltpu.sync_copy(edge_hbm.at[srow, pl.ds(wid * _EC, _EC)], src_v)
        pltpu.sync_copy(edge_hbm.at[drow, pl.ds(wid * _EC, _EC)], dst_v)
        plsc.subcore_barrier()

        def group(g, carry):
            gds = []
            for b in range(_NB):
                j = g * _NB + b

                @pl.when(g > 0)
                def _wait_prev_scatter():
                    pltpu.make_async_copy(
                        rows_v.at[b], acc_sh.at[dst_v.at[j - _NB]],
                        sem_s.at[b]).wait()

                gds.append(
                    pltpu.async_copy(y_hbm.at[src_v.at[j]], rows_v.at[b],
                                     sem_g.at[b]))
            for b in range(_NB):
                j = g * _NB + b
                gds[b].wait()
                pltpu.async_copy(rows_v.at[b], acc_sh.at[dst_v.at[j]],
                                 sem_s.at[b], add=True)
            return carry

        lax.fori_loop(0, _NG, group, 0)
        for b in range(_NB):
            j = (_NG - 1) * _NB + b
            pltpu.make_async_copy(
                rows_v.at[b], acc_sh.at[dst_v.at[j]], sem_s.at[b]).wait()
        plsc.subcore_barrier()
        pltpu.sync_copy(acc_sh.at[pl.ds(base, _RPS)],
                        out_hbm.at[cid, pl.ds(base, _RPS)])

    return pl.kernel(
        body,
        out_type=jax.ShapeDtypeStruct((_NC, _NP, width), jnp.float32),
        mesh=_mesh(),
        scratch_types=[
            pltpu.VMEM((_EC, _EB), jnp.int32),
            pltpu.VMEM((_EC, _EB), jnp.int32),
            pltpu.VMEM((_NB, _EB, width), jnp.float32),
            pltpu.VMEM((_ZB, width), jnp.float32),
            pltpu.VMEM_SHARED((_NP, width), jnp.float32),
            pltpu.SemaphoreType.DMA((_NB,)),
            pltpu.SemaphoreType.DMA((_NB,)),
        ],
        compiler_params=pltpu.CompilerParams(use_tc_tiling_on_sc=False),
    )


_agg1 = _make_agg(_HP1, 1, 2)
_agg2 = _make_agg(_HP2, 3, 4)

_NH = _NP * _HP1 // 128
_NQ = _NP * _HP2 // 128
_HB = _NP // 2
_QB = _NP // 8


_RA = 1024


def _tc_a0_body(xa_ref, xb_ref, w_ref, xw_ref):
    xwa = jnp.dot(xa_ref[...], w_ref[...], preferred_element_type=jnp.float32)
    xwb = jnp.dot(xb_ref[...], w_ref[...], preferred_element_type=jnp.float32)
    xw_ref[...] = jnp.concatenate([xwa, xwb], axis=1)


_tc_a0 = pl.pallas_call(
    _tc_a0_body,
    grid=(_NH // _RA,),
    in_specs=[
        pl.BlockSpec((_RA, _D), lambda i: (i, 0)),
        pl.BlockSpec((_RA, _D), lambda i: (5 + i, 0)),
        pl.BlockSpec((_D, _HP1), lambda i: (0, 0)),
    ],
    out_specs=pl.BlockSpec((_RA, 128), lambda i: (i, 0)),
    out_shape=jax.ShapeDtypeStruct((_NH, 128), jnp.float32),
)


def _dinv_of(ref):
    deg = ref[0] + ref[1] + 1.0
    return lax.rsqrt(jnp.maximum(deg[:, 0:1], 1.0))


def _tc_da_body(xw_ref, da_ref, db_ref, d0_ref, d1_ref, d2_ref, d3_ref,
                d4_ref, d5_ref, d6_ref, d7_ref, dinv2_ref, dinv16_ref,
                y1_ref):
    d2 = jnp.concatenate(
        [jnp.broadcast_to(_dinv_of(da_ref), (_RA, _HP1)),
         jnp.broadcast_to(_dinv_of(db_ref), (_RA, _HP1))], axis=1)
    dinv2_ref[...] = d2
    y1_ref[...] = xw_ref[...] * d2
    parts = [jnp.broadcast_to(_dinv_of(r), (_RA // 4, _HP2))
             for r in (d0_ref, d1_ref, d2_ref, d3_ref,
                       d4_ref, d5_ref, d6_ref, d7_ref)]
    dinv16_ref[...] = jnp.concatenate(parts, axis=1)


_tc_da = pl.pallas_call(
    _tc_da_body,
    grid=(_NH // _RA,),
    in_specs=[
        pl.BlockSpec((_RA, 128), lambda i: (i, 0)),
        pl.BlockSpec((_NC, _RA, _DW), lambda i: (0, i, 0)),
        pl.BlockSpec((_NC, _RA, _DW), lambda i: (0, 5 + i, 0)),
    ] + [
        pl.BlockSpec((_NC, _RA // 4, _DW),
                     lambda i, k=k: (0, 5 * k + i, 0))
        for k in range(8)
    ],
    out_specs=[
        pl.BlockSpec((_RA, 128), lambda i: (i, 0)),
        pl.BlockSpec((_RA // 4, 128), lambda i: (i, 0)),
        pl.BlockSpec((_RA, 128), lambda i: (i, 0)),
    ],
    out_shape=[
        jax.ShapeDtypeStruct((_NH, 128), jnp.float32),
        jax.ShapeDtypeStruct((_NQ, 128), jnp.float32),
        jax.ShapeDtypeStruct((_NH, 128), jnp.float32),
    ],
)


def _tc_b_body(aggp_ref, y1_ref, dinv2_ref, dinv16_ref, b1_ref, w2_ref,
               y2_ref):
    s = (aggp_ref[0] + aggp_ref[1] + y1_ref[...]) * dinv2_ref[...] \
        + b1_ref[...]
    h1 = jnp.tanh(s)
    y2 = jnp.dot(h1, w2_ref[...], preferred_element_type=jnp.float32)
    cols = [y2[k * _QB:(k + 1) * _QB, 0:_HP2] for k in range(4)] + \
           [y2[k * _QB:(k + 1) * _QB, _HP2:2 * _HP2] for k in range(4)]
    y2_ref[...] = jnp.concatenate(cols, axis=1) * dinv16_ref[...]


_tc_b = pl.pallas_call(
    _tc_b_body,
    in_specs=[
        pl.BlockSpec((_NC, _NH, 128), lambda: (0, 0, 0)),
        pl.BlockSpec((_NH, 128), lambda: (0, 0)),
        pl.BlockSpec((_NH, 128), lambda: (0, 0)),
        pl.BlockSpec((_NQ, 128), lambda: (0, 0)),
        pl.BlockSpec((1, 128), lambda: (0, 0)),
        pl.BlockSpec((128, 2 * _HP2), lambda: (0, 0)),
    ],
    out_specs=pl.BlockSpec((_NQ, 128), lambda: (0, 0)),
    out_shape=jax.ShapeDtypeStruct((_NQ, 128), jnp.float32),
)


def _tc_c_body(aggp_ref, y2_ref, dinv16_ref, b2_ref, wc_ref, bc_ref,
               h_ref, out_ref):
    s = (aggp_ref[0] + aggp_ref[1] + y2_ref[...]) * dinv16_ref[...] \
        + b2_ref[...]
    hp = jnp.tanh(s)
    h = jnp.concatenate(
        [hp[:, 16 * k:16 * (k + 1)] for k in range(8)], axis=0)[0:_N]
    h_ref[...] = h[:, 0:_H2]
    out_ref[...] = (
        jnp.dot(h, wc_ref[...], preferred_element_type=jnp.float32)
        + bc_ref[...]
    )


_tc_c = pl.pallas_call(
    _tc_c_body,
    in_specs=[
        pl.BlockSpec((_NC, _NQ, 128), lambda: (0, 0, 0)),
        pl.BlockSpec((_NQ, 128), lambda: (0, 0)),
        pl.BlockSpec((_NQ, 128), lambda: (0, 0)),
        pl.BlockSpec((1, 128), lambda: (0, 0)),
        pl.BlockSpec((_HP2, _C), lambda: (0, 0)),
        pl.BlockSpec((1, _C), lambda: (0, 0)),
    ],
    out_specs=[
        pl.BlockSpec((_N, _H2), lambda: (0, 0)),
        pl.BlockSpec((_N, _C), lambda: (0, 0)),
    ],
    out_shape=[
        jax.ShapeDtypeStruct((_N, _H2), jnp.float32),
        jax.ShapeDtypeStruct((_N, _C), jnp.float32),
    ],
)


def kernel(x, edge_index, W1, b1, W2, b2, Wc, bc):
    npad = _EP - _E
    ar = jnp.arange(npad, dtype=jnp.int32)
    src0 = jnp.concatenate([edge_index[0], ar])
    dst0 = jnp.concatenate([edge_index[1], _N + 16 + (ar & 127)])
    def perm1(v):
        hi = (v >= _HB).astype(jnp.int32)
        return 2 * (v - _HB * hi) + hi

    def perm2(v):
        k = ((v.astype(jnp.float32) + 0.5) * (1.0 / _QB)).astype(jnp.int32)
        return 8 * (v - _QB * k) + k

    src1 = perm1(src0)
    dst1 = perm1(dst0)
    src2 = perm2(src0)
    dst2 = perm2(dst0)
    edges = jnp.stack([dst0, src1, dst1, src2, dst2]).reshape(
        5, _NW * _EC, _EB)

    xpad = jnp.pad(x, ((0, _NP - _N), (0, 0)))

    ones8 = jnp.ones((_EB, _DW), jnp.float32)
    z8 = jnp.zeros((_ZB, _DW), jnp.float32)
    zrows1 = jnp.zeros((_ZB, _HP1), jnp.float32)
    zrows2 = jnp.zeros((_ZB, _HP2), jnp.float32)

    W1p = jnp.pad(W1, ((0, 0), (0, _HP1 - _H1)))
    b1p = jnp.pad(b1, (0, _HP1 - _H1))
    b1pk = jnp.concatenate([b1p, b1p]).reshape(1, 128)
    b2p = jnp.pad(b2, (0, _HP2 - _H2))
    b2pk = jnp.tile(b2p, 8).reshape(1, 128)
    W2p = jnp.pad(W2, ((0, _HP1 - _H1), (0, _HP2 - _H2)))
    W2bd = jnp.zeros((128, 2 * _HP2), jnp.float32)
    W2bd = W2bd.at[:_HP1, :_HP2].set(W2p).at[_HP1:, _HP2:].set(W2p)
    Wcp = jnp.pad(Wc, ((0, _HP2 - _H2), (0, 0)))
    bcp = bc.reshape(1, _C)

    degp = _deg(edges, ones8, z8)
    xw_pk = _tc_a0(xpad, xpad, W1p)
    dinv2, dinv16, y1_pk = _tc_da(xw_pk, *([degp] * 10))
    y1 = y1_pk.reshape(_NP, _HP1)
    agg1 = _agg1(y1, edges, zrows1)
    agg1_pk = agg1.reshape(_NC, _NH, 128)
    y2_pk = _tc_b(agg1_pk, y1_pk, dinv2, dinv16, b1pk, W2bd)
    y2 = y2_pk.reshape(_NP, _HP2)
    agg2 = _agg2(y2, edges, zrows2)
    agg2_pk = agg2.reshape(_NC, _NQ, 128)
    h, out = _tc_c(agg2_pk, y2_pk, dinv16, b2pk, Wcp, bcp)
    return (out, h)

# --- scband reference (transcript-rebuilt; emitter-appended) ---
"""Pipeline reference for scband-gnn-14465449853013 (READ-ONLY COPY).

The authoritative reference and input builder live on the scoring server;
editing this copy changes nothing except your own understanding.
"""

import jax, jax.numpy as jnp
import numpy as np

N = 10000
E = 320000
D = 128
H1 = 50
H2 = 2
C = 10


def setup_inputs(seed: int = 0) -> dict:
    key = jax.random.key(seed)
    ks = jax.random.split(key, 8)
    x = jax.random.normal(ks[0], (N, D), dtype=jnp.float32)
    edge_index = jax.random.randint(ks[1], (2, E), 0, N, dtype=jnp.int32)
    W1 = jax.random.normal(ks[2], (D, H1), dtype=jnp.float32) * (1.0 / np.sqrt(D))
    b1 = jnp.zeros((H1,), dtype=jnp.float32)
    W2 = jax.random.normal(ks[3], (H1, H2), dtype=jnp.float32) * (1.0 / np.sqrt(H1))
    b2 = jnp.zeros((H2,), dtype=jnp.float32)
    Wc = jax.random.normal(ks[4], (H2, C), dtype=jnp.float32) * (1.0 / np.sqrt(H2))
    bc = jnp.zeros((C,), dtype=jnp.float32)
    return {"x": x, "edge_index": edge_index, "W1": W1, "b1": b1, "W2": W2, "b2": b2, "Wc": Wc, "bc": bc}


def _gcn_conv(x, edge_index, W, b):
    n = x.shape[0]
    src = edge_index[0]
    dst = edge_index[1]
    loop = jnp.arange(n, dtype=src.dtype)
    src = jnp.concatenate([src, loop])
    dst = jnp.concatenate([dst, loop])
    xw = x @ W
    deg = jnp.zeros((n,), dtype=x.dtype).at[dst].add(1.0)
    dinv = jax.lax.rsqrt(jnp.maximum(deg, 1.0))
    norm = dinv[src] * dinv[dst]
    msg = jnp.take(xw, src, axis=0) * norm[:, None]
    out = jax.ops.segment_sum(msg, dst, num_segments=n)
    return out + b


def reference(x, edge_index, W1, b1, W2, b2, Wc, bc):
    h = jnp.tanh(_gcn_conv(x, edge_index, W1, b1))
    h = jnp.tanh(_gcn_conv(h, edge_index, W2, b2))
    out = h @ Wc + bc
    return (out, h)

if __name__ == "__main__":
    import jax
    _d = setup_inputs()
    print(jax.jit(kernel)(*tuple(_d.values())))

</pallas_src>

<mosaic_0001>
#map = affine_map<(d0, d1) -> (0, 0, 0)>
#map1 = affine_map<(d0, d1) -> (0, 0)>
module attributes {stable_mosaic.version = 14 : i64} {
  func.func @_deg_body(%arg0: i32, %arg1: i32, %arg2: memref<5x2560x128xi32, #tpu.memory_space<hbm>>, %arg3: memref<128x8xf32, #tpu.memory_space<hbm>>, %arg4: memref<32x8xf32, #tpu.memory_space<hbm>>, %arg5: memref<2x10240x8xf32, #tpu.memory_space<hbm>>, %arg6: memref<80x128xi32, #tpu.memory_space<vmem>>, %arg7: memref<128x8xf32, #tpu.memory_space<vmem>>, %arg8: memref<32x8xf32, #tpu.memory_space<vmem>>, %arg9: memref<10240x8xf32, #tpu.memory_space<vmem_shared>>, %arg10: memref<8x!tpu.dma_semaphore, #tpu.memory_space<semaphore_mem>>) attributes {dimension_semantics = [#tpu.dimension_semantics<core_parallel>, #tpu.dimension_semantics<subcore_parallel>], iteration_bounds = array<i64: 2, 16>, scalar_prefetch = 0 : i64, scratch_operands = 5 : i64, tpu.core_type = #tpu.core_type<sc_vector_subcore>, window_params = [{transform_indices = #map}, {transform_indices = #map1}, {transform_indices = #map1}, {transform_indices = #map}]} {
    %mul3A = arith.constant 2 : i32
    %mul3A_0 = arith.muli %arg1, %mul3A : i32
    %add3A = arith.addi %mul3A_0, %arg0 : i32
    %mul3A_1 = arith.constant 640 : i32
    %mul3A_2 = arith.muli %arg1, %mul3A_1 : i32
    "tpu.region"() ({
      %run_scoped3A_51 = tpu.sem_alloc : memref<!tpu.dma_semaphore, #tpu.memory_space<semaphore_mem>>
      tpu.enqueue_dma source(%arg4 : memref<32x8xf32, #tpu.memory_space<hbm>>) target(%arg8 : memref<32x8xf32, #tpu.memory_space<vmem>>) target_semaphore(%run_scoped3A_51 : memref<!tpu.dma_semaphore, #tpu.memory_space<semaphore_mem>>)
      tpu.wait_dma2 semaphore(%run_scoped3A_51 : memref<!tpu.dma_semaphore, #tpu.memory_space<semaphore_mem>>) src(%arg4 : memref<32x8xf32, #tpu.memory_space<hbm>>) dst(%arg8 : memref<32x8xf32, #tpu.memory_space<vmem>>)
      tpu.yield
    }) : () -> ()
    %add3A_3 = arith.constant 0 : i32
    %add3A_4 = arith.addi %mul3A_2, %add3A_3 : i32
    "tpu.region"() ({
      %run_scoped3A_51 = tpu.sem_alloc : memref<!tpu.dma_semaphore, #tpu.memory_space<semaphore_mem>>
      %dma_start3A = arith.constant 0 : i32
      %dma_start3A_52 = tpu.memref_slice %arg9[%add3A_4, %dma_start3A] : memref<10240x8xf32, #tpu.memory_space<vmem_shared>> -> memref<32x8xf32, #tpu.memory_space<vmem_shared>>
      %dma_start3A_53 = arith.constant 0 : i32
      %dma_start3A_54 = tpu.memref_slice %arg9[%add3A_4, %dma_start3A_53] : memref<10240x8xf32, #tpu.memory_space<vmem_shared>> -> memref<32x8xf32, #tpu.memory_space<vmem_shared>>
      tpu.enqueue_dma source(%arg8 : memref<32x8xf32, #tpu.memory_space<vmem>>) target(%dma_start3A_54 : memref<32x8xf32, #tpu.memory_space<vmem_shared>>) target_semaphore(%run_scoped3A_51 : memref<!tpu.dma_semaphore, #tpu.memory_space<semaphore_mem>>)
      %dma_wait3A = arith.constant 0 : i32
      %dma_wait3A_55 = tpu.memref_slice %arg9[%add3A_4, %dma_wait3A] : memref<10240x8xf32, #tpu.memory_space<vmem_shared>> -> memref<32x8xf32, #tpu.memory_space<vmem_shared>>
      %dma_wait3A_56 = arith.constant 0 : i32
      %dma_wait3A_57 = tpu.memref_slice %arg9[%add3A_4, %dma_wait3A_56] : memref<10240x8xf32, #tpu.memory_space<vmem_shared>> -> memref<32x8xf32, #tpu.memory_space<vmem_shared>>
      tpu.wait_dma2 semaphore(%run_scoped3A_51 : memref<!tpu.dma_semaphore, #tpu.memory_space<semaphore_mem>>) src(%arg8 : memref<32x8xf32, #tpu.memory_space<vmem>>) dst(%dma_wait3A_57 : memref<32x8xf32, #tpu.memory_space<vmem_shared>>)
      tpu.yield
    }) : () -> ()
    %add3A_5 = arith.constant 32 : i32
    %add3A_6 = arith.addi %mul3A_2, %add3A_5 : i32
    "tpu.region"() ({
      %run_scoped3A_51 = tpu.sem_alloc : memref<!tpu.dma_semaphore, #tpu.memory_space<semaphore_mem>>
      %dma_start3A = arith.constant 0 : i32
      %dma_start3A_52 = tpu.memref_slice %arg9[%add3A_6, %dma_start3A] : memref<10240x8xf32, #tpu.memory_space<vmem_shared>> -> memref<32x8xf32, #tpu.memory_space<vmem_shared>>
      %dma_start3A_53 = arith.constant 0 : i32
      %dma_start3A_54 = tpu.memref_slice %arg9[%add3A_6, %dma_start3A_53] : memref<10240x8xf32, #tpu.memory_space<vmem_shared>> -> memref<32x8xf32, #tpu.memory_space<vmem_shared>>
      tpu.enqueue_dma source(%arg8 : memref<32x8xf32, #tpu.memory_space<vmem>>) target(%dma_start3A_54 : memref<32x8xf32, #tpu.memory_space<vmem_shared>>) target_semaphore(%run_scoped3A_51 : memref<!tpu.dma_semaphore, #tpu.memory_space<semaphore_mem>>)
      %dma_wait3A = arith.constant 0 : i32
      %dma_wait3A_55 = tpu.memref_slice %arg9[%add3A_6, %dma_wait3A] : memref<10240x8xf32, #tpu.memory_space<vmem_shared>> -> memref<32x8xf32, #tpu.memory_space<vmem_shared>>
      %dma_wait3A_56 = arith.constant 0 : i32
      %dma_wait3A_57 = tpu.memref_slice %arg9[%add3A_6, %dma_wait3A_56] : memref<10240x8xf32, #tpu.memory_space<vmem_shared>> -> memref<32x8xf32, #tpu.memory_space<vmem_shared>>
      tpu.wait_dma2 semaphore(%run_scoped3A_51 : memref<!tpu.dma_semaphore, #tpu.memory_space<semaphore_mem>>) src(%arg8 : memref<32x8xf32, #tpu.memory_space<vmem>>) dst(%dma_wait3A_57 : memref<32x8xf32, #tpu.memory_space<vmem_shared>>)
      tpu.yield
    }) : () -> ()
    %add3A_7 = arith.constant 64 : i32
    %add3A_8 = arith.addi %mul3A_2, %add3A_7 : i32
    "tpu.region"() ({
      %run_scoped3A_51 = tpu.sem_alloc : memref<!tpu.dma_semaphore, #tpu.memory_space<semaphore_mem>>
      %dma_start3A = arith.constant 0 : i32
      %dma_start3A_52 = tpu.memref_slice %arg9[%add3A_8, %dma_start3A] : memref<10240x8xf32, #tpu.memory_space<vmem_shared>> -> memref<32x8xf32, #tpu.memory_space<vmem_shared>>
      %dma_start3A_53 = arith.constant 0 : i32
      %dma_start3A_54 = tpu.memref_slice %arg9[%add3A_8, %dma_start3A_53] : memref<10240x8xf32, #tpu.memory_space<vmem_shared>> -> memref<32x8xf32, #tpu.memory_space<vmem_shared>>
      tpu.enqueue_dma source(%arg8 : memref<32x8xf32, #tpu.memory_space<vmem>>) target(%dma_start3A_54 : memref<32x8xf32, #tpu.memory_space<vmem_shared>>) target_semaphore(%run_scoped3A_51 : memref<!tpu.dma_semaphore, #tpu.memory_space<semaphore_mem>>)
      %dma_wait3A = arith.constant 0 : i32
      %dma_wait3A_55 = tpu.memref_slice %arg9[%add3A_8, %dma_wait3A] : memref<10240x8xf32, #tpu.memory_space<vmem_shared>> -> memref<32x8xf32, #tpu.memory_space<vmem_shared>>
      %dma_wait3A_56 = arith.constant 0 : i32
      %dma_wait3A_57 = tpu.memref_slice %arg9[%add3A_8, %dma_wait3A_56] : memref<10240x8xf32, #tpu.memory_space<vmem_shared>> -> memref<32x8xf32, #tpu.memory_space<vmem_shared>>
      tpu.wait_dma2 semaphore(%run_scoped3A_51 : memref<!tpu.dma_semaphore, #tpu.memory_space<semaphore_mem>>) src(%arg8 : memref<32x8xf32, #tpu.memory_space<vmem>>) dst(%dma_wait3A_57 : memref<32x8xf32, #tpu.memory_space<vmem_shared>>)
      tpu.yield
    }) : () -> ()
    %add3A_9 = arith.constant 96 : i32
    %add3A_10 = arith.addi %mul3A_2, %add3A_9 : i32
    "tpu.region"() ({
      %run_scoped3A_51 = tpu.sem_alloc : memref<!tpu.dma_semaphore, #tpu.memory_space<semaphore_mem>>
      %dma_start3A = arith.constant 0 : i32
      %dma_start3A_52 = tpu.memref_slice %arg9[%add3A_10, %dma_start3A] : memref<10240x8xf32, #tpu.memory_space<vmem_shared>> -> memref<32x8xf32, #tpu.memory_space<vmem_shared>>
      %dma_start3A_53 = arith.constant 0 : i32
      %dma_start3A_54 = tpu.memref_slice %arg9[%add3A_10, %dma_start3A_53] : memref<10240x8xf32, #tpu.memory_space<vmem_shared>> -> memref<32x8xf32, #tpu.memory_space<vmem_shared>>
      tpu.enqueue_dma source(%arg8 : memref<32x8xf32, #tpu.memory_space<vmem>>) target(%dma_start3A_54 : memref<32x8xf32, #tpu.memory_space<vmem_shared>>) target_semaphore(%run_scoped3A_51 : memref<!tpu.dma_semaphore, #tpu.memory_space<semaphore_mem>>)
      %dma_wait3A = arith.constant 0 : i32
      %dma_wait3A_55 = tpu.memref_slice %arg9[%add3A_10, %dma_wait3A] : memref<10240x8xf32, #tpu.memory_space<vmem_shared>> -> memref<32x8xf32, #tpu.memory_space<vmem_shared>>
      %dma_wait3A_56 = arith.constant 0 : i32
      %dma_wait3A_57 = tpu.memref_slice %arg9[%add3A_10, %dma_wait3A_56] : memref<10240x8xf32, #tpu.memory_space<vmem_shared>> -> memref<32x8xf32, #tpu.memory_space<vmem_shared>>
      tpu.wait_dma2 semaphore(%run_scoped3A_51 : memref<!tpu.dma_semaphore, #tpu.memory_space<semaphore_mem>>) src(%arg8 : memref<32x8xf32, #tpu.memory_space<vmem>>) dst(%dma_wait3A_57 : memref<32x8xf32, #tpu.memory_space<vmem_shared>>)
      tpu.yield
    }) : () -> ()
    %add3A_11 = arith.constant 128 : i32
    %add3A_12 = arith.addi %mul3A_2, %add3A_11 : i32
    "tpu.region"() ({
      %run_scoped3A_51 = tpu.sem_alloc : memref<!tpu.dma_semaphore, #tpu.memory_space<semaphore_mem>>
      %dma_start3A = arith.constant 0 : i32
      %dma_start3A_52 = tpu.memref_slice %arg9[%add3A_12, %dma_start3A] : memref<10240x8xf32, #tpu.memory_space<vmem_shared>> -> memref<32x8xf32, #tpu.memory_space<vmem_shared>>
      %dma_start3A_53 = arith.constant 0 : i32
      %dma_start3A_54 = tpu.memref_slice %arg9[%add3A_12, %dma_start3A_53] : memref<10240x8xf32, #tpu.memory_space<vmem_shared>> -> memref<32x8xf32, #tpu.memory_space<vmem_shared>>
      tpu.enqueue_dma source(%arg8 : memref<32x8xf32, #tpu.memory_space<vmem>>) target(%dma_start3A_54 : memref<32x8xf32, #tpu.memory_space<vmem_shared>>) target_semaphore(%run_scoped3A_51 : memref<!tpu.dma_semaphore, #tpu.memory_space<semaphore_mem>>)
      %dma_wait3A = arith.constant 0 : i32
      %dma_wait3A_55 = tpu.memref_slice %arg9[%add3A_12, %dma_wait3A] : memref<10240x8xf32, #tpu.memory_space<vmem_shared>> -> memref<32x8xf32, #tpu.memory_space<vmem_shared>>
      %dma_wait3A_56 = arith.constant 0 : i32
      %dma_wait3A_57 = tpu.memref_slice %arg9[%add3A_12, %dma_wait3A_56] : memref<10240x8xf32, #tpu.memory_space<vmem_shared>> -> memref<32x8xf32, #tpu.memory_space<vmem_shared>>
      tpu.wait_dma2 semaphore(%run_scoped3A_51 : memref<!tpu.dma_semaphore, #tpu.memory_space<semaphore_mem>>) src(%arg8 : memref<32x8xf32, #tpu.memory_space<vmem>>) dst(%dma_wait3A_57 : memref<32x8xf32, #tpu.memory_space<vmem_shared>>)
      tpu.yield
    }) : () -> ()
    %add3A_13 = arith.constant 160 : i32
    %add3A_14 = arith.addi %mul3A_2, %add3A_13 : i32
    "tpu.region"() ({
      %run_scoped3A_51 = tpu.sem_alloc : memref<!tpu.dma_semaphore, #tpu.memory_space<semaphore_mem>>
      %dma_start3A = arith.constant 0 : i32
      %dma_start3A_52 = tpu.memref_slice %arg9[%add3A_14, %dma_start3A] : memref<10240x8xf32, #tpu.memory_space<vmem_shared>> -> memref<32x8xf32, #tpu.memory_space<vmem_shared>>
      %dma_start3A_53 = arith.constant 0 : i32
      %dma_start3A_54 = tpu.memref_slice %arg9[%add3A_14, %dma_start3A_53] : memref<10240x8xf32, #tpu.memory_space<vmem_shared>> -> memref<32x8xf32, #tpu.memory_space<vmem_shared>>
      tpu.enqueue_dma source(%arg8 : memref<32x8xf32, #tpu.memory_space<vmem>>) target(%dma_start3A_54 : memref<32x8xf32, #tpu.memory_space<vmem_shared>>) target_semaphore(%run_scoped3A_51 : memref<!tpu.dma_semaphore, #tpu.memory_space<semaphore_mem>>)
      %dma_wait3A = arith.constant 0 : i32
      %dma_wait3A_55 = tpu.memref_slice %arg9[%add3A_14, %dma_wait3A] : memref<10240x8xf32, #tpu.memory_space<vmem_shared>> -> memref<32x8xf32, #tpu.memory_space<vmem_shared>>
      %dma_wait3A_56 = arith.constant 0 : i32
      %dma_wait3A_57 = tpu.memref_slice %arg9[%add3A_14, %dma_wait3A_56] : memref<10240x8xf32, #tpu.memory_space<vmem_shared>> -> memref<32x8xf32, #tpu.memory_space<vmem_shared>>
      tpu.wait_dma2 semaphore(%run_scoped3A_51 : memref<!tpu.dma_semaphore, #tpu.memory_space<semaphore_mem>>) src(%arg8 : memref<32x8xf32, #tpu.memory_space<vmem>>) dst(%dma_wait3A_57 : memref<32x8xf32, #tpu.memory_space<vmem_shared>>)
      tpu.yield
    }) : () -> ()
    %add3A_15 = arith.constant 192 : i32
    %add3A_16 = arith.addi %mul3A_2, %add3A_15 : i32
    "tpu.region"() ({
      %run_scoped3A_51 = tpu.sem_alloc : memref<!tpu.dma_semaphore, #tpu.memory_space<semaphore_mem>>
      %dma_start3A = arith.constant 0 : i32
      %dma_start3A_52 = tpu.memref_slice %arg9[%add3A_16, %dma_start3A] : memref<10240x8xf32, #tpu.memory_space<vmem_shared>> -> memref<32x8xf32, #tpu.memory_space<vmem_shared>>
      %dma_start3A_53 = arith.constant 0 : i32
      %dma_start3A_54 = tpu.memref_slice %arg9[%add3A_16, %dma_start3A_53] : memref<10240x8xf32, #tpu.memory_space<vmem_shared>> -> memref<32x8xf32, #tpu.memory_space<vmem_shared>>
      tpu.enqueue_dma source(%arg8 : memref<32x8xf32, #tpu.memory_space<vmem>>) target(%dma_start3A_54 : memref<32x8xf32, #tpu.memory_space<vmem_shared>>) target_semaphore(%run_scoped3A_51 : memref<!tpu.dma_semaphore, #tpu.memory_space<semaphore_mem>>)
      %dma_wait3A = arith.constant 0 : i32
      %dma_wait3A_55 = tpu.memref_slice %arg9[%add3A_16, %dma_wait3A] : memref<10240x8xf32, #tpu.memory_space<vmem_shared>> -> memref<32x8xf32, #tpu.memory_space<vmem_shared>>
      %dma_wait3A_56 = arith.constant 0 : i32
      %dma_wait3A_57 = tpu.memref_slice %arg9[%add3A_16, %dma_wait3A_56] : memref<10240x8xf32, #tpu.memory_space<vmem_shared>> -> memref<32x8xf32, #tpu.memory_space<vmem_shared>>
      tpu.wait_dma2 semaphore(%run_scoped3A_51 : memref<!tpu.dma_semaphore, #tpu.memory_space<semaphore_mem>>) src(%arg8 : memref<32x8xf32, #tpu.memory_space<vmem>>) dst(%dma_wait3A_57 : memref<32x8xf32, #tpu.memory_space<vmem_shared>>)
      tpu.yield
    }) : () -> ()
    %add3A_17 = arith.constant 224 : i32
    %add3A_18 = arith.addi %mul3A_2, %add3A_17 : i32
    "tpu.region"() ({
      %run_scoped3A_51 = tpu.sem_alloc : memref<!tpu.dma_semaphore, #tpu.memory_space<semaphore_mem>>
      %dma_start3A = arith.constant 0 : i32
      %dma_start3A_52 = tpu.memref_slice %arg9[%add3A_18, %dma_start3A] : memref<10240x8xf32, #tpu.memory_space<vmem_shared>> -> memref<32x8xf32, #tpu.memory_space<vmem_shared>>
      %dma_start3A_53 = arith.constant 0 : i32
      %dma_start3A_54 = tpu.memref_slice %arg9[%add3A_18, %dma_start3A_53] : memref<10240x8xf32, #tpu.memory_space<vmem_shared>> -> memref<32x8xf32, #tpu.memory_space<vmem_shared>>
      tpu.enqueue_dma source(%arg8 : memref<32x8xf32, #tpu.memory_space<vmem>>) target(%dma_start3A_54 : memref<32x8xf32, #tpu.memory_space<vmem_shared>>) target_semaphore(%run_scoped3A_51 : memref<!tpu.dma_semaphore, #tpu.memory_space<semaphore_mem>>)
      %dma_wait3A = arith.constant 0 : i32
      %dma_wait3A_55 = tpu.memref_slice %arg9[%add3A_18, %dma_wait3A] : memref<10240x8xf32, #tpu.memory_space<vmem_shared>> -> memref<32x8xf32, #tpu.memory_space<vmem_shared>>
      %dma_wait3A_56 = arith.constant 0 : i32
      %dma_wait3A_57 = tpu.memref_slice %arg9[%add3A_18, %dma_wait3A_56] : memref<10240x8xf32, #tpu.memory_space<vmem_shared>> -> memref<32x8xf32, #tpu.memory_space<vmem_shared>>
      tpu.wait_dma2 semaphore(%run_scoped3A_51 : memref<!tpu.dma_semaphore, #tpu.memory_space<semaphore_mem>>) src(%arg8 : memref<32x8xf32, #tpu.memory_space<vmem>>) dst(%dma_wait3A_57 : memref<32x8xf32, #tpu.memory_space<vmem_shared>>)
      tpu.yield
    }) : () -> ()
    %add3A_19 = arith.constant 256 : i32
    %add3A_20 = arith.addi %mul3A_2, %add3A_19 : i32
    "tpu.region"() ({
      %run_scoped3A_51 = tpu.sem_alloc : memref<!tpu.dma_semaphore, #tpu.memory_space<semaphore_mem>>
      %dma_start3A = arith.constant 0 : i32
      %dma_start3A_52 = tpu.memref_slice %arg9[%add3A_20, %dma_start3A] : memref<10240x8xf32, #tpu.memory_space<vmem_shared>> -> memref<32x8xf32, #tpu.memory_space<vmem_shared>>
      %dma_start3A_53 = arith.constant 0 : i32
      %dma_start3A_54 = tpu.memref_slice %arg9[%add3A_20, %dma_start3A_53] : memref<10240x8xf32, #tpu.memory_space<vmem_shared>> -> memref<32x8xf32, #tpu.memory_space<vmem_shared>>
      tpu.enqueue_dma source(%arg8 : memref<32x8xf32, #tpu.memory_space<vmem>>) target(%dma_start3A_54 : memref<32x8xf32, #tpu.memory_space<vmem_shared>>) target_semaphore(%run_scoped3A_51 : memref<!tpu.dma_semaphore, #tpu.memory_space<semaphore_mem>>)
      %dma_wait3A = arith.constant 0 : i32
      %dma_wait3A_55 = tpu.memref_slice %arg9[%add3A_20, %dma_wait3A] : memref<10240x8xf32, #tpu.memory_space<vmem_shared>> -> memref<32x8xf32, #tpu.memory_space<vmem_shared>>
      %dma_wait3A_56 = arith.constant 0 : i32
      %dma_wait3A_57 = tpu.memref_slice %arg9[%add3A_20, %dma_wait3A_56] : memref<10240x8xf32, #tpu.memory_space<vmem_shared>> -> memref<32x8xf32, #tpu.memory_space<vmem_shared>>
      tpu.wait_dma2 semaphore(%run_scoped3A_51 : memref<!tpu.dma_semaphore, #tpu.memory_space<semaphore_mem>>) src(%arg8 : memref<32x8xf32, #tpu.memory_space<vmem>>) dst(%dma_wait3A_57 : memref<32x8xf32, #tpu.memory_space<vmem_shared>>)
      tpu.yield
    }) : () -> ()
    %add3A_21 = arith.constant 288 : i32
    %add3A_22 = arith.addi %mul3A_2, %add3A_21 : i32
    "tpu.region"() ({
      %run_scoped3A_51 = tpu.sem_alloc : memref<!tpu.dma_semaphore, #tpu.memory_space<semaphore_mem>>
      %dma_start3A = arith.constant 0 : i32
      %dma_start3A_52 = tpu.memref_slice %arg9[%add3A_22, %dma_start3A] : memref<10240x8xf32, #tpu.memory_space<vmem_shared>> -> memref<32x8xf32, #tpu.memory_space<vmem_shared>>
      %dma_start3A_53 = arith.constant 0 : i32
      %dma_start3A_54 = tpu.memref_slice %arg9[%add3A_22, %dma_start3A_53] : memref<10240x8xf32, #tpu.memory_space<vmem_shared>> -> memref<32x8xf32, #tpu.memory_space<vmem_shared>>
      tpu.enqueue_dma source(%arg8 : memref<32x8xf32, #tpu.memory_space<vmem>>) target(%dma_start3A_54 : memref<32x8xf32, #tpu.memory_space<vmem_shared>>) target_semaphore(%run_scoped3A_51 : memref<!tpu.dma_semaphore, #tpu.memory_space<semaphore_mem>>)
      %dma_wait3A = arith.constant 0 : i32
      %dma_wait3A_55 = tpu.memref_slice %arg9[%add3A_22, %dma_wait3A] : memref<10240x8xf32, #tpu.memory_space<vmem_shared>> -> memref<32x8xf32, #tpu.memory_space<vmem_shared>>
      %dma_wait3A_56 = arith.constant 0 : i32
      %dma_wait3A_57 = tpu.memref_slice %arg9[%add3A_22, %dma_wait3A_56] : memref<10240x8xf32, #tpu.memory_space<vmem_shared>> -> memref<32x8xf32, #tpu.memory_space<vmem_shared>>
      tpu.wait_dma2 semaphore(%run_scoped3A_51 : memref<!tpu.dma_semaphore, #tpu.memory_space<semaphore_mem>>) src(%arg8 : memref<32x8xf32, #tpu.memory_space<vmem>>) dst(%dma_wait3A_57 : memref<32x8xf32, #tpu.memory_space<vmem_shared>>)
      tpu.yield
    }) : () -> ()
    %add3A_23 = arith.constant 320 : i32
    %add3A_24 = arith.addi %mul3A_2, %add3A_23 : i32
    "tpu.region"() ({
      %run_scoped3A_51 = tpu.sem_alloc : memref<!tpu.dma_semaphore, #tpu.memory_space<semaphore_mem>>
      %dma_start3A = arith.constant 0 : i32
      %dma_start3A_52 = tpu.memref_slice %arg9[%add3A_24, %dma_start3A] : memref<10240x8xf32, #tpu.memory_space<vmem_shared>> -> memref<32x8xf32, #tpu.memory_space<vmem_shared>>
      %dma_start3A_53 = arith.constant 0 : i32
      %dma_start3A_54 = tpu.memref_slice %arg9[%add3A_24, %dma_start3A_53] : memref<10240x8xf32, #tpu.memory_space<vmem_shared>> -> memref<32x8xf32, #tpu.memory_space<vmem_shared>>
      tpu.enqueue_dma source(%arg8 : memref<32x8xf32, #tpu.memory_space<vmem>>) target(%dma_start3A_54 : memref<32x8xf32, #tpu.memory_space<vmem_shared>>) target_semaphore(%run_scoped3A_51 : memref<!tpu.dma_semaphore, #tpu.memory_space<semaphore_mem>>)
      %dma_wait3A = arith.constant 0 : i32
      %dma_wait3A_55 = tpu.memref_slice %arg9[%add3A_24, %dma_wait3A] : memref<10240x8xf32, #tpu.memory_space<vmem_shared>> -> memref<32x8xf32, #tpu.memory_space<vmem_shared>>
      %dma_wait3A_56 = arith.constant 0 : i32
      %dma_wait3A_57 = tpu.memref_slice %arg9[%add3A_24, %dma_wait3A_56] : memref<10240x8xf32, #tpu.memory_space<vmem_shared>> -> memref<32x8xf32, #tpu.memory_space<vmem_shared>>
      tpu.wait_dma2 semaphore(%run_scoped3A_51 : memref<!tpu.dma_semaphore, #tpu.memory_space<semaphore_mem>>) src(%arg8 : memref<32x8xf32, #tpu.memory_space<vmem>>) dst(%dma_wait3A_57 : memref<32x8xf32, #tpu.memory_space<vmem_shared>>)
      tpu.yield
    }) : () -> ()
    %add3A_25 = arith.constant 352 : i32
    %add3A_26 = arith.addi %mul3A_2, %add3A_25 : i32
    "tpu.region"() ({
      %run_scoped3A_51 = tpu.sem_alloc : memref<!tpu.dma_semaphore, #tpu.memory_space<semaphore_mem>>
      %dma_start3A = arith.constant 0 : i32
      %dma_start3A_52 = tpu.memref_slice %arg9[%add3A_26, %dma_start3A] : memref<10240x8xf32, #tpu.memory_space<vmem_shared>> -> memref<32x8xf32, #tpu.memory_space<vmem_shared>>
      %dma_start3A_53 = arith.constant 0 : i32
      %dma_start3A_54 = tpu.memref_slice %arg9[%add3A_26, %dma_start3A_53] : memref<10240x8xf32, #tpu.memory_space<vmem_shared>> -> memref<32x8xf32, #tpu.memory_space<vmem_shared>>
      tpu.enqueue_dma source(%arg8 : memref<32x8xf32, #tpu.memory_space<vmem>>) target(%dma_start3A_54 : memref<32x8xf32, #tpu.memory_space<vmem_shared>>) target_semaphore(%run_scoped3A_51 : memref<!tpu.dma_semaphore, #tpu.memory_space<semaphore_mem>>)
      %dma_wait3A = arith.constant 0 : i32
      %dma_wait3A_55 = tpu.memref_slice %arg9[%add3A_26, %dma_wait3A] : memref<10240x8xf32, #tpu.memory_space<vmem_shared>> -> memref<32x8xf32, #tpu.memory_space<vmem_shared>>
      %dma_wait3A_56 = arith.constant 0 : i32
      %dma_wait3A_57 = tpu.memref_slice %arg9[%add3A_26, %dma_wait3A_56] : memref<10240x8xf32, #tpu.memory_space<vmem_shared>> -> memref<32x8xf32, #tpu.memory_space<vmem_shared>>
      tpu.wait_dma2 semaphore(%run_scoped3A_51 : memref<!tpu.dma_semaphore, #tpu.memory_space<semaphore_mem>>) src(%arg8 : memref<32x8xf32, #tpu.memory_space<vmem>>) dst(%dma_wait3A_57 : memref<32x8xf32, #tpu.memory_space<vmem_shared>>)
      tpu.yield
    }) : () -> ()
    %add3A_27 = arith.constant 384 : i32
    %add3A_28 = arith.addi %mul3A_2, %add3A_27 : i32
    "tpu.region"() ({
      %run_scoped3A_51 = tpu.sem_alloc : memref<!tpu.dma_semaphore, #tpu.memory_space<semaphore_mem>>
      %dma_start3A = arith.constant 0 : i32
      %dma_start3A_52 = tpu.memref_slice %arg9[%add3A_28, %dma_start3A] : memref<10240x8xf32, #tpu.memory_space<vmem_shared>> -> memref<32x8xf32, #tpu.memory_space<vmem_shared>>
      %dma_start3A_53 = arith.constant 0 : i32
      %dma_start3A_54 = tpu.memref_slice %arg9[%add3A_28, %dma_start3A_53] : memref<10240x8xf32, #tpu.memory_space<vmem_shared>> -> memref<32x8xf32, #tpu.memory_space<vmem_shared>>
      tpu.enqueue_dma source(%arg8 : memref<32x8xf32, #tpu.memory_space<vmem>>) target(%dma_start3A_54 : memref<32x8xf32, #tpu.memory_space<vmem_shared>>) target_semaphore(%run_scoped3A_51 : memref<!tpu.dma_semaphore, #tpu.memory_space<semaphore_mem>>)
      %dma_wait3A = arith.constant 0 : i32
      %dma_wait3A_55 = tpu.memref_slice %arg9[%add3A_28, %dma_wait3A] : memref<10240x8xf32, #tpu.memory_space<vmem_shared>> -> memref<32x8xf32, #tpu.memory_space<vmem_shared>>
      %dma_wait3A_56 = arith.constant 0 : i32
      %dma_wait3A_57 = tpu.memref_slice %arg9[%add3A_28, %dma_wait3A_56] : memref<10240x8xf32, #tpu.memory_space<vmem_shared>> -> memref<32x8xf32, #tpu.memory_space<vmem_shared>>
      tpu.wait_dma2 semaphore(%run_scoped3A_51 : memref<!tpu.dma_semaphore, #tpu.memory_space<semaphore_mem>>) src(%arg8 : memref<32x8xf32, #tpu.memory_space<vmem>>) dst(%dma_wait3A_57 : memref<32x8xf32, #tpu.memory_space<vmem_shared>>)
      tpu.yield
    }) : () -> ()
    %add3A_29 = arith.constant 416 : i32
    %add3A_30 = arith.addi %mul3A_2, %add3A_29 : i32
    "tpu.region"() ({
      %run_scoped3A_51 = tpu.sem_alloc : memref<!tpu.dma_semaphore, #tpu.memory_space<semaphore_mem>>
      %dma_start3A = arith.constant 0 : i32
      %dma_start3A_52 = tpu.memref_slice %arg9[%add3A_30, %dma_start3A] : memref<10240x8xf32, #tpu.memory_space<vmem_shared>> -> memref<32x8xf32, #tpu.memory_space<vmem_shared>>
      %dma_start3A_53 = arith.constant 0 : i32
      %dma_start3A_54 = tpu.memref_slice %arg9[%add3A_30, %dma_start3A_53] : memref<10240x8xf32, #tpu.memory_space<vmem_shared>> -> memref<32x8xf32, #tpu.memory_space<vmem_shared>>
      tpu.enqueue_dma source(%arg8 : memref<32x8xf32, #tpu.memory_space<vmem>>) target(%dma_start3A_54 : memref<32x8xf32, #tpu.memory_space<vmem_shared>>) target_semaphore(%run_scoped3A_51 : memref<!tpu.dma_semaphore, #tpu.memory_space<semaphore_mem>>)
      %dma_wait3A = arith.constant 0 : i32
      %dma_wait3A_55 = tpu.memref_slice %arg9[%add3A_30, %dma_wait3A] : memref<10240x8xf32, #tpu.memory_space<vmem_shared>> -> memref<32x8xf32, #tpu.memory_space<vmem_shared>>
      %dma_wait3A_56 = arith.constant 0 : i32
      %dma_wait3A_57 = tpu.memref_slice %arg9[%add3A_30, %dma_wait3A_56] : memref<10240x8xf32, #tpu.memory_space<vmem_shared>> -> memref<32x8xf32, #tpu.memory_space<vmem_shared>>
      tpu.wait_dma2 semaphore(%run_scoped3A_51 : memref<!tpu.dma_semaphore, #tpu.memory_space<semaphore_mem>>) src(%arg8 : memref<32x8xf32, #tpu.memory_space<vmem>>) dst(%dma_wait3A_57 : memref<32x8xf32, #tpu.memory_space<vmem_shared>>)
      tpu.yield
    }) : () -> ()
    %add3A_31 = arith.constant 448 : i32
    %add3A_32 = arith.addi %mul3A_2, %add3A_31 : i32
    "tpu.region"() ({
      %run_scoped3A_51 = tpu.sem_alloc : memref<!tpu.dma_semaphore, #tpu.memory_space<semaphore_mem>>
      %dma_start3A = arith.constant 0 : i32
      %dma_start3A_52 = tpu.memref_slice %arg9[%add3A_32, %dma_start3A] : memref<10240x8xf32, #tpu.memory_space<vmem_shared>> -> memref<32x8xf32, #tpu.memory_space<vmem_shared>>
      %dma_start3A_53 = arith.constant 0 : i32
      %dma_start3A_54 = tpu.memref_slice %arg9[%add3A_32, %dma_start3A_53] : memref<10240x8xf32, #tpu.memory_space<vmem_shared>> -> memref<32x8xf32, #tpu.memory_space<vmem_shared>>
      tpu.enqueue_dma source(%arg8 : memref<32x8xf32, #tpu.memory_space<vmem>>) target(%dma_start3A_54 : memref<32x8xf32, #tpu.memory_space<vmem_shared>>) target_semaphore(%run_scoped3A_51 : memref<!tpu.dma_semaphore, #tpu.memory_space<semaphore_mem>>)
      %dma_wait3A = arith.constant 0 : i32
      %dma_wait3A_55 = tpu.memref_slice %arg9[%add3A_32, %dma_wait3A] : memref<10240x8xf32, #tpu.memory_space<vmem_shared>> -> memref<32x8xf32, #tpu.memory_space<vmem_shared>>
      %dma_wait3A_56 = arith.constant 0 : i32
      %dma_wait3A_57 = tpu.memref_slice %arg9[%add3A_32, %dma_wait3A_56] : memref<10240x8xf32, #tpu.memory_space<vmem_shared>> -> memref<32x8xf32, #tpu.memory_space<vmem_shared>>
      tpu.wait_dma2 semaphore(%run_scoped3A_51 : memref<!tpu.dma_semaphore, #tpu.memory_space<semaphore_mem>>) src(%arg8 : memref<32x8xf32, #tpu.memory_space<vmem>>) dst(%dma_wait3A_57 : memref<32x8xf32, #tpu.memory_space<vmem_shared>>)
      tpu.yield
    }) : () -> ()
    %add3A_33 = arith.constant 480 : i32
    %add3A_34 = arith.addi %mul3A_2, %add3A_33 : i32
    "tpu.region"() ({
      %run_scoped3A_51 = tpu.sem_alloc : memref<!tpu.dma_semaphore, #tpu.memory_space<semaphore_mem>>
      %dma_start3A = arith.constant 0 : i32
      %dma_start3A_52 = tpu.memref_slice %arg9[%add3A_34, %dma_start3A] : memref<10240x8xf32, #tpu.memory_space<vmem_shared>> -> memref<32x8xf32, #tpu.memory_space<vmem_shared>>
      %dma_start3A_53 = arith.constant 0 : i32
      %dma_start3A_54 = tpu.memref_slice %arg9[%add3A_34, %dma_start3A_53] : memref<10240x8xf32, #tpu.memory_space<vmem_shared>> -> memref<32x8xf32, #tpu.memory_space<vmem_shared>>
      tpu.enqueue_dma source(%arg8 : memref<32x8xf32, #tpu.memory_space<vmem>>) target(%dma_start3A_54 : memref<32x8xf32, #tpu.memory_space<vmem_shared>>) target_semaphore(%run_scoped3A_51 : memref<!tpu.dma_semaphore, #tpu.memory_space<semaphore_mem>>)
      %dma_wait3A = arith.constant 0 : i32
      %dma_wait3A_55 = tpu.memref_slice %arg9[%add3A_34, %dma_wait3A] : memref<10240x8xf32, #tpu.memory_space<vmem_shared>> -> memref<32x8xf32, #tpu.memory_space<vmem_shared>>
      %dma_wait3A_56 = arith.constant 0 : i32
      %dma_wait3A_57 = tpu.memref_slice %arg9[%add3A_34, %dma_wait3A_56] : memref<10240x8xf32, #tpu.memory_space<vmem_shared>> -> memref<32x8xf32, #tpu.memory_space<vmem_shared>>
      tpu.wait_dma2 semaphore(%run_scoped3A_51 : memref<!tpu.dma_semaphore, #tpu.memory_space<semaphore_mem>>) src(%arg8 : memref<32x8xf32, #tpu.memory_space<vmem>>) dst(%dma_wait3A_57 : memref<32x8xf32, #tpu.memory_space<vmem_shared>>)
      tpu.yield
    }) : () -> ()
    %add3A_35 = arith.constant 512 : i32
    %add3A_36 = arith.addi %mul3A_2, %add3A_35 : i32
    "tpu.region"() ({
      %run_scoped3A_51 = tpu.sem_alloc : memref<!tpu.dma_semaphore, #tpu.memory_space<semaphore_mem>>
      %dma_start3A = arith.constant 0 : i32
      %dma_start3A_52 = tpu.memref_slice %arg9[%add3A_36, %dma_start3A] : memref<10240x8xf32, #tpu.memory_space<vmem_shared>> -> memref<32x8xf32, #tpu.memory_space<vmem_shared>>
      %dma_start3A_53 = arith.constant 0 : i32
      %dma_start3A_54 = tpu.memref_slice %arg9[%add3A_36, %dma_start3A_53] : memref<10240x8xf32, #tpu.memory_space<vmem_shared>> -> memref<32x8xf32, #tpu.memory_space<vmem_shared>>
      tpu.enqueue_dma source(%arg8 : memref<32x8xf32, #tpu.memory_space<vmem>>) target(%dma_start3A_54 : memref<32x8xf32, #tpu.memory_space<vmem_shared>>) target_semaphore(%run_scoped3A_51 : memref<!tpu.dma_semaphore, #tpu.memory_space<semaphore_mem>>)
      %dma_wait3A = arith.constant 0 : i32
      %dma_wait3A_55 = tpu.memref_slice %arg9[%add3A_36, %dma_wait3A] : memref<10240x8xf32, #tpu.memory_space<vmem_shared>> -> memref<32x8xf32, #tpu.memory_space<vmem_shared>>
      %dma_wait3A_56 = arith.constant 0 : i32
      %dma_wait3A_57 = tpu.memref_slice %arg9[%add3A_36, %dma_wait3A_56] : memref<10240x8xf32, #tpu.memory_space<vmem_shared>> -> memref<32x8xf32, #tpu.memory_space<vmem_shared>>
      tpu.wait_dma2 semaphore(%run_scoped3A_51 : memref<!tpu.dma_semaphore, #tpu.memory_space<semaphore_mem>>) src(%arg8 : memref<32x8xf32, #tpu.memory_space<vmem>>) dst(%dma_wait3A_57 : memref<32x8xf32, #tpu.memory_space<vmem_shared>>)
      tpu.yield
    }) : () -> ()
    %add3A_37 = arith.constant 544 : i32
    %add3A_38 = arith.addi %mul3A_2, %add3A_37 : i32
    "tpu.region"() ({
      %run_scoped3A_51 = tpu.sem_alloc : memref<!tpu.dma_semaphore, #tpu.memory_space<semaphore_mem>>
      %dma_start3A = arith.constant 0 : i32
      %dma_start3A_52 = tpu.memref_slice %arg9[%add3A_38, %dma_start3A] : memref<10240x8xf32, #tpu.memory_space<vmem_shared>> -> memref<32x8xf32, #tpu.memory_space<vmem_shared>>
      %dma_start3A_53 = arith.constant 0 : i32
      %dma_start3A_54 = tpu.memref_slice %arg9[%add3A_38, %dma_start3A_53] : memref<10240x8xf32, #tpu.memory_space<vmem_shared>> -> memref<32x8xf32, #tpu.memory_space<vmem_shared>>
      tpu.enqueue_dma source(%arg8 : memref<32x8xf32, #tpu.memory_space<vmem>>) target(%dma_start3A_54 : memref<32x8xf32, #tpu.memory_space<vmem_shared>>) target_semaphore(%run_scoped3A_51 : memref<!tpu.dma_semaphore, #tpu.memory_space<semaphore_mem>>)
      %dma_wait3A = arith.constant 0 : i32
      %dma_wait3A_55 = tpu.memref_slice %arg9[%add3A_38, %dma_wait3A] : memref<10240x8xf32, #tpu.memory_space<vmem_shared>> -> memref<32x8xf32, #tpu.memory_space<vmem_shared>>
      %dma_wait3A_56 = arith.constant 0 : i32
      %dma_wait3A_57 = tpu.memref_slice %arg9[%add3A_38, %dma_wait3A_56] : memref<10240x8xf32, #tpu.memory_space<vmem_shared>> -> memref<32x8xf32, #tpu.memory_space<vmem_shared>>
      tpu.wait_dma2 semaphore(%run_scoped3A_51 : memref<!tpu.dma_semaphore, #tpu.memory_space<semaphore_mem>>) src(%arg8 : memref<32x8xf32, #tpu.memory_space<vmem>>) dst(%dma_wait3A_57 : memref<32x8xf32, #tpu.memory_space<vmem_shared>>)
      tpu.yield
    }) : () -> ()
    %add3A_39 = arith.constant 576 : i32
    %add3A_40 = arith.addi %mul3A_2, %add3A_39 : i32
    "tpu.region"() ({
      %run_scoped3A_51 = tpu.sem_alloc : memref<!tpu.dma_semaphore, #tpu.memory_space<semaphore_mem>>
      %dma_start3A = arith.constant 0 : i32
      %dma_start3A_52 = tpu.memref_slice %arg9[%add3A_40, %dma_start3A] : memref<10240x8xf32, #tpu.memory_space<vmem_shared>> -> memref<32x8xf32, #tpu.memory_space<vmem_shared>>
      %dma_start3A_53 = arith.constant 0 : i32
      %dma_start3A_54 = tpu.memref_slice %arg9[%add3A_40, %dma_start3A_53] : memref<10240x8xf32, #tpu.memory_space<vmem_shared>> -> memref<32x8xf32, #tpu.memory_space<vmem_shared>>
      tpu.enqueue_dma source(%arg8 : memref<32x8xf32, #tpu.memory_space<vmem>>) target(%dma_start3A_54 : memref<32x8xf32, #tpu.memory_space<vmem_shared>>) target_semaphore(%run_scoped3A_51 : memref<!tpu.dma_semaphore, #tpu.memory_space<semaphore_mem>>)
      %dma_wait3A = arith.constant 0 : i32
      %dma_wait3A_55 = tpu.memref_slice %arg9[%add3A_40, %dma_wait3A] : memref<10240x8xf32, #tpu.memory_space<vmem_shared>> -> memref<32x8xf32, #tpu.memory_space<vmem_shared>>
      %dma_wait3A_56 = arith.constant 0 : i32
      %dma_wait3A_57 = tpu.memref_slice %arg9[%add3A_40, %dma_wait3A_56] : memref<10240x8xf32, #tpu.memory_space<vmem_shared>> -> memref<32x8xf32, #tpu.memory_space<vmem_shared>>
      tpu.wait_dma2 semaphore(%run_scoped3A_51 : memref<!tpu.dma_semaphore, #tpu.memory_space<semaphore_mem>>) src(%arg8 : memref<32x8xf32, #tpu.memory_space<vmem>>) dst(%dma_wait3A_57 : memref<32x8xf32, #tpu.memory_space<vmem_shared>>)
      tpu.yield
    }) : () -> ()
    %add3A_41 = arith.constant 608 : i32
    %add3A_42 = arith.addi %mul3A_2, %add3A_41 : i32
    "tpu.region"() ({
      %run_scoped3A_51 = tpu.sem_alloc : memref<!tpu.dma_semaphore, #tpu.memory_space<semaphore_mem>>
      %dma_start3A = arith.constant 0 : i32
      %dma_start3A_52 = tpu.memref_slice %arg9[%add3A_42, %dma_start3A] : memref<10240x8xf32, #tpu.memory_space<vmem_shared>> -> memref<32x8xf32, #tpu.memory_space<vmem_shared>>
      %dma_start3A_53 = arith.constant 0 : i32
      %dma_start3A_54 = tpu.memref_slice %arg9[%add3A_42, %dma_start3A_53] : memref<10240x8xf32, #tpu.memory_space<vmem_shared>> -> memref<32x8xf32, #tpu.memory_space<vmem_shared>>
      tpu.enqueue_dma source(%arg8 : memref<32x8xf32, #tpu.memory_space<vmem>>) target(%dma_start3A_54 : memref<32x8xf32, #tpu.memory_space<vmem_shared>>) target_semaphore(%run_scoped3A_51 : memref<!tpu.dma_semaphore, #tpu.memory_space<semaphore_mem>>)
      %dma_wait3A = arith.constant 0 : i32
      %dma_wait3A_55 = tpu.memref_slice %arg9[%add3A_42, %dma_wait3A] : memref<10240x8xf32, #tpu.memory_space<vmem_shared>> -> memref<32x8xf32, #tpu.memory_space<vmem_shared>>
      %dma_wait3A_56 = arith.constant 0 : i32
      %dma_wait3A_57 = tpu.memref_slice %arg9[%add3A_42, %dma_wait3A_56] : memref<10240x8xf32, #tpu.memory_space<vmem_shared>> -> memref<32x8xf32, #tpu.memory_space<vmem_shared>>
      tpu.wait_dma2 semaphore(%run_scoped3A_51 : memref<!tpu.dma_semaphore, #tpu.memory_space<semaphore_mem>>) src(%arg8 : memref<32x8xf32, #tpu.memory_space<vmem>>) dst(%dma_wait3A_57 : memref<32x8xf32, #tpu.memory_space<vmem_shared>>)
      tpu.yield
    }) : () -> ()
    "tpu.region"() ({
      %run_scoped3A_51 = tpu.sem_alloc : memref<!tpu.dma_semaphore, #tpu.memory_space<semaphore_mem>>
      tpu.enqueue_dma source(%arg3 : memref<128x8xf32, #tpu.memory_space<hbm>>) target(%arg7 : memref<128x8xf32, #tpu.memory_space<vmem>>) target_semaphore(%run_scoped3A_51 : memref<!tpu.dma_semaphore, #tpu.memory_space<semaphore_mem>>)
      tpu.wait_dma2 semaphore(%run_scoped3A_51 : memref<!tpu.dma_semaphore, #tpu.memory_space<semaphore_mem>>) src(%arg3 : memref<128x8xf32, #tpu.memory_space<hbm>>) dst(%arg7 : memref<128x8xf32, #tpu.memory_space<vmem>>)
      tpu.yield
    }) : () -> ()
    %mul3A_43 = arith.constant 80 : i32
    %mul3A_44 = arith.muli %add3A, %mul3A_43 : i32
    %run_scoped3A = arith.constant 0 : i32
    "tpu.region"() ({
      %run_scoped3A_51 = tpu.sem_alloc : memref<!tpu.dma_semaphore, #tpu.memory_space<semaphore_mem>>
      %dma_start3A = arith.constant 0 : i32
      %dma_start3A_52 = tpu.memref_slice %arg2[%run_scoped3A, %mul3A_44, %dma_start3A] : memref<5x2560x128xi32, #tpu.memory_space<hbm>> -> memref<1x80x128xi32, #tpu.memory_space<hbm>>
      %dma_start3A_53 = tpu.memref_squeeze %dma_start3A_52 : memref<1x80x128xi32, #tpu.memory_space<hbm>> -> memref<80x128xi32, #tpu.memory_space<hbm>>
      %dma_start3A_54 = arith.constant 0 : i32
      %dma_start3A_55 = tpu.memref_slice %arg2[%run_scoped3A, %mul3A_44, %dma_start3A_54] : memref<5x2560x128xi32, #tpu.memory_space<hbm>> -> memref<1x80x128xi32, #tpu.memory_space<hbm>>
      %dma_start3A_56 = tpu.memref_squeeze %dma_start3A_55 : memref<1x80x128xi32, #tpu.memory_space<hbm>> -> memref<80x128xi32, #tpu.memory_space<hbm>>
      tpu.enqueue_dma source(%dma_start3A_56 : memref<80x128xi32, #tpu.memory_space<hbm>>) target(%arg6 : memref<80x128xi32, #tpu.memory_space<vmem>>) target_semaphore(%run_scoped3A_51 : memref<!tpu.dma_semaphore, #tpu.memory_space<semaphore_mem>>)
      %dma_wait3A = arith.constant 0 : i32
      %dma_wait3A_57 = tpu.memref_slice %arg2[%run_scoped3A, %mul3A_44, %dma_wait3A] : memref<5x2560x128xi32, #tpu.memory_space<hbm>> -> memref<1x80x128xi32, #tpu.memory_space<hbm>>
      %dma_wait3A_58 = tpu.memref_squeeze %dma_wait3A_57 : memref<1x80x128xi32, #tpu.memory_space<hbm>> -> memref<80x128xi32, #tpu.memory_space<hbm>>
      %dma_wait3A_59 = arith.constant 0 : i32
      %dma_wait3A_60 = tpu.memref_slice %arg2[%run_scoped3A, %mul3A_44, %dma_wait3A_59] : memref<5x2560x128xi32, #tpu.memory_space<hbm>> -> memref<1x80x128xi32, #tpu.memory_space<hbm>>
      %dma_wait3A_61 = tpu.memref_squeeze %dma_wait3A_60 : memref<1x80x128xi32, #tpu.memory_space<hbm>> -> memref<80x128xi32, #tpu.memory_space<hbm>>
      tpu.wait_dma2 semaphore(%run_scoped3A_51 : memref<!tpu.dma_semaphore, #tpu.memory_space<semaphore_mem>>) src(%dma_wait3A_61 : memref<80x128xi32, #tpu.memory_space<hbm>>) dst(%arg6 : memref<80x128xi32, #tpu.memory_space<vmem>>)
      tpu.yield
    }) : () -> ()
    %barrier3A = arith.constant 0 : index
    tpu.barrier barrier_id(%barrier3A)
    %scan3A = arith.constant 0 : i32
    %scan3A_45 = arith.constant 0 : i32
    %scan3A_46 = arith.constant 10 : i32
    %scan3A_47 = arith.addi %scan3A_45, %scan3A_46 : i32
    %scan3A_48 = arith.constant 1 : i32
    scf.for %scan3A_51 = %scan3A_45 to %scan3A_47 step %scan3A_48  : i32 {
      %mul3A_52 = arith.constant 8 : i32
      %mul3A_53 = arith.muli %scan3A_51, %mul3A_52 : i32
      %add3A_54 = arith.constant 0 : i32
      %add3A_55 = arith.addi %mul3A_53, %add3A_54 : i32
      %dma_start3A = arith.constant 0 : i32
      %dma_start3A_56 = arith.constant 0 : i32
      %dma_start3A_57 = tpu.memref_slice %arg6[%add3A_55, %dma_start3A_56] : memref<80x128xi32, #tpu.memory_space<vmem>> -> memref<1x128xi32, #tpu.memory_space<vmem>>
      %dma_start3A_58 = tpu.memref_squeeze %dma_start3A_57 : memref<1x128xi32, #tpu.memory_space<vmem>> -> memref<128xi32, #tpu.memory_space<vmem>>
      %dma_start3A_59 = arith.constant 0 : i32
      %dma_start3A_60 = arith.constant 0 : i32
      %dma_start3A_61 = tpu.memref_slice %arg9[%dma_start3A_59, %dma_start3A_60] : memref<10240x8xf32, #tpu.memory_space<vmem_shared>> -> memref<10240x8xf32, #tpu.memory_space<vmem_shared>>
      %dma_start3A_62 = tpu.memref_slice %arg10[%dma_start3A] : memref<8x!tpu.dma_semaphore, #tpu.memory_space<semaphore_mem>> -> memref<1x!tpu.dma_semaphore, #tpu.memory_space<semaphore_mem>>
      %dma_start3A_63 = tpu.memref_squeeze %dma_start3A_62 : memref<1x!tpu.dma_semaphore, #tpu.memory_space<semaphore_mem>> -> memref<!tpu.dma_semaphore, #tpu.memory_space<semaphore_mem>>
      tpu.enqueue_indirect_dma source(%arg7 : memref<128x8xf32, #tpu.memory_space<vmem>>) target(%dma_start3A_61 : memref<10240x8xf32, #tpu.memory_space<vmem_shared>>) offsets(%dma_start3A_58 : memref<128xi32, #tpu.memory_space<vmem>>) semaphore(%dma_start3A_63 : memref<!tpu.dma_semaphore, #tpu.memory_space<semaphore_mem>>) {add = true}
      %mul3A_64 = arith.constant 8 : i32
      %mul3A_65 = arith.muli %scan3A_51, %mul3A_64 : i32
      %add3A_66 = arith.constant 1 : i32
      %add3A_67 = arith.addi %mul3A_65, %add3A_66 : i32
      %dma_start3A_68 = arith.constant 1 : i32
      %dma_start3A_69 = arith.constant 0 : i32
      %dma_start3A_70 = tpu.memref_slice %arg6[%add3A_67, %dma_start3A_69] : memref<80x128xi32, #tpu.memory_space<vmem>> -> memref<1x128xi32, #tpu.memory_space<vmem>>
      %dma_start3A_71 = tpu.memref_squeeze %dma_start3A_70 : memref<1x128xi32, #tpu.memory_space<vmem>> -> memref<128xi32, #tpu.memory_space<vmem>>
      %dma_start3A_72 = arith.constant 0 : i32
      %dma_start3A_73 = arith.constant 0 : i32
      %dma_start3A_74 = tpu.memref_slice %arg9[%dma_start3A_72, %dma_start3A_73] : memref<10240x8xf32, #tpu.memory_space<vmem_shared>> -> memref<10240x8xf32, #tpu.memory_space<vmem_shared>>
      %dma_start3A_75 = tpu.memref_slice %arg10[%dma_start3A_68] : memref<8x!tpu.dma_semaphore, #tpu.memory_space<semaphore_mem>> -> memref<1x!tpu.dma_semaphore, #tpu.memory_space<semaphore_mem>>
      %dma_start3A_76 = tpu.memref_squeeze %dma_start3A_75 : memref<1x!tpu.dma_semaphore, #tpu.memory_space<semaphore_mem>> -> memref<!tpu.dma_semaphore, #tpu.memory_space<semaphore_mem>>
      tpu.enqueue_indirect_dma source(%arg7 : memref<128x8xf32, #tpu.memory_space<vmem>>) target(%dma_start3A_74 : memref<10240x8xf32, #tpu.memory_space<vmem_shared>>) offsets(%dma_start3A_71 : memref<128xi32, #tpu.memory_space<vmem>>) semaphore(%dma_start3A_76 : memref<!tpu.dma_semaphore, #tpu.memory_space<semaphore_mem>>) {add = true}
      %mul3A_77 = arith.constant 8 : i32
      %mul3A_78 = arith.muli %scan3A_51, %mul3A_77 : i32
      %add3A_79 = arith.constant 2 : i32
      %add3A_80 = arith.addi %mul3A_78, %add3A_79 : i32
      %dma_start3A_81 = arith.constant 2 : i32
      %dma_start3A_82 = arith.constant 0 : i32
      %dma_start3A_83 = tpu.memref_slice %arg6[%add3A_80, %dma_start3A_82] : memref<80x128xi32, #tpu.memory_space<vmem>> -> memref<1x128xi32, #tpu.memory_space<vmem>>
      %dma_start3A_84 = tpu.memref_squeeze %dma_start3A_83 : memref<1x128xi32, #tpu.memory_space<vmem>> -> memref<128xi32, #tpu.memory_space<vmem>>
      %dma_start3A_85 = arith.constant 0 : i32
      %dma_start3A_86 = arith.constant 0 : i32
      %dma_start3A_87 = tpu.memref_slice %arg9[%dma_start3A_85, %dma_start3A_86] : memref<10240x8xf32, #tpu.memory_space<vmem_shared>> -> memref<10240x8xf32, #tpu.memory_space<vmem_shared>>
      %dma_start3A_88 = tpu.memref_slice %arg10[%dma_start3A_81] : memref<8x!tpu.dma_semaphore, #tpu.memory_space<semaphore_mem>> -> memref<1x!tpu.dma_semaphore, #tpu.memory_space<semaphore_mem>>
      %dma_start3A_89 = tpu.memref_squeeze %dma_start3A_88 : memref<1x!tpu.dma_semaphore, #tpu.memory_space<semaphore_mem>> -> memref<!tpu.dma_semaphore, #tpu.memory_space<semaphore_mem>>
      tpu.enqueue_indirect_dma source(%arg7 : memref<128x8xf32, #tpu.memory_space<vmem>>) target(%dma_start3A_87 : memref<10240x8xf32, #tpu.memory_space<vmem_shared>>) offsets(%dma_start3A_84 : memref<128xi32, #tpu.memory_space<vmem>>) semaphore(%dma_start3A_89 : memref<!tpu.dma_semaphore, #tpu.memory_space<semaphore_mem>>) {add = true}
      %mul3A_90 = arith.constant 8 : i32
      %mul3A_91 = arith.muli %scan3A_51, %mul3A_90 : i32
      %add3A_92 = arith.constant 3 : i32
      %add3A_93 = arith.addi %mul3A_91, %add3A_92 : i32
      %dma_start3A_94 = arith.constant 3 : i32
      %dma_start3A_95 = arith.constant 0 : i32
      %dma_start3A_96 = tpu.memref_slice %arg6[%add3A_93, %dma_start3A_95] : memref<80x128xi32, #tpu.memory_space<vmem>> -> memref<1x128xi32, #tpu.memory_space<vmem>>
      %dma_start3A_97 = tpu.memref_squeeze %dma_start3A_96 : memref<1x128xi32, #tpu.memory_space<vmem>> -> memref<128xi32, #tpu.memory_space<vmem>>
      %dma_start3A_98 = arith.constant 0 : i32
      %dma_start3A_99 = arith.constant 0 : i32
      %dma_start3A_100 = tpu.memref_slice %arg9[%dma_start3A_98, %dma_start3A_99] : memref<10240x8xf32, #tpu.memory_space<vmem_shared>> -> memref<10240x8xf32, #tpu.memory_space<vmem_shared>>
      %dma_start3A_101 = tpu.memref_slice %arg10[%dma_start3A_94] : memref<8x!tpu.dma_semaphore, #tpu.memory_space<semaphore_mem>> -> memref<1x!tpu.dma_semaphore, #tpu.memory_space<semaphore_mem>>
      %dma_start3A_102 = tpu.memref_squeeze %dma_start3A_101 : memref<1x!tpu.dma_semaphore, #tpu.memory_space<semaphore_mem>> -> memref<!tpu.dma_semaphore, #tpu.memory_space<semaphore_mem>>
      tpu.enqueue_indirect_dma source(%arg7 : memref<128x8xf32, #tpu.memory_space<vmem>>) target(%dma_start3A_100 : memref<10240x8xf32, #tpu.memory_space<vmem_shared>>) offsets(%dma_start3A_97 : memref<128xi32, #tpu.memory_space<vmem>>) semaphore(%dma_start3A_102 : memref<!tpu.dma_semaphore, #tpu.memory_space<semaphore_mem>>) {add = true}
      %mul3A_103 = arith.constant 8 : i32
      %mul3A_104 = arith.muli %scan3A_51, %mul3A_103 : i32
      %add3A_105 = arith.constant 4 : i32
      %add3A_106 = arith.addi %mul3A_104, %add3A_105 : i32
      %dma_start3A_107 = arith.constant 4 : i32
      %dma_start3A_108 = arith.constant 0 : i32
      %dma_start3A_109 = tpu.memref_slice %arg6[%add3A_106, %dma_start3A_108] : memref<80x128xi32, #tpu.memory_space<vmem>> -> memref<1x128xi32, #tpu.memory_space<vmem>>
      %dma_start3A_110 = tpu.memref_squeeze %dma_start3A_109 : memref<1x128xi32, #tpu.memory_space<vmem>> -> memref<128xi32, #tpu.memory_space<vmem>>
      %dma_start3A_111 = arith.constant 0 : i32
      %dma_start3A_112 = arith.constant 0 : i32
      %dma_start3A_113 = tpu.memref_slice %arg9[%dma_start3A_111, %dma_start3A_112] : memref<10240x8xf32, #tpu.memory_space<vmem_shared>> -> memref<10240x8xf32, #tpu.memory_space<vmem_shared>>
      %dma_start3A_114 = tpu.memref_slice %arg10[%dma_start3A_107] : memref<8x!tpu.dma_semaphore, #tpu.memory_space<semaphore_mem>> -> memref<1x!tpu.dma_semaphore, #tpu.memory_space<semaphore_mem>>
      %dma_start3A_115 = tpu.memref_squeeze %dma_start3A_114 : memref<1x!tpu.dma_semaphore, #tpu.memory_space<semaphore_mem>> -> memref<!tpu.dma_semaphore, #tpu.memory_space<semaphore_mem>>
      tpu.enqueue_indirect_dma source(%arg7 : memref<128x8xf32, #tpu.memory_space<vmem>>) target(%dma_start3A_113 : memref<10240x8xf32, #tpu.memory_space<vmem_shared>>) offsets(%dma_start3A_110 : memref<128xi32, #tpu.memory_space<vmem>>) semaphore(%dma_start3A_115 : memref<!tpu.dma_semaphore, #tpu.memory_space<semaphore_mem>>) {add = true}
      %mul3A_116 = arith.constant 8 : i32
      %mul3A_117 = arith.muli %scan3A_51, %mul3A_116 : i32
      %add3A_118 = arith.constant 5 : i32
      %add3A_119 = arith.addi %mul3A_117, %add3A_118 : i32
      %dma_start3A_120 = arith.constant 5 : i32
      %dma_start3A_121 = arith.constant 0 : i32
      %dma_start3A_122 = tpu.memref_slice %arg6[%add3A_119, %dma_start3A_121] : memref<80x128xi32, #tpu.memory_space<vmem>> -> memref<1x128xi32, #tpu.memory_space<vmem>>
      %dma_start3A_123 = tpu.memref_squeeze %dma_start3A_122 : memref<1x128xi32, #tpu.memory_space<vmem>> -> memref<128xi32, #tpu.memory_space<vmem>>
      %dma_start3A_124 = arith.constant 0 : i32
      %dma_start3A_125 = arith.constant 0 : i32
      %dma_start3A_126 = tpu.memref_slice %arg9[%dma_start3A_124, %dma_start3A_125] : memref<10240x8xf32, #tpu.memory_space<vmem_shared>> -> memref<10240x8xf32, #tpu.memory_space<vmem_shared>>
      %dma_start3A_127 = tpu.memref_slice %arg10[%dma_start3A_120] : memref<8x!tpu.dma_semaphore, #tpu.memory_space<semaphore_mem>> -> memref<1x!tpu.dma_semaphore, #tpu.memory_space<semaphore_mem>>
      %dma_start3A_128 = tpu.memref_squeeze %dma_start3A_127 : memref<1x!tpu.dma_semaphore, #tpu.memory_space<semaphore_mem>> -> memref<!tpu.dma_semaphore, #tpu.memory_space<semaphore_mem>>
      tpu.enqueue_indirect_dma source(%arg7 : memref<128x8xf32, #tpu.memory_space<vmem>>) target(%dma_start3A_126 : memref<10240x8xf32, #tpu.memory_space<vmem_shared>>) offsets(%dma_start3A_123 : memref<128xi32, #tpu.memory_space<vmem>>) semaphore(%dma_start3A_128 : memref<!tpu.dma_semaphore, #tpu.memory_space<semaphore_mem>>) {add = true}
      %mul3A_129 = arith.constant 8 : i32
      %mul3A_130 = arith.muli %scan3A_51, %mul3A_129 : i32
      %add3A_131 = arith.constant 6 : i32
      %add3A_132 = arith.addi %mul3A_130, %add3A_131 : i32
      %dma_start3A_133 = arith.constant 6 : i32
      %dma_start3A_134 = arith.constant 0 : i32
      %dma_start3A_135 = tpu.memref_slice %arg6[%add3A_132, %dma_start3A_134] : memref<80x128xi32, #tpu.memory_space<vmem>> -> memref<1x128xi32, #tpu.memory_space<vmem>>
      %dma_start3A_136 = tpu.memref_squeeze %dma_start3A_135 : memref<1x128xi32, #tpu.memory_space<vmem>> -> memref<128xi32, #tpu.memory_space<vmem>>
      %dma_start3A_137 = arith.constant 0 : i32
      %dma_start3A_138 = arith.constant 0 : i32
      %dma_start3A_139 = tpu.memref_slice %arg9[%dma_start3A_137, %dma_start3A_138] : memref<10240x8xf32, #tpu.memory_space<vmem_shared>> -> memref<10240x8xf32, #tpu.memory_space<vmem_shared>>
      %dma_start3A_140 = tpu.memref_slice %arg10[%dma_start3A_133] : memref<8x!tpu.dma_semaphore, #tpu.memory_space<semaphore_mem>> -> memref<1x!tpu.dma_semaphore, #tpu.memory_space<semaphore_mem>>
      %dma_start3A_141 = tpu.memref_squeeze %dma_start3A_140 : memref<1x!tpu.dma_semaphore, #tpu.memory_space<semaphore_mem>> -> memref<!tpu.dma_semaphore, #tpu.memory_space<semaphore_mem>>
      tpu.enqueue_indirect_dma source(%arg7 : memref<128x8xf32, #tpu.memory_space<vmem>>) target(%dma_start3A_139 : memref<10240x8xf32, #tpu.memory_space<vmem_shared>>) offsets(%dma_start3A_136 : memref<128xi32, #tpu.memory_space<vmem>>) semaphore(%dma_start3A_141 : memref<!tpu.dma_semaphore, #tpu.memory_space<semaphore_mem>>) {add = true}
      %mul3A_142 = arith.constant 8 : i32
      %mul3A_143 = arith.muli %scan3A_51, %mul3A_142 : i32
      %add3A_144 = arith.constant 7 : i32
      %add3A_145 = arith.addi %mul3A_143, %add3A_144 : i32
      %dma_start3A_146 = arith.constant 7 : i32
      %dma_start3A_147 = arith.constant 0 : i32
      %dma_start3A_148 = tpu.memref_slice %arg6[%add3A_145, %dma_start3A_147] : memref<80x128xi32, #tpu.memory_space<vmem>> -> memref<1x128xi32, #tpu.memory_space<vmem>>
      %dma_start3A_149 = tpu.memref_squeeze %dma_start3A_148 : memref<1x128xi32, #tpu.memory_space<vmem>> -> memref<128xi32, #tpu.memory_space<vmem>>
      %dma_start3A_150 = arith.constant 0 : i32
      %dma_start3A_151 = arith.constant 0 : i32
      %dma_start3A_152 = tpu.memref_slice %arg9[%dma_start3A_150, %dma_start3A_151] : memref<10240x8xf32, #tpu.memory_space<vmem_shared>> -> memref<10240x8xf32, #tpu.memory_space<vmem_shared>>
      %dma_start3A_153 = tpu.memref_slice %arg10[%dma_start3A_146] : memref<8x!tpu.dma_semaphore, #tpu.memory_space<semaphore_mem>> -> memref<1x!tpu.dma_semaphore, #tpu.memory_space<semaphore_mem>>
      %dma_start3A_154 = tpu.memref_squeeze %dma_start3A_153 : memref<1x!tpu.dma_semaphore, #tpu.memory_space<semaphore_mem>> -> memref<!tpu.dma_semaphore, #tpu.memory_space<semaphore_mem>>
      tpu.enqueue_indirect_dma source(%arg7 : memref<128x8xf32, #tpu.memory_space<vmem>>) target(%dma_start3A_152 : memref<10240x8xf32, #tpu.memory_space<vmem_shared>>) offsets(%dma_start3A_149 : memref<128xi32, #tpu.memory_space<vmem>>) semaphore(%dma_start3A_154 : memref<!tpu.dma_semaphore, #tpu.memory_space<semaphore_mem>>) {add = true}
      %dma_wait3A = arith.constant 0 : i32
      %dma_wait3A_155 = arith.constant 0 : i32
      %dma_wait3A_156 = tpu.memref_slice %arg6[%add3A_55, %dma_wait3A_155] : memref<80x128xi32, #tpu.memory_space<vmem>> -> memref<1x128xi32, #tpu.memory_space<vmem>>
      %dma_wait3A_157 = tpu.memref_squeeze %dma_wait3A_156 : memref<1x128xi32, #tpu.memory_space<vmem>> -> memref<128xi32, #tpu.memory_space<vmem>>
      %dma_wait3A_158 = arith.constant 0 : i32
      %dma_wait3A_159 = arith.constant 0 : i32
      %dma_wait3A_160 = tpu.memref_slice %arg9[%dma_wait3A_158, %dma_wait3A_159] : memref<10240x8xf32, #tpu.memory_space<vmem_shared>> -> memref<10240x8xf32, #tpu.memory_space<vmem_shared>>
      %dma_wait3A_161 = tpu.memref_slice %arg10[%dma_wait3A] : memref<8x!tpu.dma_semaphore, #tpu.memory_space<semaphore_mem>> -> memref<1x!tpu.dma_semaphore, #tpu.memory_space<semaphore_mem>>
      %dma_wait3A_162 = tpu.memref_squeeze %dma_wait3A_161 : memref<1x!tpu.dma_semaphore, #tpu.memory_space<semaphore_mem>> -> memref<!tpu.dma_semaphore, #tpu.memory_space<semaphore_mem>>
      tpu.wait_indirect_dma semaphore(%dma_wait3A_162 : memref<!tpu.dma_semaphore, #tpu.memory_space<semaphore_mem>>) src(%arg7 : memref<128x8xf32, #tpu.memory_space<vmem>>) dst(%dma_wait3A_160 : memref<10240x8xf32, #tpu.memory_space<vmem_shared>>)
      %dma_wait3A_163 = arith.constant 1 : i32
      %dma_wait3A_164 = arith.constant 0 : i32
      %dma_wait3A_165 = tpu.memref_slice %arg6[%add3A_67, %dma_wait3A_164] : memref<80x128xi32, #tpu.memory_space<vmem>> -> memref<1x128xi32, #tpu.memory_space<vmem>>
      %dma_wait3A_166 = tpu.memref_squeeze %dma_wait3A_165 : memref<1x128xi32, #tpu.memory_space<vmem>> -> memref<128xi32, #tpu.memory_space<vmem>>
      %dma_wait3A_167 = arith.constant 0 : i32
      %dma_wait3A_168 = arith.constant 0 : i32
      %dma_wait3A_169 = tpu.memref_slice %arg9[%dma_wait3A_167, %dma_wait3A_168] : memref<10240x8xf32, #tpu.memory_space<vmem_shared>> -> memref<10240x8xf32, #tpu.memory_space<vmem_shared>>
      %dma_wait3A_170 = tpu.memref_slice %arg10[%dma_wait3A_163] : memref<8x!tpu.dma_semaphore, #tpu.memory_space<semaphore_mem>> -> memref<1x!tpu.dma_semaphore, #tpu.memory_space<semaphore_mem>>
      %dma_wait3A_171 = tpu.memref_squeeze %dma_wait3A_170 : memref<1x!tpu.dma_semaphore, #tpu.memory_space<semaphore_mem>> -> memref<!tpu.dma_semaphore, #tpu.memory_space<semaphore_mem>>
      tpu.wait_indirect_dma semaphore(%dma_wait3A_171 : memref<!tpu.dma_semaphore, #tpu.memory_space<semaphore_mem>>) src(%arg7 : memref<128x8xf32, #tpu.memory_space<vmem>>) dst(%dma_wait3A_169 : memref<10240x8xf32, #tpu.memory_space<vmem_shared>>)
      %dma_wait3A_172 = arith.constant 2 : i32
      %dma_wait3A_173 = arith.constant 0 : i32
      %dma_wait3A_174 = tpu.memref_slice %arg6[%add3A_80, %dma_wait3A_173] : memref<80x128xi32, #tpu.memory_space<vmem>> -> memref<1x128xi32, #tpu.memory_space<vmem>>
      %dma_wait3A_175 = tpu.memref_squeeze %dma_wait3A_174 : memref<1x128xi32, #tpu.memory_space<vmem>> -> memref<128xi32, #tpu.memory_space<vmem>>
      %dma_wait3A_176 = arith.constant 0 : i32
      %dma_wait3A_177 = arith.constant 0 : i32
      %dma_wait3A_178 = tpu.memref_slice %arg9[%dma_wait3A_176, %dma_wait3A_177] : memref<10240x8xf32, #tpu.memory_space<vmem_shared>> -> memref<10240x8xf32, #tpu.memory_space<vmem_shared>>
      %dma_wait3A_179 = tpu.memref_slice %arg10[%dma_wait3A_172] : memref<8x!tpu.dma_semaphore, #tpu.memory_space<semaphore_mem>> -> memref<1x!tpu.dma_semaphore, #tpu.memory_space<semaphore_mem>>
      %dma_wait3A_180 = tpu.memref_squeeze %dma_wait3A_179 : memref<1x!tpu.dma_semaphore, #tpu.memory_space<semaphore_mem>> -> memref<!tpu.dma_semaphore, #tpu.memory_space<semaphore_mem>>
      tpu.wait_indirect_dma semaphore(%dma_wait3A_180 : memref<!tpu.dma_semaphore, #tpu.memory_space<semaphore_mem>>) src(%arg7 : memref<128x8xf32, #tpu.memory_space<vmem>>) dst(%dma_wait3A_178 : memref<10240x8xf32, #tpu.memory_space<vmem_shared>>)
      %dma_wait3A_181 = arith.constant 3 : i32
      %dma_wait3A_182 = arith.constant 0 : i32
      %dma_wait3A_183 = tpu.memref_slice %arg6[%add3A_93, %dma_wait3A_182] : memref<80x128xi32, #tpu.memory_space<vmem>> -> memref<1x128xi32, #tpu.memory_space<vmem>>
      %dma_wait3A_184 = tpu.memref_squeeze %dma_wait3A_183 : memref<1x128xi32, #tpu.memory_space<vmem>> -> memref<128xi32, #tpu.memory_space<vmem>>
      %dma_wait3A_185 = arith.constant 0 : i32
      %dma_wait3A_186 = arith.constant 0 : i32
      %dma_wait3A_187 = tpu.memref_slice %arg9[%dma_wait3A_185, %dma_wait3A_186] : memref<10240x8xf32, #tpu.memory_space<vmem_shared>> -> memref<10240x8xf32, #tpu.memory_space<vmem_shared>>
      %dma_wait3A_188 = tpu.memref_slice %arg10[%dma_wait3A_181] : memref<8x!tpu.dma_semaphore, #tpu.memory_space<semaphore_mem>> -> memref<1x!tpu.dma_semaphore, #tpu.memory_space<semaphore_mem>>
      %dma_wait3A_189 = tpu.memref_squeeze %dma_wait3A_188 : memref<1x!tpu.dma_semaphore, #tpu.memory_space<semaphore_mem>> -> memref<!tpu.dma_semaphore, #tpu.memory_space<semaphore_mem>>
      tpu.wait_indirect_dma semaphore(%dma_wait3A_189 : memref<!tpu.dma_semaphore, #tpu.memory_space<semaphore_mem>>) src(%arg7 : memref<128x8xf32, #tpu.memory_space<vmem>>) dst(%dma_wait3A_187 : memref<10240x8xf32, #tpu.memory_space<vmem_shared>>)
      %dma_wait3A_190 = arith.constant 4 : i32
      %dma_wait3A_191 = arith.constant 0 : i32
      %dma_wait3A_192 = tpu.memref_slice %arg6[%add3A_106, %dma_wait3A_191] : memref<80x128xi32, #tpu.memory_space<vmem>> -> memref<1x128xi32, #tpu.memory_space<vmem>>
      %dma_wait3A_193 = tpu.memref_squeeze %dma_wait3A_192 : memref<1x128xi32, #tpu.memory_space<vmem>> -> memref<128xi32, #tpu.memory_space<vmem>>
      %dma_wait3A_194 = arith.constant 0 : i32
      %dma_wait3A_195 = arith.constant 0 : i32
      %dma_wait3A_196 = tpu.memref_slice %arg9[%dma_wait3A_194, %dma_wait3A_195] : memref<10240x8xf32, #tpu.memory_space<vmem_shared>> -> memref<10240x8xf32, #tpu.memory_space<vmem_shared>>
      %dma_wait3A_197 = tpu.memref_slice %arg10[%dma_wait3A_190] : memref<8x!tpu.dma_semaphore, #tpu.memory_space<semaphore_mem>> -> memref<1x!tpu.dma_semaphore, #tpu.memory_space<semaphore_mem>>
      %dma_wait3A_198 = tpu.memref_squeeze %dma_wait3A_197 : memref<1x!tpu.dma_semaphore, #tpu.memory_space<semaphore_mem>> -> memref<!tpu.dma_semaphore, #tpu.memory_space<semaphore_mem>>
      tpu.wait_indirect_dma semaphore(%dma_wait3A_198 : memref<!tpu.dma_semaphore, #tpu.memory_space<semaphore_mem>>) src(%arg7 : memref<128x8xf32, #tpu.memory_space<vmem>>) dst(%dma_wait3A_196 : memref<10240x8xf32, #tpu.memory_space<vmem_shared>>)
      %dma_wait3A_199 = arith.constant 5 : i32
      %dma_wait3A_200 = arith.constant 0 : i32
      %dma_wait3A_201 = tpu.memref_slice %arg6[%add3A_119, %dma_wait3A_200] : memref<80x128xi32, #tpu.memory_space<vmem>> -> memref<1x128xi32, #tpu.memory_space<vmem>>
      %dma_wait3A_202 = tpu.memref_squeeze %dma_wait3A_201 : memref<1x128xi32, #tpu.memory_space<vmem>> -> memref<128xi32, #tpu.memory_space<vmem>>
      %dma_wait3A_203 = arith.constant 0 : i32
      %dma_wait3A_204 = arith.constant 0 : i32
      %dma_wait3A_205 = tpu.memref_slice %arg9[%dma_wait3A_203, %dma_wait3A_204] : memref<10240x8xf32, #tpu.memory_space<vmem_shared>> -> memref<10240x8xf32, #tpu.memory_space<vmem_shared>>
      %dma_wait3A_206 = tpu.memref_slice %arg10[%dma_wait3A_199] : memref<8x!tpu.dma_semaphore, #tpu.memory_space<semaphore_mem>> -> memref<1x!tpu.dma_semaphore, #tpu.memory_space<semaphore_mem>>
      %dma_wait3A_207 = tpu.memref_squeeze %dma_wait3A_206 : memref<1x!tpu.dma_semaphore, #tpu.memory_space<semaphore_mem>> -> memref<!tpu.dma_semaphore, #tpu.memory_space<semaphore_mem>>
      tpu.wait_indirect_dma semaphore(%dma_wait3A_207 : memref<!tpu.dma_semaphore, #tpu.memory_space<semaphore_mem>>) src(%arg7 : memref<128x8xf32, #tpu.memory_space<vmem>>) dst(%dma_wait3A_205 : memref<10240x8xf32, #tpu.memory_space<vmem_shared>>)
      %dma_wait3A_208 = arith.constant 6 : i32
      %dma_wait3A_209 = arith.constant 0 : i32
      %dma_wait3A_210 = tpu.memref_slice %arg6[%add3A_132, %dma_wait3A_209] : memref<80x128xi32, #tpu.memory_space<vmem>> -> memref<1x128xi32, #tpu.memory_space<vmem>>
      %dma_wait3A_211 = tpu.memref_squeeze %dma_wait3A_210 : memref<1x128xi32, #tpu.memory_space<vmem>> -> memref<128xi32, #tpu.memory_space<vmem>>
      %dma_wait3A_212 = arith.constant 0 : i32
      %dma_wait3A_213 = arith.constant 0 : i32
      %dma_wait3A_214 = tpu.memref_slice %arg9[%dma_wait3A_212, %dma_wait3A_213] : memref<10240x8xf32, #tpu.memory_space<vmem_shared>> -> memref<10240x8xf32, #tpu.memory_space<vmem_shared>>
      %dma_wait3A_215 = tpu.memref_slice %arg10[%dma_wait3A_208] : memref<8x!tpu.dma_semaphore, #tpu.memory_space<semaphore_mem>> -> memref<1x!tpu.dma_semaphore, #tpu.memory_space<semaphore_mem>>
      %dma_wait3A_216 = tpu.memref_squeeze %dma_wait3A_215 : memref<1x!tpu.dma_semaphore, #tpu.memory_space<semaphore_mem>> -> memref<!tpu.dma_semaphore, #tpu.memory_space<semaphore_mem>>
      tpu.wait_indirect_dma semaphore(%dma_wait3A_216 : memref<!tpu.dma_semaphore, #tpu.memory_space<semaphore_mem>>) src(%arg7 : memref<128x8xf32, #tpu.memory_space<vmem>>) dst(%dma_wait3A_214 : memref<10240x8xf32, #tpu.memory_space<vmem_shared>>)
      %dma_wait3A_217 = arith.constant 7 : i32
      %dma_wait3A_218 = arith.constant 0 : i32
      %dma_wait3A_219 = tpu.memref_slice %arg6[%add3A_145, %dma_wait3A_218] : memref<80x128xi32, #tpu.memory_space<vmem>> -> memref<1x128xi32, #tpu.memory_space<vmem>>
      %dma_wait3A_220 = tpu.memref_squeeze %dma_wait3A_219 : memref<1x128xi32, #tpu.memory_space<vmem>> -> memref<128xi32, #tpu.memory_space<vmem>>
      %dma_wait3A_221 = arith.constant 0 : i32
      %dma_wait3A_222 = arith.constant 0 : i32
      %dma_wait3A_223 = tpu.memref_slice %arg9[%dma_wait3A_221, %dma_wait3A_222] : memref<10240x8xf32, #tpu.memory_space<vmem_shared>> -> memref<10240x8xf32, #tpu.memory_space<vmem_shared>>
      %dma_wait3A_224 = tpu.memref_slice %arg10[%dma_wait3A_217] : memref<8x!tpu.dma_semaphore, #tpu.memory_space<semaphore_mem>> -> memref<1x!tpu.dma_semaphore, #tpu.memory_space<semaphore_mem>>
      %dma_wait3A_225 = tpu.memref_squeeze %dma_wait3A_224 : memref<1x!tpu.dma_semaphore, #tpu.memory_space<semaphore_mem>> -> memref<!tpu.dma_semaphore, #tpu.memory_space<semaphore_mem>>
      tpu.wait_indirect_dma semaphore(%dma_wait3A_225 : memref<!tpu.dma_semaphore, #tpu.memory_space<semaphore_mem>>) src(%arg7 : memref<128x8xf32, #tpu.memory_space<vmem>>) dst(%dma_wait3A_223 : memref<10240x8xf32, #tpu.memory_space<vmem_shared>>)
    }
    %scan3A_49 = arith.constant 10 : i32
    %barrier3A_50 = arith.constant 0 : index
    tpu.barrier barrier_id(%barrier3A_50)
    "tpu.region"() ({
      %run_scoped3A_51 = tpu.sem_alloc : memref<!tpu.dma_semaphore, #tpu.memory_space<semaphore_mem>>
      %dma_start3A = arith.constant 0 : i32
      %dma_start3A_52 = tpu.memref_slice %arg5[%arg0, %mul3A_2, %dma_start3A] : memref<2x10240x8xf32, #tpu.memory_space<hbm>> -> memref<1x640x8xf32, #tpu.memory_space<hbm>>
      %dma_start3A_53 = tpu.memref_squeeze %dma_start3A_52 : memref<1x640x8xf32, #tpu.memory_space<hbm>> -> memref<640x8xf32, #tpu.memory_space<hbm>>
      %dma_start3A_54 = arith.constant 0 : i32
      %dma_start3A_55 = tpu.memref_slice %arg9[%mul3A_2, %dma_start3A_54] : memref<10240x8xf32, #tpu.memory_space<vmem_shared>> -> memref<640x8xf32, #tpu.memory_space<vmem_shared>>
      tpu.enqueue_dma source(%dma_start3A_55 : memref<640x8xf32, #tpu.memory_space<vmem_shared>>) target(%dma_start3A_53 : memref<640x8xf32, #tpu.memory_space<hbm>>) target_semaphore(%run_scoped3A_51 : memref<!tpu.dma_semaphore, #tpu.memory_space<semaphore_mem>>)
      %dma_wait3A = arith.constant 0 : i32
      %dma_wait3A_56 = tpu.memref_slice %arg5[%arg0, %mul3A_2, %dma_wait3A] : memref<2x10240x8xf32, #tpu.memory_space<hbm>> -> memref<1x640x8xf32, #tpu.memory_space<hbm>>
      %dma_wait3A_57 = tpu.memref_squeeze %dma_wait3A_56 : memref<1x640x8xf32, #tpu.memory_space<hbm>> -> memref<640x8xf32, #tpu.memory_space<hbm>>
      %dma_wait3A_58 = arith.constant 0 : i32
      %dma_wait3A_59 = tpu.memref_slice %arg9[%mul3A_2, %dma_wait3A_58] : memref<10240x8xf32, #tpu.memory_space<vmem_shared>> -> memref<640x8xf32, #tpu.memory_space<vmem_shared>>
      tpu.wait_dma2 semaphore(%run_scoped3A_51 : memref<!tpu.dma_semaphore, #tpu.memory_space<semaphore_mem>>) src(%dma_wait3A_59 : memref<640x8xf32, #tpu.memory_space<vmem_shared>>) dst(%dma_wait3A_57 : memref<640x8xf32, #tpu.memory_space<hbm>>)
      tpu.yield
    }) : () -> ()
    return
  }
}

#map = affine_map<(d0, d1) -> (0, 0)>
#map1 = affine_map<(d0, d1) -> (0, 0, 0)>
module attributes {stable_mosaic.version = 14 : i64} {
  func.func @body(%arg0: i32, %arg1: i32, %arg2: memref<10240x64xf32, #tpu.memory_space<hbm>>, %arg3: memref<5x2560x128xi32, #tpu.memory_space<hbm>>, %arg4: memref<32x64xf32, #tpu.memory_space<hbm>>, %arg5: memref<2x10240x64xf32, #tpu.memory_space<hbm>>, %arg6: memref<80x128xi32, #tpu.memory_space<vmem>>, %arg7: memref<80x128xi32, #tpu.memory_space<vmem>>, %arg8: memref<8x128x64xf32, #tpu.memory_space<vmem>>, %arg9: memref<32x64xf32, #tpu.memory_space<vmem>>, %arg10: memref<10240x64xf32, #tpu.memory_space<vmem_shared>>, %arg11: memref<8x!tpu.dma_semaphore, #tpu.memory_space<semaphore_mem>>, %arg12: memref<8x!tpu.dma_semaphore, #tpu.memory_space<semaphore_mem>>) attributes {dimension_semantics = [#tpu.dimension_semantics<core_parallel>, #tpu.dimension_semantics<subcore_parallel>], iteration_bounds = array<i64: 2, 16>, scalar_prefetch = 0 : i64, scratch_operands = 7 : i64, tpu.core_type = #tpu.core_type<sc_vector_subcore>, window_params = [{transform_indices = #map}, {transform_indices = #map1}, {transform_indices = #map}, {transform_indices = #map1}]} {
    %mul3A = arith.constant 2 : i32
    %mul3A_0 = arith.muli %arg1, %mul3A : i32
    %add3A = arith.addi %mul3A_0, %arg0 : i32
    %mul3A_1 = arith.constant 640 : i32
    %mul3A_2 = arith.muli %arg1, %mul3A_1 : i32
    "tpu.region"() ({
      %run_scoped3A_173 = tpu.sem_alloc : memref<!tpu.dma_semaphore, #tpu.memory_space<semaphore_mem>>
      tpu.enqueue_dma source(%arg4 : memref<32x64xf32, #tpu.memory_space<hbm>>) target(%arg9 : memref<32x64xf32, #tpu.memory_space<vmem>>) target_semaphore(%run_scoped3A_173 : memref<!tpu.dma_semaphore, #tpu.memory_space<semaphore_mem>>)
      tpu.wait_dma2 semaphore(%run_scoped3A_173 : memref<!tpu.dma_semaphore, #tpu.memory_space<semaphore_mem>>) src(%arg4 : memref<32x64xf32, #tpu.memory_space<hbm>>) dst(%arg9 : memref<32x64xf32, #tpu.memory_space<vmem>>)
      tpu.yield
    }) : () -> ()
    %add3A_3 = arith.constant 0 : i32
    %add3A_4 = arith.addi %mul3A_2, %add3A_3 : i32
    "tpu.region"() ({
      %run_scoped3A_173 = tpu.sem_alloc : memref<!tpu.dma_semaphore, #tpu.memory_space<semaphore_mem>>
      %dma_start3A = arith.constant 0 : i32
      %dma_start3A_174 = tpu.memref_slice %arg10[%add3A_4, %dma_start3A] : memref<10240x64xf32, #tpu.memory_space<vmem_shared>> -> memref<32x64xf32, #tpu.memory_space<vmem_shared>>
      %dma_start3A_175 = arith.constant 0 : i32
      %dma_start3A_176 = tpu.memref_slice %arg10[%add3A_4, %dma_start3A_175] : memref<10240x64xf32, #tpu.memory_space<vmem_shared>> -> memref<32x64xf32, #tpu.memory_space<vmem_shared>>
      tpu.enqueue_dma source(%arg9 : memref<32x64xf32, #tpu.memory_space<vmem>>) target(%dma_start3A_176 : memref<32x64xf32, #tpu.memory_space<vmem_shared>>) target_semaphore(%run_scoped3A_173 : memref<!tpu.dma_semaphore, #tpu.memory_space<semaphore_mem>>)
      %dma_wait3A_177 = arith.constant 0 : i32
      %dma_wait3A_178 = tpu.memref_slice %arg10[%add3A_4, %dma_wait3A_177] : memref<10240x64xf32, #tpu.memory_space<vmem_shared>> -> memref<32x64xf32, #tpu.memory_space<vmem_shared>>
      %dma_wait3A_179 = arith.constant 0 : i32
      %dma_wait3A_180 = tpu.memref_slice %arg10[%add3A_4, %dma_wait3A_179] : memref<10240x64xf32, #tpu.memory_space<vmem_shared>> -> memref<32x64xf32, #tpu.memory_space<vmem_shared>>
      tpu.wait_dma2 semaphore(%run_scoped3A_173 : memref<!tpu.dma_semaphore, #tpu.memory_space<semaphore_mem>>) src(%arg9 : memref<32x64xf32, #tpu.memory_space<vmem>>) dst(%dma_wait3A_180 : memref<32x64xf32, #tpu.memory_space<vmem_shared>>)
      tpu.yield
    }) : () -> ()
    %add3A_5 = arith.constant 32 : i32
    %add3A_6 = arith.addi %mul3A_2, %add3A_5 : i32
    "tpu.region"() ({
      %run_scoped3A_173 = tpu.sem_alloc : memref<!tpu.dma_semaphore, #tpu.memory_space<semaphore_mem>>
      %dma_start3A = arith.constant 0 : i32
      %dma_start3A_174 = tpu.memref_slice %arg10[%add3A_6, %dma_start3A] : memref<10240x64xf32, #tpu.memory_space<vmem_shared>> -> memref<32x64xf32, #tpu.memory_space<vmem_shared>>
      %dma_start3A_175 = arith.constant 0 : i32
      %dma_start3A_176 = tpu.memref_slice %arg10[%add3A_6, %dma_start3A_175] : memref<10240x64xf32, #tpu.memory_space<vmem_shared>> -> memref<32x64xf32, #tpu.memory_space<vmem_shared>>
      tpu.enqueue_dma source(%arg9 : memref<32x64xf32, #tpu.memory_space<vmem>>) target(%dma_start3A_176 : memref<32x64xf32, #tpu.memory_space<vmem_shared>>) target_semaphore(%run_scoped3A_173 : memref<!tpu.dma_semaphore, #tpu.memory_space<semaphore_mem>>)
      %dma_wait3A_177 = arith.constant 0 : i32
      %dma_wait3A_178 = tpu.memref_slice %arg10[%add3A_6, %dma_wait3A_177] : memref<10240x64xf32, #tpu.memory_space<vmem_shared>> -> memref<32x64xf32, #tpu.memory_space<vmem_shared>>
      %dma_wait3A_179 = arith.constant 0 : i32
      %dma_wait3A_180 = tpu.memref_slice %arg10[%add3A_6, %dma_wait3A_179] : memref<10240x64xf32, #tpu.memory_space<vmem_shared>> -> memref<32x64xf32, #tpu.memory_space<vmem_shared>>
      tpu.wait_dma2 semaphore(%run_scoped3A_173 : memref<!tpu.dma_semaphore, #tpu.memory_space<semaphore_mem>>) src(%arg9 : memref<32x64xf32, #tpu.memory_space<vmem>>) dst(%dma_wait3A_180 : memref<32x64xf32, #tpu.memory_space<vmem_shared>>)
      tpu.yield
    }) : () -> ()
    %add3A_7 = arith.constant 64 : i32
    %add3A_8 = arith.addi %mul3A_2, %add3A_7 : i32
    "tpu.region"() ({
      %run_scoped3A_173 = tpu.sem_alloc : memref<!tpu.dma_semaphore, #tpu.memory_space<semaphore_mem>>
      %dma_start3A = arith.constant 0 : i32
      %dma_start3A_174 = tpu.memref_slice %arg10[%add3A_8, %dma_start3A] : memref<10240x64xf32, #tpu.memory_space<vmem_shared>> -> memref<32x64xf32, #tpu.memory_space<vmem_shared>>
      %dma_start3A_175 = arith.constant 0 : i32
      %dma_start3A_176 = tpu.memref_slice %arg10[%add3A_8, %dma_start3A_175] : memref<10240x64xf32, #tpu.memory_space<vmem_shared>> -> memref<32x64xf32, #tpu.memory_space<vmem_shared>>
      tpu.enqueue_dma source(%arg9 : memref<32x64xf32, #tpu.memory_space<vmem>>) target(%dma_start3A_176 : memref<32x64xf32, #tpu.memory_space<vmem_shared>>) target_semaphore(%run_scoped3A_173 : memref<!tpu.dma_semaphore, #tpu.memory_space<semaphore_mem>>)
      %dma_wait3A_177 = arith.constant 0 : i32
      %dma_wait3A_178 = tpu.memref_slice %arg10[%add3A_8, %dma_wait3A_177] : memref<10240x64xf32, #tpu.memory_space<vmem_shared>> -> memref<32x64xf32, #tpu.memory_space<vmem_shared>>
      %dma_wait3A_179 = arith.constant 0 : i32
      %dma_wait3A_180 = tpu.memref_slice %arg10[%add3A_8, %dma_wait3A_179] : memref<10240x64xf32, #tpu.memory_space<vmem_shared>> -> memref<32x64xf32, #tpu.memory_space<vmem_shared>>
      tpu.wait_dma2 semaphore(%run_scoped3A_173 : memref<!tpu.dma_semaphore, #tpu.memory_space<semaphore_mem>>) src(%arg9 : memref<32x64xf32, #tpu.memory_space<vmem>>) dst(%dma_wait3A_180 : memref<32x64xf32, #tpu.memory_space<vmem_shared>>)
      tpu.yield
    }) : () -> ()
    %add3A_9 = arith.constant 96 : i32
    %add3A_10 = arith.addi %mul3A_2, %add3A_9 : i32
    "tpu.region"() ({
      %run_scoped3A_173 = tpu.sem_alloc : memref<!tpu.dma_semaphore, #tpu.memory_space<semaphore_mem>>
      %dma_start3A = arith.constant 0 : i32
      %dma_start3A_174 = tpu.memref_slice %arg10[%add3A_10, %dma_start3A] : memref<10240x64xf32, #tpu.memory_space<vmem_shared>> -> memref<32x64xf32, #tpu.memory_space<vmem_shared>>
      %dma_start3A_175 = arith.constant 0 : i32
      %dma_start3A_176 = tpu.memref_slice %arg10[%add3A_10, %dma_start3A_175] : memref<10240x64xf32, #tpu.memory_space<vmem_shared>> -> memref<32x64xf32, #tpu.memory_space<vmem_shared>>
      tpu.enqueue_dma source(%arg9 : memref<32x64xf32, #tpu.memory_space<vmem>>) target(%dma_start3A_176 : memref<32x64xf32, #tpu.memory_space<vmem_shared>>) target_semaphore(%run_scoped3A_173 : memref<!tpu.dma_semaphore, #tpu.memory_space<semaphore_mem>>)
      %dma_wait3A_177 = arith.constant 0 : i32
      %dma_wait3A_178 = tpu.memref_slice %arg10[%add3A_10, %dma_wait3A_177] : memref<10240x64xf32, #tpu.memory_space<vmem_shared>> -> memref<32x64xf32, #tpu.memory_space<vmem_shared>>
      %dma_wait3A_179 = arith.constant 0 : i32
      %dma_wait3A_180 = tpu.memref_slice %arg10[%add3A_10, %dma_wait3A_179] : memref<10240x64xf32, #tpu.memory_space<vmem_shared>> -> memref<32x64xf32, #tpu.memory_space<vmem_shared>>
      tpu.wait_dma2 semaphore(%run_scoped3A_173 : memref<!tpu.dma_semaphore, #tpu.memory_space<semaphore_mem>>) src(%arg9 : memref<32x64xf32, #tpu.memory_space<vmem>>) dst(%dma_wait3A_180 : memref<32x64xf32, #tpu.memory_space<vmem_shared>>)
      tpu.yield
    }) : () -> ()
    %add3A_11 = arith.constant 128 : i32
    %add3A_12 = arith.addi %mul3A_2, %add3A_11 : i32
    "tpu.region"() ({
      %run_scoped3A_173 = tpu.sem_alloc : memref<!tpu.dma_semaphore, #tpu.memory_space<semaphore_mem>>
      %dma_start3A = arith.constant 0 : i32
      %dma_start3A_174 = tpu.memref_slice %arg10[%add3A_12, %dma_start3A] : memref<10240x64xf32, #tpu.memory_space<vmem_shared>> -> memref<32x64xf32, #tpu.memory_space<vmem_shared>>
      %dma_start3A_175 = arith.constant 0 : i32
      %dma_start3A_176 = tpu.memref_slice %arg10[%add3A_12, %dma_start3A_175] : memref<10240x64xf32, #tpu.memory_space<vmem_shared>> -> memref<32x64xf32, #tpu.memory_space<vmem_shared>>
      tpu.enqueue_dma source(%arg9 : memref<32x64xf32, #tpu.memory_space<vmem>>) target(%dma_start3A_176 : memref<32x64xf32, #tpu.memory_space<vmem_shared>>) target_semaphore(%run_scoped3A_173 : memref<!tpu.dma_semaphore, #tpu.memory_space<semaphore_mem>>)
      %dma_wait3A_177 = arith.constant 0 : i32
      %dma_wait3A_178 = tpu.memref_slice %arg10[%add3A_12, %dma_wait3A_177] : memref<10240x64xf32, #tpu.memory_space<vmem_shared>> -> memref<32x64xf32, #tpu.memory_space<vmem_shared>>
      %dma_wait3A_179 = arith.constant 0 : i32
      %dma_wait3A_180 = tpu.memref_slice %arg10[%add3A_12, %dma_wait3A_179] : memref<10240x64xf32, #tpu.memory_space<vmem_shared>> -> memref<32x64xf32, #tpu.memory_space<vmem_shared>>
      tpu.wait_dma2 semaphore(%run_scoped3A_173 : memref<!tpu.dma_semaphore, #tpu.memory_space<semaphore_mem>>) src(%arg9 : memref<32x64xf32, #tpu.memory_space<vmem>>) dst(%dma_wait3A_180 : memref<32x64xf32, #tpu.memory_space<vmem_shared>>)
      tpu.yield
    }) : () -> ()
    %add3A_13 = arith.constant 160 : i32
    %add3A_14 = arith.addi %mul3A_2, %add3A_13 : i32
    "tpu.region"() ({
      %run_scoped3A_173 = tpu.sem_alloc : memref<!tpu.dma_semaphore, #tpu.memory_space<semaphore_mem>>
      %dma_start3A = arith.constant 0 : i32
      %dma_start3A_174 = tpu.memref_slice %arg10[%add3A_14, %dma_start3A] : memref<10240x64xf32, #tpu.memory_space<vmem_shared>> -> memref<32x64xf32, #tpu.memory_space<vmem_shared>>
      %dma_start3A_175 = arith.constant 0 : i32
      %dma_start3A_176 = tpu.memref_slice %arg10[%add3A_14, %dma_start3A_175] : memref<10240x64xf32, #tpu.memory_space<vmem_shared>> -> memref<32x64xf32, #tpu.memory_space<vmem_shared>>
      tpu.enqueue_dma source(%arg9 : memref<32x64xf32, #tpu.memory_space<vmem>>) target(%dma_start3A_176 : memref<32x64xf32, #tpu.memory_space<vmem_shared>>) target_semaphore(%run_scoped3A_173 : memref<!tpu.dma_semaphore, #tpu.memory_space<semaphore_mem>>)
      %dma_wait3A_177 = arith.constant 0 : i32
      %dma_wait3A_178 = tpu.memref_slice %arg10[%add3A_14, %dma_wait3A_177] : memref<10240x64xf32, #tpu.memory_space<vmem_shared>> -> memref<32x64xf32, #tpu.memory_space<vmem_shared>>
      %dma_wait3A_179 = arith.constant 0 : i32
      %dma_wait3A_180 = tpu.memref_slice %arg10[%add3A_14, %dma_wait3A_179] : memref<10240x64xf32, #tpu.memory_space<vmem_shared>> -> memref<32x64xf32, #tpu.memory_space<vmem_shared>>
      tpu.wait_dma2 semaphore(%run_scoped3A_173 : memref<!tpu.dma_semaphore, #tpu.memory_space<semaphore_mem>>) src(%arg9 : memref<32x64xf32, #tpu.memory_space<vmem>>) dst(%dma_wait3A_180 : memref<32x64xf32, #tpu.memory_space<vmem_shared>>)
      tpu.yield
    }) : () -> ()
    %add3A_15 = arith.constant 192 : i32
    %add3A_16 = arith.addi %mul3A_2, %add3A_15 : i32
    "tpu.region"() ({
      %run_scoped3A_173 = tpu.sem_alloc : memref<!tpu.dma_semaphore, #tpu.memory_space<semaphore_mem>>
      %dma_start3A = arith.constant 0 : i32
      %dma_start3A_174 = tpu.memref_slice %arg10[%add3A_16, %dma_start3A] : memref<10240x64xf32, #tpu.memory_space<vmem_shared>> -> memref<32x64xf32, #tpu.memory_space<vmem_shared>>
      %dma_start3A_175 = arith.constant 0 : i32
      %dma_start3A_176 = tpu.memref_slice %arg10[%add3A_16, %dma_start3A_175] : memref<10240x64xf32, #tpu.memory_space<vmem_shared>> -> memref<32x64xf32, #tpu.memory_space<vmem_shared>>
      tpu.enqueue_dma source(%arg9 : memref<32x64xf32, #tpu.memory_space<vmem>>) target(%dma_start3A_176 : memref<32x64xf32, #tpu.memory_space<vmem_shared>>) target_semaphore(%run_scoped3A_173 : memref<!tpu.dma_semaphore, #tpu.memory_space<semaphore_mem>>)
      %dma_wait3A_177 = arith.constant 0 : i32
      %dma_wait3A_178 = tpu.memref_slice %arg10[%add3A_16, %dma_wait3A_177] : memref<10240x64xf32, #tpu.memory_space<vmem_shared>> -> memref<32x64xf32, #tpu.memory_space<vmem_shared>>
      %dma_wait3A_179 = arith.constant 0 : i32
      %dma_wait3A_180 = tpu.memref_slice %arg10[%add3A_16, %dma_wait3A_179] : memref<10240x64xf32, #tpu.memory_space<vmem_shared>> -> memref<32x64xf32, #tpu.memory_space<vmem_shared>>
      tpu.wait_dma2 semaphore(%run_scoped3A_173 : memref<!tpu.dma_semaphore, #tpu.memory_space<semaphore_mem>>) src(%arg9 : memref<32x64xf32, #tpu.memory_space<vmem>>) dst(%dma_wait3A_180 : memref<32x64xf32, #tpu.memory_space<vmem_shared>>)
      tpu.yield
    }) : () -> ()
    %add3A_17 = arith.constant 224 : i32
    %add3A_18 = arith.addi %mul3A_2, %add3A_17 : i32
    "tpu.region"() ({
      %run_scoped3A_173 = tpu.sem_alloc : memref<!tpu.dma_semaphore, #tpu.memory_space<semaphore_mem>>
      %dma_start3A = arith.constant 0 : i32
      %dma_start3A_174 = tpu.memref_slice %arg10[%add3A_18, %dma_start3A] : memref<10240x64xf32, #tpu.memory_space<vmem_shared>> -> memref<32x64xf32, #tpu.memory_space<vmem_shared>>
      %dma_start3A_175 = arith.constant 0 : i32
      %dma_start3A_176 = tpu.memref_slice %arg10[%add3A_18, %dma_start3A_175] : memref<10240x64xf32, #tpu.memory_space<vmem_shared>> -> memref<32x64xf32, #tpu.memory_space<vmem_shared>>
      tpu.enqueue_dma source(%arg9 : memref<32x64xf32, #tpu.memory_space<vmem>>) target(%dma_start3A_176 : memref<32x64xf32, #tpu.memory_space<vmem_shared>>) target_semaphore(%run_scoped3A_173 : memref<!tpu.dma_semaphore, #tpu.memory_space<semaphore_mem>>)
      %dma_wait3A_177 = arith.constant 0 : i32
      %dma_wait3A_178 = tpu.memref_slice %arg10[%add3A_18, %dma_wait3A_177] : memref<10240x64xf32, #tpu.memory_space<vmem_shared>> -> memref<32x64xf32, #tpu.memory_space<vmem_shared>>
      %dma_wait3A_179 = arith.constant 0 : i32
      %dma_wait3A_180 = tpu.memref_slice %arg10[%add3A_18, %dma_wait3A_179] : memref<10240x64xf32, #tpu.memory_space<vmem_shared>> -> memref<32x64xf32, #tpu.memory_space<vmem_shared>>
      tpu.wait_dma2 semaphore(%run_scoped3A_173 : memref<!tpu.dma_semaphore, #tpu.memory_space<semaphore_mem>>) src(%arg9 : memref<32x64xf32, #tpu.memory_space<vmem>>) dst(%dma_wait3A_180 : memref<32x64xf32, #tpu.memory_space<vmem_shared>>)
      tpu.yield
    }) : () -> ()
    %add3A_19 = arith.constant 256 : i32
    %add3A_20 = arith.addi %mul3A_2, %add3A_19 : i32
    "tpu.region"() ({
      %run_scoped3A_173 = tpu.sem_alloc : memref<!tpu.dma_semaphore, #tpu.memory_space<semaphore_mem>>
      %dma_start3A = arith.constant 0 : i32
      %dma_start3A_174 = tpu.memref_slice %arg10[%add3A_20, %dma_start3A] : memref<10240x64xf32, #tpu.memory_space<vmem_shared>> -> memref<32x64xf32, #tpu.memory_space<vmem_shared>>
      %dma_start3A_175 = arith.constant 0 : i32
      %dma_start3A_176 = tpu.memref_slice %arg10[%add3A_20, %dma_start3A_175] : memref<10240x64xf32, #tpu.memory_space<vmem_shared>> -> memref<32x64xf32, #tpu.memory_space<vmem_shared>>
      tpu.enqueue_dma source(%arg9 : memref<32x64xf32, #tpu.memory_space<vmem>>) target(%dma_start3A_176 : memref<32x64xf32, #tpu.memory_space<vmem_shared>>) target_semaphore(%run_scoped3A_173 : memref<!tpu.dma_semaphore, #tpu.memory_space<semaphore_mem>>)
      %dma_wait3A_177 = arith.constant 0 : i32
      %dma_wait3A_178 = tpu.memref_slice %arg10[%add3A_20, %dma_wait3A_177] : memref<10240x64xf32, #tpu.memory_space<vmem_shared>> -> memref<32x64xf32, #tpu.memory_space<vmem_shared>>
      %dma_wait3A_179 = arith.constant 0 : i32
      %dma_wait3A_180 = tpu.memref_slice %arg10[%add3A_20, %dma_wait3A_179] : memref<10240x64xf32, #tpu.memory_space<vmem_shared>> -> memref<32x64xf32, #tpu.memory_space<vmem_shared>>
      tpu.wait_dma2 semaphore(%run_scoped3A_173 : memref<!tpu.dma_semaphore, #tpu.memory_space<semaphore_mem>>) src(%arg9 : memref<32x64xf32, #tpu.memory_space<vmem>>) dst(%dma_wait3A_180 : memref<32x64xf32, #tpu.memory_space<vmem_shared>>)
      tpu.yield
    }) : () -> ()
    %add3A_21 = arith.constant 288 : i32
    %add3A_22 = arith.addi %mul3A_2, %add3A_21 : i32
    "tpu.region"() ({
      %run_scoped3A_173 = tpu.sem_alloc : memref<!tpu.dma_semaphore, #tpu.memory_space<semaphore_mem>>
      %dma_start3A = arith.constant 0 : i32
      %dma_start3A_174 = tpu.memref_slice %arg10[%add3A_22, %dma_start3A] : memref<10240x64xf32, #tpu.memory_space<vmem_shared>> -> memref<32x64xf32, #tpu.memory_space<vmem_shared>>
      %dma_start3A_175 = arith.constant 0 : i32
      %dma_start3A_176 = tpu.memref_slice %arg10[%add3A_22, %dma_start3A_175] : memref<10240x64xf32, #tpu.memory_space<vmem_shared>> -> memref<32x64xf32, #tpu.memory_space<vmem_shared>>
      tpu.enqueue_dma source(%arg9 : memref<32x64xf32, #tpu.memory_space<vmem>>) target(%dma_start3A_176 : memref<32x64xf32, #tpu.memory_space<vmem_shared>>) target_semaphore(%run_scoped3A_173 : memref<!tpu.dma_semaphore, #tpu.memory_space<semaphore_mem>>)
      %dma_wait3A_177 = arith.constant 0 : i32
      %dma_wait3A_178 = tpu.memref_slice %arg10[%add3A_22, %dma_wait3A_177] : memref<10240x64xf32, #tpu.memory_space<vmem_shared>> -> memref<32x64xf32, #tpu.memory_space<vmem_shared>>
      %dma_wait3A_179 = arith.constant 0 : i32
      %dma_wait3A_180 = tpu.memref_slice %arg10[%add3A_22, %dma_wait3A_179] : memref<10240x64xf32, #tpu.memory_space<vmem_shared>> -> memref<32x64xf32, #tpu.memory_space<vmem_shared>>
      tpu.wait_dma2 semaphore(%run_scoped3A_173 : memref<!tpu.dma_semaphore, #tpu.memory_space<semaphore_mem>>) src(%arg9 : memref<32x64xf32, #tpu.memory_space<vmem>>) dst(%dma_wait3A_180 : memref<32x64xf32, #tpu.memory_space<vmem_shared>>)
      tpu.yield
    }) : () -> ()
    %add3A_23 = arith.constant 320 : i32
    %add3A_24 = arith.addi %mul3A_2, %add3A_23 : i32
    "tpu.region"() ({
      %run_scoped3A_173 = tpu.sem_alloc : memref<!tpu.dma_semaphore, #tpu.memory_space<semaphore_mem>>
      %dma_start3A = arith.constant 0 : i32
      %dma_start3A_174 = tpu.memref_slice %arg10[%add3A_24, %dma_start3A] : memref<10240x64xf32, #tpu.memory_space<vmem_shared>> -> memref<32x64xf32, #tpu.memory_space<vmem_shared>>
      %dma_start3A_175 = arith.constant 0 : i32
      %dma_start3A_176 = tpu.memref_slice %arg10[%add3A_24, %dma_start3A_175] : memref<10240x64xf32, #tpu.memory_space<vmem_shared>> -> memref<32x64xf32, #tpu.memory_space<vmem_shared>>
      tpu.enqueue_dma source(%arg9 : memref<32x64xf32, #tpu.memory_space<vmem>>) target(%dma_start3A_176 : memref<32x64xf32, #tpu.memory_space<vmem_shared>>) target_semaphore(%run_scoped3A_173 : memref<!tpu.dma_semaphore, #tpu.memory_space<semaphore_mem>>)
      %dma_wait3A_177 = arith.constant 0 : i32
      %dma_wait3A_178 = tpu.memref_slice %arg10[%add3A_24, %dma_wait3A_177] : memref<10240x64xf32, #tpu.memory_space<vmem_shared>> -> memref<32x64xf32, #tpu.memory_space<vmem_shared>>
      %dma_wait3A_179 = arith.constant 0 : i32
      %dma_wait3A_180 = tpu.memref_slice %arg10[%add3A_24, %dma_wait3A_179] : memref<10240x64xf32, #tpu.memory_space<vmem_shared>> -> memref<32x64xf32, #tpu.memory_space<vmem_shared>>
      tpu.wait_dma2 semaphore(%run_scoped3A_173 : memref<!tpu.dma_semaphore, #tpu.memory_space<semaphore_mem>>) src(%arg9 : memref<32x64xf32, #tpu.memory_space<vmem>>) dst(%dma_wait3A_180 : memref<32x64xf32, #tpu.memory_space<vmem_shared>>)
      tpu.yield
    }) : () -> ()
    %add3A_25 = arith.constant 352 : i32
    %add3A_26 = arith.addi %mul3A_2, %add3A_25 : i32
    "tpu.region"() ({
      %run_scoped3A_173 = tpu.sem_alloc : memref<!tpu.dma_semaphore, #tpu.memory_space<semaphore_mem>>
      %dma_start3A = arith.constant 0 : i32
      %dma_start3A_174 = tpu.memref_slice %arg10[%add3A_26, %dma_start3A] : memref<10240x64xf32, #tpu.memory_space<vmem_shared>> -> memref<32x64xf32, #tpu.memory_space<vmem_shared>>
      %dma_start3A_175 = arith.constant 0 : i32
      %dma_start3A_176 = tpu.memref_slice %arg10[%add3A_26, %dma_start3A_175] : memref<10240x64xf32, #tpu.memory_space<vmem_shared>> -> memref<32x64xf32, #tpu.memory_space<vmem_shared>>
      tpu.enqueue_dma source(%arg9 : memref<32x64xf32, #tpu.memory_space<vmem>>) target(%dma_start3A_176 : memref<32x64xf32, #tpu.memory_space<vmem_shared>>) target_semaphore(%run_scoped3A_173 : memref<!tpu.dma_semaphore, #tpu.memory_space<semaphore_mem>>)
      %dma_wait3A_177 = arith.constant 0 : i32
      %dma_wait3A_178 = tpu.memref_slice %arg10[%add3A_26, %dma_wait3A_177] : memref<10240x64xf32, #tpu.memory_space<vmem_shared>> -> memref<32x64xf32, #tpu.memory_space<vmem_shared>>
      %dma_wait3A_179 = arith.constant 0 : i32
      %dma_wait3A_180 = tpu.memref_slice %arg10[%add3A_26, %dma_wait3A_179] : memref<10240x64xf32, #tpu.memory_space<vmem_shared>> -> memref<32x64xf32, #tpu.memory_space<vmem_shared>>
      tpu.wait_dma2 semaphore(%run_scoped3A_173 : memref<!tpu.dma_semaphore, #tpu.memory_space<semaphore_mem>>) src(%arg9 : memref<32x64xf32, #tpu.memory_space<vmem>>) dst(%dma_wait3A_180 : memref<32x64xf32, #tpu.memory_space<vmem_shared>>)
      tpu.yield
    }) : () -> ()
    %add3A_27 = arith.constant 384 : i32
    %add3A_28 = arith.addi %mul3A_2, %add3A_27 : i32
    "tpu.region"() ({
      %run_scoped3A_173 = tpu.sem_alloc : memref<!tpu.dma_semaphore, #tpu.memory_space<semaphore_mem>>
      %dma_start3A = arith.constant 0 : i32
      %dma_start3A_174 = tpu.memref_slice %arg10[%add3A_28, %dma_start3A] : memref<10240x64xf32, #tpu.memory_space<vmem_shared>> -> memref<32x64xf32, #tpu.memory_space<vmem_shared>>
      %dma_start3A_175 = arith.constant 0 : i32
      %dma_start3A_176 = tpu.memref_slice %arg10[%add3A_28, %dma_start3A_175] : memref<10240x64xf32, #tpu.memory_space<vmem_shared>> -> memref<32x64xf32, #tpu.memory_space<vmem_shared>>
      tpu.enqueue_dma source(%arg9 : memref<32x64xf32, #tpu.memory_space<vmem>>) target(%dma_start3A_176 : memref<32x64xf32, #tpu.memory_space<vmem_shared>>) target_semaphore(%run_scoped3A_173 : memref<!tpu.dma_semaphore, #tpu.memory_space<semaphore_mem>>)
      %dma_wait3A_177 = arith.constant 0 : i32
      %dma_wait3A_178 = tpu.memref_slice %arg10[%add3A_28, %dma_wait3A_177] : memref<10240x64xf32, #tpu.memory_space<vmem_shared>> -> memref<32x64xf32, #tpu.memory_space<vmem_shared>>
      %dma_wait3A_179 = arith.constant 0 : i32
      %dma_wait3A_180 = tpu.memref_slice %arg10[%add3A_28, %dma_wait3A_179] : memref<10240x64xf32, #tpu.memory_space<vmem_shared>> -> memref<32x64xf32, #tpu.memory_space<vmem_shared>>
      tpu.wait_dma2 semaphore(%run_scoped3A_173 : memref<!tpu.dma_semaphore, #tpu.memory_space<semaphore_mem>>) src(%arg9 : memref<32x64xf32, #tpu.memory_space<vmem>>) dst(%dma_wait3A_180 : memref<32x64xf32, #tpu.memory_space<vmem_shared>>)
      tpu.yield
    }) : () -> ()
    %add3A_29 = arith.constant 416 : i32
    %add3A_30 = arith.addi %mul3A_2, %add3A_29 : i32
    "tpu.region"() ({
      %run_scoped3A_173 = tpu.sem_alloc : memref<!tpu.dma_semaphore, #tpu.memory_space<semaphore_mem>>
      %dma_start3A = arith.constant 0 : i32
      %dma_start3A_174 = tpu.memref_slice %arg10[%add3A_30, %dma_start3A] : memref<10240x64xf32, #tpu.memory_space<vmem_shared>> -> memref<32x64xf32, #tpu.memory_space<vmem_shared>>
      %dma_start3A_175 = arith.constant 0 : i32
      %dma_start3A_176 = tpu.memref_slice %arg10[%add3A_30, %dma_start3A_175] : memref<10240x64xf32, #tpu.memory_space<vmem_shared>> -> memref<32x64xf32, #tpu.memory_space<vmem_shared>>
      tpu.enqueue_dma source(%arg9 : memref<32x64xf32, #tpu.memory_space<vmem>>) target(%dma_start3A_176 : memref<32x64xf32, #tpu.memory_space<vmem_shared>>) target_semaphore(%run_scoped3A_173 : memref<!tpu.dma_semaphore, #tpu.memory_space<semaphore_mem>>)
      %dma_wait3A_177 = arith.constant 0 : i32
      %dma_wait3A_178 = tpu.memref_slice %arg10[%add3A_30, %dma_wait3A_177] : memref<10240x64xf32, #tpu.memory_space<vmem_shared>> -> memref<32x64xf32, #tpu.memory_space<vmem_shared>>
      %dma_wait3A_179 = arith.constant 0 : i32
      %dma_wait3A_180 = tpu.memref_slice %arg10[%add3A_30, %dma_wait3A_179] : memref<10240x64xf32, #tpu.memory_space<vmem_shared>> -> memref<32x64xf32, #tpu.memory_space<vmem_shared>>
      tpu.wait_dma2 semaphore(%run_scoped3A_173 : memref<!tpu.dma_semaphore, #tpu.memory_space<semaphore_mem>>) src(%arg9 : memref<32x64xf32, #tpu.memory_space<vmem>>) dst(%dma_wait3A_180 : memref<32x64xf32, #tpu.memory_space<vmem_shared>>)
      tpu.yield
    }) : () -> ()
    %add3A_31 = arith.constant 448 : i32
    %add3A_32 = arith.addi %mul3A_2, %add3A_31 : i32
    "tpu.region"() ({
      %run_scoped3A_173 = tpu.sem_alloc : memref<!tpu.dma_semaphore, #tpu.memory_space<semaphore_mem>>
      %dma_start3A = arith.constant 0 : i32
      %dma_start3A_174 = tpu.memref_slice %arg10[%add3A_32, %dma_start3A] : memref<10240x64xf32, #tpu.memory_space<vmem_shared>> -> memref<32x64xf32, #tpu.memory_space<vmem_shared>>
      %dma_start3A_175 = arith.constant 0 : i32
      %dma_start3A_176 = tpu.memref_slice %arg10[%add3A_32, %dma_start3A_175] : memref<10240x64xf32, #tpu.memory_space<vmem_shared>> -> memref<32x64xf32, #tpu.memory_space<vmem_shared>>
      tpu.enqueue_dma source(%arg9 : memref<32x64xf32, #tpu.memory_space<vmem>>) target(%dma_start3A_176 : memref<32x64xf32, #tpu.memory_space<vmem_shared>>) target_semaphore(%run_scoped3A_173 : memref<!tpu.dma_semaphore, #tpu.memory_space<semaphore_mem>>)
      %dma_wait3A_177 = arith.constant 0 : i32
      %dma_wait3A_178 = tpu.memref_slice %arg10[%add3A_32, %dma_wait3A_177] : memref<10240x64xf32, #tpu.memory_space<vmem_shared>> -> memref<32x64xf32, #tpu.memory_space<vmem_shared>>
      %dma_wait3A_179 = arith.constant 0 : i32
      %dma_wait3A_180 = tpu.memref_slice %arg10[%add3A_32, %dma_wait3A_179] : memref<10240x64xf32, #tpu.memory_space<vmem_shared>> -> memref<32x64xf32, #tpu.memory_space<vmem_shared>>
      tpu.wait_dma2 semaphore(%run_scoped3A_173 : memref<!tpu.dma_semaphore, #tpu.memory_space<semaphore_mem>>) src(%arg9 : memref<32x64xf32, #tpu.memory_space<vmem>>) dst(%dma_wait3A_180 : memref<32x64xf32, #tpu.memory_space<vmem_shared>>)
      tpu.yield
    }) : () -> ()
    %add3A_33 = arith.constant 480 : i32
    %add3A_34 = arith.addi %mul3A_2, %add3A_33 : i32
    "tpu.region"() ({
      %run_scoped3A_173 = tpu.sem_alloc : memref<!tpu.dma_semaphore, #tpu.memory_space<semaphore_mem>>
      %dma_start3A = arith.constant 0 : i32
      %dma_start3A_174 = tpu.memref_slice %arg10[%add3A_34, %dma_start3A] : memref<10240x64xf32, #tpu.memory_space<vmem_shared>> -> memref<32x64xf32, #tpu.memory_space<vmem_shared>>
      %dma_start3A_175 = arith.constant 0 : i32
      %dma_start3A_176 = tpu.memref_slice %arg10[%add3A_34, %dma_start3A_175] : memref<10240x64xf32, #tpu.memory_space<vmem_shared>> -> memref<32x64xf32, #tpu.memory_space<vmem_shared>>
      tpu.enqueue_dma source(%arg9 : memref<32x64xf32, #tpu.memory_space<vmem>>) target(%dma_start3A_176 : memref<32x64xf32, #tpu.memory_space<vmem_shared>>) target_semaphore(%run_scoped3A_173 : memref<!tpu.dma_semaphore, #tpu.memory_space<semaphore_mem>>)
      %dma_wait3A_177 = arith.constant 0 : i32
      %dma_wait3A_178 = tpu.memref_slice %arg10[%add3A_34, %dma_wait3A_177] : memref<10240x64xf32, #tpu.memory_space<vmem_shared>> -> memref<32x64xf32, #tpu.memory_space<vmem_shared>>
      %dma_wait3A_179 = arith.constant 0 : i32
      %dma_wait3A_180 = tpu.memref_slice %arg10[%add3A_34, %dma_wait3A_179] : memref<10240x64xf32, #tpu.memory_space<vmem_shared>> -> memref<32x64xf32, #tpu.memory_space<vmem_shared>>
      tpu.wait_dma2 semaphore(%run_scoped3A_173 : memref<!tpu.dma_semaphore, #tpu.memory_space<semaphore_mem>>) src(%arg9 : memref<32x64xf32, #tpu.memory_space<vmem>>) dst(%dma_wait3A_180 : memref<32x64xf32, #tpu.memory_space<vmem_shared>>)
      tpu.yield
    }) : () -> ()
    %add3A_35 = arith.constant 512 : i32
    %add3A_36 = arith.addi %mul3A_2, %add3A_35 : i32
    "tpu.region"() ({
      %run_scoped3A_173 = tpu.sem_alloc : memref<!tpu.dma_semaphore, #tpu.memory_space<semaphore_mem>>
      %dma_start3A = arith.constant 0 : i32
      %dma_start3A_174 = tpu.memref_slice %arg10[%add3A_36, %dma_start3A] : memref<10240x64xf32, #tpu.memory_space<vmem_shared>> -> memref<32x64xf32, #tpu.memory_space<vmem_shared>>
      %dma_start3A_175 = arith.constant 0 : i32
      %dma_start3A_176 = tpu.memref_slice %arg10[%add3A_36, %dma_start3A_175] : memref<10240x64xf32, #tpu.memory_space<vmem_shared>> -> memref<32x64xf32, #tpu.memory_space<vmem_shared>>
      tpu.enqueue_dma source(%arg9 : memref<32x64xf32, #tpu.memory_space<vmem>>) target(%dma_start3A_176 : memref<32x64xf32, #tpu.memory_space<vmem_shared>>) target_semaphore(%run_scoped3A_173 : memref<!tpu.dma_semaphore, #tpu.memory_space<semaphore_mem>>)
      %dma_wait3A_177 = arith.constant 0 : i32
      %dma_wait3A_178 = tpu.memref_slice %arg10[%add3A_36, %dma_wait3A_177] : memref<10240x64xf32, #tpu.memory_space<vmem_shared>> -> memref<32x64xf32, #tpu.memory_space<vmem_shared>>
      %dma_wait3A_179 = arith.constant 0 : i32
      %dma_wait3A_180 = tpu.memref_slice %arg10[%add3A_36, %dma_wait3A_179] : memref<10240x64xf32, #tpu.memory_space<vmem_shared>> -> memref<32x64xf32, #tpu.memory_space<vmem_shared>>
      tpu.wait_dma2 semaphore(%run_scoped3A_173 : memref<!tpu.dma_semaphore, #tpu.memory_space<semaphore_mem>>) src(%arg9 : memref<32x64xf32, #tpu.memory_space<vmem>>) dst(%dma_wait3A_180 : memref<32x64xf32, #tpu.memory_space<vmem_shared>>)
      tpu.yield
    }) : () -> ()
    %add3A_37 = arith.constant 544 : i32
    %add3A_38 = arith.addi %mul3A_2, %add3A_37 : i32
    "tpu.region"() ({
      %run_scoped3A_173 = tpu.sem_alloc : memref<!tpu.dma_semaphore, #tpu.memory_space<semaphore_mem>>
      %dma_start3A = arith.constant 0 : i32
      %dma_start3A_174 = tpu.memref_slice %arg10[%add3A_38, %dma_start3A] : memref<10240x64xf32, #tpu.memory_space<vmem_shared>> -> memref<32x64xf32, #tpu.memory_space<vmem_shared>>
      %dma_start3A_175 = arith.constant 0 : i32
      %dma_start3A_176 = tpu.memref_slice %arg10[%add3A_38, %dma_start3A_175] : memref<10240x64xf32, #tpu.memory_space<vmem_shared>> -> memref<32x64xf32, #tpu.memory_space<vmem_shared>>
      tpu.enqueue_dma source(%arg9 : memref<32x64xf32, #tpu.memory_space<vmem>>) target(%dma_start3A_176 : memref<32x64xf32, #tpu.memory_space<vmem_shared>>) target_semaphore(%run_scoped3A_173 : memref<!tpu.dma_semaphore, #tpu.memory_space<semaphore_mem>>)
      %dma_wait3A_177 = arith.constant 0 : i32
      %dma_wait3A_178 = tpu.memref_slice %arg10[%add3A_38, %dma_wait3A_177] : memref<10240x64xf32, #tpu.memory_space<vmem_shared>> -> memref<32x64xf32, #tpu.memory_space<vmem_shared>>
      %dma_wait3A_179 = arith.constant 0 : i32
      %dma_wait3A_180 = tpu.memref_slice %arg10[%add3A_38, %dma_wait3A_179] : memref<10240x64xf32, #tpu.memory_space<vmem_shared>> -> memref<32x64xf32, #tpu.memory_space<vmem_shared>>
      tpu.wait_dma2 semaphore(%run_scoped3A_173 : memref<!tpu.dma_semaphore, #tpu.memory_space<semaphore_mem>>) src(%arg9 : memref<32x64xf32, #tpu.memory_space<vmem>>) dst(%dma_wait3A_180 : memref<32x64xf32, #tpu.memory_space<vmem_shared>>)
      tpu.yield
    }) : () -> ()
    %add3A_39 = arith.constant 576 : i32
    %add3A_40 = arith.addi %mul3A_2, %add3A_39 : i32
    "tpu.region"() ({
      %run_scoped3A_173 = tpu.sem_alloc : memref<!tpu.dma_semaphore, #tpu.memory_space<semaphore_mem>>
      %dma_start3A = arith.constant 0 : i32
      %dma_start3A_174 = tpu.memref_slice %arg10[%add3A_40, %dma_start3A] : memref<10240x64xf32, #tpu.memory_space<vmem_shared>> -> memref<32x64xf32, #tpu.memory_space<vmem_shared>>
      %dma_start3A_175 = arith.constant 0 : i32
      %dma_start3A_176 = tpu.memref_slice %arg10[%add3A_40, %dma_start3A_175] : memref<10240x64xf32, #tpu.memory_space<vmem_shared>> -> memref<32x64xf32, #tpu.memory_space<vmem_shared>>
      tpu.enqueue_dma source(%arg9 : memref<32x64xf32, #tpu.memory_space<vmem>>) target(%dma_start3A_176 : memref<32x64xf32, #tpu.memory_space<vmem_shared>>) target_semaphore(%run_scoped3A_173 : memref<!tpu.dma_semaphore, #tpu.memory_space<semaphore_mem>>)
      %dma_wait3A_177 = arith.constant 0 : i32
      %dma_wait3A_178 = tpu.memref_slice %arg10[%add3A_40, %dma_wait3A_177] : memref<10240x64xf32, #tpu.memory_space<vmem_shared>> -> memref<32x64xf32, #tpu.memory_space<vmem_shared>>
      %dma_wait3A_179 = arith.constant 0 : i32
      %dma_wait3A_180 = tpu.memref_slice %arg10[%add3A_40, %dma_wait3A_179] : memref<10240x64xf32, #tpu.memory_space<vmem_shared>> -> memref<32x64xf32, #tpu.memory_space<vmem_shared>>
      tpu.wait_dma2 semaphore(%run_scoped3A_173 : memref<!tpu.dma_semaphore, #tpu.memory_space<semaphore_mem>>) src(%arg9 : memref<32x64xf32, #tpu.memory_space<vmem>>) dst(%dma_wait3A_180 : memref<32x64xf32, #tpu.memory_space<vmem_shared>>)
      tpu.yield
    }) : () -> ()
    %add3A_41 = arith.constant 608 : i32
    %add3A_42 = arith.addi %mul3A_2, %add3A_41 : i32
    "tpu.region"() ({
      %run_scoped3A_173 = tpu.sem_alloc : memref<!tpu.dma_semaphore, #tpu.memory_space<semaphore_mem>>
      %dma_start3A = arith.constant 0 : i32
      %dma_start3A_174 = tpu.memref_slice %arg10[%add3A_42, %dma_start3A] : memref<10240x64xf32, #tpu.memory_space<vmem_shared>> -> memref<32x64xf32, #tpu.memory_space<vmem_shared>>
      %dma_start3A_175 = arith.constant 0 : i32
      %dma_start3A_176 = tpu.memref_slice %arg10[%add3A_42, %dma_start3A_175] : memref<10240x64xf32, #tpu.memory_space<vmem_shared>> -> memref<32x64xf32, #tpu.memory_space<vmem_shared>>
      tpu.enqueue_dma source(%arg9 : memref<32x64xf32, #tpu.memory_space<vmem>>) target(%dma_start3A_176 : memref<32x64xf32, #tpu.memory_space<vmem_shared>>) target_semaphore(%run_scoped3A_173 : memref<!tpu.dma_semaphore, #tpu.memory_space<semaphore_mem>>)
      %dma_wait3A_177 = arith.constant 0 : i32
      %dma_wait3A_178 = tpu.memref_slice %arg10[%add3A_42, %dma_wait3A_177] : memref<10240x64xf32, #tpu.memory_space<vmem_shared>> -> memref<32x64xf32, #tpu.memory_space<vmem_shared>>
      %dma_wait3A_179 = arith.constant 0 : i32
      %dma_wait3A_180 = tpu.memref_slice %arg10[%add3A_42, %dma_wait3A_179] : memref<10240x64xf32, #tpu.memory_space<vmem_shared>> -> memref<32x64xf32, #tpu.memory_space<vmem_shared>>
      tpu.wait_dma2 semaphore(%run_scoped3A_173 : memref<!tpu.dma_semaphore, #tpu.memory_space<semaphore_mem>>) src(%arg9 : memref<32x64xf32, #tpu.memory_space<vmem>>) dst(%dma_wait3A_180 : memref<32x64xf32, #tpu.memory_space<vmem_shared>>)
      tpu.yield
    }) : () -> ()
    %mul3A_43 = arith.constant 80 : i32
    %mul3A_44 = arith.muli %add3A, %mul3A_43 : i32
    %run_scoped3A = arith.constant 1 : i32
    "tpu.region"() ({
      %run_scoped3A_173 = tpu.sem_alloc : memref<!tpu.dma_semaphore, #tpu.memory_space<semaphore_mem>>
      %dma_start3A = arith.constant 0 : i32
      %dma_start3A_174 = tpu.memref_slice %arg3[%run_scoped3A, %mul3A_44, %dma_start3A] : memref<5x2560x128xi32, #tpu.memory_space<hbm>> -> memref<1x80x128xi32, #tpu.memory_space<hbm>>
      %dma_start3A_175 = tpu.memref_squeeze %dma_start3A_174 : memref<1x80x128xi32, #tpu.memory_space<hbm>> -> memref<80x128xi32, #tpu.memory_space<hbm>>
      %dma_start3A_176 = arith.constant 0 : i32
      %dma_start3A_177 = tpu.memref_slice %arg3[%run_scoped3A, %mul3A_44, %dma_start3A_176] : memref<5x2560x128xi32, #tpu.memory_space<hbm>> -> memref<1x80x128xi32, #tpu.memory_space<hbm>>
      %dma_start3A_178 = tpu.memref_squeeze %dma_start3A_177 : memref<1x80x128xi32, #tpu.memory_space<hbm>> -> memref<80x128xi32, #tpu.memory_space<hbm>>
      tpu.enqueue_dma source(%dma_start3A_178 : memref<80x128xi32, #tpu.memory_space<hbm>>) target(%arg6 : memref<80x128xi32, #tpu.memory_space<vmem>>) target_semaphore(%run_scoped3A_173 : memref<!tpu.dma_semaphore, #tpu.memory_space<semaphore_mem>>)
      %dma_wait3A_179 = arith.constant 0 : i32
      %dma_wait3A_180 = tpu.memref_slice %arg3[%run_scoped3A, %mul3A_44, %dma_wait3A_179] : memref<5x2560x128xi32, #tpu.memory_space<hbm>> -> memref<1x80x128xi32, #tpu.memory_space<hbm>>
      %dma_wait3A_181 = tpu.memref_squeeze %dma_wait3A_180 : memref<1x80x128xi32, #tpu.memory_space<hbm>> -> memref<80x128xi32, #tpu.memory_space<hbm>>
      %dma_wait3A_182 = arith.constant 0 : i32
      %dma_wait3A_183 = tpu.memref_slice %arg3[%run_scoped3A, %mul3A_44, %dma_wait3A_182] : memref<5x2560x128xi32, #tpu.memory_space<hbm>> -> memref<1x80x128xi32, #tpu.memory_space<hbm>>
      %dma_wait3A_184 = tpu.memref_squeeze %dma_wait3A_183 : memref<1x80x128xi32, #tpu.memory_space<hbm>> -> memref<80x128xi32, #tpu.memory_space<hbm>>
      tpu.wait_dma2 semaphore(%run_scoped3A_173 : memref<!tpu.dma_semaphore, #tpu.memory_space<semaphore_mem>>) src(%dma_wait3A_184 : memref<80x128xi32, #tpu.memory_space<hbm>>) dst(%arg6 : memref<80x128xi32, #tpu.memory_space<vmem>>)
      tpu.yield
    }) : () -> ()
    %mul3A_45 = arith.constant 80 : i32
    %mul3A_46 = arith.muli %add3A, %mul3A_45 : i32
    %run_scoped3A_47 = arith.constant 2 : i32
    "tpu.region"() ({
      %run_scoped3A_173 = tpu.sem_alloc : memref<!tpu.dma_semaphore, #tpu.memory_space<semaphore_mem>>
      %dma_start3A = arith.constant 0 : i32
      %dma_start3A_174 = tpu.memref_slice %arg3[%run_scoped3A_47, %mul3A_46, %dma_start3A] : memref<5x2560x128xi32, #tpu.memory_space<hbm>> -> memref<1x80x128xi32, #tpu.memory_space<hbm>>
      %dma_start3A_175 = tpu.memref_squeeze %dma_start3A_174 : memref<1x80x128xi32, #tpu.memory_space<hbm>> -> memref<80x128xi32, #tpu.memory_space<hbm>>
      %dma_start3A_176 = arith.constant 0 : i32
      %dma_start3A_177 = tpu.memref_slice %arg3[%run_scoped3A_47, %mul3A_46, %dma_start3A_176] : memref<5x2560x128xi32, #tpu.memory_space<hbm>> -> memref<1x80x128xi32, #tpu.memory_space<hbm>>
      %dma_start3A_178 = tpu.memref_squeeze %dma_start3A_177 : memref<1x80x128xi32, #tpu.memory_space<hbm>> -> memref<80x128xi32, #tpu.memory_space<hbm>>
      tpu.enqueue_dma source(%dma_start3A_178 : memref<80x128xi32, #tpu.memory_space<hbm>>) target(%arg7 : memref<80x128xi32, #tpu.memory_space<vmem>>) target_semaphore(%run_scoped3A_173 : memref<!tpu.dma_semaphore, #tpu.memory_space<semaphore_mem>>)
      %dma_wait3A_179 = arith.constant 0 : i32
      %dma_wait3A_180 = tpu.memref_slice %arg3[%run_scoped3A_47, %mul3A_46, %dma_wait3A_179] : memref<5x2560x128xi32, #tpu.memory_space<hbm>> -> memref<1x80x128xi32, #tpu.memory_space<hbm>>
      %dma_wait3A_181 = tpu.memref_squeeze %dma_wait3A_180 : memref<1x80x128xi32, #tpu.memory_space<hbm>> -> memref<80x128xi32, #tpu.memory_space<hbm>>
      %dma_wait3A_182 = arith.constant 0 : i32
      %dma_wait3A_183 = tpu.memref_slice %arg3[%run_scoped3A_47, %mul3A_46, %dma_wait3A_182] : memref<5x2560x128xi32, #tpu.memory_space<hbm>> -> memref<1x80x128xi32, #tpu.memory_space<hbm>>
      %dma_wait3A_184 = tpu.memref_squeeze %dma_wait3A_183 : memref<1x80x128xi32, #tpu.memory_space<hbm>> -> memref<80x128xi32, #tpu.memory_space<hbm>>
      tpu.wait_dma2 semaphore(%run_scoped3A_173 : memref<!tpu.dma_semaphore, #tpu.memory_space<semaphore_mem>>) src(%dma_wait3A_184 : memref<80x128xi32, #tpu.memory_space<hbm>>) dst(%arg7 : memref<80x128xi32, #tpu.memory_space<vmem>>)
      tpu.yield
    }) : () -> ()
    %barrier3A = arith.constant 0 : index
    tpu.barrier barrier_id(%barrier3A)
    %scan3A = arith.constant 0 : i32
    %scan3A_48 = arith.constant 0 : i32
    %scan3A_49 = arith.constant 10 : i32
    %scan3A_50 = arith.addi %scan3A_48, %scan3A_49 : i32
    %scan3A_51 = arith.constant 1 : i32
    scf.for %scan3A_173 = %scan3A_48 to %scan3A_50 step %scan3A_51  : i32 {
      %mul3A_174 = arith.constant 8 : i32
      %mul3A_175 = arith.muli %scan3A_173, %mul3A_174 : i32
      %add3A_176 = arith.constant 0 : i32
      %add3A_177 = arith.addi %mul3A_175, %add3A_176 : i32
      %gt3A = arith.constant 0 : i32
      %gt3A_178 = arith.cmpi sgt, %scan3A_173, %gt3A : i32
      %convert_element_type3A = arith.extui %gt3A_178 : i1 to i32
      %cond3A = arith.constant 0 : i32
      %cond3A_179 = arith.cmpi ne, %convert_element_type3A, %cond3A : i32
      scf.if %cond3A_179 {
        %sub3A = arith.constant 8 : i32
        %sub3A_610 = arith.subi %add3A_177, %sub3A : i32
        %dma_wait3A_611 = arith.constant 0 : i32
        %dma_wait3A_612 = arith.constant 0 : i32
        %dma_wait3A_613 = arith.constant 0 : i32
        %dma_wait3A_614 = arith.constant 0 : i32
        %dma_wait3A_615 = tpu.memref_slice %arg8[%dma_wait3A_611, %dma_wait3A_613, %dma_wait3A_614] : memref<8x128x64xf32, #tpu.memory_space<vmem>> -> memref<1x128x64xf32, #tpu.memory_space<vmem>>
        %dma_wait3A_616 = tpu.memref_squeeze %dma_wait3A_615 : memref<1x128x64xf32, #tpu.memory_space<vmem>> -> memref<128x64xf32, #tpu.memory_space<vmem>>
        %dma_wait3A_617 = arith.constant 0 : i32
        %dma_wait3A_618 = tpu.memref_slice %arg7[%sub3A_610, %dma_wait3A_617] : memref<80x128xi32, #tpu.memory_space<vmem>> -> memref<1x128xi32, #tpu.memory_space<vmem>>
        %dma_wait3A_619 = tpu.memref_squeeze %dma_wait3A_618 : memref<1x128xi32, #tpu.memory_space<vmem>> -> memref<128xi32, #tpu.memory_space<vmem>>
        %dma_wait3A_620 = arith.constant 0 : i32
        %dma_wait3A_621 = arith.constant 0 : i32
        %dma_wait3A_622 = tpu.memref_slice %arg10[%dma_wait3A_620, %dma_wait3A_621] : memref<10240x64xf32, #tpu.memory_space<vmem_shared>> -> memref<10240x64xf32, #tpu.memory_space<vmem_shared>>
        %dma_wait3A_623 = tpu.memref_slice %arg12[%dma_wait3A_612] : memref<8x!tpu.dma_semaphore, #tpu.memory_space<semaphore_mem>> -> memref<1x!tpu.dma_semaphore, #tpu.memory_space<semaphore_mem>>
        %dma_wait3A_624 = tpu.memref_squeeze %dma_wait3A_623 : memref<1x!tpu.dma_semaphore, #tpu.memory_space<semaphore_mem>> -> memref<!tpu.dma_semaphore, #tpu.memory_space<semaphore_mem>>
        tpu.wait_indirect_dma semaphore(%dma_wait3A_624 : memref<!tpu.dma_semaphore, #tpu.memory_space<semaphore_mem>>) src(%dma_wait3A_616 : memref<128x64xf32, #tpu.memory_space<vmem>>) dst(%dma_wait3A_622 : memref<10240x64xf32, #tpu.memory_space<vmem_shared>>)
      } else {
      }
      %dma_start3A = arith.constant 0 : i32
      %dma_start3A_180 = arith.constant 0 : i32
      %dma_start3A_181 = arith.constant 0 : i32
      %dma_start3A_182 = arith.constant 0 : i32
      %dma_start3A_183 = tpu.memref_slice %arg8[%dma_start3A, %dma_start3A_181, %dma_start3A_182] : memref<8x128x64xf32, #tpu.memory_space<vmem>> -> memref<1x128x64xf32, #tpu.memory_space<vmem>>
      %dma_start3A_184 = tpu.memref_squeeze %dma_start3A_183 : memref<1x128x64xf32, #tpu.memory_space<vmem>> -> memref<128x64xf32, #tpu.memory_space<vmem>>
      %dma_start3A_185 = arith.constant 0 : i32
      %dma_start3A_186 = tpu.memref_slice %arg6[%add3A_177, %dma_start3A_185] : memref<80x128xi32, #tpu.memory_space<vmem>> -> memref<1x128xi32, #tpu.memory_space<vmem>>
      %dma_start3A_187 = tpu.memref_squeeze %dma_start3A_186 : memref<1x128xi32, #tpu.memory_space<vmem>> -> memref<128xi32, #tpu.memory_space<vmem>>
      %dma_start3A_188 = arith.constant 0 : i32
      %dma_start3A_189 = arith.constant 0 : i32
      %dma_start3A_190 = tpu.memref_slice %arg2[%dma_start3A_188, %dma_start3A_189] : memref<10240x64xf32, #tpu.memory_space<hbm>> -> memref<10240x64xf32, #tpu.memory_space<hbm>>
      %dma_start3A_191 = tpu.memref_slice %arg11[%dma_start3A_180] : memref<8x!tpu.dma_semaphore, #tpu.memory_space<semaphore_mem>> -> memref<1x!tpu.dma_semaphore, #tpu.memory_space<semaphore_mem>>
      %dma_start3A_192 = tpu.memref_squeeze %dma_start3A_191 : memref<1x!tpu.dma_semaphore, #tpu.memory_space<semaphore_mem>> -> memref<!tpu.dma_semaphore, #tpu.memory_space<semaphore_mem>>
      tpu.enqueue_indirect_dma source(%dma_start3A_190 : memref<10240x64xf32, #tpu.memory_space<hbm>>) target(%dma_start3A_184 : memref<128x64xf32, #tpu.memory_space<vmem>>) offsets(%dma_start3A_187 : memref<128xi32, #tpu.memory_space<vmem>>) semaphore(%dma_start3A_192 : memref<!tpu.dma_semaphore, #tpu.memory_space<semaphore_mem>>)
      %mul3A_193 = arith.constant 8 : i32
      %mul3A_194 = arith.muli %scan3A_173, %mul3A_193 : i32
      %add3A_195 = arith.constant 1 : i32
      %add3A_196 = arith.addi %mul3A_194, %add3A_195 : i32
      %gt3A_197 = arith.constant 0 : i32
      %gt3A_198 = arith.cmpi sgt, %scan3A_173, %gt3A_197 : i32
      %convert_element_type3A_199 = arith.extui %gt3A_198 : i1 to i32
      %cond3A_200 = arith.constant 0 : i32
      %cond3A_201 = arith.cmpi ne, %convert_element_type3A_199, %cond3A_200 : i32
      scf.if %cond3A_201 {
        %sub3A = arith.constant 8 : i32
        %sub3A_610 = arith.subi %add3A_196, %sub3A : i32
        %dma_wait3A_611 = arith.constant 1 : i32
        %dma_wait3A_612 = arith.constant 1 : i32
        %dma_wait3A_613 = arith.constant 0 : i32
        %dma_wait3A_614 = arith.constant 0 : i32
        %dma_wait3A_615 = tpu.memref_slice %arg8[%dma_wait3A_611, %dma_wait3A_613, %dma_wait3A_614] : memref<8x128x64xf32, #tpu.memory_space<vmem>> -> memref<1x128x64xf32, #tpu.memory_space<vmem>>
        %dma_wait3A_616 = tpu.memref_squeeze %dma_wait3A_615 : memref<1x128x64xf32, #tpu.memory_space<vmem>> -> memref<128x64xf32, #tpu.memory_space<vmem>>
        %dma_wait3A_617 = arith.constant 0 : i32
        %dma_wait3A_618 = tpu.memref_slice %arg7[%sub3A_610, %dma_wait3A_617] : memref<80x128xi32, #tpu.memory_space<vmem>> -> memref<1x128xi32, #tpu.memory_space<vmem>>
        %dma_wait3A_619 = tpu.memref_squeeze %dma_wait3A_618 : memref<1x128xi32, #tpu.memory_space<vmem>> -> memref<128xi32, #tpu.memory_space<vmem>>
        %dma_wait3A_620 = arith.constant 0 : i32
        %dma_wait3A_621 = arith.constant 0 : i32
        %dma_wait3A_622 = tpu.memref_slice %arg10[%dma_wait3A_620, %dma_wait3A_621] : memref<10240x64xf32, #tpu.memory_space<vmem_shared>> -> memref<10240x64xf32, #tpu.memory_space<vmem_shared>>
        %dma_wait3A_623 = tpu.memref_slice %arg12[%dma_wait3A_612] : memref<8x!tpu.dma_semaphore, #tpu.memory_space<semaphore_mem>> -> memref<1x!tpu.dma_semaphore, #tpu.memory_space<semaphore_mem>>
        %dma_wait3A_624 = tpu.memref_squeeze %dma_wait3A_623 : memref<1x!tpu.dma_semaphore, #tpu.memory_space<semaphore_mem>> -> memref<!tpu.dma_semaphore, #tpu.memory_space<semaphore_mem>>
        tpu.wait_indirect_dma semaphore(%dma_wait3A_624 : memref<!tpu.dma_semaphore, #tpu.memory_space<semaphore_mem>>) src(%dma_wait3A_616 : memref<128x64xf32, #tpu.memory_space<vmem>>) dst(%dma_wait3A_622 : memref<10240x64xf32, #tpu.memory_space<vmem_shared>>)
      } else {
      }
      %dma_start3A_202 = arith.constant 1 : i32
      %dma_start3A_203 = arith.constant 1 : i32
      %dma_start3A_204 = arith.constant 0 : i32
      %dma_start3A_205 = arith.constant 0 : i32
      %dma_start3A_206 = tpu.memref_slice %arg8[%dma_start3A_202, %dma_start3A_204, %dma_start3A_205] : memref<8x128x64xf32, #tpu.memory_space<vmem>> -> memref<1x128x64xf32, #tpu.memory_space<vmem>>
      %dma_start3A_207 = tpu.memref_squeeze %dma_start3A_206 : memref<1x128x64xf32, #tpu.memory_space<vmem>> -> memref<128x64xf32, #tpu.memory_space<vmem>>
      %dma_start3A_208 = arith.constant 0 : i32
      %dma_start3A_209 = tpu.memref_slice %arg6[%add3A_196, %dma_start3A_208] : memref<80x128xi32, #tpu.memory_space<vmem>> -> memref<1x128xi32, #tpu.memory_space<vmem>>
      %dma_start3A_210 = tpu.memref_squeeze %dma_start3A_209 : memref<1x128xi32, #tpu.memory_space<vmem>> -> memref<128xi32, #tpu.memory_space<vmem>>
      %dma_start3A_211 = arith.constant 0 : i32
      %dma_start3A_212 = arith.constant 0 : i32
      %dma_start3A_213 = tpu.memref_slice %arg2[%dma_start3A_211, %dma_start3A_212] : memref<10240x64xf32, #tpu.memory_space<hbm>> -> memref<10240x64xf32, #tpu.memory_space<hbm>>
      %dma_start3A_214 = tpu.memref_slice %arg11[%dma_start3A_203] : memref<8x!tpu.dma_semaphore, #tpu.memory_space<semaphore_mem>> -> memref<1x!tpu.dma_semaphore, #tpu.memory_space<semaphore_mem>>
      %dma_start3A_215 = tpu.memref_squeeze %dma_start3A_214 : memref<1x!tpu.dma_semaphore, #tpu.memory_space<semaphore_mem>> -> memref<!tpu.dma_semaphore, #tpu.memory_space<semaphore_mem>>
      tpu.enqueue_indirect_dma source(%dma_start3A_213 : memref<10240x64xf32, #tpu.memory_space<hbm>>) target(%dma_start3A_207 : memref<128x64xf32, #tpu.memory_space<vmem>>) offsets(%dma_start3A_210 : memref<128xi32, #tpu.memory_space<vmem>>) semaphore(%dma_start3A_215 : memref<!tpu.dma_semaphore, #tpu.memory_space<semaphore_mem>>)
      %mul3A_216 = arith.constant 8 : i32
      %mul3A_217 = arith.muli %scan3A_173, %mul3A_216 : i32
      %add3A_218 = arith.constant 2 : i32
      %add3A_219 = arith.addi %mul3A_217, %add3A_218 : i32
      %gt3A_220 = arith.constant 0 : i32
      %gt3A_221 = arith.cmpi sgt, %scan3A_173, %gt3A_220 : i32
      %convert_element_type3A_222 = arith.extui %gt3A_221 : i1 to i32
      %cond3A_223 = arith.constant 0 : i32
      %cond3A_224 = arith.cmpi ne, %convert_element_type3A_222, %cond3A_223 : i32
      scf.if %cond3A_224 {
        %sub3A = arith.constant 8 : i32
        %sub3A_610 = arith.subi %add3A_219, %sub3A : i32
        %dma_wait3A_611 = arith.constant 2 : i32
        %dma_wait3A_612 = arith.constant 2 : i32
        %dma_wait3A_613 = arith.constant 0 : i32
        %dma_wait3A_614 = arith.constant 0 : i32
        %dma_wait3A_615 = tpu.memref_slice %arg8[%dma_wait3A_611, %dma_wait3A_613, %dma_wait3A_614] : memref<8x128x64xf32, #tpu.memory_space<vmem>> -> memref<1x128x64xf32, #tpu.memory_space<vmem>>
        %dma_wait3A_616 = tpu.memref_squeeze %dma_wait3A_615 : memref<1x128x64xf32, #tpu.memory_space<vmem>> -> memref<128x64xf32, #tpu.memory_space<vmem>>
        %dma_wait3A_617 = arith.constant 0 : i32
        %dma_wait3A_618 = tpu.memref_slice %arg7[%sub3A_610, %dma_wait3A_617] : memref<80x128xi32, #tpu.memory_space<vmem>> -> memref<1x128xi32, #tpu.memory_space<vmem>>
        %dma_wait3A_619 = tpu.memref_squeeze %dma_wait3A_618 : memref<1x128xi32, #tpu.memory_space<vmem>> -> memref<128xi32, #tpu.memory_space<vmem>>
        %dma_wait3A_620 = arith.constant 0 : i32
        %dma_wait3A_621 = arith.constant 0 : i32
        %dma_wait3A_622 = tpu.memref_slice %arg10[%dma_wait3A_620, %dma_wait3A_621] : memref<10240x64xf32, #tpu.memory_space<vmem_shared>> -> memref<10240x64xf32, #tpu.memory_space<vmem_shared>>
        %dma_wait3A_623 = tpu.memref_slice %arg12[%dma_wait3A_612] : memref<8x!tpu.dma_semaphore, #tpu.memory_space<semaphore_mem>> -> memref<1x!tpu.dma_semaphore, #tpu.memory_space<semaphore_mem>>
        %dma_wait3A_624 = tpu.memref_squeeze %dma_wait3A_623 : memref<1x!tpu.dma_semaphore, #tpu.memory_space<semaphore_mem>> -> memref<!tpu.dma_semaphore, #tpu.memory_space<semaphore_mem>>
        tpu.wait_indirect_dma semaphore(%dma_wait3A_624 : memref<!tpu.dma_semaphore, #tpu.memory_space<semaphore_mem>>) src(%dma_wait3A_616 : memref<128x64xf32, #tpu.memory_space<vmem>>) dst(%dma_wait3A_622 : memref<10240x64xf32, #tpu.memory_space<vmem_shared>>)
      } else {
      }
      %dma_start3A_225 = arith.constant 2 : i32
      %dma_start3A_226 = arith.constant 2 : i32
      %dma_start3A_227 = arith.constant 0 : i32
      %dma_start3A_228 = arith.constant 0 : i32
      %dma_start3A_229 = tpu.memref_slice %arg8[%dma_start3A_225, %dma_start3A_227, %dma_start3A_228] : memref<8x128x64xf32, #tpu.memory_space<vmem>> -> memref<1x128x64xf32, #tpu.memory_space<vmem>>
      %dma_start3A_230 = tpu.memref_squeeze %dma_start3A_229 : memref<1x128x64xf32, #tpu.memory_space<vmem>> -> memref<128x64xf32, #tpu.memory_space<vmem>>
      %dma_start3A_231 = arith.constant 0 : i32
      %dma_start3A_232 = tpu.memref_slice %arg6[%add3A_219, %dma_start3A_231] : memref<80x128xi32, #tpu.memory_space<vmem>> -> memref<1x128xi32, #tpu.memory_space<vmem>>
      %dma_start3A_233 = tpu.memref_squeeze %dma_start3A_232 : memref<1x128xi32, #tpu.memory_space<vmem>> -> memref<128xi32, #tpu.memory_space<vmem>>
      %dma_start3A_234 = arith.constant 0 : i32
      %dma_start3A_235 = arith.constant 0 : i32
      %dma_start3A_236 = tpu.memref_slice %arg2[%dma_start3A_234, %dma_start3A_235] : memref<10240x64xf32, #tpu.memory_space<hbm>> -> memref<10240x64xf32, #tpu.memory_space<hbm>>
      %dma_start3A_237 = tpu.memref_slice %arg11[%dma_start3A_226] : memref<8x!tpu.dma_semaphore, #tpu.memory_space<semaphore_mem>> -> memref<1x!tpu.dma_semaphore, #tpu.memory_space<semaphore_mem>>
      %dma_start3A_238 = tpu.memref_squeeze %dma_start3A_237 : memref<1x!tpu.dma_semaphore, #tpu.memory_space<semaphore_mem>> -> memref<!tpu.dma_semaphore, #tpu.memory_space<semaphore_mem>>
      tpu.enqueue_indirect_dma source(%dma_start3A_236 : memref<10240x64xf32, #tpu.memory_space<hbm>>) target(%dma_start3A_230 : memref<128x64xf32, #tpu.memory_space<vmem>>) offsets(%dma_start3A_233 : memref<128xi32, #tpu.memory_space<vmem>>) semaphore(%dma_start3A_238 : memref<!tpu.dma_semaphore, #tpu.memory_space<semaphore_mem>>)
      %mul3A_239 = arith.constant 8 : i32
      %mul3A_240 = arith.muli %scan3A_173, %mul3A_239 : i32
      %add3A_241 = arith.constant 3 : i32
      %add3A_242 = arith.addi %mul3A_240, %add3A_241 : i32
      %gt3A_243 = arith.constant 0 : i32
      %gt3A_244 = arith.cmpi sgt, %scan3A_173, %gt3A_243 : i32
      %convert_element_type3A_245 = arith.extui %gt3A_244 : i1 to i32
      %cond3A_246 = arith.constant 0 : i32
      %cond3A_247 = arith.cmpi ne, %convert_element_type3A_245, %cond3A_246 : i32
      scf.if %cond3A_247 {
        %sub3A = arith.constant 8 : i32
        %sub3A_610 = arith.subi %add3A_242, %sub3A : i32
        %dma_wait3A_611 = arith.constant 3 : i32
        %dma_wait3A_612 = arith.constant 3 : i32
        %dma_wait3A_613 = arith.constant 0 : i32
        %dma_wait3A_614 = arith.constant 0 : i32
        %dma_wait3A_615 = tpu.memref_slice %arg8[%dma_wait3A_611, %dma_wait3A_613, %dma_wait3A_614] : memref<8x128x64xf32, #tpu.memory_space<vmem>> -> memref<1x128x64xf32, #tpu.memory_space<vmem>>
        %dma_wait3A_616 = tpu.memref_squeeze %dma_wait3A_615 : memref<1x128x64xf32, #tpu.memory_space<vmem>> -> memref<128x64xf32, #tpu.memory_space<vmem>>
        %dma_wait3A_617 = arith.constant 0 : i32
        %dma_wait3A_618 = tpu.memref_slice %arg7[%sub3A_610, %dma_wait3A_617] : memref<80x128xi32, #tpu.memory_space<vmem>> -> memref<1x128xi32, #tpu.memory_space<vmem>>
        %dma_wait3A_619 = tpu.memref_squeeze %dma_wait3A_618 : memref<1x128xi32, #tpu.memory_space<vmem>> -> memref<128xi32, #tpu.memory_space<vmem>>
        %dma_wait3A_620 = arith.constant 0 : i32
        %dma_wait3A_621 = arith.constant 0 : i32
        %dma_wait3A_622 = tpu.memref_slice %arg10[%dma_wait3A_620, %dma_wait3A_621] : memref<10240x64xf32, #tpu.memory_space<vmem_shared>> -> memref<10240x64xf32, #tpu.memory_space<vmem_shared>>
        %dma_wait3A_623 = tpu.memref_slice %arg12[%dma_wait3A_612] : memref<8x!tpu.dma_semaphore, #tpu.memory_space<semaphore_mem>> -> memref<1x!tpu.dma_semaphore, #tpu.memory_space<semaphore_mem>>
        %dma_wait3A_624 = tpu.memref_squeeze %dma_wait3A_623 : memref<1x!tpu.dma_semaphore, #tpu.memory_space<semaphore_mem>> -> memref<!tpu.dma_semaphore, #tpu.memory_space<semaphore_mem>>
        tpu.wait_indirect_dma semaphore(%dma_wait3A_624 : memref<!tpu.dma_semaphore, #tpu.memory_space<semaphore_mem>>) src(%dma_wait3A_616 : memref<128x64xf32, #tpu.memory_space<vmem>>) dst(%dma_wait3A_622 : memref<10240x64xf32, #tpu.memory_space<vmem_shared>>)
      } else {
      }
      %dma_start3A_248 = arith.constant 3 : i32
      %dma_start3A_249 = arith.constant 3 : i32
      %dma_start3A_250 = arith.constant 0 : i32
      %dma_start3A_251 = arith.constant 0 : i32
      %dma_start3A_252 = tpu.memref_slice %arg8[%dma_start3A_248, %dma_start3A_250, %dma_start3A_251] : memref<8x128x64xf32, #tpu.memory_space<vmem>> -> memref<1x128x64xf32, #tpu.memory_space<vmem>>
      %dma_start3A_253 = tpu.memref_squeeze %dma_start3A_252 : memref<1x128x64xf32, #tpu.memory_space<vmem>> -> memref<128x64xf32, #tpu.memory_space<vmem>>
      %dma_start3A_254 = arith.constant 0 : i32
      %dma_start3A_255 = tpu.memref_slice %arg6[%add3A_242, %dma_start3A_254] : memref<80x128xi32, #tpu.memory_space<vmem>> -> memref<1x128xi32, #tpu.memory_space<vmem>>
      %dma_start3A_256 = tpu.memref_squeeze %dma_start3A_255 : memref<1x128xi32, #tpu.memory_space<vmem>> -> memref<128xi32, #tpu.memory_space<vmem>>
      %dma_start3A_257 = arith.constant 0 : i32
      %dma_start3A_258 = arith.constant 0 : i32
      %dma_start3A_259 = tpu.memref_slice %arg2[%dma_start3A_257, %dma_start3A_258] : memref<10240x64xf32, #tpu.memory_space<hbm>> -> memref<10240x64xf32, #tpu.memory_space<hbm>>
      %dma_start3A_260 = tpu.memref_slice %arg11[%dma_start3A_249] : memref<8x!tpu.dma_semaphore, #tpu.memory_space<semaphore_mem>> -> memref<1x!tpu.dma_semaphore, #tpu.memory_space<semaphore_mem>>
      %dma_start3A_261 = tpu.memref_squeeze %dma_start3A_260 : memref<1x!tpu.dma_semaphore, #tpu.memory_space<semaphore_mem>> -> memref<!tpu.dma_semaphore, #tpu.memory_space<semaphore_mem>>
      tpu.enqueue_indirect_dma source(%dma_start3A_259 : memref<10240x64xf32, #tpu.memory_space<hbm>>) target(%dma_start3A_253 : memref<128x64xf32, #tpu.memory_space<vmem>>) offsets(%dma_start3A_256 : memref<128xi32, #tpu.memory_space<vmem>>) semaphore(%dma_start3A_261 : memref<!tpu.dma_semaphore, #tpu.memory_space<semaphore_mem>>)
      %mul3A_262 = arith.constant 8 : i32
      %mul3A_263 = arith.muli %scan3A_173, %mul3A_262 : i32
      %add3A_264 = arith.constant 4 : i32
      %add3A_265 = arith.addi %mul3A_263, %add3A_264 : i32
      %gt3A_266 = arith.constant 0 : i32
      %gt3A_267 = arith.cmpi sgt, %scan3A_173, %gt3A_266 : i32
      %convert_element_type3A_268 = arith.extui %gt3A_267 : i1 to i32
      %cond3A_269 = arith.constant 0 : i32
      %cond3A_270 = arith.cmpi ne, %convert_element_type3A_268, %cond3A_269 : i32
      scf.if %cond3A_270 {
        %sub3A = arith.constant 8 : i32
        %sub3A_610 = arith.subi %add3A_265, %sub3A : i32
        %dma_wait3A_611 = arith.constant 4 : i32
        %dma_wait3A_612 = arith.constant 4 : i32
        %dma_wait3A_613 = arith.constant 0 : i32
        %dma_wait3A_614 = arith.constant 0 : i32
        %dma_wait3A_615 = tpu.memref_slice %arg8[%dma_wait3A_611, %dma_wait3A_613, %dma_wait3A_614] : memref<8x128x64xf32, #tpu.memory_space<vmem>> -> memref<1x128x64xf32, #tpu.memory_space<vmem>>
        %dma_wait3A_616 = tpu.memref_squeeze %dma_wait3A_615 : memref<1x128x64xf32, #tpu.memory_space<vmem>> -> memref<128x64xf32, #tpu.memory_space<vmem>>
        %dma_wait3A_617 = arith.constant 0 : i32
        %dma_wait3A_618 = tpu.memref_slice %arg7[%sub3A_610, %dma_wait3A_617] : memref<80x128xi32, #tpu.memory_space<vmem>> -> memref<1x128xi32, #tpu.memory_space<vmem>>
        %dma_wait3A_619 = tpu.memref_squeeze %dma_wait3A_618 : memref<1x128xi32, #tpu.memory_space<vmem>> -> memref<128xi32, #tpu.memory_space<vmem>>
        %dma_wait3A_620 = arith.constant 0 : i32
        %dma_wait3A_621 = arith.constant 0 : i32
        %dma_wait3A_622 = tpu.memref_slice %arg10[%dma_wait3A_620, %dma_wait3A_621] : memref<10240x64xf32, #tpu.memory_space<vmem_shared>> -> memref<10240x64xf32, #tpu.memory_space<vmem_shared>>
        %dma_wait3A_623 = tpu.memref_slice %arg12[%dma_wait3A_612] : memref<8x!tpu.dma_semaphore, #tpu.memory_space<semaphore_mem>> -> memref<1x!tpu.dma_semaphore, #tpu.memory_space<semaphore_mem>>
        %dma_wait3A_624 = tpu.memref_squeeze %dma_wait3A_623 : memref<1x!tpu.dma_semaphore, #tpu.memory_space<semaphore_mem>> -> memref<!tpu.dma_semaphore, #tpu.memory_space<semaphore_mem>>
        tpu.wait_indirect_dma semaphore(%dma_wait3A_624 : memref<!tpu.dma_semaphore, #tpu.memory_space<semaphore_mem>>) src(%dma_wait3A_616 : memref<128x64xf32, #tpu.memory_space<vmem>>) dst(%dma_wait3A_622 : memref<10240x64xf32, #tpu.memory_space<vmem_shared>>)
      } else {
      }
      %dma_start3A_271 = arith.constant 4 : i32
      %dma_start3A_272 = arith.constant 4 : i32
      %dma_start3A_273 = arith.constant 0 : i32
      %dma_start3A_274 = arith.constant 0 : i32
      %dma_start3A_275 = tpu.memref_slice %arg8[%dma_start3A_271, %dma_start3A_273, %dma_start3A_274] : memref<8x128x64xf32, #tpu.memory_space<vmem>> -> memref<1x128x64xf32, #tpu.memory_space<vmem>>
      %dma_start3A_276 = tpu.memref_squeeze %dma_start3A_275 : memref<1x128x64xf32, #tpu.memory_space<vmem>> -> memref<128x64xf32, #tpu.memory_space<vmem>>
      %dma_start3A_277 = arith.constant 0 : i32
      %dma_start3A_278 = tpu.memref_slice %arg6[%add3A_265, %dma_start3A_277] : memref<80x128xi32, #tpu.memory_space<vmem>> -> memref<1x128xi32, #tpu.memory_space<vmem>>
      %dma_start3A_279 = tpu.memref_squeeze %dma_start3A_278 : memref<1x128xi32, #tpu.memory_space<vmem>> -> memref<128xi32, #tpu.memory_space<vmem>>
      %dma_start3A_280 = arith.constant 0 : i32
      %dma_start3A_281 = arith.constant 0 : i32
      %dma_start3A_282 = tpu.memref_slice %arg2[%dma_start3A_280, %dma_start3A_281] : memref<10240x64xf32, #tpu.memory_space<hbm>> -> memref<10240x64xf32, #tpu.memory_space<hbm>>
      %dma_start3A_283 = tpu.memref_slice %arg11[%dma_start3A_272] : memref<8x!tpu.dma_semaphore, #tpu.memory_space<semaphore_mem>> -> memref<1x!tpu.dma_semaphore, #tpu.memory_space<semaphore_mem>>
      %dma_start3A_284 = tpu.memref_squeeze %dma_start3A_283 : memref<1x!tpu.dma_semaphore, #tpu.memory_space<semaphore_mem>> -> memref<!tpu.dma_semaphore, #tpu.memory_space<semaphore_mem>>
      tpu.enqueue_indirect_dma source(%dma_start3A_282 : memref<10240x64xf32, #tpu.memory_space<hbm>>) target(%dma_start3A_276 : memref<128x64xf32, #tpu.memory_space<vmem>>) offsets(%dma_start3A_279 : memref<128xi32, #tpu.memory_space<vmem>>) semaphore(%dma_start3A_284 : memref<!tpu.dma_semaphore, #tpu.memory_space<semaphore_mem>>)
      %mul3A_285 = arith.constant 8 : i32
      %mul3A_286 = arith.muli %scan3A_173, %mul3A_285 : i32
      %add3A_287 = arith.constant 5 : i32
      %add3A_288 = arith.addi %mul3A_286, %add3A_287 : i32
      %gt3A_289 = arith.constant 0 : i32
      %gt3A_290 = arith.cmpi sgt, %scan3A_173, %gt3A_289 : i32
      %convert_element_type3A_291 = arith.extui %gt3A_290 : i1 to i32
      %cond3A_292 = arith.constant 0 : i32
      %cond3A_293 = arith.cmpi ne, %convert_element_type3A_291, %cond3A_292 : i32
      scf.if %cond3A_293 {
        %sub3A = arith.constant 8 : i32
        %sub3A_610 = arith.subi %add3A_288, %sub3A : i32
        %dma_wait3A_611 = arith.constant 5 : i32
        %dma_wait3A_612 = arith.constant 5 : i32
        %dma_wait3A_613 = arith.constant 0 : i32
        %dma_wait3A_614 = arith.constant 0 : i32
        %dma_wait3A_615 = tpu.memref_slice %arg8[%dma_wait3A_611, %dma_wait3A_613, %dma_wait3A_614] : memref<8x128x64xf32, #tpu.memory_space<vmem>> -> memref<1x128x64xf32, #tpu.memory_space<vmem>>
        %dma_wait3A_616 = tpu.memref_squeeze %dma_wait3A_615 : memref<1x128x64xf32, #tpu.memory_space<vmem>> -> memref<128x64xf32, #tpu.memory_space<vmem>>
        %dma_wait3A_617 = arith.constant 0 : i32
        %dma_wait3A_618 = tpu.memref_slice %arg7[%sub3A_610, %dma_wait3A_617] : memref<80x128xi32, #tpu.memory_space<vmem>> -> memref<1x128xi32, #tpu.memory_space<vmem>>
        %dma_wait3A_619 = tpu.memref_squeeze %dma_wait3A_618 : memref<1x128xi32, #tpu.memory_space<vmem>> -> memref<128xi32, #tpu.memory_space<vmem>>
        %dma_wait3A_620 = arith.constant 0 : i32
        %dma_wait3A_621 = arith.constant 0 : i32
        %dma_wait3A_622 = tpu.memref_slice %arg10[%dma_wait3A_620, %dma_wait3A_621] : memref<10240x64xf32, #tpu.memory_space<vmem_shared>> -> memref<10240x64xf32, #tpu.memory_space<vmem_shared>>
        %dma_wait3A_623 = tpu.memref_slice %arg12[%dma_wait3A_612] : memref<8x!tpu.dma_semaphore, #tpu.memory_space<semaphore_mem>> -> memref<1x!tpu.dma_semaphore, #tpu.memory_space<semaphore_mem>>
        %dma_wait3A_624 = tpu.memref_squeeze %dma_wait3A_623 : memref<1x!tpu.dma_semaphore, #tpu.memory_space<semaphore_mem>> -> memref<!tpu.dma_semaphore, #tpu.memory_space<semaphore_mem>>
        tpu.wait_indirect_dma semaphore(%dma_wait3A_624 : memref<!tpu.dma_semaphore, #tpu.memory_space<semaphore_mem>>) src(%dma_wait3A_616 : memref<128x64xf32, #tpu.memory_space<vmem>>) dst(%dma_wait3A_622 : memref<10240x64xf32, #tpu.memory_space<vmem_shared>>)
      } else {
      }
      %dma_start3A_294 = arith.constant 5 : i32
      %dma_start3A_295 = arith.constant 5 : i32
      %dma_start3A_296 = arith.constant 0 : i32
      %dma_start3A_297 = arith.constant 0 : i32
      %dma_start3A_298 = tpu.memref_slice %arg8[%dma_start3A_294, %dma_start3A_296, %dma_start3A_297] : memref<8x128x64xf32, #tpu.memory_space<vmem>> -> memref<1x128x64xf32, #tpu.memory_space<vmem>>
      %dma_start3A_299 = tpu.memref_squeeze %dma_start3A_298 : memref<1x128x64xf32, #tpu.memory_space<vmem>> -> memref<128x64xf32, #tpu.memory_space<vmem>>
      %dma_start3A_300 = arith.constant 0 : i32
      %dma_start3A_301 = tpu.memref_slice %arg6[%add3A_288, %dma_start3A_300] : memref<80x128xi32, #tpu.memory_space<vmem>> -> memref<1x128xi32, #tpu.memory_space<vmem>>
      %dma_start3A_302 = tpu.memref_squeeze %dma_start3A_301 : memref<1x128xi32, #tpu.memory_space<vmem>> -> memref<128xi32, #tpu.memory_space<vmem>>
      %dma_start3A_303 = arith.constant 0 : i32
      %dma_start3A_304 = arith.constant 0 : i32
      %dma_start3A_305 = tpu.memref_slice %arg2[%dma_start3A_303, %dma_start3A_304] : memref<10240x64xf32, #tpu.memory_space<hbm>> -> memref<10240x64xf32, #tpu.memory_space<hbm>>
      %dma_start3A_306 = tpu.memref_slice %arg11[%dma_start3A_295] : memref<8x!tpu.dma_semaphore, #tpu.memory_space<semaphore_mem>> -> memref<1x!tpu.dma_semaphore, #tpu.memory_space<semaphore_mem>>
      %dma_start3A_307 = tpu.memref_squeeze %dma_start3A_306 : memref<1x!tpu.dma_semaphore, #tpu.memory_space<semaphore_mem>> -> memref<!tpu.dma_semaphore, #tpu.memory_space<semaphore_mem>>
      tpu.enqueue_indirect_dma source(%dma_start3A_305 : memref<10240x64xf32, #tpu.memory_space<hbm>>) target(%dma_start3A_299 : memref<128x64xf32, #tpu.memory_space<vmem>>) offsets(%dma_start3A_302 : memref<128xi32, #tpu.memory_space<vmem>>) semaphore(%dma_start3A_307 : memref<!tpu.dma_semaphore, #tpu.memory_space<semaphore_mem>>)
      %mul3A_308 = arith.constant 8 : i32
      %mul3A_309 = arith.muli %scan3A_173, %mul3A_308 : i32
      %add3A_310 = arith.constant 6 : i32
      %add3A_311 = arith.addi %mul3A_309, %add3A_310 : i32
      %gt3A_312 = arith.constant 0 : i32
      %gt3A_313 = arith.cmpi sgt, %scan3A_173, %gt3A_312 : i32
      %convert_element_type3A_314 = arith.extui %gt3A_313 : i1 to i32
      %cond3A_315 = arith.constant 0 : i32
      %cond3A_316 = arith.cmpi ne, %convert_element_type3A_314, %cond3A_315 : i32
      scf.if %cond3A_316 {
        %sub3A = arith.constant 8 : i32
        %sub3A_610 = arith.subi %add3A_311, %sub3A : i32
        %dma_wait3A_611 = arith.constant 6 : i32
        %dma_wait3A_612 = arith.constant 6 : i32
        %dma_wait3A_613 = arith.constant 0 : i32
        %dma_wait3A_614 = arith.constant 0 : i32
        %dma_wait3A_615 = tpu.memref_slice %arg8[%dma_wait3A_611, %dma_wait3A_613, %dma_wait3A_614] : memref<8x128x64xf32, #tpu.memory_space<vmem>> -> memref<1x128x64xf32, #tpu.memory_space<vmem>>
        %dma_wait3A_616 = tpu.memref_squeeze %dma_wait3A_615 : memref<1x128x64xf32, #tpu.memory_space<vmem>> -> memref<128x64xf32, #tpu.memory_space<vmem>>
        %dma_wait3A_617 = arith.constant 0 : i32
        %dma_wait3A_618 = tpu.memref_slice %arg7[%sub3A_610, %dma_wait3A_617] : memref<80x128xi32, #tpu.memory_space<vmem>> -> memref<1x128xi32, #tpu.memory_space<vmem>>
        %dma_wait3A_619 = tpu.memref_squeeze %dma_wait3A_618 : memref<1x128xi32, #tpu.memory_space<vmem>> -> memref<128xi32, #tpu.memory_space<vmem>>
        %dma_wait3A_620 = arith.constant 0 : i32
        %dma_wait3A_621 = arith.constant 0 : i32
        %dma_wait3A_622 = tpu.memref_slice %arg10[%dma_wait3A_620, %dma_wait3A_621] : memref<10240x64xf32, #tpu.memory_space<vmem_shared>> -> memref<10240x64xf32, #tpu.memory_space<vmem_shared>>
        %dma_wait3A_623 = tpu.memref_slice %arg12[%dma_wait3A_612] : memref<8x!tpu.dma_semaphore, #tpu.memory_space<semaphore_mem>> -> memref<1x!tpu.dma_semaphore, #tpu.memory_space<semaphore_mem>>
        %dma_wait3A_624 = tpu.memref_squeeze %dma_wait3A_623 : memref<1x!tpu.dma_semaphore, #tpu.memory_space<semaphore_mem>> -> memref<!tpu.dma_semaphore, #tpu.memory_space<semaphore_mem>>
        tpu.wait_indirect_dma semaphore(%dma_wait3A_624 : memref<!tpu.dma_semaphore, #tpu.memory_space<semaphore_mem>>) src(%dma_wait3A_616 : memref<128x64xf32, #tpu.memory_space<vmem>>) dst(%dma_wait3A_622 : memref<10240x64xf32, #tpu.memory_space<vmem_shared>>)
      } else {
      }
      %dma_start3A_317 = arith.constant 6 : i32
      %dma_start3A_318 = arith.constant 6 : i32
      %dma_start3A_319 = arith.constant 0 : i32
      %dma_start3A_320 = arith.constant 0 : i32
      %dma_start3A_321 = tpu.memref_slice %arg8[%dma_start3A_317, %dma_start3A_319, %dma_start3A_320] : memref<8x128x64xf32, #tpu.memory_space<vmem>> -> memref<1x128x64xf32, #tpu.memory_space<vmem>>
      %dma_start3A_322 = tpu.memref_squeeze %dma_start3A_321 : memref<1x128x64xf32, #tpu.memory_space<vmem>> -> memref<128x64xf32, #tpu.memory_space<vmem>>
      %dma_start3A_323 = arith.constant 0 : i32
      %dma_start3A_324 = tpu.memref_slice %arg6[%add3A_311, %dma_start3A_323] : memref<80x128xi32, #tpu.memory_space<vmem>> -> memref<1x128xi32, #tpu.memory_space<vmem>>
      %dma_start3A_325 = tpu.memref_squeeze %dma_start3A_324 : memref<1x128xi32, #tpu.memory_space<vmem>> -> memref<128xi32, #tpu.memory_space<vmem>>
      %dma_start3A_326 = arith.constant 0 : i32
      %dma_start3A_327 = arith.constant 0 : i32
      %dma_start3A_328 = tpu.memref_slice %arg2[%dma_start3A_326, %dma_start3A_327] : memref<10240x64xf32, #tpu.memory_space<hbm>> -> memref<10240x64xf32, #tpu.memory_space<hbm>>
      %dma_start3A_329 = tpu.memref_slice %arg11[%dma_start3A_318] : memref<8x!tpu.dma_semaphore, #tpu.memory_space<semaphore_mem>> -> memref<1x!tpu.dma_semaphore, #tpu.memory_space<semaphore_mem>>
      %dma_start3A_330 = tpu.memref_squeeze %dma_start3A_329 : memref<1x!tpu.dma_semaphore, #tpu.memory_space<semaphore_mem>> -> memref<!tpu.dma_semaphore, #tpu.memory_space<semaphore_mem>>
      tpu.enqueue_indirect_dma source(%dma_start3A_328 : memref<10240x64xf32, #tpu.memory_space<hbm>>) target(%dma_start3A_322 : memref<128x64xf32, #tpu.memory_space<vmem>>) offsets(%dma_start3A_325 : memref<128xi32, #tpu.memory_space<vmem>>) semaphore(%dma_start3A_330 : memref<!tpu.dma_semaphore, #tpu.memory_space<semaphore_mem>>)
      %mul3A_331 = arith.constant 8 : i32
      %mul3A_332 = arith.muli %scan3A_173, %mul3A_331 : i32
      %add3A_333 = arith.constant 7 : i32
      %add3A_334 = arith.addi %mul3A_332, %add3A_333 : i32
      %gt3A_335 = arith.constant 0 : i32
      %gt3A_336 = arith.cmpi sgt, %scan3A_173, %gt3A_335 : i32
      %convert_element_type3A_337 = arith.extui %gt3A_336 : i1 to i32
      %cond3A_338 = arith.constant 0 : i32
      %cond3A_339 = arith.cmpi ne, %convert_element_type3A_337, %cond3A_338 : i32
      scf.if %cond3A_339 {
        %sub3A = arith.constant 8 : i32
        %sub3A_610 = arith.subi %add3A_334, %sub3A : i32
        %dma_wait3A_611 = arith.constant 7 : i32
        %dma_wait3A_612 = arith.constant 7 : i32
        %dma_wait3A_613 = arith.constant 0 : i32
        %dma_wait3A_614 = arith.constant 0 : i32
        %dma_wait3A_615 = tpu.memref_slice %arg8[%dma_wait3A_611, %dma_wait3A_613, %dma_wait3A_614] : memref<8x128x64xf32, #tpu.memory_space<vmem>> -> memref<1x128x64xf32, #tpu.memory_space<vmem>>
        %dma_wait3A_616 = tpu.memref_squeeze %dma_wait3A_615 : memref<1x128x64xf32, #tpu.memory_space<vmem>> -> memref<128x64xf32, #tpu.memory_space<vmem>>
        %dma_wait3A_617 = arith.constant 0 : i32
        %dma_wait3A_618 = tpu.memref_slice %arg7[%sub3A_610, %dma_wait3A_617] : memref<80x128xi32, #tpu.memory_space<vmem>> -> memref<1x128xi32, #tpu.memory_space<vmem>>
        %dma_wait3A_619 = tpu.memref_squeeze %dma_wait3A_618 : memref<1x128xi32, #tpu.memory_space<vmem>> -> memref<128xi32, #tpu.memory_space<vmem>>
        %dma_wait3A_620 = arith.constant 0 : i32
        %dma_wait3A_621 = arith.constant 0 : i32
        %dma_wait3A_622 = tpu.memref_slice %arg10[%dma_wait3A_620, %dma_wait3A_621] : memref<10240x64xf32, #tpu.memory_space<vmem_shared>> -> memref<10240x64xf32, #tpu.memory_space<vmem_shared>>
        %dma_wait3A_623 = tpu.memref_slice %arg12[%dma_wait3A_612] : memref<8x!tpu.dma_semaphore, #tpu.memory_space<semaphore_mem>> -> memref<1x!tpu.dma_semaphore, #tpu.memory_space<semaphore_mem>>
        %dma_wait3A_624 = tpu.memref_squeeze %dma_wait3A_623 : memref<1x!tpu.dma_semaphore, #tpu.memory_space<semaphore_mem>> -> memref<!tpu.dma_semaphore, #tpu.memory_space<semaphore_mem>>
        tpu.wait_indirect_dma semaphore(%dma_wait3A_624 : memref<!tpu.dma_semaphore, #tpu.memory_space<semaphore_mem>>) src(%dma_wait3A_616 : memref<128x64xf32, #tpu.memory_space<vmem>>) dst(%dma_wait3A_622 : memref<10240x64xf32, #tpu.memory_space<vmem_shared>>)
      } else {
      }
      %dma_start3A_340 = arith.constant 7 : i32
      %dma_start3A_341 = arith.constant 7 : i32
      %dma_start3A_342 = arith.constant 0 : i32
      %dma_start3A_343 = arith.constant 0 : i32
      %dma_start3A_344 = tpu.memref_slice %arg8[%dma_start3A_340, %dma_start3A_342, %dma_start3A_343] : memref<8x128x64xf32, #tpu.memory_space<vmem>> -> memref<1x128x64xf32, #tpu.memory_space<vmem>>
      %dma_start3A_345 = tpu.memref_squeeze %dma_start3A_344 : memref<1x128x64xf32, #tpu.memory_space<vmem>> -> memref<128x64xf32, #tpu.memory_space<vmem>>
      %dma_start3A_346 = arith.constant 0 : i32
      %dma_start3A_347 = tpu.memref_slice %arg6[%add3A_334, %dma_start3A_346] : memref<80x128xi32, #tpu.memory_space<vmem>> -> memref<1x128xi32, #tpu.memory_space<vmem>>
      %dma_start3A_348 = tpu.memref_squeeze %dma_start3A_347 : memref<1x128xi32, #tpu.memory_space<vmem>> -> memref<128xi32, #tpu.memory_space<vmem>>
      %dma_start3A_349 = arith.constant 0 : i32
      %dma_start3A_350 = arith.constant 0 : i32
      %dma_start3A_351 = tpu.memref_slice %arg2[%dma_start3A_349, %dma_start3A_350] : memref<10240x64xf32, #tpu.memory_space<hbm>> -> memref<10240x64xf32, #tpu.memory_space<hbm>>
      %dma_start3A_352 = tpu.memref_slice %arg11[%dma_start3A_341] : memref<8x!tpu.dma_semaphore, #tpu.memory_space<semaphore_mem>> -> memref<1x!tpu.dma_semaphore, #tpu.memory_space<semaphore_mem>>
      %dma_start3A_353 = tpu.memref_squeeze %dma_start3A_352 : memref<1x!tpu.dma_semaphore, #tpu.memory_space<semaphore_mem>> -> memref<!tpu.dma_semaphore, #tpu.memory_space<semaphore_mem>>
      tpu.enqueue_indirect_dma source(%dma_start3A_351 : memref<10240x64xf32, #tpu.memory_space<hbm>>) target(%dma_start3A_345 : memref<128x64xf32, #tpu.memory_space<vmem>>) offsets(%dma_start3A_348 : memref<128xi32, #tpu.memory_space<vmem>>) semaphore(%dma_start3A_353 : memref<!tpu.dma_semaphore, #tpu.memory_space<semaphore_mem>>)
      %mul3A_354 = arith.constant 8 : i32
      %mul3A_355 = arith.muli %scan3A_173, %mul3A_354 : i32
      %add3A_356 = arith.constant 0 : i32
      %add3A_357 = arith.addi %mul3A_355, %add3A_356 : i32
      %dma_wait3A_358 = arith.constant 0 : i32
      %dma_wait3A_359 = arith.constant 0 : i32
      %dma_wait3A_360 = arith.constant 0 : i32
      %dma_wait3A_361 = arith.constant 0 : i32
      %dma_wait3A_362 = tpu.memref_slice %arg8[%dma_wait3A_358, %dma_wait3A_360, %dma_wait3A_361] : memref<8x128x64xf32, #tpu.memory_space<vmem>> -> memref<1x128x64xf32, #tpu.memory_space<vmem>>
      %dma_wait3A_363 = tpu.memref_squeeze %dma_wait3A_362 : memref<1x128x64xf32, #tpu.memory_space<vmem>> -> memref<128x64xf32, #tpu.memory_space<vmem>>
      %dma_wait3A_364 = arith.constant 0 : i32
      %dma_wait3A_365 = tpu.memref_slice %arg6[%add3A_177, %dma_wait3A_364] : memref<80x128xi32, #tpu.memory_space<vmem>> -> memref<1x128xi32, #tpu.memory_space<vmem>>
      %dma_wait3A_366 = tpu.memref_squeeze %dma_wait3A_365 : memref<1x128xi32, #tpu.memory_space<vmem>> -> memref<128xi32, #tpu.memory_space<vmem>>
      %dma_wait3A_367 = arith.constant 0 : i32
      %dma_wait3A_368 = arith.constant 0 : i32
      %dma_wait3A_369 = tpu.memref_slice %arg2[%dma_wait3A_367, %dma_wait3A_368] : memref<10240x64xf32, #tpu.memory_space<hbm>> -> memref<10240x64xf32, #tpu.memory_space<hbm>>
      %dma_wait3A_370 = tpu.memref_slice %arg11[%dma_wait3A_359] : memref<8x!tpu.dma_semaphore, #tpu.memory_space<semaphore_mem>> -> memref<1x!tpu.dma_semaphore, #tpu.memory_space<semaphore_mem>>
      %dma_wait3A_371 = tpu.memref_squeeze %dma_wait3A_370 : memref<1x!tpu.dma_semaphore, #tpu.memory_space<semaphore_mem>> -> memref<!tpu.dma_semaphore, #tpu.memory_space<semaphore_mem>>
      tpu.wait_indirect_dma semaphore(%dma_wait3A_371 : memref<!tpu.dma_semaphore, #tpu.memory_space<semaphore_mem>>) src(%dma_wait3A_369 : memref<10240x64xf32, #tpu.memory_space<hbm>>) dst(%dma_wait3A_363 : memref<128x64xf32, #tpu.memory_space<vmem>>)
      %dma_start3A_372 = arith.constant 0 : i32
      %dma_start3A_373 = arith.constant 0 : i32
      %dma_start3A_374 = arith.constant 0 : i32
      %dma_start3A_375 = arith.constant 0 : i32
      %dma_start3A_376 = tpu.memref_slice %arg8[%dma_start3A_372, %dma_start3A_374, %dma_start3A_375] : memref<8x128x64xf32, #tpu.memory_space<vmem>> -> memref<1x128x64xf32, #tpu.memory_space<vmem>>
      %dma_start3A_377 = tpu.memref_squeeze %dma_start3A_376 : memref<1x128x64xf32, #tpu.memory_space<vmem>> -> memref<128x64xf32, #tpu.memory_space<vmem>>
      %dma_start3A_378 = arith.constant 0 : i32
      %dma_start3A_379 = tpu.memref_slice %arg7[%add3A_357, %dma_start3A_378] : memref<80x128xi32, #tpu.memory_space<vmem>> -> memref<1x128xi32, #tpu.memory_space<vmem>>
      %dma_start3A_380 = tpu.memref_squeeze %dma_start3A_379 : memref<1x128xi32, #tpu.memory_space<vmem>> -> memref<128xi32, #tpu.memory_space<vmem>>
      %dma_start3A_381 = arith.constant 0 : i32
      %dma_start3A_382 = arith.constant 0 : i32
      %dma_start3A_383 = tpu.memref_slice %arg10[%dma_start3A_381, %dma_start3A_382] : memref<10240x64xf32, #tpu.memory_space<vmem_shared>> -> memref<10240x64xf32, #tpu.memory_space<vmem_shared>>
      %dma_start3A_384 = tpu.memref_slice %arg12[%dma_start3A_373] : memref<8x!tpu.dma_semaphore, #tpu.memory_space<semaphore_mem>> -> memref<1x!tpu.dma_semaphore, #tpu.memory_space<semaphore_mem>>
      %dma_start3A_385 = tpu.memref_squeeze %dma_start3A_384 : memref<1x!tpu.dma_semaphore, #tpu.memory_space<semaphore_mem>> -> memref<!tpu.dma_semaphore, #tpu.memory_space<semaphore_mem>>
      tpu.enqueue_indirect_dma source(%dma_start3A_377 : memref<128x64xf32, #tpu.memory_space<vmem>>) target(%dma_start3A_383 : memref<10240x64xf32, #tpu.memory_space<vmem_shared>>) offsets(%dma_start3A_380 : memref<128xi32, #tpu.memory_space<vmem>>) semaphore(%dma_start3A_385 : memref<!tpu.dma_semaphore, #tpu.memory_space<semaphore_mem>>) {add = true}
      %mul3A_386 = arith.constant 8 : i32
      %mul3A_387 = arith.muli %scan3A_173, %mul3A_386 : i32
      %add3A_388 = arith.constant 1 : i32
      %add3A_389 = arith.addi %mul3A_387, %add3A_388 : i32
      %dma_wait3A_390 = arith.constant 1 : i32
      %dma_wait3A_391 = arith.constant 1 : i32
      %dma_wait3A_392 = arith.constant 0 : i32
      %dma_wait3A_393 = arith.constant 0 : i32
      %dma_wait3A_394 = tpu.memref_slice %arg8[%dma_wait3A_390, %dma_wait3A_392, %dma_wait3A_393] : memref<8x128x64xf32, #tpu.memory_space<vmem>> -> memref<1x128x64xf32, #tpu.memory_space<vmem>>
      %dma_wait3A_395 = tpu.memref_squeeze %dma_wait3A_394 : memref<1x128x64xf32, #tpu.memory_space<vmem>> -> memref<128x64xf32, #tpu.memory_space<vmem>>
      %dma_wait3A_396 = arith.constant 0 : i32
      %dma_wait3A_397 = tpu.memref_slice %arg6[%add3A_196, %dma_wait3A_396] : memref<80x128xi32, #tpu.memory_space<vmem>> -> memref<1x128xi32, #tpu.memory_space<vmem>>
      %dma_wait3A_398 = tpu.memref_squeeze %dma_wait3A_397 : memref<1x128xi32, #tpu.memory_space<vmem>> -> memref<128xi32, #tpu.memory_space<vmem>>
      %dma_wait3A_399 = arith.constant 0 : i32
      %dma_wait3A_400 = arith.constant 0 : i32
      %dma_wait3A_401 = tpu.memref_slice %arg2[%dma_wait3A_399, %dma_wait3A_400] : memref<10240x64xf32, #tpu.memory_space<hbm>> -> memref<10240x64xf32, #tpu.memory_space<hbm>>
      %dma_wait3A_402 = tpu.memref_slice %arg11[%dma_wait3A_391] : memref<8x!tpu.dma_semaphore, #tpu.memory_space<semaphore_mem>> -> memref<1x!tpu.dma_semaphore, #tpu.memory_space<semaphore_mem>>
      %dma_wait3A_403 = tpu.memref_squeeze %dma_wait3A_402 : memref<1x!tpu.dma_semaphore, #tpu.memory_space<semaphore_mem>> -> memref<!tpu.dma_semaphore, #tpu.memory_space<semaphore_mem>>
      tpu.wait_indirect_dma semaphore(%dma_wait3A_403 : memref<!tpu.dma_semaphore, #tpu.memory_space<semaphore_mem>>) src(%dma_wait3A_401 : memref<10240x64xf32, #tpu.memory_space<hbm>>) dst(%dma_wait3A_395 : memref<128x64xf32, #tpu.memory_space<vmem>>)
      %dma_start3A_404 = arith.constant 1 : i32
      %dma_start3A_405 = arith.constant 1 : i32
      %dma_start3A_406 = arith.constant 0 : i32
      %dma_start3A_407 = arith.constant 0 : i32
      %dma_start3A_408 = tpu.memref_slice %arg8[%dma_start3A_404, %dma_start3A_406, %dma_start3A_407] : memref<8x128x64xf32, #tpu.memory_space<vmem>> -> memref<1x128x64xf32, #tpu.memory_space<vmem>>
      %dma_start3A_409 = tpu.memref_squeeze %dma_start3A_408 : memref<1x128x64xf32, #tpu.memory_space<vmem>> -> memref<128x64xf32, #tpu.memory_space<vmem>>
      %dma_start3A_410 = arith.constant 0 : i32
      %dma_start3A_411 = tpu.memref_slice %arg7[%add3A_389, %dma_start3A_410] : memref<80x128xi32, #tpu.memory_space<vmem>> -> memref<1x128xi32, #tpu.memory_space<vmem>>
      %dma_start3A_412 = tpu.memref_squeeze %dma_start3A_411 : memref<1x128xi32, #tpu.memory_space<vmem>> -> memref<128xi32, #tpu.memory_space<vmem>>
      %dma_start3A_413 = arith.constant 0 : i32
      %dma_start3A_414 = arith.constant 0 : i32
      %dma_start3A_415 = tpu.memref_slice %arg10[%dma_start3A_413, %dma_start3A_414] : memref<10240x64xf32, #tpu.memory_space<vmem_shared>> -> memref<10240x64xf32, #tpu.memory_space<vmem_shared>>
      %dma_start3A_416 = tpu.memref_slice %arg12[%dma_start3A_405] : memref<8x!tpu.dma_semaphore, #tpu.memory_space<semaphore_mem>> -> memref<1x!tpu.dma_semaphore, #tpu.memory_space<semaphore_mem>>
      %dma_start3A_417 = tpu.memref_squeeze %dma_start3A_416 : memref<1x!tpu.dma_semaphore, #tpu.memory_space<semaphore_mem>> -> memref<!tpu.dma_semaphore, #tpu.memory_space<semaphore_mem>>
      tpu.enqueue_indirect_dma source(%dma_start3A_409 : memref<128x64xf32, #tpu.memory_space<vmem>>) target(%dma_start3A_415 : memref<10240x64xf32, #tpu.memory_space<vmem_shared>>) offsets(%dma_start3A_412 : memref<128xi32, #tpu.memory_space<vmem>>) semaphore(%dma_start3A_417 : memref<!tpu.dma_semaphore, #tpu.memory_space<semaphore_mem>>) {add = true}
      %mul3A_418 = arith.constant 8 : i32
      %mul3A_419 = arith.muli %scan3A_173, %mul3A_418 : i32
      %add3A_420 = arith.constant 2 : i32
      %add3A_421 = arith.addi %mul3A_419, %add3A_420 : i32
      %dma_wait3A_422 = arith.constant 2 : i32
      %dma_wait3A_423 = arith.constant 2 : i32
      %dma_wait3A_424 = arith.constant 0 : i32
      %dma_wait3A_425 = arith.constant 0 : i32
      %dma_wait3A_426 = tpu.memref_slice %arg8[%dma_wait3A_422, %dma_wait3A_424, %dma_wait3A_425] : memref<8x128x64xf32, #tpu.memory_space<vmem>> -> memref<1x128x64xf32, #tpu.memory_space<vmem>>
      %dma_wait3A_427 = tpu.memref_squeeze %dma_wait3A_426 : memref<1x128x64xf32, #tpu.memory_space<vmem>> -> memref<128x64xf32, #tpu.memory_space<vmem>>
      %dma_wait3A_428 = arith.constant 0 : i32
      %dma_wait3A_429 = tpu.memref_slice %arg6[%add3A_219, %dma_wait3A_428] : memref<80x128xi32, #tpu.memory_space<vmem>> -> memref<1x128xi32, #tpu.memory_space<vmem>>
      %dma_wait3A_430 = tpu.memref_squeeze %dma_wait3A_429 : memref<1x128xi32, #tpu.memory_space<vmem>> -> memref<128xi32, #tpu.memory_space<vmem>>
      %dma_wait3A_431 = arith.constant 0 : i32
      %dma_wait3A_432 = arith.constant 0 : i32
      %dma_wait3A_433 = tpu.memref_slice %arg2[%dma_wait3A_431, %dma_wait3A_432] : memref<10240x64xf32, #tpu.memory_space<hbm>> -> memref<10240x64xf32, #tpu.memory_space<hbm>>
      %dma_wait3A_434 = tpu.memref_slice %arg11[%dma_wait3A_423] : memref<8x!tpu.dma_semaphore, #tpu.memory_space<semaphore_mem>> -> memref<1x!tpu.dma_semaphore, #tpu.memory_space<semaphore_mem>>
      %dma_wait3A_435 = tpu.memref_squeeze %dma_wait3A_434 : memref<1x!tpu.dma_semaphore, #tpu.memory_space<semaphore_mem>> -> memref<!tpu.dma_semaphore, #tpu.memory_space<semaphore_mem>>
      tpu.wait_indirect_dma semaphore(%dma_wait3A_435 : memref<!tpu.dma_semaphore, #tpu.memory_space<semaphore_mem>>) src(%dma_wait3A_433 : memref<10240x64xf32, #tpu.memory_space<hbm>>) dst(%dma_wait3A_427 : memref<128x64xf32, #tpu.memory_space<vmem>>)
      %dma_start3A_436 = arith.constant 2 : i32
      %dma_start3A_437 = arith.constant 2 : i32
      %dma_start3A_438 = arith.constant 0 : i32
      %dma_start3A_439 = arith.constant 0 : i32
      %dma_start3A_440 = tpu.memref_slice %arg8[%dma_start3A_436, %dma_start3A_438, %dma_start3A_439] : memref<8x128x64xf32, #tpu.memory_space<vmem>> -> memref<1x128x64xf32, #tpu.memory_space<vmem>>
      %dma_start3A_441 = tpu.memref_squeeze %dma_start3A_440 : memref<1x128x64xf32, #tpu.memory_space<vmem>> -> memref<128x64xf32, #tpu.memory_space<vmem>>
      %dma_start3A_442 = arith.constant 0 : i32
      %dma_start3A_443 = tpu.memref_slice %arg7[%add3A_421, %dma_start3A_442] : memref<80x128xi32, #tpu.memory_space<vmem>> -> memref<1x128xi32, #tpu.memory_space<vmem>>
      %dma_start3A_444 = tpu.memref_squeeze %dma_start3A_443 : memref<1x128xi32, #tpu.memory_space<vmem>> -> memref<128xi32, #tpu.memory_space<vmem>>
      %dma_start3A_445 = arith.constant 0 : i32
      %dma_start3A_446 = arith.constant 0 : i32
      %dma_start3A_447 = tpu.memref_slice %arg10[%dma_start3A_445, %dma_start3A_446] : memref<10240x64xf32, #tpu.memory_space<vmem_shared>> -> memref<10240x64xf32, #tpu.memory_space<vmem_shared>>
      %dma_start3A_448 = tpu.memref_slice %arg12[%dma_start3A_437] : memref<8x!tpu.dma_semaphore, #tpu.memory_space<semaphore_mem>> -> memref<1x!tpu.dma_semaphore, #tpu.memory_space<semaphore_mem>>
      %dma_start3A_449 = tpu.memref_squeeze %dma_start3A_448 : memref<1x!tpu.dma_semaphore, #tpu.memory_space<semaphore_mem>> -> memref<!tpu.dma_semaphore, #tpu.memory_space<semaphore_mem>>
      tpu.enqueue_indirect_dma source(%dma_start3A_441 : memref<128x64xf32, #tpu.memory_space<vmem>>) target(%dma_start3A_447 : memref<10240x64xf32, #tpu.memory_space<vmem_shared>>) offsets(%dma_start3A_444 : memref<128xi32, #tpu.memory_space<vmem>>) semaphore(%dma_start3A_449 : memref<!tpu.dma_semaphore, #tpu.memory_space<semaphore_mem>>) {add = true}
      %mul3A_450 = arith.constant 8 : i32
      %mul3A_451 = arith.muli %scan3A_173, %mul3A_450 : i32
      %add3A_452 = arith.constant 3 : i32
      %add3A_453 = arith.addi %mul3A_451, %add3A_452 : i32
      %dma_wait3A_454 = arith.constant 3 : i32
      %dma_wait3A_455 = arith.constant 3 : i32
      %dma_wait3A_456 = arith.constant 0 : i32
      %dma_wait3A_457 = arith.constant 0 : i32
      %dma_wait3A_458 = tpu.memref_slice %arg8[%dma_wait3A_454, %dma_wait3A_456, %dma_wait3A_457] : memref<8x128x64xf32, #tpu.memory_space<vmem>> -> memref<1x128x64xf32, #tpu.memory_space<vmem>>
      %dma_wait3A_459 = tpu.memref_squeeze %dma_wait3A_458 : memref<1x128x64xf32, #tpu.memory_space<vmem>> -> memref<128x64xf32, #tpu.memory_space<vmem>>
      %dma_wait3A_460 = arith.constant 0 : i32
      %dma_wait3A_461 = tpu.memref_slice %arg6[%add3A_242, %dma_wait3A_460] : memref<80x128xi32, #tpu.memory_space<vmem>> -> memref<1x128xi32, #tpu.memory_space<vmem>>
      %dma_wait3A_462 = tpu.memref_squeeze %dma_wait3A_461 : memref<1x128xi32, #tpu.memory_space<vmem>> -> memref<128xi32, #tpu.memory_space<vmem>>
      %dma_wait3A_463 = arith.constant 0 : i32
      %dma_wait3A_464 = arith.constant 0 : i32
      %dma_wait3A_465 = tpu.memref_slice %arg2[%dma_wait3A_463, %dma_wait3A_464] : memref<10240x64xf32, #tpu.memory_space<hbm>> -> memref<10240x64xf32, #tpu.memory_space<hbm>>
      %dma_wait3A_466 = tpu.memref_slice %arg11[%dma_wait3A_455] : memref<8x!tpu.dma_semaphore, #tpu.memory_space<semaphore_mem>> -> memref<1x!tpu.dma_semaphore, #tpu.memory_space<semaphore_mem>>
      %dma_wait3A_467 = tpu.memref_squeeze %dma_wait3A_466 : memref<1x!tpu.dma_semaphore, #tpu.memory_space<semaphore_mem>> -> memref<!tpu.dma_semaphore, #tpu.memory_space<semaphore_mem>>
      tpu.wait_indirect_dma semaphore(%dma_wait3A_467 : memref<!tpu.dma_semaphore, #tpu.memory_space<semaphore_mem>>) src(%dma_wait3A_465 : memref<10240x64xf32, #tpu.memory_space<hbm>>) dst(%dma_wait3A_459 : memref<128x64xf32, #tpu.memory_space<vmem>>)
      %dma_start3A_468 = arith.constant 3 : i32
      %dma_start3A_469 = arith.constant 3 : i32
      %dma_start3A_470 = arith.constant 0 : i32
      %dma_start3A_471 = arith.constant 0 : i32
      %dma_start3A_472 = tpu.memref_slice %arg8[%dma_start3A_468, %dma_start3A_470, %dma_start3A_471] : memref<8x128x64xf32, #tpu.memory_space<vmem>> -> memref<1x128x64xf32, #tpu.memory_space<vmem>>
      %dma_start3A_473 = tpu.memref_squeeze %dma_start3A_472 : memref<1x128x64xf32, #tpu.memory_space<vmem>> -> memref<128x64xf32, #tpu.memory_space<vmem>>
      %dma_start3A_474 = arith.constant 0 : i32
      %dma_start3A_475 = tpu.memref_slice %arg7[%add3A_453, %dma_start3A_474] : memref<80x128xi32, #tpu.memory_space<vmem>> -> memref<1x128xi32, #tpu.memory_space<vmem>>
      %dma_start3A_476 = tpu.memref_squeeze %dma_start3A_475 : memref<1x128xi32, #tpu.memory_space<vmem>> -> memref<128xi32, #tpu.memory_space<vmem>>
      %dma_start3A_477 = arith.constant 0 : i32
      %dma_start3A_478 = arith.constant 0 : i32
      %dma_start3A_479 = tpu.memref_slice %arg10[%dma_start3A_477, %dma_start3A_478] : memref<10240x64xf32, #tpu.memory_space<vmem_shared>> -> memref<10240x64xf32, #tpu.memory_space<vmem_shared>>
      %dma_start3A_480 = tpu.memref_slice %arg12[%dma_start3A_469] : memref<8x!tpu.dma_semaphore, #tpu.memory_space<semaphore_mem>> -> memref<1x!tpu.dma_semaphore, #tpu.memory_space<semaphore_mem>>
      %dma_start3A_481 = tpu.memref_squeeze %dma_start3A_480 : memref<1x!tpu.dma_semaphore, #tpu.memory_space<semaphore_mem>> -> memref<!tpu.dma_semaphore, #tpu.memory_space<semaphore_mem>>
      tpu.enqueue_indirect_dma source(%dma_start3A_473 : memref<128x64xf32, #tpu.memory_space<vmem>>) target(%dma_start3A_479 : memref<10240x64xf32, #tpu.memory_space<vmem_shared>>) offsets(%dma_start3A_476 : memref<128xi32, #tpu.memory_space<vmem>>) semaphore(%dma_start3A_481 : memref<!tpu.dma_semaphore, #tpu.memory_space<semaphore_mem>>) {add = true}
      %mul3A_482 = arith.constant 8 : i32
      %mul3A_483 = arith.muli %scan3A_173, %mul3A_482 : i32
      %add3A_484 = arith.constant 4 : i32
      %add3A_485 = arith.addi %mul3A_483, %add3A_484 : i32
      %dma_wait3A_486 = arith.constant 4 : i32
      %dma_wait3A_487 = arith.constant 4 : i32
      %dma_wait3A_488 = arith.constant 0 : i32
      %dma_wait3A_489 = arith.constant 0 : i32
      %dma_wait3A_490 = tpu.memref_slice %arg8[%dma_wait3A_486, %dma_wait3A_488, %dma_wait3A_489] : memref<8x128x64xf32, #tpu.memory_space<vmem>> -> memref<1x128x64xf32, #tpu.memory_space<vmem>>
      %dma_wait3A_491 = tpu.memref_squeeze %dma_wait3A_490 : memref<1x128x64xf32, #tpu.memory_space<vmem>> -> memref<128x64xf32, #tpu.memory_space<vmem>>
      %dma_wait3A_492 = arith.constant 0 : i32
      %dma_wait3A_493 = tpu.memref_slice %arg6[%add3A_265, %dma_wait3A_492] : memref<80x128xi32, #tpu.memory_space<vmem>> -> memref<1x128xi32, #tpu.memory_space<vmem>>
      %dma_wait3A_494 = tpu.memref_squeeze %dma_wait3A_493 : memref<1x128xi32, #tpu.memory_space<vmem>> -> memref<128xi32, #tpu.memory_space<vmem>>
      %dma_wait3A_495 = arith.constant 0 : i32
      %dma_wait3A_496 = arith.constant 0 : i32
      %dma_wait3A_497 = tpu.memref_slice %arg2[%dma_wait3A_495, %dma_wait3A_496] : memref<10240x64xf32, #tpu.memory_space<hbm>> -> memref<10240x64xf32, #tpu.memory_space<hbm>>
      %dma_wait3A_498 = tpu.memref_slice %arg11[%dma_wait3A_487] : memref<8x!tpu.dma_semaphore, #tpu.memory_space<semaphore_mem>> -> memref<1x!tpu.dma_semaphore, #tpu.memory_space<semaphore_mem>>
      %dma_wait3A_499 = tpu.memref_squeeze %dma_wait3A_498 : memref<1x!tpu.dma_semaphore, #tpu.memory_space<semaphore_mem>> -> memref<!tpu.dma_semaphore, #tpu.memory_space<semaphore_mem>>
      tpu.wait_indirect_dma semaphore(%dma_wait3A_499 : memref<!tpu.dma_semaphore, #tpu.memory_space<semaphore_mem>>) src(%dma_wait3A_497 : memref<10240x64xf32, #tpu.memory_space<hbm>>) dst(%dma_wait3A_491 : memref<128x64xf32, #tpu.memory_space<vmem>>)
      %dma_start3A_500 = arith.constant 4 : i32
      %dma_start3A_501 = arith.constant 4 : i32
      %dma_start3A_502 = arith.constant 0 : i32
      %dma_start3A_503 = arith.constant 0 : i32
      %dma_start3A_504 = tpu.memref_slice %arg8[%dma_start3A_500, %dma_start3A_502, %dma_start3A_503] : memref<8x128x64xf32, #tpu.memory_space<vmem>> -> memref<1x128x64xf32, #tpu.memory_space<vmem>>
      %dma_start3A_505 = tpu.memref_squeeze %dma_start3A_504 : memref<1x128x64xf32, #tpu.memory_space<vmem>> -> memref<128x64xf32, #tpu.memory_space<vmem>>
      %dma_start3A_506 = arith.constant 0 : i32
      %dma_start3A_507 = tpu.memref_slice %arg7[%add3A_485, %dma_start3A_506] : memref<80x128xi32, #tpu.memory_space<vmem>> -> memref<1x128xi32, #tpu.memory_space<vmem>>
      %dma_start3A_508 = tpu.memref_squeeze %dma_start3A_507 : memref<1x128xi32, #tpu.memory_space<vmem>> -> memref<128xi32, #tpu.memory_space<vmem>>
      %dma_start3A_509 = arith.constant 0 : i32
      %dma_start3A_510 = arith.constant 0 : i32
      %dma_start3A_511 = tpu.memref_slice %arg10[%dma_start3A_509, %dma_start3A_510] : memref<10240x64xf32, #tpu.memory_space<vmem_shared>> -> memref<10240x64xf32, #tpu.memory_space<vmem_shared>>
      %dma_start3A_512 = tpu.memref_slice %arg12[%dma_start3A_501] : memref<8x!tpu.dma_semaphore, #tpu.memory_space<semaphore_mem>> -> memref<1x!tpu.dma_semaphore, #tpu.memory_space<semaphore_mem>>
      %dma_start3A_513 = tpu.memref_squeeze %dma_start3A_512 : memref<1x!tpu.dma_semaphore, #tpu.memory_space<semaphore_mem>> -> memref<!tpu.dma_semaphore, #tpu.memory_space<semaphore_mem>>
      tpu.enqueue_indirect_dma source(%dma_start3A_505 : memref<128x64xf32, #tpu.memory_space<vmem>>) target(%dma_start3A_511 : memref<10240x64xf32, #tpu.memory_space<vmem_shared>>) offsets(%dma_start3A_508 : memref<128xi32, #tpu.memory_space<vmem>>) semaphore(%dma_start3A_513 : memref<!tpu.dma_semaphore, #tpu.memory_space<semaphore_mem>>) {add = true}
      %mul3A_514 = arith.constant 8 : i32
      %mul3A_515 = arith.muli %scan3A_173, %mul3A_514 : i32
      %add3A_516 = arith.constant 5 : i32
      %add3A_517 = arith.addi %mul3A_515, %add3A_516 : i32
      %dma_wait3A_518 = arith.constant 5 : i32
      %dma_wait3A_519 = arith.constant 5 : i32
      %dma_wait3A_520 = arith.constant 0 : i32
      %dma_wait3A_521 = arith.constant 0 : i32
      %dma_wait3A_522 = tpu.memref_slice %arg8[%dma_wait3A_518, %dma_wait3A_520, %dma_wait3A_521] : memref<8x128x64xf32, #tpu.memory_space<vmem>> -> memref<1x128x64xf32, #tpu.memory_space<vmem>>
      %dma_wait3A_523 = tpu.memref_squeeze %dma_wait3A_522 : memref<1x128x64xf32, #tpu.memory_space<vmem>> -> memref<128x64xf32, #tpu.memory_space<vmem>>
      %dma_wait3A_524 = arith.constant 0 : i32
      %dma_wait3A_525 = tpu.memref_slice %arg6[%add3A_288, %dma_wait3A_524] : memref<80x128xi32, #tpu.memory_space<vmem>> -> memref<1x128xi32, #tpu.memory_space<vmem>>
      %dma_wait3A_526 = tpu.memref_squeeze %dma_wait3A_525 : memref<1x128xi32, #tpu.memory_space<vmem>> -> memref<128xi32, #tpu.memory_space<vmem>>
      %dma_wait3A_527 = arith.constant 0 : i32
      %dma_wait3A_528 = arith.constant 0 : i32
      %dma_wait3A_529 = tpu.memref_slice %arg2[%dma_wait3A_527, %dma_wait3A_528] : memref<10240x64xf32, #tpu.memory_space<hbm>> -> memref<10240x64xf32, #tpu.memory_space<hbm>>
      %dma_wait3A_530 = tpu.memref_slice %arg11[%dma_wait3A_519] : memref<8x!tpu.dma_semaphore, #tpu.memory_space<semaphore_mem>> -> memref<1x!tpu.dma_semaphore, #tpu.memory_space<semaphore_mem>>
      %dma_wait3A_531 = tpu.memref_squeeze %dma_wait3A_530 : memref<1x!tpu.dma_semaphore, #tpu.memory_space<semaphore_mem>> -> memref<!tpu.dma_semaphore, #tpu.memory_space<semaphore_mem>>
      tpu.wait_indirect_dma semaphore(%dma_wait3A_531 : memref<!tpu.dma_semaphore, #tpu.memory_space<semaphore_mem>>) src(%dma_wait3A_529 : memref<10240x64xf32, #tpu.memory_space<hbm>>) dst(%dma_wait3A_523 : memref<128x64xf32, #tpu.memory_space<vmem>>)
      %dma_start3A_532 = arith.constant 5 : i32
      %dma_start3A_533 = arith.constant 5 : i32
      %dma_start3A_534 = arith.constant 0 : i32
      %dma_start3A_535 = arith.constant 0 : i32
      %dma_start3A_536 = tpu.memref_slice %arg8[%dma_start3A_532, %dma_start3A_534, %dma_start3A_535] : memref<8x128x64xf32, #tpu.memory_space<vmem>> -> memref<1x128x64xf32, #tpu.memory_space<vmem>>
      %dma_start3A_537 = tpu.memref_squeeze %dma_start3A_536 : memref<1x128x64xf32, #tpu.memory_space<vmem>> -> memref<128x64xf32, #tpu.memory_space<vmem>>
      %dma_start3A_538 = arith.constant 0 : i32
      %dma_start3A_539 = tpu.memref_slice %arg7[%add3A_517, %dma_start3A_538] : memref<80x128xi32, #tpu.memory_space<vmem>> -> memref<1x128xi32, #tpu.memory_space<vmem>>
      %dma_start3A_540 = tpu.memref_squeeze %dma_start3A_539 : memref<1x128xi32, #tpu.memory_space<vmem>> -> memref<128xi32, #tpu.memory_space<vmem>>
      %dma_start3A_541 = arith.constant 0 : i32
      %dma_start3A_542 = arith.constant 0 : i32
      %dma_start3A_543 = tpu.memref_slice %arg10[%dma_start3A_541, %dma_start3A_542] : memref<10240x64xf32, #tpu.memory_space<vmem_shared>> -> memref<10240x64xf32, #tpu.memory_space<vmem_shared>>
      %dma_start3A_544 = tpu.memref_slice %arg12[%dma_start3A_533] : memref<8x!tpu.dma_semaphore, #tpu.memory_space<semaphore_mem>> -> memref<1x!tpu.dma_semaphore, #tpu.memory_space<semaphore_mem>>
      %dma_start3A_545 = tpu.memref_squeeze %dma_start3A_544 : memref<1x!tpu.dma_semaphore, #tpu.memory_space<semaphore_mem>> -> memref<!tpu.dma_semaphore, #tpu.memory_space<semaphore_mem>>
      tpu.enqueue_indirect_dma source(%dma_start3A_537 : memref<128x64xf32, #tpu.memory_space<vmem>>) target(%dma_start3A_543 : memref<10240x64xf32, #tpu.memory_space<vmem_shared>>) offsets(%dma_start3A_540 : memref<128xi32, #tpu.memory_space<vmem>>) semaphore(%dma_start3A_545 : memref<!tpu.dma_semaphore, #tpu.memory_space<semaphore_mem>>) {add = true}
      %mul3A_546 = arith.constant 8 : i32
      %mul3A_547 = arith.muli %scan3A_173, %mul3A_546 : i32
      %add3A_548 = arith.constant 6 : i32
      %add3A_549 = arith.addi %mul3A_547, %add3A_548 : i32
      %dma_wait3A_550 = arith.constant 6 : i32
      %dma_wait3A_551 = arith.constant 6 : i32
      %dma_wait3A_552 = arith.constant 0 : i32
      %dma_wait3A_553 = arith.constant 0 : i32
      %dma_wait3A_554 = tpu.memref_slice %arg8[%dma_wait3A_550, %dma_wait3A_552, %dma_wait3A_553] : memref<8x128x64xf32, #tpu.memory_space<vmem>> -> memref<1x128x64xf32, #tpu.memory_space<vmem>>
      %dma_wait3A_555 = tpu.memref_squeeze %dma_wait3A_554 : memref<1x128x64xf32, #tpu.memory_space<vmem>> -> memref<128x64xf32, #tpu.memory_space<vmem>>
      %dma_wait3A_556 = arith.constant 0 : i32
      %dma_wait3A_557 = tpu.memref_slice %arg6[%add3A_311, %dma_wait3A_556] : memref<80x128xi32, #tpu.memory_space<vmem>> -> memref<1x128xi32, #tpu.memory_space<vmem>>
      %dma_wait3A_558 = tpu.memref_squeeze %dma_wait3A_557 : memref<1x128xi32, #tpu.memory_space<vmem>> -> memref<128xi32, #tpu.memory_space<vmem>>
      %dma_wait3A_559 = arith.constant 0 : i32
      %dma_wait3A_560 = arith.constant 0 : i32
      %dma_wait3A_561 = tpu.memref_slice %arg2[%dma_wait3A_559, %dma_wait3A_560] : memref<10240x64xf32, #tpu.memory_space<hbm>> -> memref<10240x64xf32, #tpu.memory_space<hbm>>
      %dma_wait3A_562 = tpu.memref_slice %arg11[%dma_wait3A_551] : memref<8x!tpu.dma_semaphore, #tpu.memory_space<semaphore_mem>> -> memref<1x!tpu.dma_semaphore, #tpu.memory_space<semaphore_mem>>
      %dma_wait3A_563 = tpu.memref_squeeze %dma_wait3A_562 : memref<1x!tpu.dma_semaphore, #tpu.memory_space<semaphore_mem>> -> memref<!tpu.dma_semaphore, #tpu.memory_space<semaphore_mem>>
      tpu.wait_indirect_dma semaphore(%dma_wait3A_563 : memref<!tpu.dma_semaphore, #tpu.memory_space<semaphore_mem>>) src(%dma_wait3A_561 : memref<10240x64xf32, #tpu.memory_space<hbm>>) dst(%dma_wait3A_555 : memref<128x64xf32, #tpu.memory_space<vmem>>)
      %dma_start3A_564 = arith.constant 6 : i32
      %dma_start3A_565 = arith.constant 6 : i32
      %dma_start3A_566 = arith.constant 0 : i32
      %dma_start3A_567 = arith.constant 0 : i32
      %dma_start3A_568 = tpu.memref_slice %arg8[%dma_start3A_564, %dma_start3A_566, %dma_start3A_567] : memref<8x128x64xf32, #tpu.memory_space<vmem>> -> memref<1x128x64xf32, #tpu.memory_space<vmem>>
      %dma_start3A_569 = tpu.memref_squeeze %dma_start3A_568 : memref<1x128x64xf32, #tpu.memory_space<vmem>> -> memref<128x64xf32, #tpu.memory_space<vmem>>
      %dma_start3A_570 = arith.constant 0 : i32
      %dma_start3A_571 = tpu.memref_slice %arg7[%add3A_549, %dma_start3A_570] : memref<80x128xi32, #tpu.memory_space<vmem>> -> memref<1x128xi32, #tpu.memory_space<vmem>>
      %dma_start3A_572 = tpu.memref_squeeze %dma_start3A_571 : memref<1x128xi32, #tpu.memory_space<vmem>> -> memref<128xi32, #tpu.memory_space<vmem>>
      %dma_start3A_573 = arith.constant 0 : i32
      %dma_start3A_574 = arith.constant 0 : i32
      %dma_start3A_575 = tpu.memref_slice %arg10[%dma_start3A_573, %dma_start3A_574] : memref<10240x64xf32, #tpu.memory_space<vmem_shared>> -> memref<10240x64xf32, #tpu.memory_space<vmem_shared>>
      %dma_start3A_576 = tpu.memref_slice %arg12[%dma_start3A_565] : memref<8x!tpu.dma_semaphore, #tpu.memory_space<semaphore_mem>> -> memref<1x!tpu.dma_semaphore, #tpu.memory_space<semaphore_mem>>
      %dma_start3A_577 = tpu.memref_squeeze %dma_start3A_576 : memref<1x!tpu.dma_semaphore, #tpu.memory_space<semaphore_mem>> -> memref<!tpu.dma_semaphore, #tpu.memory_space<semaphore_mem>>
      tpu.enqueue_indirect_dma source(%dma_start3A_569 : memref<128x64xf32, #tpu.memory_space<vmem>>) target(%dma_start3A_575 : memref<10240x64xf32, #tpu.memory_space<vmem_shared>>) offsets(%dma_start3A_572 : memref<128xi32, #tpu.memory_space<vmem>>) semaphore(%dma_start3A_577 : memref<!tpu.dma_semaphore, #tpu.memory_space<semaphore_mem>>) {add = true}
      %mul3A_578 = arith.constant 8 : i32
      %mul3A_579 = arith.muli %scan3A_173, %mul3A_578 : i32
      %add3A_580 = arith.constant 7 : i32
      %add3A_581 = arith.addi %mul3A_579, %add3A_580 : i32
      %dma_wait3A_582 = arith.constant 7 : i32
      %dma_wait3A_583 = arith.constant 7 : i32
      %dma_wait3A_584 = arith.constant 0 : i32
      %dma_wait3A_585 = arith.constant 0 : i32
      %dma_wait3A_586 = tpu.memref_slice %arg8[%dma_wait3A_582, %dma_wait3A_584, %dma_wait3A_585] : memref<8x128x64xf32, #tpu.memory_space<vmem>> -> memref<1x128x64xf32, #tpu.memory_space<vmem>>
      %dma_wait3A_587 = tpu.memref_squeeze %dma_wait3A_586 : memref<1x128x64xf32, #tpu.memory_space<vmem>> -> memref<128x64xf32, #tpu.memory_space<vmem>>
      %dma_wait3A_588 = arith.constant 0 : i32
      %dma_wait3A_589 = tpu.memref_slice %arg6[%add3A_334, %dma_wait3A_588] : memref<80x128xi32, #tpu.memory_space<vmem>> -> memref<1x128xi32, #tpu.memory_space<vmem>>
      %dma_wait3A_590 = tpu.memref_squeeze %dma_wait3A_589 : memref<1x128xi32, #tpu.memory_space<vmem>> -> memref<128xi32, #tpu.memory_space<vmem>>
      %dma_wait3A_591 = arith.constant 0 : i32
      %dma_wait3A_592 = arith.constant 0 : i32
      %dma_wait3A_593 = tpu.memref_slice %arg2[%dma_wait3A_591, %dma_wait3A_592] : memref<10240x64xf32, #tpu.memory_space<hbm>> -> memref<10240x64xf32, #tpu.memory_space<hbm>>
      %dma_wait3A_594 = tpu.memref_slice %arg11[%dma_wait3A_583] : memref<8x!tpu.dma_semaphore, #tpu.memory_space<semaphore_mem>> -> memref<1x!tpu.dma_semaphore, #tpu.memory_space<semaphore_mem>>
      %dma_wait3A_595 = tpu.memref_squeeze %dma_wait3A_594 : memref<1x!tpu.dma_semaphore, #tpu.memory_space<semaphore_mem>> -> memref<!tpu.dma_semaphore, #tpu.memory_space<semaphore_mem>>
      tpu.wait_indirect_dma semaphore(%dma_wait3A_595 : memref<!tpu.dma_semaphore, #tpu.memory_space<semaphore_mem>>) src(%dma_wait3A_593 : memref<10240x64xf32, #tpu.memory_space<hbm>>) dst(%dma_wait3A_587 : memref<128x64xf32, #tpu.memory_space<vmem>>)
      %dma_start3A_596 = arith.constant 7 : i32
      %dma_start3A_597 = arith.constant 7 : i32
      %dma_start3A_598 = arith.constant 0 : i32
      %dma_start3A_599 = arith.constant 0 : i32
      %dma_start3A_600 = tpu.memref_slice %arg8[%dma_start3A_596, %dma_start3A_598, %dma_start3A_599] : memref<8x128x64xf32, #tpu.memory_space<vmem>> -> memref<1x128x64xf32, #tpu.memory_space<vmem>>
      %dma_start3A_601 = tpu.memref_squeeze %dma_start3A_600 : memref<1x128x64xf32, #tpu.memory_space<vmem>> -> memref<128x64xf32, #tpu.memory_space<vmem>>
      %dma_start3A_602 = arith.constant 0 : i32
      %dma_start3A_603 = tpu.memref_slice %arg7[%add3A_581, %dma_start3A_602] : memref<80x128xi32, #tpu.memory_space<vmem>> -> memref<1x128xi32, #tpu.memory_space<vmem>>
      %dma_start3A_604 = tpu.memref_squeeze %dma_start3A_603 : memref<1x128xi32, #tpu.memory_space<vmem>> -> memref<128xi32, #tpu.memory_space<vmem>>
      %dma_start3A_605 = arith.constant 0 : i32
      %dma_start3A_606 = arith.constant 0 : i32
      %dma_start3A_607 = tpu.memref_slice %arg10[%dma_start3A_605, %dma_start3A_606] : memref<10240x64xf32, #tpu.memory_space<vmem_shared>> -> memref<10240x64xf32, #tpu.memory_space<vmem_shared>>
      %dma_start3A_608 = tpu.memref_slice %arg12[%dma_start3A_597] : memref<8x!tpu.dma_semaphore, #tpu.memory_space<semaphore_mem>> -> memref<1x!tpu.dma_semaphore, #tpu.memory_space<semaphore_mem>>
      %dma_start3A_609 = tpu.memref_squeeze %dma_start3A_608 : memref<1x!tpu.dma_semaphore, #tpu.memory_space<semaphore_mem>> -> memref<!tpu.dma_semaphore, #tpu.memory_space<semaphore_mem>>
      tpu.enqueue_indirect_dma source(%dma_start3A_601 : memref<128x64xf32, #tpu.memory_space<vmem>>) target(%dma_start3A_607 : memref<10240x64xf32, #tpu.memory_space<vmem_shared>>) offsets(%dma_start3A_604 : memref<128xi32, #tpu.memory_space<vmem>>) semaphore(%dma_start3A_609 : memref<!tpu.dma_semaphore, #tpu.memory_space<semaphore_mem>>) {add = true}
    }
    %scan3A_52 = arith.constant 10 : i32
    %dma_wait3A = arith.constant 0 : i32
    %dma_wait3A_53 = arith.constant 72 : i32
    %dma_wait3A_54 = arith.constant 0 : i32
    %dma_wait3A_55 = arith.constant 0 : i32
    %dma_wait3A_56 = arith.constant 0 : i32
    %dma_wait3A_57 = tpu.memref_slice %arg8[%dma_wait3A, %dma_wait3A_55, %dma_wait3A_56] : memref<8x128x64xf32, #tpu.memory_space<vmem>> -> memref<1x128x64xf32, #tpu.memory_space<vmem>>
    %dma_wait3A_58 = tpu.memref_squeeze %dma_wait3A_57 : memref<1x128x64xf32, #tpu.memory_space<vmem>> -> memref<128x64xf32, #tpu.memory_space<vmem>>
    %dma_wait3A_59 = arith.constant 0 : i32
    %dma_wait3A_60 = tpu.memref_slice %arg7[%dma_wait3A_53, %dma_wait3A_59] : memref<80x128xi32, #tpu.memory_space<vmem>> -> memref<1x128xi32, #tpu.memory_space<vmem>>
    %dma_wait3A_61 = tpu.memref_squeeze %dma_wait3A_60 : memref<1x128xi32, #tpu.memory_space<vmem>> -> memref<128xi32, #tpu.memory_space<vmem>>
    %dma_wait3A_62 = arith.constant 0 : i32
    %dma_wait3A_63 = arith.constant 0 : i32
    %dma_wait3A_64 = tpu.memref_slice %arg10[%dma_wait3A_62, %dma_wait3A_63] : memref<10240x64xf32, #tpu.memory_space<vmem_shared>> -> memref<10240x64xf32, #tpu.memory_space<vmem_shared>>
    %dma_wait3A_65 = tpu.memref_slice %arg12[%dma_wait3A_54] : memref<8x!tpu.dma_semaphore, #tpu.memory_space<semaphore_mem>> -> memref<1x!tpu.dma_semaphore, #tpu.memory_space<semaphore_mem>>
    %dma_wait3A_66 = tpu.memref_squeeze %dma_wait3A_65 : memref<1x!tpu.dma_semaphore, #tpu.memory_space<semaphore_mem>> -> memref<!tpu.dma_semaphore, #tpu.memory_space<semaphore_mem>>
    tpu.wait_indirect_dma semaphore(%dma_wait3A_66 : memref<!tpu.dma_semaphore, #tpu.memory_space<semaphore_mem>>) src(%dma_wait3A_58 : memref<128x64xf32, #tpu.memory_space<vmem>>) dst(%dma_wait3A_64 : memref<10240x64xf32, #tpu.memory_space<vmem_shared>>)
    %dma_wait3A_67 = arith.constant 1 : i32
    %dma_wait3A_68 = arith.constant 73 : i32
    %dma_wait3A_69 = arith.constant 1 : i32
    %dma_wait3A_70 = arith.constant 0 : i32
    %dma_wait3A_71 = arith.constant 0 : i32
    %dma_wait3A_72 = tpu.memref_slice %arg8[%dma_wait3A_67, %dma_wait3A_70, %dma_wait3A_71] : memref<8x128x64xf32, #tpu.memory_space<vmem>> -> memref<1x128x64xf32, #tpu.memory_space<vmem>>
    %dma_wait3A_73 = tpu.memref_squeeze %dma_wait3A_72 : memref<1x128x64xf32, #tpu.memory_space<vmem>> -> memref<128x64xf32, #tpu.memory_space<vmem>>
    %dma_wait3A_74 = arith.constant 0 : i32
    %dma_wait3A_75 = tpu.memref_slice %arg7[%dma_wait3A_68, %dma_wait3A_74] : memref<80x128xi32, #tpu.memory_space<vmem>> -> memref<1x128xi32, #tpu.memory_space<vmem>>
    %dma_wait3A_76 = tpu.memref_squeeze %dma_wait3A_75 : memref<1x128xi32, #tpu.memory_space<vmem>> -> memref<128xi32, #tpu.memory_space<vmem>>
    %dma_wait3A_77 = arith.constant 0 : i32
    %dma_wait3A_78 = arith.constant 0 : i32
    %dma_wait3A_79 = tpu.memref_slice %arg10[%dma_wait3A_77, %dma_wait3A_78] : memref<10240x64xf32, #tpu.memory_space<vmem_shared>> -> memref<10240x64xf32, #tpu.memory_space<vmem_shared>>
    %dma_wait3A_80 = tpu.memref_slice %arg12[%dma_wait3A_69] : memref<8x!tpu.dma_semaphore, #tpu.memory_space<semaphore_mem>> -> memref<1x!tpu.dma_semaphore, #tpu.memory_space<semaphore_mem>>
    %dma_wait3A_81 = tpu.memref_squeeze %dma_wait3A_80 : memref<1x!tpu.dma_semaphore, #tpu.memory_space<semaphore_mem>> -> memref<!tpu.dma_semaphore, #tpu.memory_space<semaphore_mem>>
    tpu.wait_indirect_dma semaphore(%dma_wait3A_81 : memref<!tpu.dma_semaphore, #tpu.memory_space<semaphore_mem>>) src(%dma_wait3A_73 : memref<128x64xf32, #tpu.memory_space<vmem>>) dst(%dma_wait3A_79 : memref<10240x64xf32, #tpu.memory_space<vmem_shared>>)
    %dma_wait3A_82 = arith.constant 2 : i32
    %dma_wait3A_83 = arith.constant 74 : i32
    %dma_wait3A_84 = arith.constant 2 : i32
    %dma_wait3A_85 = arith.constant 0 : i32
    %dma_wait3A_86 = arith.constant 0 : i32
    %dma_wait3A_87 = tpu.memref_slice %arg8[%dma_wait3A_82, %dma_wait3A_85, %dma_wait3A_86] : memref<8x128x64xf32, #tpu.memory_space<vmem>> -> memref<1x128x64xf32, #tpu.memory_space<vmem>>
    %dma_wait3A_88 = tpu.memref_squeeze %dma_wait3A_87 : memref<1x128x64xf32, #tpu.memory_space<vmem>> -> memref<128x64xf32, #tpu.memory_space<vmem>>
    %dma_wait3A_89 = arith.constant 0 : i32
    %dma_wait3A_90 = tpu.memref_slice %arg7[%dma_wait3A_83, %dma_wait3A_89] : memref<80x128xi32, #tpu.memory_space<vmem>> -> memref<1x128xi32, #tpu.memory_space<vmem>>
    %dma_wait3A_91 = tpu.memref_squeeze %dma_wait3A_90 : memref<1x128xi32, #tpu.memory_space<vmem>> -> memref<128xi32, #tpu.memory_space<vmem>>
    %dma_wait3A_92 = arith.constant 0 : i32
    %dma_wait3A_93 = arith.constant 0 : i32
    %dma_wait3A_94 = tpu.memref_slice %arg10[%dma_wait3A_92, %dma_wait3A_93] : memref<10240x64xf32, #tpu.memory_space<vmem_shared>> -> memref<10240x64xf32, #tpu.memory_space<vmem_shared>>
    %dma_wait3A_95 = tpu.memref_slice %arg12[%dma_wait3A_84] : memref<8x!tpu.dma_semaphore, #tpu.memory_space<semaphore_mem>> -> memref<1x!tpu.dma_semaphore, #tpu.memory_space<semaphore_mem>>
    %dma_wait3A_96 = tpu.memref_squeeze %dma_wait3A_95 : memref<1x!tpu.dma_semaphore, #tpu.memory_space<semaphore_mem>> -> memref<!tpu.dma_semaphore, #tpu.memory_space<semaphore_mem>>
    tpu.wait_indirect_dma semaphore(%dma_wait3A_96 : memref<!tpu.dma_semaphore, #tpu.memory_space<semaphore_mem>>) src(%dma_wait3A_88 : memref<128x64xf32, #tpu.memory_space<vmem>>) dst(%dma_wait3A_94 : memref<10240x64xf32, #tpu.memory_space<vmem_shared>>)
    %dma_wait3A_97 = arith.constant 3 : i32
    %dma_wait3A_98 = arith.constant 75 : i32
    %dma_wait3A_99 = arith.constant 3 : i32
    %dma_wait3A_100 = arith.constant 0 : i32
    %dma_wait3A_101 = arith.constant 0 : i32
    %dma_wait3A_102 = tpu.memref_slice %arg8[%dma_wait3A_97, %dma_wait3A_100, %dma_wait3A_101] : memref<8x128x64xf32, #tpu.memory_space<vmem>> -> memref<1x128x64xf32, #tpu.memory_space<vmem>>
    %dma_wait3A_103 = tpu.memref_squeeze %dma_wait3A_102 : memref<1x128x64xf32, #tpu.memory_space<vmem>> -> memref<128x64xf32, #tpu.memory_space<vmem>>
    %dma_wait3A_104 = arith.constant 0 : i32
    %dma_wait3A_105 = tpu.memref_slice %arg7[%dma_wait3A_98, %dma_wait3A_104] : memref<80x128xi32, #tpu.memory_space<vmem>> -> memref<1x128xi32, #tpu.memory_space<vmem>>
    %dma_wait3A_106 = tpu.memref_squeeze %dma_wait3A_105 : memref<1x128xi32, #tpu.memory_space<vmem>> -> memref<128xi32, #tpu.memory_space<vmem>>
    %dma_wait3A_107 = arith.constant 0 : i32
    %dma_wait3A_108 = arith.constant 0 : i32
    %dma_wait3A_109 = tpu.memref_slice %arg10[%dma_wait3A_107, %dma_wait3A_108] : memref<10240x64xf32, #tpu.memory_space<vmem_shared>> -> memref<10240x64xf32, #tpu.memory_space<vmem_shared>>
    %dma_wait3A_110 = tpu.memref_slice %arg12[%dma_wait3A_99] : memref<8x!tpu.dma_semaphore, #tpu.memory_space<semaphore_mem>> -> memref<1x!tpu.dma_semaphore, #tpu.memory_space<semaphore_mem>>
    %dma_wait3A_111 = tpu.memref_squeeze %dma_wait3A_110 : memref<1x!tpu.dma_semaphore, #tpu.memory_space<semaphore_mem>> -> memref<!tpu.dma_semaphore, #tpu.memory_space<semaphore_mem>>
    tpu.wait_indirect_dma semaphore(%dma_wait3A_111 : memref<!tpu.dma_semaphore, #tpu.memory_space<semaphore_mem>>) src(%dma_wait3A_103 : memref<128x64xf32, #tpu.memory_space<vmem>>) dst(%dma_wait3A_109 : memref<10240x64xf32, #tpu.memory_space<vmem_shared>>)
    %dma_wait3A_112 = arith.constant 4 : i32
    %dma_wait3A_113 = arith.constant 76 : i32
    %dma_wait3A_114 = arith.constant 4 : i32
    %dma_wait3A_115 = arith.constant 0 : i32
    %dma_wait3A_116 = arith.constant 0 : i32
    %dma_wait3A_117 = tpu.memref_slice %arg8[%dma_wait3A_112, %dma_wait3A_115, %dma_wait3A_116] : memref<8x128x64xf32, #tpu.memory_space<vmem>> -> memref<1x128x64xf32, #tpu.memory_space<vmem>>
    %dma_wait3A_118 = tpu.memref_squeeze %dma_wait3A_117 : memref<1x128x64xf32, #tpu.memory_space<vmem>> -> memref<128x64xf32, #tpu.memory_space<vmem>>
    %dma_wait3A_119 = arith.constant 0 : i32
    %dma_wait3A_120 = tpu.memref_slice %arg7[%dma_wait3A_113, %dma_wait3A_119] : memref<80x128xi32, #tpu.memory_space<vmem>> -> memref<1x128xi32, #tpu.memory_space<vmem>>
    %dma_wait3A_121 = tpu.memref_squeeze %dma_wait3A_120 : memref<1x128xi32, #tpu.memory_space<vmem>> -> memref<128xi32, #tpu.memory_space<vmem>>
    %dma_wait3A_122 = arith.constant 0 : i32
    %dma_wait3A_123 = arith.constant 0 : i32
    %dma_wait3A_124 = tpu.memref_slice %arg10[%dma_wait3A_122, %dma_wait3A_123] : memref<10240x64xf32, #tpu.memory_space<vmem_shared>> -> memref<10240x64xf32, #tpu.memory_space<vmem_shared>>
    %dma_wait3A_125 = tpu.memref_slice %arg12[%dma_wait3A_114] : memref<8x!tpu.dma_semaphore, #tpu.memory_space<semaphore_mem>> -> memref<1x!tpu.dma_semaphore, #tpu.memory_space<semaphore_mem>>
    %dma_wait3A_126 = tpu.memref_squeeze %dma_wait3A_125 : memref<1x!tpu.dma_semaphore, #tpu.memory_space<semaphore_mem>> -> memref<!tpu.dma_semaphore, #tpu.memory_space<semaphore_mem>>
    tpu.wait_indirect_dma semaphore(%dma_wait3A_126 : memref<!tpu.dma_semaphore, #tpu.memory_space<semaphore_mem>>) src(%dma_wait3A_118 : memref<128x64xf32, #tpu.memory_space<vmem>>) dst(%dma_wait3A_124 : memref<10240x64xf32, #tpu.memory_space<vmem_shared>>)
    %dma_wait3A_127 = arith.constant 5 : i32
    %dma_wait3A_128 = arith.constant 77 : i32
    %dma_wait3A_129 = arith.constant 5 : i32
    %dma_wait3A_130 = arith.constant 0 : i32
    %dma_wait3A_131 = arith.constant 0 : i32
    %dma_wait3A_132 = tpu.memref_slice %arg8[%dma_wait3A_127, %dma_wait3A_130, %dma_wait3A_131] : memref<8x128x64xf32, #tpu.memory_space<vmem>> -> memref<1x128x64xf32, #tpu.memory_space<vmem>>
    %dma_wait3A_133 = tpu.memref_squeeze %dma_wait3A_132 : memref<1x128x64xf32, #tpu.memory_space<vmem>> -> memref<128x64xf32, #tpu.memory_space<vmem>>
    %dma_wait3A_134 = arith.constant 0 : i32
    %dma_wait3A_135 = tpu.memref_slice %arg7[%dma_wait3A_128, %dma_wait3A_134] : memref<80x128xi32, #tpu.memory_space<vmem>> -> memref<1x128xi32, #tpu.memory_space<vmem>>
    %dma_wait3A_136 = tpu.memref_squeeze %dma_wait3A_135 : memref<1x128xi32, #tpu.memory_space<vmem>> -> memref<128xi32, #tpu.memory_space<vmem>>
    %dma_wait3A_137 = arith.constant 0 : i32
    %dma_wait3A_138 = arith.constant 0 : i32
    %dma_wait3A_139 = tpu.memref_slice %arg10[%dma_wait3A_137, %dma_wait3A_138] : memref<10240x64xf32, #tpu.memory_space<vmem_shared>> -> memref<10240x64xf32, #tpu.memory_space<vmem_shared>>
    %dma_wait3A_140 = tpu.memref_slice %arg12[%dma_wait3A_129] : memref<8x!tpu.dma_semaphore, #tpu.memory_space<semaphore_mem>> -> memref<1x!tpu.dma_semaphore, #tpu.memory_space<semaphore_mem>>
    %dma_wait3A_141 = tpu.memref_squeeze %dma_wait3A_140 : memref<1x!tpu.dma_semaphore, #tpu.memory_space<semaphore_mem>> -> memref<!tpu.dma_semaphore, #tpu.memory_space<semaphore_mem>>
    tpu.wait_indirect_dma semaphore(%dma_wait3A_141 : memref<!tpu.dma_semaphore, #tpu.memory_space<semaphore_mem>>) src(%dma_wait3A_133 : memref<128x64xf32, #tpu.memory_space<vmem>>) dst(%dma_wait3A_139 : memref<10240x64xf32, #tpu.memory_space<vmem_shared>>)
    %dma_wait3A_142 = arith.constant 6 : i32
    %dma_wait3A_143 = arith.constant 78 : i32
    %dma_wait3A_144 = arith.constant 6 : i32
    %dma_wait3A_145 = arith.constant 0 : i32
    %dma_wait3A_146 = arith.constant 0 : i32
    %dma_wait3A_147 = tpu.memref_slice %arg8[%dma_wait3A_142, %dma_wait3A_145, %dma_wait3A_146] : memref<8x128x64xf32, #tpu.memory_space<vmem>> -> memref<1x128x64xf32, #tpu.memory_space<vmem>>
    %dma_wait3A_148 = tpu.memref_squeeze %dma_wait3A_147 : memref<1x128x64xf32, #tpu.memory_space<vmem>> -> memref<128x64xf32, #tpu.memory_space<vmem>>
    %dma_wait3A_149 = arith.constant 0 : i32
    %dma_wait3A_150 = tpu.memref_slice %arg7[%dma_wait3A_143, %dma_wait3A_149] : memref<80x128xi32, #tpu.memory_space<vmem>> -> memref<1x128xi32, #tpu.memory_space<vmem>>
    %dma_wait3A_151 = tpu.memref_squeeze %dma_wait3A_150 : memref<1x128xi32, #tpu.memory_space<vmem>> -> memref<128xi32, #tpu.memory_space<vmem>>
    %dma_wait3A_152 = arith.constant 0 : i32
    %dma_wait3A_153 = arith.constant 0 : i32
    %dma_wait3A_154 = tpu.memref_slice %arg10[%dma_wait3A_152, %dma_wait3A_153] : memref<10240x64xf32, #tpu.memory_space<vmem_shared>> -> memref<10240x64xf32, #tpu.memory_space<vmem_shared>>
    %dma_wait3A_155 = tpu.memref_slice %arg12[%dma_wait3A_144] : memref<8x!tpu.dma_semaphore, #tpu.memory_space<semaphore_mem>> -> memref<1x!tpu.dma_semaphore, #tpu.memory_space<semaphore_mem>>
    %dma_wait3A_156 = tpu.memref_squeeze %dma_wait3A_155 : memref<1x!tpu.dma_semaphore, #tpu.memory_space<semaphore_mem>> -> memref<!tpu.dma_semaphore, #tpu.memory_space<semaphore_mem>>
    tpu.wait_indirect_dma semaphore(%dma_wait3A_156 : memref<!tpu.dma_semaphore, #tpu.memory_space<semaphore_mem>>) src(%dma_wait3A_148 : memref<128x64xf32, #tpu.memory_space<vmem>>) dst(%dma_wait3A_154 : memref<10240x64xf32, #tpu.memory_space<vmem_shared>>)
    %dma_wait3A_157 = arith.constant 7 : i32
    %dma_wait3A_158 = arith.constant 79 : i32
    %dma_wait3A_159 = arith.constant 7 : i32
    %dma_wait3A_160 = arith.constant 0 : i32
    %dma_wait3A_161 = arith.constant 0 : i32
    %dma_wait3A_162 = tpu.memref_slice %arg8[%dma_wait3A_157, %dma_wait3A_160, %dma_wait3A_161] : memref<8x128x64xf32, #tpu.memory_space<vmem>> -> memref<1x128x64xf32, #tpu.memory_space<vmem>>
    %dma_wait3A_163 = tpu.memref_squeeze %dma_wait3A_162 : memref<1x128x64xf32, #tpu.memory_space<vmem>> -> memref<128x64xf32, #tpu.memory_space<vmem>>
    %dma_wait3A_164 = arith.constant 0 : i32
    %dma_wait3A_165 = tpu.memref_slice %arg7[%dma_wait3A_158, %dma_wait3A_164] : memref<80x128xi32, #tpu.memory_space<vmem>> -> memref<1x128xi32, #tpu.memory_space<vmem>>
    %dma_wait3A_166 = tpu.memref_squeeze %dma_wait3A_165 : memref<1x128xi32, #tpu.memory_space<vmem>> -> memref<128xi32, #tpu.memory_space<vmem>>
    %dma_wait3A_167 = arith.constant 0 : i32
    %dma_wait3A_168 = arith.constant 0 : i32
    %dma_wait3A_169 = tpu.memref_slice %arg10[%dma_wait3A_167, %dma_wait3A_168] : memref<10240x64xf32, #tpu.memory_space<vmem_shared>> -> memref<10240x64xf32, #tpu.memory_space<vmem_shared>>
    %dma_wait3A_170 = tpu.memref_slice %arg12[%dma_wait3A_159] : memref<8x!tpu.dma_semaphore, #tpu.memory_space<semaphore_mem>> -> memref<1x!tpu.dma_semaphore, #tpu.memory_space<semaphore_mem>>
    %dma_wait3A_171 = tpu.memref_squeeze %dma_wait3A_170 : memref<1x!tpu.dma_semaphore, #tpu.memory_space<semaphore_mem>> -> memref<!tpu.dma_semaphore, #tpu.memory_space<semaphore_mem>>
    tpu.wait_indirect_dma semaphore(%dma_wait3A_171 : memref<!tpu.dma_semaphore, #tpu.memory_space<semaphore_mem>>) src(%dma_wait3A_163 : memref<128x64xf32, #tpu.memory_space<vmem>>) dst(%dma_wait3A_169 : memref<10240x64xf32, #tpu.memory_space<vmem_shared>>)
    %barrier3A_172 = arith.constant 0 : index
    tpu.barrier barrier_id(%barrier3A_172)
    "tpu.region"() ({
      %run_scoped3A_173 = tpu.sem_alloc : memref<!tpu.dma_semaphore, #tpu.memory_space<semaphore_mem>>
      %dma_start3A = arith.constant 0 : i32
      %dma_start3A_174 = tpu.memref_slice %arg5[%arg0, %mul3A_2, %dma_start3A] : memref<2x10240x64xf32, #tpu.memory_space<hbm>> -> memref<1x640x64xf32, #tpu.memory_space<hbm>>
      %dma_start3A_175 = tpu.memref_squeeze %dma_start3A_174 : memref<1x640x64xf32, #tpu.memory_space<hbm>> -> memref<640x64xf32, #tpu.memory_space<hbm>>
      %dma_start3A_176 = arith.constant 0 : i32
      %dma_start3A_177 = tpu.memref_slice %arg10[%mul3A_2, %dma_start3A_176] : memref<10240x64xf32, #tpu.memory_space<vmem_shared>> -> memref<640x64xf32, #tpu.memory_space<vmem_shared>>
      tpu.enqueue_dma source(%dma_start3A_177 : memref<640x64xf32, #tpu.memory_space<vmem_shared>>) target(%dma_start3A_175 : memref<640x64xf32, #tpu.memory_space<hbm>>) target_semaphore(%run_scoped3A_173 : memref<!tpu.dma_semaphore, #tpu.memory_space<semaphore_mem>>)
      %dma_wait3A_178 = arith.constant 0 : i32
      %dma_wait3A_179 = tpu.memref_slice %arg5[%arg0, %mul3A_2, %dma_wait3A_178] : memref<2x10240x64xf32, #tpu.memory_space<hbm>> -> memref<1x640x64xf32, #tpu.memory_space<hbm>>
      %dma_wait3A_180 = tpu.memref_squeeze %dma_wait3A_179 : memref<1x640x64xf32, #tpu.memory_space<hbm>> -> memref<640x64xf32, #tpu.memory_space<hbm>>
      %dma_wait3A_181 = arith.constant 0 : i32
      %dma_wait3A_182 = tpu.memref_slice %arg10[%mul3A_2, %dma_wait3A_181] : memref<10240x64xf32, #tpu.memory_space<vmem_shared>> -> memref<640x64xf32, #tpu.memory_space<vmem_shared>>
      tpu.wait_dma2 semaphore(%run_scoped3A_173 : memref<!tpu.dma_semaphore, #tpu.memory_space<semaphore_mem>>) src(%dma_wait3A_182 : memref<640x64xf32, #tpu.memory_space<vmem_shared>>) dst(%dma_wait3A_180 : memref<640x64xf32, #tpu.memory_space<hbm>>)
      tpu.yield
    }) : () -> ()
    return
  }
}

#map = affine_map<(d0, d1) -> (0, 0)>
#map1 = affine_map<(d0, d1) -> (0, 0, 0)>
module attributes {stable_mosaic.version = 14 : i64} {
  func.func @body(%arg0: i32, %arg1: i32, %arg2: memref<10240x16xf32, #tpu.memory_space<hbm>>, %arg3: memref<5x2560x128xi32, #tpu.memory_space<hbm>>, %arg4: memref<32x16xf32, #tpu.memory_space<hbm>>, %arg5: memref<2x10240x16xf32, #tpu.memory_space<hbm>>, %arg6: memref<80x128xi32, #tpu.memory_space<vmem>>, %arg7: memref<80x128xi32, #tpu.memory_space<vmem>>, %arg8: memref<8x128x16xf32, #tpu.memory_space<vmem>>, %arg9: memref<32x16xf32, #tpu.memory_space<vmem>>, %arg10: memref<10240x16xf32, #tpu.memory_space<vmem_shared>>, %arg11: memref<8x!tpu.dma_semaphore, #tpu.memory_space<semaphore_mem>>, %arg12: memref<8x!tpu.dma_semaphore, #tpu.memory_space<semaphore_mem>>) attributes {dimension_semantics = [#tpu.dimension_semantics<core_parallel>, #tpu.dimension_semantics<subcore_parallel>], iteration_bounds = array<i64: 2, 16>, scalar_prefetch = 0 : i64, scratch_operands = 7 : i64, tpu.core_type = #tpu.core_type<sc_vector_subcore>, window_params = [{transform_indices = #map}, {transform_indices = #map1}, {transform_indices = #map}, {transform_indices = #map1}]} {
    %mul3A = arith.constant 2 : i32
    %mul3A_0 = arith.muli %arg1, %mul3A : i32
    %add3A = arith.addi %mul3A_0, %arg0 : i32
    %mul3A_1 = arith.constant 640 : i32
    %mul3A_2 = arith.muli %arg1, %mul3A_1 : i32
    "tpu.region"() ({
      %run_scoped3A_173 = tpu.sem_alloc : memref<!tpu.dma_semaphore, #tpu.memory_space<semaphore_mem>>
      tpu.enqueue_dma source(%arg4 : memref<32x16xf32, #tpu.memory_space<hbm>>) target(%arg9 : memref<32x16xf32, #tpu.memory_space<vmem>>) target_semaphore(%run_scoped3A_173 : memref<!tpu.dma_semaphore, #tpu.memory_space<semaphore_mem>>)
      tpu.wait_dma2 semaphore(%run_scoped3A_173 : memref<!tpu.dma_semaphore, #tpu.memory_space<semaphore_mem>>) src(%arg4 : memref<32x16xf32, #tpu.memory_space<hbm>>) dst(%arg9 : memref<32x16xf32, #tpu.memory_space<vmem>>)
      tpu.yield
    }) : () -> ()
    %add3A_3 = arith.constant 0 : i32
    %add3A_4 = arith.addi %mul3A_2, %add3A_3 : i32
    "tpu.region"() ({
      %run_scoped3A_173 = tpu.sem_alloc : memref<!tpu.dma_semaphore, #tpu.memory_space<semaphore_mem>>
      %dma_start3A = arith.constant 0 : i32
      %dma_start3A_174 = tpu.memref_slice %arg10[%add3A_4, %dma_start3A] : memref<10240x16xf32, #tpu.memory_space<vmem_shared>> -> memref<32x16xf32, #tpu.memory_space<vmem_shared>>
      %dma_start3A_175 = arith.constant 0 : i32
      %dma_start3A_176 = tpu.memref_slice %arg10[%add3A_4, %dma_start3A_175] : memref<10240x16xf32, #tpu.memory_space<vmem_shared>> -> memref<32x16xf32, #tpu.memory_space<vmem_shared>>
      tpu.enqueue_dma source(%arg9 : memref<32x16xf32, #tpu.memory_space<vmem>>) target(%dma_start3A_176 : memref<32x16xf32, #tpu.memory_space<vmem_shared>>) target_semaphore(%run_scoped3A_173 : memref<!tpu.dma_semaphore, #tpu.memory_space<semaphore_mem>>)
      %dma_wait3A_177 = arith.constant 0 : i32
      %dma_wait3A_178 = tpu.memref_slice %arg10[%add3A_4, %dma_wait3A_177] : memref<10240x16xf32, #tpu.memory_space<vmem_shared>> -> memref<32x16xf32, #tpu.memory_space<vmem_shared>>
      %dma_wait3A_179 = arith.constant 0 : i32
      %dma_wait3A_180 = tpu.memref_slice %arg10[%add3A_4, %dma_wait3A_179] : memref<10240x16xf32, #tpu.memory_space<vmem_shared>> -> memref<32x16xf32, #tpu.memory_space<vmem_shared>>
      tpu.wait_dma2 semaphore(%run_scoped3A_173 : memref<!tpu.dma_semaphore, #tpu.memory_space<semaphore_mem>>) src(%arg9 : memref<32x16xf32, #tpu.memory_space<vmem>>) dst(%dma_wait3A_180 : memref<32x16xf32, #tpu.memory_space<vmem_shared>>)
      tpu.yield
    }) : () -> ()
    %add3A_5 = arith.constant 32 : i32
    %add3A_6 = arith.addi %mul3A_2, %add3A_5 : i32
    "tpu.region"() ({
      %run_scoped3A_173 = tpu.sem_alloc : memref<!tpu.dma_semaphore, #tpu.memory_space<semaphore_mem>>
      %dma_start3A = arith.constant 0 : i32
      %dma_start3A_174 = tpu.memref_slice %arg10[%add3A_6, %dma_start3A] : memref<10240x16xf32, #tpu.memory_space<vmem_shared>> -> memref<32x16xf32, #tpu.memory_space<vmem_shared>>
      %dma_start3A_175 = arith.constant 0 : i32
      %dma_start3A_176 = tpu.memref_slice %arg10[%add3A_6, %dma_start3A_175] : memref<10240x16xf32, #tpu.memory_space<vmem_shared>> -> memref<32x16xf32, #tpu.memory_space<vmem_shared>>
      tpu.enqueue_dma source(%arg9 : memref<32x16xf32, #tpu.memory_space<vmem>>) target(%dma_start3A_176 : memref<32x16xf32, #tpu.memory_space<vmem_shared>>) target_semaphore(%run_scoped3A_173 : memref<!tpu.dma_semaphore, #tpu.memory_space<semaphore_mem>>)
      %dma_wait3A_177 = arith.constant 0 : i32
      %dma_wait3A_178 = tpu.memref_slice %arg10[%add3A_6, %dma_wait3A_177] : memref<10240x16xf32, #tpu.memory_space<vmem_shared>> -> memref<32x16xf32, #tpu.memory_space<vmem_shared>>
      %dma_wait3A_179 = arith.constant 0 : i32
      %dma_wait3A_180 = tpu.memref_slice %arg10[%add3A_6, %dma_wait3A_179] : memref<10240x16xf32, #tpu.memory_space<vmem_shared>> -> memref<32x16xf32, #tpu.memory_space<vmem_shared>>
      tpu.wait_dma2 semaphore(%run_scoped3A_173 : memref<!tpu.dma_semaphore, #tpu.memory_space<semaphore_mem>>) src(%arg9 : memref<32x16xf32, #tpu.memory_space<vmem>>) dst(%dma_wait3A_180 : memref<32x16xf32, #tpu.memory_space<vmem_shared>>)
      tpu.yield
    }) : () -> ()
    %add3A_7 = arith.constant 64 : i32
    %add3A_8 = arith.addi %mul3A_2, %add3A_7 : i32
    "tpu.region"() ({
      %run_scoped3A_173 = tpu.sem_alloc : memref<!tpu.dma_semaphore, #tpu.memory_space<semaphore_mem>>
      %dma_start3A = arith.constant 0 : i32
      %dma_start3A_174 = tpu.memref_slice %arg10[%add3A_8, %dma_start3A] : memref<10240x16xf32, #tpu.memory_space<vmem_shared>> -> memref<32x16xf32, #tpu.memory_space<vmem_shared>>
      %dma_start3A_175 = arith.constant 0 : i32
      %dma_start3A_176 = tpu.memref_slice %arg10[%add3A_8, %dma_start3A_175] : memref<10240x16xf32, #tpu.memory_space<vmem_shared>> -> memref<32x16xf32, #tpu.memory_space<vmem_shared>>
      tpu.enqueue_dma source(%arg9 : memref<32x16xf32, #tpu.memory_space<vmem>>) target(%dma_start3A_176 : memref<32x16xf32, #tpu.memory_space<vmem_shared>>) target_semaphore(%run_scoped3A_173 : memref<!tpu.dma_semaphore, #tpu.memory_space<semaphore_mem>>)
      %dma_wait3A_177 = arith.constant 0 : i32
      %dma_wait3A_178 = tpu.memref_slice %arg10[%add3A_8, %dma_wait3A_177] : memref<10240x16xf32, #tpu.memory_space<vmem_shared>> -> memref<32x16xf32, #tpu.memory_space<vmem_shared>>
      %dma_wait3A_179 = arith.constant 0 : i32
      %dma_wait3A_180 = tpu.memref_slice %arg10[%add3A_8, %dma_wait3A_179] : memref<10240x16xf32, #tpu.memory_space<vmem_shared>> -> memref<32x16xf32, #tpu.memory_space<vmem_shared>>
      tpu.wait_dma2 semaphore(%run_scoped3A_173 : memref<!tpu.dma_semaphore, #tpu.memory_space<semaphore_mem>>) src(%arg9 : memref<32x16xf32, #tpu.memory_space<vmem>>) dst(%dma_wait3A_180 : memref<32x16xf32, #tpu.memory_space<vmem_shared>>)
      tpu.yield
    }) : () -> ()
    %add3A_9 = arith.constant 96 : i32
    %add3A_10 = arith.addi %mul3A_2, %add3A_9 : i32
    "tpu.region"() ({
      %run_scoped3A_173 = tpu.sem_alloc : memref<!tpu.dma_semaphore, #tpu.memory_space<semaphore_mem>>
      %dma_start3A = arith.constant 0 : i32
      %dma_start3A_174 = tpu.memref_slice %arg10[%add3A_10, %dma_start3A] : memref<10240x16xf32, #tpu.memory_space<vmem_shared>> -> memref<32x16xf32, #tpu.memory_space<vmem_shared>>
      %dma_start3A_175 = arith.constant 0 : i32
      %dma_start3A_176 = tpu.memref_slice %arg10[%add3A_10, %dma_start3A_175] : memref<10240x16xf32, #tpu.memory_space<vmem_shared>> -> memref<32x16xf32, #tpu.memory_space<vmem_shared>>
      tpu.enqueue_dma source(%arg9 : memref<32x16xf32, #tpu.memory_space<vmem>>) target(%dma_start3A_176 : memref<32x16xf32, #tpu.memory_space<vmem_shared>>) target_semaphore(%run_scoped3A_173 : memref<!tpu.dma_semaphore, #tpu.memory_space<semaphore_mem>>)
      %dma_wait3A_177 = arith.constant 0 : i32
      %dma_wait3A_178 = tpu.memref_slice %arg10[%add3A_10, %dma_wait3A_177] : memref<10240x16xf32, #tpu.memory_space<vmem_shared>> -> memref<32x16xf32, #tpu.memory_space<vmem_shared>>
      %dma_wait3A_179 = arith.constant 0 : i32
      %dma_wait3A_180 = tpu.memref_slice %arg10[%add3A_10, %dma_wait3A_179] : memref<10240x16xf32, #tpu.memory_space<vmem_shared>> -> memref<32x16xf32, #tpu.memory_space<vmem_shared>>
      tpu.wait_dma2 semaphore(%run_scoped3A_173 : memref<!tpu.dma_semaphore, #tpu.memory_space<semaphore_mem>>) src(%arg9 : memref<32x16xf32, #tpu.memory_space<vmem>>) dst(%dma_wait3A_180 : memref<32x16xf32, #tpu.memory_space<vmem_shared>>)
      tpu.yield
    }) : () -> ()
    %add3A_11 = arith.constant 128 : i32
    %add3A_12 = arith.addi %mul3A_2, %add3A_11 : i32
    "tpu.region"() ({
      %run_scoped3A_173 = tpu.sem_alloc : memref<!tpu.dma_semaphore, #tpu.memory_space<semaphore_mem>>
      %dma_start3A = arith.constant 0 : i32
      %dma_start3A_174 = tpu.memref_slice %arg10[%add3A_12, %dma_start3A] : memref<10240x16xf32, #tpu.memory_space<vmem_shared>> -> memref<32x16xf32, #tpu.memory_space<vmem_shared>>
      %dma_start3A_175 = arith.constant 0 : i32
      %dma_start3A_176 = tpu.memref_slice %arg10[%add3A_12, %dma_start3A_175] : memref<10240x16xf32, #tpu.memory_space<vmem_shared>> -> memref<32x16xf32, #tpu.memory_space<vmem_shared>>
      tpu.enqueue_dma source(%arg9 : memref<32x16xf32, #tpu.memory_space<vmem>>) target(%dma_start3A_176 : memref<32x16xf32, #tpu.memory_space<vmem_shared>>) target_semaphore(%run_scoped3A_173 : memref<!tpu.dma_semaphore, #tpu.memory_space<semaphore_mem>>)
      %dma_wait3A_177 = arith.constant 0 : i32
      %dma_wait3A_178 = tpu.memref_slice %arg10[%add3A_12, %dma_wait3A_177] : memref<10240x16xf32, #tpu.memory_space<vmem_shared>> -> memref<32x16xf32, #tpu.memory_space<vmem_shared>>
      %dma_wait3A_179 = arith.constant 0 : i32
      %dma_wait3A_180 = tpu.memref_slice %arg10[%add3A_12, %dma_wait3A_179] : memref<10240x16xf32, #tpu.memory_space<vmem_shared>> -> memref<32x16xf32, #tpu.memory_space<vmem_shared>>
      tpu.wait_dma2 semaphore(%run_scoped3A_173 : memref<!tpu.dma_semaphore, #tpu.memory_space<semaphore_mem>>) src(%arg9 : memref<32x16xf32, #tpu.memory_space<vmem>>) dst(%dma_wait3A_180 : memref<32x16xf32, #tpu.memory_space<vmem_shared>>)
      tpu.yield
    }) : () -> ()
    %add3A_13 = arith.constant 160 : i32
    %add3A_14 = arith.addi %mul3A_2, %add3A_13 : i32
    "tpu.region"() ({
      %run_scoped3A_173 = tpu.sem_alloc : memref<!tpu.dma_semaphore, #tpu.memory_space<semaphore_mem>>
      %dma_start3A = arith.constant 0 : i32
      %dma_start3A_174 = tpu.memref_slice %arg10[%add3A_14, %dma_start3A] : memref<10240x16xf32, #tpu.memory_space<vmem_shared>> -> memref<32x16xf32, #tpu.memory_space<vmem_shared>>
      %dma_start3A_175 = arith.constant 0 : i32
      %dma_start3A_176 = tpu.memref_slice %arg10[%add3A_14, %dma_start3A_175] : memref<10240x16xf32, #tpu.memory_space<vmem_shared>> -> memref<32x16xf32, #tpu.memory_space<vmem_shared>>
      tpu.enqueue_dma source(%arg9 : memref<32x16xf32, #tpu.memory_space<vmem>>) target(%dma_start3A_176 : memref<32x16xf32, #tpu.memory_space<vmem_shared>>) target_semaphore(%run_scoped3A_173 : memref<!tpu.dma_semaphore, #tpu.memory_space<semaphore_mem>>)
      %dma_wait3A_177 = arith.constant 0 : i32
      %dma_wait3A_178 = tpu.memref_slice %arg10[%add3A_14, %dma_wait3A_177] : memref<10240x16xf32, #tpu.memory_space<vmem_shared>> -> memref<32x16xf32, #tpu.memory_space<vmem_shared>>
      %dma_wait3A_179 = arith.constant 0 : i32
      %dma_wait3A_180 = tpu.memref_slice %arg10[%add3A_14, %dma_wait3A_179] : memref<10240x16xf32, #tpu.memory_space<vmem_shared>> -> memref<32x16xf32, #tpu.memory_space<vmem_shared>>
      tpu.wait_dma2 semaphore(%run_scoped3A_173 : memref<!tpu.dma_semaphore, #tpu.memory_space<semaphore_mem>>) src(%arg9 : memref<32x16xf32, #tpu.memory_space<vmem>>) dst(%dma_wait3A_180 : memref<32x16xf32, #tpu.memory_space<vmem_shared>>)
      tpu.yield
    }) : () -> ()
    %add3A_15 = arith.constant 192 : i32
    %add3A_16 = arith.addi %mul3A_2, %add3A_15 : i32
    "tpu.region"() ({
      %run_scoped3A_173 = tpu.sem_alloc : memref<!tpu.dma_semaphore, #tpu.memory_space<semaphore_mem>>
      %dma_start3A = arith.constant 0 : i32
      %dma_start3A_174 = tpu.memref_slice %arg10[%add3A_16, %dma_start3A] : memref<10240x16xf32, #tpu.memory_space<vmem_shared>> -> memref<32x16xf32, #tpu.memory_space<vmem_shared>>
      %dma_start3A_175 = arith.constant 0 : i32
      %dma_start3A_176 = tpu.memref_slice %arg10[%add3A_16, %dma_start3A_175] : memref<10240x16xf32, #tpu.memory_space<vmem_shared>> -> memref<32x16xf32, #tpu.memory_space<vmem_shared>>
      tpu.enqueue_dma source(%arg9 : memref<32x16xf32, #tpu.memory_space<vmem>>) target(%dma_start3A_176 : memref<32x16xf32, #tpu.memory_space<vmem_shared>>) target_semaphore(%run_scoped3A_173 : memref<!tpu.dma_semaphore, #tpu.memory_space<semaphore_mem>>)
      %dma_wait3A_177 = arith.constant 0 : i32
      %dma_wait3A_178 = tpu.memref_slice %arg10[%add3A_16, %dma_wait3A_177] : memref<10240x16xf32, #tpu.memory_space<vmem_shared>> -> memref<32x16xf32, #tpu.memory_space<vmem_shared>>
      %dma_wait3A_179 = arith.constant 0 : i32
      %dma_wait3A_180 = tpu.memref_slice %arg10[%add3A_16, %dma_wait3A_179] : memref<10240x16xf32, #tpu.memory_space<vmem_shared>> -> memref<32x16xf32, #tpu.memory_space<vmem_shared>>
      tpu.wait_dma2 semaphore(%run_scoped3A_173 : memref<!tpu.dma_semaphore, #tpu.memory_space<semaphore_mem>>) src(%arg9 : memref<32x16xf32, #tpu.memory_space<vmem>>) dst(%dma_wait3A_180 : memref<32x16xf32, #tpu.memory_space<vmem_shared>>)
      tpu.yield
    }) : () -> ()
    %add3A_17 = arith.constant 224 : i32
    %add3A_18 = arith.addi %mul3A_2, %add3A_17 : i32
    "tpu.region"() ({
      %run_scoped3A_173 = tpu.sem_alloc : memref<!tpu.dma_semaphore, #tpu.memory_space<semaphore_mem>>
      %dma_start3A = arith.constant 0 : i32
      %dma_start3A_174 = tpu.memref_slice %arg10[%add3A_18, %dma_start3A] : memref<10240x16xf32, #tpu.memory_space<vmem_shared>> -> memref<32x16xf32, #tpu.memory_space<vmem_shared>>
      %dma_start3A_175 = arith.constant 0 : i32
      %dma_start3A_176 = tpu.memref_slice %arg10[%add3A_18, %dma_start3A_175] : memref<10240x16xf32, #tpu.memory_space<vmem_shared>> -> memref<32x16xf32, #tpu.memory_space<vmem_shared>>
      tpu.enqueue_dma source(%arg9 : memref<32x16xf32, #tpu.memory_space<vmem>>) target(%dma_start3A_176 : memref<32x16xf32, #tpu.memory_space<vmem_shared>>) target_semaphore(%run_scoped3A_173 : memref<!tpu.dma_semaphore, #tpu.memory_space<semaphore_mem>>)
      %dma_wait3A_177 = arith.constant 0 : i32
      %dma_wait3A_178 = tpu.memref_slice %arg10[%add3A_18, %dma_wait3A_177] : memref<10240x16xf32, #tpu.memory_space<vmem_shared>> -> memref<32x16xf32, #tpu.memory_space<vmem_shared>>
      %dma_wait3A_179 = arith.constant 0 : i32
      %dma_wait3A_180 = tpu.memref_slice %arg10[%add3A_18, %dma_wait3A_179] : memref<10240x16xf32, #tpu.memory_space<vmem_shared>> -> memref<32x16xf32, #tpu.memory_space<vmem_shared>>
      tpu.wait_dma2 semaphore(%run_scoped3A_173 : memref<!tpu.dma_semaphore, #tpu.memory_space<semaphore_mem>>) src(%arg9 : memref<32x16xf32, #tpu.memory_space<vmem>>) dst(%dma_wait3A_180 : memref<32x16xf32, #tpu.memory_space<vmem_shared>>)
      tpu.yield
    }) : () -> ()
    %add3A_19 = arith.constant 256 : i32
    %add3A_20 = arith.addi %mul3A_2, %add3A_19 : i32
    "tpu.region"() ({
      %run_scoped3A_173 = tpu.sem_alloc : memref<!tpu.dma_semaphore, #tpu.memory_space<semaphore_mem>>
      %dma_start3A = arith.constant 0 : i32
      %dma_start3A_174 = tpu.memref_slice %arg10[%add3A_20, %dma_start3A] : memref<10240x16xf32, #tpu.memory_space<vmem_shared>> -> memref<32x16xf32, #tpu.memory_space<vmem_shared>>
      %dma_start3A_175 = arith.constant 0 : i32
      %dma_start3A_176 = tpu.memref_slice %arg10[%add3A_20, %dma_start3A_175] : memref<10240x16xf32, #tpu.memory_space<vmem_shared>> -> memref<32x16xf32, #tpu.memory_space<vmem_shared>>
      tpu.enqueue_dma source(%arg9 : memref<32x16xf32, #tpu.memory_space<vmem>>) target(%dma_start3A_176 : memref<32x16xf32, #tpu.memory_space<vmem_shared>>) target_semaphore(%run_scoped3A_173 : memref<!tpu.dma_semaphore, #tpu.memory_space<semaphore_mem>>)
      %dma_wait3A_177 = arith.constant 0 : i32
      %dma_wait3A_178 = tpu.memref_slice %arg10[%add3A_20, %dma_wait3A_177] : memref<10240x16xf32, #tpu.memory_space<vmem_shared>> -> memref<32x16xf32, #tpu.memory_space<vmem_shared>>
      %dma_wait3A_179 = arith.constant 0 : i32
      %dma_wait3A_180 = tpu.memref_slice %arg10[%add3A_20, %dma_wait3A_179] : memref<10240x16xf32, #tpu.memory_space<vmem_shared>> -> memref<32x16xf32, #tpu.memory_space<vmem_shared>>
      tpu.wait_dma2 semaphore(%run_scoped3A_173 : memref<!tpu.dma_semaphore, #tpu.memory_space<semaphore_mem>>) src(%arg9 : memref<32x16xf32, #tpu.memory_space<vmem>>) dst(%dma_wait3A_180 : memref<32x16xf32, #tpu.memory_space<vmem_shared>>)
      tpu.yield
    }) : () -> ()
    %add3A_21 = arith.constant 288 : i32
    %add3A_22 = arith.addi %mul3A_2, %add3A_21 : i32
    "tpu.region"() ({
      %run_scoped3A_173 = tpu.sem_alloc : memref<!tpu.dma_semaphore, #tpu.memory_space<semaphore_mem>>
      %dma_start3A = arith.constant 0 : i32
      %dma_start3A_174 = tpu.memref_slice %arg10[%add3A_22, %dma_start3A] : memref<10240x16xf32, #tpu.memory_space<vmem_shared>> -> memref<32x16xf32, #tpu.memory_space<vmem_shared>>
      %dma_start3A_175 = arith.constant 0 : i32
      %dma_start3A_176 = tpu.memref_slice %arg10[%add3A_22, %dma_start3A_175] : memref<10240x16xf32, #tpu.memory_space<vmem_shared>> -> memref<32x16xf32, #tpu.memory_space<vmem_shared>>
      tpu.enqueue_dma source(%arg9 : memref<32x16xf32, #tpu.memory_space<vmem>>) target(%dma_start3A_176 : memref<32x16xf32, #tpu.memory_space<vmem_shared>>) target_semaphore(%run_scoped3A_173 : memref<!tpu.dma_semaphore, #tpu.memory_space<semaphore_mem>>)
      %dma_wait3A_177 = arith.constant 0 : i32
      %dma_wait3A_178 = tpu.memref_slice %arg10[%add3A_22, %dma_wait3A_177] : memref<10240x16xf32, #tpu.memory_space<vmem_shared>> -> memref<32x16xf32, #tpu.memory_space<vmem_shared>>
      %dma_wait3A_179 = arith.constant 0 : i32
      %dma_wait3A_180 = tpu.memref_slice %arg10[%add3A_22, %dma_wait3A_179] : memref<10240x16xf32, #tpu.memory_space<vmem_shared>> -> memref<32x16xf32, #tpu.memory_space<vmem_shared>>
      tpu.wait_dma2 semaphore(%run_scoped3A_173 : memref<!tpu.dma_semaphore, #tpu.memory_space<semaphore_mem>>) src(%arg9 : memref<32x16xf32, #tpu.memory_space<vmem>>) dst(%dma_wait3A_180 : memref<32x16xf32, #tpu.memory_space<vmem_shared>>)
      tpu.yield
    }) : () -> ()
    %add3A_23 = arith.constant 320 : i32
    %add3A_24 = arith.addi %mul3A_2, %add3A_23 : i32
    "tpu.region"() ({
      %run_scoped3A_173 = tpu.sem_alloc : memref<!tpu.dma_semaphore, #tpu.memory_space<semaphore_mem>>
      %dma_start3A = arith.constant 0 : i32
      %dma_start3A_174 = tpu.memref_slice %arg10[%add3A_24, %dma_start3A] : memref<10240x16xf32, #tpu.memory_space<vmem_shared>> -> memref<32x16xf32, #tpu.memory_space<vmem_shared>>
      %dma_start3A_175 = arith.constant 0 : i32
      %dma_start3A_176 = tpu.memref_slice %arg10[%add3A_24, %dma_start3A_175] : memref<10240x16xf32, #tpu.memory_space<vmem_shared>> -> memref<32x16xf32, #tpu.memory_space<vmem_shared>>
      tpu.enqueue_dma source(%arg9 : memref<32x16xf32, #tpu.memory_space<vmem>>) target(%dma_start3A_176 : memref<32x16xf32, #tpu.memory_space<vmem_shared>>) target_semaphore(%run_scoped3A_173 : memref<!tpu.dma_semaphore, #tpu.memory_space<semaphore_mem>>)
      %dma_wait3A_177 = arith.constant 0 : i32
      %dma_wait3A_178 = tpu.memref_slice %arg10[%add3A_24, %dma_wait3A_177] : memref<10240x16xf32, #tpu.memory_space<vmem_shared>> -> memref<32x16xf32, #tpu.memory_space<vmem_shared>>
      %dma_wait3A_179 = arith.constant 0 : i32
      %dma_wait3A_180 = tpu.memref_slice %arg10[%add3A_24, %dma_wait3A_179] : memref<10240x16xf32, #tpu.memory_space<vmem_shared>> -> memref<32x16xf32, #tpu.memory_space<vmem_shared>>
      tpu.wait_dma2 semaphore(%run_scoped3A_173 : memref<!tpu.dma_semaphore, #tpu.memory_space<semaphore_mem>>) src(%arg9 : memref<32x16xf32, #tpu.memory_space<vmem>>) dst(%dma_wait3A_180 : memref<32x16xf32, #tpu.memory_space<vmem_shared>>)
      tpu.yield
    }) : () -> ()
    %add3A_25 = arith.constant 352 : i32
    %add3A_26 = arith.addi %mul3A_2, %add3A_25 : i32
    "tpu.region"() ({
      %run_scoped3A_173 = tpu.sem_alloc : memref<!tpu.dma_semaphore, #tpu.memory_space<semaphore_mem>>
      %dma_start3A = arith.constant 0 : i32
      %dma_start3A_174 = tpu.memref_slice %arg10[%add3A_26, %dma_start3A] : memref<10240x16xf32, #tpu.memory_space<vmem_shared>> -> memref<32x16xf32, #tpu.memory_space<vmem_shared>>
      %dma_start3A_175 = arith.constant 0 : i32
      %dma_start3A_176 = tpu.memref_slice %arg10[%add3A_26, %dma_start3A_175] : memref<10240x16xf32, #tpu.memory_space<vmem_shared>> -> memref<32x16xf32, #tpu.memory_space<vmem_shared>>
      tpu.enqueue_dma source(%arg9 : memref<32x16xf32, #tpu.memory_space<vmem>>) target(%dma_start3A_176 : memref<32x16xf32, #tpu.memory_space<vmem_shared>>) target_semaphore(%run_scoped3A_173 : memref<!tpu.dma_semaphore, #tpu.memory_space<semaphore_mem>>)
      %dma_wait3A_177 = arith.constant 0 : i32
      %dma_wait3A_178 = tpu.memref_slice %arg10[%add3A_26, %dma_wait3A_177] : memref<10240x16xf32, #tpu.memory_space<vmem_shared>> -> memref<32x16xf32, #tpu.memory_space<vmem_shared>>
      %dma_wait3A_179 = arith.constant 0 : i32
      %dma_wait3A_180 = tpu.memref_slice %arg10[%add3A_26, %dma_wait3A_179] : memref<10240x16xf32, #tpu.memory_space<vmem_shared>> -> memref<32x16xf32, #tpu.memory_space<vmem_shared>>
      tpu.wait_dma2 semaphore(%run_scoped3A_173 : memref<!tpu.dma_semaphore, #tpu.memory_space<semaphore_mem>>) src(%arg9 : memref<32x16xf32, #tpu.memory_space<vmem>>) dst(%dma_wait3A_180 : memref<32x16xf32, #tpu.memory_space<vmem_shared>>)
      tpu.yield
    }) : () -> ()
    %add3A_27 = arith.constant 384 : i32
    %add3A_28 = arith.addi %mul3A_2, %add3A_27 : i32
    "tpu.region"() ({
      %run_scoped3A_173 = tpu.sem_alloc : memref<!tpu.dma_semaphore, #tpu.memory_space<semaphore_mem>>
      %dma_start3A = arith.constant 0 : i32
      %dma_start3A_174 = tpu.memref_slice %arg10[%add3A_28, %dma_start3A] : memref<10240x16xf32, #tpu.memory_space<vmem_shared>> -> memref<32x16xf32, #tpu.memory_space<vmem_shared>>
      %dma_start3A_175 = arith.constant 0 : i32
      %dma_start3A_176 = tpu.memref_slice %arg10[%add3A_28, %dma_start3A_175] : memref<10240x16xf32, #tpu.memory_space<vmem_shared>> -> memref<32x16xf32, #tpu.memory_space<vmem_shared>>
      tpu.enqueue_dma source(%arg9 : memref<32x16xf32, #tpu.memory_space<vmem>>) target(%dma_start3A_176 : memref<32x16xf32, #tpu.memory_space<vmem_shared>>) target_semaphore(%run_scoped3A_173 : memref<!tpu.dma_semaphore, #tpu.memory_space<semaphore_mem>>)
      %dma_wait3A_177 = arith.constant 0 : i32
      %dma_wait3A_178 = tpu.memref_slice %arg10[%add3A_28, %dma_wait3A_177] : memref<10240x16xf32, #tpu.memory_space<vmem_shared>> -> memref<32x16xf32, #tpu.memory_space<vmem_shared>>
      %dma_wait3A_179 = arith.constant 0 : i32
      %dma_wait3A_180 = tpu.memref_slice %arg10[%add3A_28, %dma_wait3A_179] : memref<10240x16xf32, #tpu.memory_space<vmem_shared>> -> memref<32x16xf32, #tpu.memory_space<vmem_shared>>
      tpu.wait_dma2 semaphore(%run_scoped3A_173 : memref<!tpu.dma_semaphore, #tpu.memory_space<semaphore_mem>>) src(%arg9 : memref<32x16xf32, #tpu.memory_space<vmem>>) dst(%dma_wait3A_180 : memref<32x16xf32, #tpu.memory_space<vmem_shared>>)
      tpu.yield
    }) : () -> ()
    %add3A_29 = arith.constant 416 : i32
    %add3A_30 = arith.addi %mul3A_2, %add3A_29 : i32
    "tpu.region"() ({
      %run_scoped3A_173 = tpu.sem_alloc : memref<!tpu.dma_semaphore, #tpu.memory_space<semaphore_mem>>
      %dma_start3A = arith.constant 0 : i32
      %dma_start3A_174 = tpu.memref_slice %arg10[%add3A_30, %dma_start3A] : memref<10240x16xf32, #tpu.memory_space<vmem_shared>> -> memref<32x16xf32, #tpu.memory_space<vmem_shared>>
      %dma_start3A_175 = arith.constant 0 : i32
      %dma_start3A_176 = tpu.memref_slice %arg10[%add3A_30, %dma_start3A_175] : memref<10240x16xf32, #tpu.memory_space<vmem_shared>> -> memref<32x16xf32, #tpu.memory_space<vmem_shared>>
      tpu.enqueue_dma source(%arg9 : memref<32x16xf32, #tpu.memory_space<vmem>>) target(%dma_start3A_176 : memref<32x16xf32, #tpu.memory_space<vmem_shared>>) target_semaphore(%run_scoped3A_173 : memref<!tpu.dma_semaphore, #tpu.memory_space<semaphore_mem>>)
      %dma_wait3A_177 = arith.constant 0 : i32
      %dma_wait3A_178 = tpu.memref_slice %arg10[%add3A_30, %dma_wait3A_177] : memref<10240x16xf32, #tpu.memory_space<vmem_shared>> -> memref<32x16xf32, #tpu.memory_space<vmem_shared>>
      %dma_wait3A_179 = arith.constant 0 : i32
      %dma_wait3A_180 = tpu.memref_slice %arg10[%add3A_30, %dma_wait3A_179] : memref<10240x16xf32, #tpu.memory_space<vmem_shared>> -> memref<32x16xf32, #tpu.memory_space<vmem_shared>>
      tpu.wait_dma2 semaphore(%run_scoped3A_173 : memref<!tpu.dma_semaphore, #tpu.memory_space<semaphore_mem>>) src(%arg9 : memref<32x16xf32, #tpu.memory_space<vmem>>) dst(%dma_wait3A_180 : memref<32x16xf32, #tpu.memory_space<vmem_shared>>)
      tpu.yield
    }) : () -> ()
    %add3A_31 = arith.constant 448 : i32
    %add3A_32 = arith.addi %mul3A_2, %add3A_31 : i32
    "tpu.region"() ({
      %run_scoped3A_173 = tpu.sem_alloc : memref<!tpu.dma_semaphore, #tpu.memory_space<semaphore_mem>>
      %dma_start3A = arith.constant 0 : i32
      %dma_start3A_174 = tpu.memref_slice %arg10[%add3A_32, %dma_start3A] : memref<10240x16xf32, #tpu.memory_space<vmem_shared>> -> memref<32x16xf32, #tpu.memory_space<vmem_shared>>
      %dma_start3A_175 = arith.constant 0 : i32
      %dma_start3A_176 = tpu.memref_slice %arg10[%add3A_32, %dma_start3A_175] : memref<10240x16xf32, #tpu.memory_space<vmem_shared>> -> memref<32x16xf32, #tpu.memory_space<vmem_shared>>
      tpu.enqueue_dma source(%arg9 : memref<32x16xf32, #tpu.memory_space<vmem>>) target(%dma_start3A_176 : memref<32x16xf32, #tpu.memory_space<vmem_shared>>) target_semaphore(%run_scoped3A_173 : memref<!tpu.dma_semaphore, #tpu.memory_space<semaphore_mem>>)
      %dma_wait3A_177 = arith.constant 0 : i32
      %dma_wait3A_178 = tpu.memref_slice %arg10[%add3A_32, %dma_wait3A_177] : memref<10240x16xf32, #tpu.memory_space<vmem_shared>> -> memref<32x16xf32, #tpu.memory_space<vmem_shared>>
      %dma_wait3A_179 = arith.constant 0 : i32
      %dma_wait3A_180 = tpu.memref_slice %arg10[%add3A_32, %dma_wait3A_179] : memref<10240x16xf32, #tpu.memory_space<vmem_shared>> -> memref<32x16xf32, #tpu.memory_space<vmem_shared>>
      tpu.wait_dma2 semaphore(%run_scoped3A_173 : memref<!tpu.dma_semaphore, #tpu.memory_space<semaphore_mem>>) src(%arg9 : memref<32x16xf32, #tpu.memory_space<vmem>>) dst(%dma_wait3A_180 : memref<32x16xf32, #tpu.memory_space<vmem_shared>>)
      tpu.yield
    }) : () -> ()
    %add3A_33 = arith.constant 480 : i32
    %add3A_34 = arith.addi %mul3A_2, %add3A_33 : i32
    "tpu.region"() ({
      %run_scoped3A_173 = tpu.sem_alloc : memref<!tpu.dma_semaphore, #tpu.memory_space<semaphore_mem>>
      %dma_start3A = arith.constant 0 : i32
      %dma_start3A_174 = tpu.memref_slice %arg10[%add3A_34, %dma_start3A] : memref<10240x16xf32, #tpu.memory_space<vmem_shared>> -> memref<32x16xf32, #tpu.memory_space<vmem_shared>>
      %dma_start3A_175 = arith.constant 0 : i32
      %dma_start3A_176 = tpu.memref_slice %arg10[%add3A_34, %dma_start3A_175] : memref<10240x16xf32, #tpu.memory_space<vmem_shared>> -> memref<32x16xf32, #tpu.memory_space<vmem_shared>>
      tpu.enqueue_dma source(%arg9 : memref<32x16xf32, #tpu.memory_space<vmem>>) target(%dma_start3A_176 : memref<32x16xf32, #tpu.memory_space<vmem_shared>>) target_semaphore(%run_scoped3A_173 : memref<!tpu.dma_semaphore, #tpu.memory_space<semaphore_mem>>)
      %dma_wait3A_177 = arith.constant 0 : i32
      %dma_wait3A_178 = tpu.memref_slice %arg10[%add3A_34, %dma_wait3A_177] : memref<10240x16xf32, #tpu.memory_space<vmem_shared>> -> memref<32x16xf32, #tpu.memory_space<vmem_shared>>
      %dma_wait3A_179 = arith.constant 0 : i32
      %dma_wait3A_180 = tpu.memref_slice %arg10[%add3A_34, %dma_wait3A_179] : memref<10240x16xf32, #tpu.memory_space<vmem_shared>> -> memref<32x16xf32, #tpu.memory_space<vmem_shared>>
      tpu.wait_dma2 semaphore(%run_scoped3A_173 : memref<!tpu.dma_semaphore, #tpu.memory_space<semaphore_mem>>) src(%arg9 : memref<32x16xf32, #tpu.memory_space<vmem>>) dst(%dma_wait3A_180 : memref<32x16xf32, #tpu.memory_space<vmem_shared>>)
      tpu.yield
    }) : () -> ()
    %add3A_35 = arith.constant 512 : i32
    %add3A_36 = arith.addi %mul3A_2, %add3A_35 : i32
    "tpu.region"() ({
      %run_scoped3A_173 = tpu.sem_alloc : memref<!tpu.dma_semaphore, #tpu.memory_space<semaphore_mem>>
      %dma_start3A = arith.constant 0 : i32
      %dma_start3A_174 = tpu.memref_slice %arg10[%add3A_36, %dma_start3A] : memref<10240x16xf32, #tpu.memory_space<vmem_shared>> -> memref<32x16xf32, #tpu.memory_space<vmem_shared>>
      %dma_start3A_175 = arith.constant 0 : i32
      %dma_start3A_176 = tpu.memref_slice %arg10[%add3A_36, %dma_start3A_175] : memref<10240x16xf32, #tpu.memory_space<vmem_shared>> -> memref<32x16xf32, #tpu.memory_space<vmem_shared>>
      tpu.enqueue_dma source(%arg9 : memref<32x16xf32, #tpu.memory_space<vmem>>) target(%dma_start3A_176 : memref<32x16xf32, #tpu.memory_space<vmem_shared>>) target_semaphore(%run_scoped3A_173 : memref<!tpu.dma_semaphore, #tpu.memory_space<semaphore_mem>>)
      %dma_wait3A_177 = arith.constant 0 : i32
      %dma_wait3A_178 = tpu.memref_slice %arg10[%add3A_36, %dma_wait3A_177] : memref<10240x16xf32, #tpu.memory_space<vmem_shared>> -> memref<32x16xf32, #tpu.memory_space<vmem_shared>>
      %dma_wait3A_179 = arith.constant 0 : i32
      %dma_wait3A_180 = tpu.memref_slice %arg10[%add3A_36, %dma_wait3A_179] : memref<10240x16xf32, #tpu.memory_space<vmem_shared>> -> memref<32x16xf32, #tpu.memory_space<vmem_shared>>
      tpu.wait_dma2 semaphore(%run_scoped3A_173 : memref<!tpu.dma_semaphore, #tpu.memory_space<semaphore_mem>>) src(%arg9 : memref<32x16xf32, #tpu.memory_space<vmem>>) dst(%dma_wait3A_180 : memref<32x16xf32, #tpu.memory_space<vmem_shared>>)
      tpu.yield
    }) : () -> ()
    %add3A_37 = arith.constant 544 : i32
    %add3A_38 = arith.addi %mul3A_2, %add3A_37 : i32
    "tpu.region"() ({
      %run_scoped3A_173 = tpu.sem_alloc : memref<!tpu.dma_semaphore, #tpu.memory_space<semaphore_mem>>
      %dma_start3A = arith.constant 0 : i32
      %dma_start3A_174 = tpu.memref_slice %arg10[%add3A_38, %dma_start3A] : memref<10240x16xf32, #tpu.memory_space<vmem_shared>> -> memref<32x16xf32, #tpu.memory_space<vmem_shared>>
      %dma_start3A_175 = arith.constant 0 : i32
      %dma_start3A_176 = tpu.memref_slice %arg10[%add3A_38, %dma_start3A_175] : memref<10240x16xf32, #tpu.memory_space<vmem_shared>> -> memref<32x16xf32, #tpu.memory_space<vmem_shared>>
      tpu.enqueue_dma source(%arg9 : memref<32x16xf32, #tpu.memory_space<vmem>>) target(%dma_start3A_176 : memref<32x16xf32, #tpu.memory_space<vmem_shared>>) target_semaphore(%run_scoped3A_173 : memref<!tpu.dma_semaphore, #tpu.memory_space<semaphore_mem>>)
      %dma_wait3A_177 = arith.constant 0 : i32
      %dma_wait3A_178 = tpu.memref_slice %arg10[%add3A_38, %dma_wait3A_177] : memref<10240x16xf32, #tpu.memory_space<vmem_shared>> -> memref<32x16xf32, #tpu.memory_space<vmem_shared>>
      %dma_wait3A_179 = arith.constant 0 : i32
      %dma_wait3A_180 = tpu.memref_slice %arg10[%add3A_38, %dma_wait3A_179] : memref<10240x16xf32, #tpu.memory_space<vmem_shared>> -> memref<32x16xf32, #tpu.memory_space<vmem_shared>>
      tpu.wait_dma2 semaphore(%run_scoped3A_173 : memref<!tpu.dma_semaphore, #tpu.memory_space<semaphore_mem>>) src(%arg9 : memref<32x16xf32, #tpu.memory_space<vmem>>) dst(%dma_wait3A_180 : memref<32x16xf32, #tpu.memory_space<vmem_shared>>)
      tpu.yield
    }) : () -> ()
    %add3A_39 = arith.constant 576 : i32
    %add3A_40 = arith.addi %mul3A_2, %add3A_39 : i32
    "tpu.region"() ({
      %run_scoped3A_173 = tpu.sem_alloc : memref<!tpu.dma_semaphore, #tpu.memory_space<semaphore_mem>>
      %dma_start3A = arith.constant 0 : i32
      %dma_start3A_174 = tpu.memref_slice %arg10[%add3A_40, %dma_start3A] : memref<10240x16xf32, #tpu.memory_space<vmem_shared>> -> memref<32x16xf32, #tpu.memory_space<vmem_shared>>
      %dma_start3A_175 = arith.constant 0 : i32
      %dma_start3A_176 = tpu.memref_slice %arg10[%add3A_40, %dma_start3A_175] : memref<10240x16xf32, #tpu.memory_space<vmem_shared>> -> memref<32x16xf32, #tpu.memory_space<vmem_shared>>
      tpu.enqueue_dma source(%arg9 : memref<32x16xf32, #tpu.memory_space<vmem>>) target(%dma_start3A_176 : memref<32x16xf32, #tpu.memory_space<vmem_shared>>) target_semaphore(%run_scoped3A_173 : memref<!tpu.dma_semaphore, #tpu.memory_space<semaphore_mem>>)
      %dma_wait3A_177 = arith.constant 0 : i32
      %dma_wait3A_178 = tpu.memref_slice %arg10[%add3A_40, %dma_wait3A_177] : memref<10240x16xf32, #tpu.memory_space<vmem_shared>> -> memref<32x16xf32, #tpu.memory_space<vmem_shared>>
      %dma_wait3A_179 = arith.constant 0 : i32
      %dma_wait3A_180 = tpu.memref_slice %arg10[%add3A_40, %dma_wait3A_179] : memref<10240x16xf32, #tpu.memory_space<vmem_shared>> -> memref<32x16xf32, #tpu.memory_space<vmem_shared>>
      tpu.wait_dma2 semaphore(%run_scoped3A_173 : memref<!tpu.dma_semaphore, #tpu.memory_space<semaphore_mem>>) src(%arg9 : memref<32x16xf32, #tpu.memory_space<vmem>>) dst(%dma_wait3A_180 : memref<32x16xf32, #tpu.memory_space<vmem_shared>>)
      tpu.yield
    }) : () -> ()
    %add3A_41 = arith.constant 608 : i32
    %add3A_42 = arith.addi %mul3A_2, %add3A_41 : i32
    "tpu.region"() ({
      %run_scoped3A_173 = tpu.sem_alloc : memref<!tpu.dma_semaphore, #tpu.memory_space<semaphore_mem>>
      %dma_start3A = arith.constant 0 : i32
      %dma_start3A_174 = tpu.memref_slice %arg10[%add3A_42, %dma_start3A] : memref<10240x16xf32, #tpu.memory_space<vmem_shared>> -> memref<32x16xf32, #tpu.memory_space<vmem_shared>>
      %dma_start3A_175 = arith.constant 0 : i32
      %dma_start3A_176 = tpu.memref_slice %arg10[%add3A_42, %dma_start3A_175] : memref<10240x16xf32, #tpu.memory_space<vmem_shared>> -> memref<32x16xf32, #tpu.memory_space<vmem_shared>>
      tpu.enqueue_dma source(%arg9 : memref<32x16xf32, #tpu.memory_space<vmem>>) target(%dma_start3A_176 : memref<32x16xf32, #tpu.memory_space<vmem_shared>>) target_semaphore(%run_scoped3A_173 : memref<!tpu.dma_semaphore, #tpu.memory_space<semaphore_mem>>)
      %dma_wait3A_177 = arith.constant 0 : i32
      %dma_wait3A_178 = tpu.memref_slice %arg10[%add3A_42, %dma_wait3A_177] : memref<10240x16xf32, #tpu.memory_space<vmem_shared>> -> memref<32x16xf32, #tpu.memory_space<vmem_shared>>
      %dma_wait3A_179 = arith.constant 0 : i32
      %dma_wait3A_180 = tpu.memref_slice %arg10[%add3A_42, %dma_wait3A_179] : memref<10240x16xf32, #tpu.memory_space<vmem_shared>> -> memref<32x16xf32, #tpu.memory_space<vmem_shared>>
      tpu.wait_dma2 semaphore(%run_scoped3A_173 : memref<!tpu.dma_semaphore, #tpu.memory_space<semaphore_mem>>) src(%arg9 : memref<32x16xf32, #tpu.memory_space<vmem>>) dst(%dma_wait3A_180 : memref<32x16xf32, #tpu.memory_space<vmem_shared>>)
      tpu.yield
    }) : () -> ()
    %mul3A_43 = arith.constant 80 : i32
    %mul3A_44 = arith.muli %add3A, %mul3A_43 : i32
    %run_scoped3A = arith.constant 3 : i32
    "tpu.region"() ({
      %run_scoped3A_173 = tpu.sem_alloc : memref<!tpu.dma_semaphore, #tpu.memory_space<semaphore_mem>>
      %dma_start3A = arith.constant 0 : i32
      %dma_start3A_174 = tpu.memref_slice %arg3[%run_scoped3A, %mul3A_44, %dma_start3A] : memref<5x2560x128xi32, #tpu.memory_space<hbm>> -> memref<1x80x128xi32, #tpu.memory_space<hbm>>
      %dma_start3A_175 = tpu.memref_squeeze %dma_start3A_174 : memref<1x80x128xi32, #tpu.memory_space<hbm>> -> memref<80x128xi32, #tpu.memory_space<hbm>>
      %dma_start3A_176 = arith.constant 0 : i32
      %dma_start3A_177 = tpu.memref_slice %arg3[%run_scoped3A, %mul3A_44, %dma_start3A_176] : memref<5x2560x128xi32, #tpu.memory_space<hbm>> -> memref<1x80x128xi32, #tpu.memory_space<hbm>>
      %dma_start3A_178 = tpu.memref_squeeze %dma_start3A_177 : memref<1x80x128xi32, #tpu.memory_space<hbm>> -> memref<80x128xi32, #tpu.memory_space<hbm>>
      tpu.enqueue_dma source(%dma_start3A_178 : memref<80x128xi32, #tpu.memory_space<hbm>>) target(%arg6 : memref<80x128xi32, #tpu.memory_space<vmem>>) target_semaphore(%run_scoped3A_173 : memref<!tpu.dma_semaphore, #tpu.memory_space<semaphore_mem>>)
      %dma_wait3A_179 = arith.constant 0 : i32
      %dma_wait3A_180 = tpu.memref_slice %arg3[%run_scoped3A, %mul3A_44, %dma_wait3A_179] : memref<5x2560x128xi32, #tpu.memory_space<hbm>> -> memref<1x80x128xi32, #tpu.memory_space<hbm>>
      %dma_wait3A_181 = tpu.memref_squeeze %dma_wait3A_180 : memref<1x80x128xi32, #tpu.memory_space<hbm>> -> memref<80x128xi32, #tpu.memory_space<hbm>>
      %dma_wait3A_182 = arith.constant 0 : i32
      %dma_wait3A_183 = tpu.memref_slice %arg3[%run_scoped3A, %mul3A_44, %dma_wait3A_182] : memref<5x2560x128xi32, #tpu.memory_space<hbm>> -> memref<1x80x128xi32, #tpu.memory_space<hbm>>
      %dma_wait3A_184 = tpu.memref_squeeze %dma_wait3A_183 : memref<1x80x128xi32, #tpu.memory_space<hbm>> -> memref<80x128xi32, #tpu.memory_space<hbm>>
      tpu.wait_dma2 semaphore(%run_scoped3A_173 : memref<!tpu.dma_semaphore, #tpu.memory_space<semaphore_mem>>) src(%dma_wait3A_184 : memref<80x128xi32, #tpu.memory_space<hbm>>) dst(%arg6 : memref<80x128xi32, #tpu.memory_space<vmem>>)
      tpu.yield
    }) : () -> ()
    %mul3A_45 = arith.constant 80 : i32
    %mul3A_46 = arith.muli %add3A, %mul3A_45 : i32
    %run_scoped3A_47 = arith.constant 4 : i32
    "tpu.region"() ({
      %run_scoped3A_173 = tpu.sem_alloc : memref<!tpu.dma_semaphore, #tpu.memory_space<semaphore_mem>>
      %dma_start3A = arith.constant 0 : i32
      %dma_start3A_174 = tpu.memref_slice %arg3[%run_scoped3A_47, %mul3A_46, %dma_start3A] : memref<5x2560x128xi32, #tpu.memory_space<hbm>> -> memref<1x80x128xi32, #tpu.memory_space<hbm>>
      %dma_start3A_175 = tpu.memref_squeeze %dma_start3A_174 : memref<1x80x128xi32, #tpu.memory_space<hbm>> -> memref<80x128xi32, #tpu.memory_space<hbm>>
      %dma_start3A_176 = arith.constant 0 : i32
      %dma_start3A_177 = tpu.memref_slice %arg3[%run_scoped3A_47, %mul3A_46, %dma_start3A_176] : memref<5x2560x128xi32, #tpu.memory_space<hbm>> -> memref<1x80x128xi32, #tpu.memory_space<hbm>>
      %dma_start3A_178 = tpu.memref_squeeze %dma_start3A_177 : memref<1x80x128xi32, #tpu.memory_space<hbm>> -> memref<80x128xi32, #tpu.memory_space<hbm>>
      tpu.enqueue_dma source(%dma_start3A_178 : memref<80x128xi32, #tpu.memory_space<hbm>>) target(%arg7 : memref<80x128xi32, #tpu.memory_space<vmem>>) target_semaphore(%run_scoped3A_173 : memref<!tpu.dma_semaphore, #tpu.memory_space<semaphore_mem>>)
      %dma_wait3A_179 = arith.constant 0 : i32
      %dma_wait3A_180 = tpu.memref_slice %arg3[%run_scoped3A_47, %mul3A_46, %dma_wait3A_179] : memref<5x2560x128xi32, #tpu.memory_space<hbm>> -> memref<1x80x128xi32, #tpu.memory_space<hbm>>
      %dma_wait3A_181 = tpu.memref_squeeze %dma_wait3A_180 : memref<1x80x128xi32, #tpu.memory_space<hbm>> -> memref<80x128xi32, #tpu.memory_space<hbm>>
      %dma_wait3A_182 = arith.constant 0 : i32
      %dma_wait3A_183 = tpu.memref_slice %arg3[%run_scoped3A_47, %mul3A_46, %dma_wait3A_182] : memref<5x2560x128xi32, #tpu.memory_space<hbm>> -> memref<1x80x128xi32, #tpu.memory_space<hbm>>
      %dma_wait3A_184 = tpu.memref_squeeze %dma_wait3A_183 : memref<1x80x128xi32, #tpu.memory_space<hbm>> -> memref<80x128xi32, #tpu.memory_space<hbm>>
      tpu.wait_dma2 semaphore(%run_scoped3A_173 : memref<!tpu.dma_semaphore, #tpu.memory_space<semaphore_mem>>) src(%dma_wait3A_184 : memref<80x128xi32, #tpu.memory_space<hbm>>) dst(%arg7 : memref<80x128xi32, #tpu.memory_space<vmem>>)
      tpu.yield
    }) : () -> ()
    %barrier3A = arith.constant 0 : index
    tpu.barrier barrier_id(%barrier3A)
    %scan3A = arith.constant 0 : i32
    %scan3A_48 = arith.constant 0 : i32
    %scan3A_49 = arith.constant 10 : i32
    %scan3A_50 = arith.addi %scan3A_48, %scan3A_49 : i32
    %scan3A_51 = arith.constant 1 : i32
    scf.for %scan3A_173 = %scan3A_48 to %scan3A_50 step %scan3A_51  : i32 {
      %mul3A_174 = arith.constant 8 : i32
      %mul3A_175 = arith.muli %scan3A_173, %mul3A_174 : i32
      %add3A_176 = arith.constant 0 : i32
      %add3A_177 = arith.addi %mul3A_175, %add3A_176 : i32
      %gt3A = arith.constant 0 : i32
      %gt3A_178 = arith.cmpi sgt, %scan3A_173, %gt3A : i32
      %convert_element_type3A = arith.extui %gt3A_178 : i1 to i32
      %cond3A = arith.constant 0 : i32
      %cond3A_179 = arith.cmpi ne, %convert_element_type3A, %cond3A : i32
      scf.if %cond3A_179 {
        %sub3A = arith.constant 8 : i32
        %sub3A_610 = arith.subi %add3A_177, %sub3A : i32
        %dma_wait3A_611 = arith.constant 0 : i32
        %dma_wait3A_612 = arith.constant 0 : i32
        %dma_wait3A_613 = arith.constant 0 : i32
        %dma_wait3A_614 = arith.constant 0 : i32
        %dma_wait3A_615 = tpu.memref_slice %arg8[%dma_wait3A_611, %dma_wait3A_613, %dma_wait3A_614] : memref<8x128x16xf32, #tpu.memory_space<vmem>> -> memref<1x128x16xf32, #tpu.memory_space<vmem>>
        %dma_wait3A_616 = tpu.memref_squeeze %dma_wait3A_615 : memref<1x128x16xf32, #tpu.memory_space<vmem>> -> memref<128x16xf32, #tpu.memory_space<vmem>>
        %dma_wait3A_617 = arith.constant 0 : i32
        %dma_wait3A_618 = tpu.memref_slice %arg7[%sub3A_610, %dma_wait3A_617] : memref<80x128xi32, #tpu.memory_space<vmem>> -> memref<1x128xi32, #tpu.memory_space<vmem>>
        %dma_wait3A_619 = tpu.memref_squeeze %dma_wait3A_618 : memref<1x128xi32, #tpu.memory_space<vmem>> -> memref<128xi32, #tpu.memory_space<vmem>>
        %dma_wait3A_620 = arith.constant 0 : i32
        %dma_wait3A_621 = arith.constant 0 : i32
        %dma_wait3A_622 = tpu.memref_slice %arg10[%dma_wait3A_620, %dma_wait3A_621] : memref<10240x16xf32, #tpu.memory_space<vmem_shared>> -> memref<10240x16xf32, #tpu.memory_space<vmem_shared>>
        %dma_wait3A_623 = tpu.memref_slice %arg12[%dma_wait3A_612] : memref<8x!tpu.dma_semaphore, #tpu.memory_space<semaphore_mem>> -> memref<1x!tpu.dma_semaphore, #tpu.memory_space<semaphore_mem>>
        %dma_wait3A_624 = tpu.memref_squeeze %dma_wait3A_623 : memref<1x!tpu.dma_semaphore, #tpu.memory_space<semaphore_mem>> -> memref<!tpu.dma_semaphore, #tpu.memory_space<semaphore_mem>>
        tpu.wait_indirect_dma semaphore(%dma_wait3A_624 : memref<!tpu.dma_semaphore, #tpu.memory_space<semaphore_mem>>) src(%dma_wait3A_616 : memref<128x16xf32, #tpu.memory_space<vmem>>) dst(%dma_wait3A_622 : memref<10240x16xf32, #tpu.memory_space<vmem_shared>>)
      } else {
      }
      %dma_start3A = arith.constant 0 : i32
      %dma_start3A_180 = arith.constant 0 : i32
      %dma_start3A_181 = arith.constant 0 : i32
      %dma_start3A_182 = arith.constant 0 : i32
      %dma_start3A_183 = tpu.memref_slice %arg8[%dma_start3A, %dma_start3A_181, %dma_start3A_182] : memref<8x128x16xf32, #tpu.memory_space<vmem>> -> memref<1x128x16xf32, #tpu.memory_space<vmem>>
      %dma_start3A_184 = tpu.memref_squeeze %dma_start3A_183 : memref<1x128x16xf32, #tpu.memory_space<vmem>> -> memref<128x16xf32, #tpu.memory_space<vmem>>
      %dma_start3A_185 = arith.constant 0 : i32
      %dma_start3A_186 = tpu.memref_slice %arg6[%add3A_177, %dma_start3A_185] : memref<80x128xi32, #tpu.memory_space<vmem>> -> memref<1x128xi32, #tpu.memory_space<vmem>>
      %dma_start3A_187 = tpu.memref_squeeze %dma_start3A_186 : memref<1x128xi32, #tpu.memory_space<vmem>> -> memref<128xi32, #tpu.memory_space<vmem>>
      %dma_start3A_188 = arith.constant 0 : i32
      %dma_start3A_189 = arith.constant 0 : i32
      %dma_start3A_190 = tpu.memref_slice %arg2[%dma_start3A_188, %dma_start3A_189] : memref<10240x16xf32, #tpu.memory_space<hbm>> -> memref<10240x16xf32, #tpu.memory_space<hbm>>
      %dma_start3A_191 = tpu.memref_slice %arg11[%dma_start3A_180] : memref<8x!tpu.dma_semaphore, #tpu.memory_space<semaphore_mem>> -> memref<1x!tpu.dma_semaphore, #tpu.memory_space<semaphore_mem>>
      %dma_start3A_192 = tpu.memref_squeeze %dma_start3A_191 : memref<1x!tpu.dma_semaphore, #tpu.memory_space<semaphore_mem>> -> memref<!tpu.dma_semaphore, #tpu.memory_space<semaphore_mem>>
      tpu.enqueue_indirect_dma source(%dma_start3A_190 : memref<10240x16xf32, #tpu.memory_space<hbm>>) target(%dma_start3A_184 : memref<128x16xf32, #tpu.memory_space<vmem>>) offsets(%dma_start3A_187 : memref<128xi32, #tpu.memory_space<vmem>>) semaphore(%dma_start3A_192 : memref<!tpu.dma_semaphore, #tpu.memory_space<semaphore_mem>>)
      %mul3A_193 = arith.constant 8 : i32
      %mul3A_194 = arith.muli %scan3A_173, %mul3A_193 : i32
      %add3A_195 = arith.constant 1 : i32
      %add3A_196 = arith.addi %mul3A_194, %add3A_195 : i32
      %gt3A_197 = arith.constant 0 : i32
      %gt3A_198 = arith.cmpi sgt, %scan3A_173, %gt3A_197 : i32
      %convert_element_type3A_199 = arith.extui %gt3A_198 : i1 to i32
      %cond3A_200 = arith.constant 0 : i32
      %cond3A_201 = arith.cmpi ne, %convert_element_type3A_199, %cond3A_200 : i32
      scf.if %cond3A_201 {
        %sub3A = arith.constant 8 : i32
        %sub3A_610 = arith.subi %add3A_196, %sub3A : i32
        %dma_wait3A_611 = arith.constant 1 : i32
        %dma_wait3A_612 = arith.constant 1 : i32
        %dma_wait3A_613 = arith.constant 0 : i32
        %dma_wait3A_614 = arith.constant 0 : i32
        %dma_wait3A_615 = tpu.memref_slice %arg8[%dma_wait3A_611, %dma_wait3A_613, %dma_wait3A_614] : memref<8x128x16xf32, #tpu.memory_space<vmem>> -> memref<1x128x16xf32, #tpu.memory_space<vmem>>
        %dma_wait3A_616 = tpu.memref_squeeze %dma_wait3A_615 : memref<1x128x16xf32, #tpu.memory_space<vmem>> -> memref<128x16xf32, #tpu.memory_space<vmem>>
        %dma_wait3A_617 = arith.constant 0 : i32
        %dma_wait3A_618 = tpu.memref_slice %arg7[%sub3A_610, %dma_wait3A_617] : memref<80x128xi32, #tpu.memory_space<vmem>> -> memref<1x128xi32, #tpu.memory_space<vmem>>
        %dma_wait3A_619 = tpu.memref_squeeze %dma_wait3A_618 : memref<1x128xi32, #tpu.memory_space<vmem>> -> memref<128xi32, #tpu.memory_space<vmem>>
        %dma_wait3A_620 = arith.constant 0 : i32
        %dma_wait3A_621 = arith.constant 0 : i32
        %dma_wait3A_622 = tpu.memref_slice %arg10[%dma_wait3A_620, %dma_wait3A_621] : memref<10240x16xf32, #tpu.memory_space<vmem_shared>> -> memref<10240x16xf32, #tpu.memory_space<vmem_shared>>
        %dma_wait3A_623 = tpu.memref_slice %arg12[%dma_wait3A_612] : memref<8x!tpu.dma_semaphore, #tpu.memory_space<semaphore_mem>> -> memref<1x!tpu.dma_semaphore, #tpu.memory_space<semaphore_mem>>
        %dma_wait3A_624 = tpu.memref_squeeze %dma_wait3A_623 : memref<1x!tpu.dma_semaphore, #tpu.memory_space<semaphore_mem>> -> memref<!tpu.dma_semaphore, #tpu.memory_space<semaphore_mem>>
        tpu.wait_indirect_dma semaphore(%dma_wait3A_624 : memref<!tpu.dma_semaphore, #tpu.memory_space<semaphore_mem>>) src(%dma_wait3A_616 : memref<128x16xf32, #tpu.memory_space<vmem>>) dst(%dma_wait3A_622 : memref<10240x16xf32, #tpu.memory_space<vmem_shared>>)
      } else {
      }
      %dma_start3A_202 = arith.constant 1 : i32
      %dma_start3A_203 = arith.constant 1 : i32
      %dma_start3A_204 = arith.constant 0 : i32
      %dma_start3A_205 = arith.constant 0 : i32
      %dma_start3A_206 = tpu.memref_slice %arg8[%dma_start3A_202, %dma_start3A_204, %dma_start3A_205] : memref<8x128x16xf32, #tpu.memory_space<vmem>> -> memref<1x128x16xf32, #tpu.memory_space<vmem>>
      %dma_start3A_207 = tpu.memref_squeeze %dma_start3A_206 : memref<1x128x16xf32, #tpu.memory_space<vmem>> -> memref<128x16xf32, #tpu.memory_space<vmem>>
      %dma_start3A_208 = arith.constant 0 : i32
      %dma_start3A_209 = tpu.memref_slice %arg6[%add3A_196, %dma_start3A_208] : memref<80x128xi32, #tpu.memory_space<vmem>> -> memref<1x128xi32, #tpu.memory_space<vmem>>
      %dma_start3A_210 = tpu.memref_squeeze %dma_start3A_209 : memref<1x128xi32, #tpu.memory_space<vmem>> -> memref<128xi32, #tpu.memory_space<vmem>>
      %dma_start3A_211 = arith.constant 0 : i32
      %dma_start3A_212 = arith.constant 0 : i32
      %dma_start3A_213 = tpu.memref_slice %arg2[%dma_start3A_211, %dma_start3A_212] : memref<10240x16xf32, #tpu.memory_space<hbm>> -> memref<10240x16xf32, #tpu.memory_space<hbm>>
      %dma_start3A_214 = tpu.memref_slice %arg11[%dma_start3A_203] : memref<8x!tpu.dma_semaphore, #tpu.memory_space<semaphore_mem>> -> memref<1x!tpu.dma_semaphore, #tpu.memory_space<semaphore_mem>>
      %dma_start3A_215 = tpu.memref_squeeze %dma_start3A_214 : memref<1x!tpu.dma_semaphore, #tpu.memory_space<semaphore_mem>> -> memref<!tpu.dma_semaphore, #tpu.memory_space<semaphore_mem>>
      tpu.enqueue_indirect_dma source(%dma_start3A_213 : memref<10240x16xf32, #tpu.memory_space<hbm>>) target(%dma_start3A_207 : memref<128x16xf32, #tpu.memory_space<vmem>>) offsets(%dma_start3A_210 : memref<128xi32, #tpu.memory_space<vmem>>) semaphore(%dma_start3A_215 : memref<!tpu.dma_semaphore, #tpu.memory_space<semaphore_mem>>)
      %mul3A_216 = arith.constant 8 : i32
      %mul3A_217 = arith.muli %scan3A_173, %mul3A_216 : i32
      %add3A_218 = arith.constant 2 : i32
      %add3A_219 = arith.addi %mul3A_217, %add3A_218 : i32
      %gt3A_220 = arith.constant 0 : i32
      %gt3A_221 = arith.cmpi sgt, %scan3A_173, %gt3A_220 : i32
      %convert_element_type3A_222 = arith.extui %gt3A_221 : i1 to i32
      %cond3A_223 = arith.constant 0 : i32
      %cond3A_224 = arith.cmpi ne, %convert_element_type3A_222, %cond3A_223 : i32
      scf.if %cond3A_224 {
        %sub3A = arith.constant 8 : i32
        %sub3A_610 = arith.subi %add3A_219, %sub3A : i32
        %dma_wait3A_611 = arith.constant 2 : i32
        %dma_wait3A_612 = arith.constant 2 : i32
        %dma_wait3A_613 = arith.constant 0 : i32
        %dma_wait3A_614 = arith.constant 0 : i32
        %dma_wait3A_615 = tpu.memref_slice %arg8[%dma_wait3A_611, %dma_wait3A_613, %dma_wait3A_614] : memref<8x128x16xf32, #tpu.memory_space<vmem>> -> memref<1x128x16xf32, #tpu.memory_space<vmem>>
        %dma_wait3A_616 = tpu.memref_squeeze %dma_wait3A_615 : memref<1x128x16xf32, #tpu.memory_space<vmem>> -> memref<128x16xf32, #tpu.memory_space<vmem>>
        %dma_wait3A_617 = arith.constant 0 : i32
        %dma_wait3A_618 = tpu.memref_slice %arg7[%sub3A_610, %dma_wait3A_617] : memref<80x128xi32, #tpu.memory_space<vmem>> -> memref<1x128xi32, #tpu.memory_space<vmem>>
        %dma_wait3A_619 = tpu.memref_squeeze %dma_wait3A_618 : memref<1x128xi32, #tpu.memory_space<vmem>> -> memref<128xi32, #tpu.memory_space<vmem>>
        %dma_wait3A_620 = arith.constant 0 : i32
        %dma_wait3A_621 = arith.constant 0 : i32
        %dma_wait3A_622 = tpu.memref_slice %arg10[%dma_wait3A_620, %dma_wait3A_621] : memref<10240x16xf32, #tpu.memory_space<vmem_shared>> -> memref<10240x16xf32, #tpu.memory_space<vmem_shared>>
        %dma_wait3A_623 = tpu.memref_slice %arg12[%dma_wait3A_612] : memref<8x!tpu.dma_semaphore, #tpu.memory_space<semaphore_mem>> -> memref<1x!tpu.dma_semaphore, #tpu.memory_space<semaphore_mem>>
        %dma_wait3A_624 = tpu.memref_squeeze %dma_wait3A_623 : memref<1x!tpu.dma_semaphore, #tpu.memory_space<semaphore_mem>> -> memref<!tpu.dma_semaphore, #tpu.memory_space<semaphore_mem>>
        tpu.wait_indirect_dma semaphore(%dma_wait3A_624 : memref<!tpu.dma_semaphore, #tpu.memory_space<semaphore_mem>>) src(%dma_wait3A_616 : memref<128x16xf32, #tpu.memory_space<vmem>>) dst(%dma_wait3A_622 : memref<10240x16xf32, #tpu.memory_space<vmem_shared>>)
      } else {
      }
      %dma_start3A_225 = arith.constant 2 : i32
      %dma_start3A_226 = arith.constant 2 : i32
      %dma_start3A_227 = arith.constant 0 : i32
      %dma_start3A_228 = arith.constant 0 : i32
      %dma_start3A_229 = tpu.memref_slice %arg8[%dma_start3A_225, %dma_start3A_227, %dma_start3A_228] : memref<8x128x16xf32, #tpu.memory_space<vmem>> -> memref<1x128x16xf32, #tpu.memory_space<vmem>>
      %dma_start3A_230 = tpu.memref_squeeze %dma_start3A_229 : memref<1x128x16xf32, #tpu.memory_space<vmem>> -> memref<128x16xf32, #tpu.memory_space<vmem>>
      %dma_start3A_231 = arith.constant 0 : i32
      %dma_start3A_232 = tpu.memref_slice %arg6[%add3A_219, %dma_start3A_231] : memref<80x128xi32, #tpu.memory_space<vmem>> -> memref<1x128xi32, #tpu.memory_space<vmem>>
      %dma_start3A_233 = tpu.memref_squeeze %dma_start3A_232 : memref<1x128xi32, #tpu.memory_space<vmem>> -> memref<128xi32, #tpu.memory_space<vmem>>
      %dma_start3A_234 = arith.constant 0 : i32
      %dma_start3A_235 = arith.constant 0 : i32
      %dma_start3A_236 = tpu.memref_slice %arg2[%dma_start3A_234, %dma_start3A_235] : memref<10240x16xf32, #tpu.memory_space<hbm>> -> memref<10240x16xf32, #tpu.memory_space<hbm>>
      %dma_start3A_237 = tpu.memref_slice %arg11[%dma_start3A_226] : memref<8x!tpu.dma_semaphore, #tpu.memory_space<semaphore_mem>> -> memref<1x!tpu.dma_semaphore, #tpu.memory_space<semaphore_mem>>
      %dma_start3A_238 = tpu.memref_squeeze %dma_start3A_237 : memref<1x!tpu.dma_semaphore, #tpu.memory_space<semaphore_mem>> -> memref<!tpu.dma_semaphore, #tpu.memory_space<semaphore_mem>>
      tpu.enqueue_indirect_dma source(%dma_start3A_236 : memref<10240x16xf32, #tpu.memory_space<hbm>>) target(%dma_start3A_230 : memref<128x16xf32, #tpu.memory_space<vmem>>) offsets(%dma_start3A_233 : memref<128xi32, #tpu.memory_space<vmem>>) semaphore(%dma_start3A_238 : memref<!tpu.dma_semaphore, #tpu.memory_space<semaphore_mem>>)
      %mul3A_239 = arith.constant 8 : i32
      %mul3A_240 = arith.muli %scan3A_173, %mul3A_239 : i32
      %add3A_241 = arith.constant 3 : i32
      %add3A_242 = arith.addi %mul3A_240, %add3A_241 : i32
      %gt3A_243 = arith.constant 0 : i32
      %gt3A_244 = arith.cmpi sgt, %scan3A_173, %gt3A_243 : i32
      %convert_element_type3A_245 = arith.extui %gt3A_244 : i1 to i32
      %cond3A_246 = arith.constant 0 : i32
      %cond3A_247 = arith.cmpi ne, %convert_element_type3A_245, %cond3A_246 : i32
      scf.if %cond3A_247 {
        %sub3A = arith.constant 8 : i32
        %sub3A_610 = arith.subi %add3A_242, %sub3A : i32
        %dma_wait3A_611 = arith.constant 3 : i32
        %dma_wait3A_612 = arith.constant 3 : i32
        %dma_wait3A_613 = arith.constant 0 : i32
        %dma_wait3A_614 = arith.constant 0 : i32
        %dma_wait3A_615 = tpu.memref_slice %arg8[%dma_wait3A_611, %dma_wait3A_613, %dma_wait3A_614] : memref<8x128x16xf32, #tpu.memory_space<vmem>> -> memref<1x128x16xf32, #tpu.memory_space<vmem>>
        %dma_wait3A_616 = tpu.memref_squeeze %dma_wait3A_615 : memref<1x128x16xf32, #tpu.memory_space<vmem>> -> memref<128x16xf32, #tpu.memory_space<vmem>>
        %dma_wait3A_617 = arith.constant 0 : i32
        %dma_wait3A_618 = tpu.memref_slice %arg7[%sub3A_610, %dma_wait3A_617] : memref<80x128xi32, #tpu.memory_space<vmem>> -> memref<1x128xi32, #tpu.memory_space<vmem>>
        %dma_wait3A_619 = tpu.memref_squeeze %dma_wait3A_618 : memref<1x128xi32, #tpu.memory_space<vmem>> -> memref<128xi32, #tpu.memory_space<vmem>>
        %dma_wait3A_620 = arith.constant 0 : i32
        %dma_wait3A_621 = arith.constant 0 : i32
        %dma_wait3A_622 = tpu.memref_slice %arg10[%dma_wait3A_620, %dma_wait3A_621] : memref<10240x16xf32, #tpu.memory_space<vmem_shared>> -> memref<10240x16xf32, #tpu.memory_space<vmem_shared>>
        %dma_wait3A_623 = tpu.memref_slice %arg12[%dma_wait3A_612] : memref<8x!tpu.dma_semaphore, #tpu.memory_space<semaphore_mem>> -> memref<1x!tpu.dma_semaphore, #tpu.memory_space<semaphore_mem>>
        %dma_wait3A_624 = tpu.memref_squeeze %dma_wait3A_623 : memref<1x!tpu.dma_semaphore, #tpu.memory_space<semaphore_mem>> -> memref<!tpu.dma_semaphore, #tpu.memory_space<semaphore_mem>>
        tpu.wait_indirect_dma semaphore(%dma_wait3A_624 : memref<!tpu.dma_semaphore, #tpu.memory_space<semaphore_mem>>) src(%dma_wait3A_616 : memref<128x16xf32, #tpu.memory_space<vmem>>) dst(%dma_wait3A_622 : memref<10240x16xf32, #tpu.memory_space<vmem_shared>>)
      } else {
      }
      %dma_start3A_248 = arith.constant 3 : i32
      %dma_start3A_249 = arith.constant 3 : i32
      %dma_start3A_250 = arith.constant 0 : i32
      %dma_start3A_251 = arith.constant 0 : i32
      %dma_start3A_252 = tpu.memref_slice %arg8[%dma_start3A_248, %dma_start3A_250, %dma_start3A_251] : memref<8x128x16xf32, #tpu.memory_space<vmem>> -> memref<1x128x16xf32, #tpu.memory_space<vmem>>
      %dma_start3A_253 = tpu.memref_squeeze %dma_start3A_252 : memref<1x128x16xf32, #tpu.memory_space<vmem>> -> memref<128x16xf32, #tpu.memory_space<vmem>>
      %dma_start3A_254 = arith.constant 0 : i32
      %dma_start3A_255 = tpu.memref_slice %arg6[%add3A_242, %dma_start3A_254] : memref<80x128xi32, #tpu.memory_space<vmem>> -> memref<1x128xi32, #tpu.memory_space<vmem>>
      %dma_start3A_256 = tpu.memref_squeeze %dma_start3A_255 : memref<1x128xi32, #tpu.memory_space<vmem>> -> memref<128xi32, #tpu.memory_space<vmem>>
      %dma_start3A_257 = arith.constant 0 : i32
      %dma_start3A_258 = arith.constant 0 : i32
      %dma_start3A_259 = tpu.memref_slice %arg2[%dma_start3A_257, %dma_start3A_258] : memref<10240x16xf32, #tpu.memory_space<hbm>> -> memref<10240x16xf32, #tpu.memory_space<hbm>>
      %dma_start3A_260 = tpu.memref_slice %arg11[%dma_start3A_249] : memref<8x!tpu.dma_semaphore, #tpu.memory_space<semaphore_mem>> -> memref<1x!tpu.dma_semaphore, #tpu.memory_space<semaphore_mem>>
      %dma_start3A_261 = tpu.memref_squeeze %dma_start3A_260 : memref<1x!tpu.dma_semaphore, #tpu.memory_space<semaphore_mem>> -> memref<!tpu.dma_semaphore, #tpu.memory_space<semaphore_mem>>
      tpu.enqueue_indirect_dma source(%dma_start3A_259 : memref<10240x16xf32, #tpu.memory_space<hbm>>) target(%dma_start3A_253 : memref<128x16xf32, #tpu.memory_space<vmem>>) offsets(%dma_start3A_256 : memref<128xi32, #tpu.memory_space<vmem>>) semaphore(%dma_start3A_261 : memref<!tpu.dma_semaphore, #tpu.memory_space<semaphore_mem>>)
      %mul3A_262 = arith.constant 8 : i32
      %mul3A_263 = arith.muli %scan3A_173, %mul3A_262 : i32
      %add3A_264 = arith.constant 4 : i32
      %add3A_265 = arith.addi %mul3A_263, %add3A_264 : i32
      %gt3A_266 = arith.constant 0 : i32
      %gt3A_267 = arith.cmpi sgt, %scan3A_173, %gt3A_266 : i32
      %convert_element_type3A_268 = arith.extui %gt3A_267 : i1 to i32
      %cond3A_269 = arith.constant 0 : i32
      %cond3A_270 = arith.cmpi ne, %convert_element_type3A_268, %cond3A_269 : i32
      scf.if %cond3A_270 {
        %sub3A = arith.constant 8 : i32
        %sub3A_610 = arith.subi %add3A_265, %sub3A : i32
        %dma_wait3A_611 = arith.constant 4 : i32
        %dma_wait3A_612 = arith.constant 4 : i32
        %dma_wait3A_613 = arith.constant 0 : i32
        %dma_wait3A_614 = arith.constant 0 : i32
        %dma_wait3A_615 = tpu.memref_slice %arg8[%dma_wait3A_611, %dma_wait3A_613, %dma_wait3A_614] : memref<8x128x16xf32, #tpu.memory_space<vmem>> -> memref<1x128x16xf32, #tpu.memory_space<vmem>>
        %dma_wait3A_616 = tpu.memref_squeeze %dma_wait3A_615 : memref<1x128x16xf32, #tpu.memory_space<vmem>> -> memref<128x16xf32, #tpu.memory_space<vmem>>
        %dma_wait3A_617 = arith.constant 0 : i32
        %dma_wait3A_618 = tpu.memref_slice %arg7[%sub3A_610, %dma_wait3A_617] : memref<80x128xi32, #tpu.memory_space<vmem>> -> memref<1x128xi32, #tpu.memory_space<vmem>>
        %dma_wait3A_619 = tpu.memref_squeeze %dma_wait3A_618 : memref<1x128xi32, #tpu.memory_space<vmem>> -> memref<128xi32, #tpu.memory_space<vmem>>
        %dma_wait3A_620 = arith.constant 0 : i32
        %dma_wait3A_621 = arith.constant 0 : i32
        %dma_wait3A_622 = tpu.memref_slice %arg10[%dma_wait3A_620, %dma_wait3A_621] : memref<10240x16xf32, #tpu.memory_space<vmem_shared>> -> memref<10240x16xf32, #tpu.memory_space<vmem_shared>>
        %dma_wait3A_623 = tpu.memref_slice %arg12[%dma_wait3A_612] : memref<8x!tpu.dma_semaphore, #tpu.memory_space<semaphore_mem>> -> memref<1x!tpu.dma_semaphore, #tpu.memory_space<semaphore_mem>>
        %dma_wait3A_624 = tpu.memref_squeeze %dma_wait3A_623 : memref<1x!tpu.dma_semaphore, #tpu.memory_space<semaphore_mem>> -> memref<!tpu.dma_semaphore, #tpu.memory_space<semaphore_mem>>
        tpu.wait_indirect_dma semaphore(%dma_wait3A_624 : memref<!tpu.dma_semaphore, #tpu.memory_space<semaphore_mem>>) src(%dma_wait3A_616 : memref<128x16xf32, #tpu.memory_space<vmem>>) dst(%dma_wait3A_622 : memref<10240x16xf32, #tpu.memory_space<vmem_shared>>)
      } else {
      }
      %dma_start3A_271 = arith.constant 4 : i32
      %dma_start3A_272 = arith.constant 4 : i32
      %dma_start3A_273 = arith.constant 0 : i32
      %dma_start3A_274 = arith.constant 0 : i32
      %dma_start3A_275 = tpu.memref_slice %arg8[%dma_start3A_271, %dma_start3A_273, %dma_start3A_274] : memref<8x128x16xf32, #tpu.memory_space<vmem>> -> memref<1x128x16xf32, #tpu.memory_space<vmem>>
      %dma_start3A_276 = tpu.memref_squeeze %dma_start3A_275 : memref<1x128x16xf32, #tpu.memory_space<vmem>> -> memref<128x16xf32, #tpu.memory_space<vmem>>
      %dma_start3A_277 = arith.constant 0 : i32
      %dma_start3A_278 = tpu.memref_slice %arg6[%add3A_265, %dma_start3A_277] : memref<80x128xi32, #tpu.memory_space<vmem>> -> memref<1x128xi32, #tpu.memory_space<vmem>>
      %dma_start3A_279 = tpu.memref_squeeze %dma_start3A_278 : memref<1x128xi32, #tpu.memory_space<vmem>> -> memref<128xi32, #tpu.memory_space<vmem>>
      %dma_start3A_280 = arith.constant 0 : i32
      %dma_start3A_281 = arith.constant 0 : i32
      %dma_start3A_282 = tpu.memref_slice %arg2[%dma_start3A_280, %dma_start3A_281] : memref<10240x16xf32, #tpu.memory_space<hbm>> -> memref<10240x16xf32, #tpu.memory_space<hbm>>
      %dma_start3A_283 = tpu.memref_slice %arg11[%dma_start3A_272] : memref<8x!tpu.dma_semaphore, #tpu.memory_space<semaphore_mem>> -> memref<1x!tpu.dma_semaphore, #tpu.memory_space<semaphore_mem>>
      %dma_start3A_284 = tpu.memref_squeeze %dma_start3A_283 : memref<1x!tpu.dma_semaphore, #tpu.memory_space<semaphore_mem>> -> memref<!tpu.dma_semaphore, #tpu.memory_space<semaphore_mem>>
      tpu.enqueue_indirect_dma source(%dma_start3A_282 : memref<10240x16xf32, #tpu.memory_space<hbm>>) target(%dma_start3A_276 : memref<128x16xf32, #tpu.memory_space<vmem>>) offsets(%dma_start3A_279 : memref<128xi32, #tpu.memory_space<vmem>>) semaphore(%dma_start3A_284 : memref<!tpu.dma_semaphore, #tpu.memory_space<semaphore_mem>>)
      %mul3A_285 = arith.constant 8 : i32
      %mul3A_286 = arith.muli %scan3A_173, %mul3A_285 : i32
      %add3A_287 = arith.constant 5 : i32
      %add3A_288 = arith.addi %mul3A_286, %add3A_287 : i32
      %gt3A_289 = arith.constant 0 : i32
      %gt3A_290 = arith.cmpi sgt, %scan3A_173, %gt3A_289 : i32
      %convert_element_type3A_291 = arith.extui %gt3A_290 : i1 to i32
      %cond3A_292 = arith.constant 0 : i32
      %cond3A_293 = arith.cmpi ne, %convert_element_type3A_291, %cond3A_292 : i32
      scf.if %cond3A_293 {
        %sub3A = arith.constant 8 : i32
        %sub3A_610 = arith.subi %add3A_288, %sub3A : i32
        %dma_wait3A_611 = arith.constant 5 : i32
        %dma_wait3A_612 = arith.constant 5 : i32
        %dma_wait3A_613 = arith.constant 0 : i32
        %dma_wait3A_614 = arith.constant 0 : i32
        %dma_wait3A_615 = tpu.memref_slice %arg8[%dma_wait3A_611, %dma_wait3A_613, %dma_wait3A_614] : memref<8x128x16xf32, #tpu.memory_space<vmem>> -> memref<1x128x16xf32, #tpu.memory_space<vmem>>
        %dma_wait3A_616 = tpu.memref_squeeze %dma_wait3A_615 : memref<1x128x16xf32, #tpu.memory_space<vmem>> -> memref<128x16xf32, #tpu.memory_space<vmem>>
        %dma_wait3A_617 = arith.constant 0 : i32
        %dma_wait3A_618 = tpu.memref_slice %arg7[%sub3A_610, %dma_wait3A_617] : memref<80x128xi32, #tpu.memory_space<vmem>> -> memref<1x128xi32, #tpu.memory_space<vmem>>
        %dma_wait3A_619 = tpu.memref_squeeze %dma_wait3A_618 : memref<1x128xi32, #tpu.memory_space<vmem>> -> memref<128xi32, #tpu.memory_space<vmem>>
        %dma_wait3A_620 = arith.constant 0 : i32
        %dma_wait3A_621 = arith.constant 0 : i32
        %dma_wait3A_622 = tpu.memref_slice %arg10[%dma_wait3A_620, %dma_wait3A_621] : memref<10240x16xf32, #tpu.memory_space<vmem_shared>> -> memref<10240x16xf32, #tpu.memory_space<vmem_shared>>
        %dma_wait3A_623 = tpu.memref_slice %arg12[%dma_wait3A_612] : memref<8x!tpu.dma_semaphore, #tpu.memory_space<semaphore_mem>> -> memref<1x!tpu.dma_semaphore, #tpu.memory_space<semaphore_mem>>
        %dma_wait3A_624 = tpu.memref_squeeze %dma_wait3A_623 : memref<1x!tpu.dma_semaphore, #tpu.memory_space<semaphore_mem>> -> memref<!tpu.dma_semaphore, #tpu.memory_space<semaphore_mem>>
        tpu.wait_indirect_dma semaphore(%dma_wait3A_624 : memref<!tpu.dma_semaphore, #tpu.memory_space<semaphore_mem>>) src(%dma_wait3A_616 : memref<128x16xf32, #tpu.memory_space<vmem>>) dst(%dma_wait3A_622 : memref<10240x16xf32, #tpu.memory_space<vmem_shared>>)
      } else {
      }
      %dma_start3A_294 = arith.constant 5 : i32
      %dma_start3A_295 = arith.constant 5 : i32
      %dma_start3A_296 = arith.constant 0 : i32
      %dma_start3A_297 = arith.constant 0 : i32
      %dma_start3A_298 = tpu.memref_slice %arg8[%dma_start3A_294, %dma_start3A_296, %dma_start3A_297] : memref<8x128x16xf32, #tpu.memory_space<vmem>> -> memref<1x128x16xf32, #tpu.memory_space<vmem>>
      %dma_start3A_299 = tpu.memref_squeeze %dma_start3A_298 : memref<1x128x16xf32, #tpu.memory_space<vmem>> -> memref<128x16xf32, #tpu.memory_space<vmem>>
      %dma_start3A_300 = arith.constant 0 : i32
      %dma_start3A_301 = tpu.memref_slice %arg6[%add3A_288, %dma_start3A_300] : memref<80x128xi32, #tpu.memory_space<vmem>> -> memref<1x128xi32, #tpu.memory_space<vmem>>
      %dma_start3A_302 = tpu.memref_squeeze %dma_start3A_301 : memref<1x128xi32, #tpu.memory_space<vmem>> -> memref<128xi32, #tpu.memory_space<vmem>>
      %dma_start3A_303 = arith.constant 0 : i32
      %dma_start3A_304 = arith.constant 0 : i32
      %dma_start3A_305 = tpu.memref_slice %arg2[%dma_start3A_303, %dma_start3A_304] : memref<10240x16xf32, #tpu.memory_space<hbm>> -> memref<10240x16xf32, #tpu.memory_space<hbm>>
      %dma_start3A_306 = tpu.memref_slice %arg11[%dma_start3A_295] : memref<8x!tpu.dma_semaphore, #tpu.memory_space<semaphore_mem>> -> memref<1x!tpu.dma_semaphore, #tpu.memory_space<semaphore_mem>>
      %dma_start3A_307 = tpu.memref_squeeze %dma_start3A_306 : memref<1x!tpu.dma_semaphore, #tpu.memory_space<semaphore_mem>> -> memref<!tpu.dma_semaphore, #tpu.memory_space<semaphore_mem>>
      tpu.enqueue_indirect_dma source(%dma_start3A_305 : memref<10240x16xf32, #tpu.memory_space<hbm>>) target(%dma_start3A_299 : memref<128x16xf32, #tpu.memory_space<vmem>>) offsets(%dma_start3A_302 : memref<128xi32, #tpu.memory_space<vmem>>) semaphore(%dma_start3A_307 : memref<!tpu.dma_semaphore, #tpu.memory_space<semaphore_mem>>)
      %mul3A_308 = arith.constant 8 : i32
      %mul3A_309 = arith.muli %scan3A_173, %mul3A_308 : i32
      %add3A_310 = arith.constant 6 : i32
      %add3A_311 = arith.addi %mul3A_309, %add3A_310 : i32
      %gt3A_312 = arith.constant 0 : i32
      %gt3A_313 = arith.cmpi sgt, %scan3A_173, %gt3A_312 : i32
      %convert_element_type3A_314 = arith.extui %gt3A_313 : i1 to i32
      %cond3A_315 = arith.constant 0 : i32
      %cond3A_316 = arith.cmpi ne, %convert_element_type3A_314, %cond3A_315 : i32
      scf.if %cond3A_316 {
        %sub3A = arith.constant 8 : i32
        %sub3A_610 = arith.subi %add3A_311, %sub3A : i32
        %dma_wait3A_611 = arith.constant 6 : i32
        %dma_wait3A_612 = arith.constant 6 : i32
        %dma_wait3A_613 = arith.constant 0 : i32
        %dma_wait3A_614 = arith.constant 0 : i32
        %dma_wait3A_615 = tpu.memref_slice %arg8[%dma_wait3A_611, %dma_wait3A_613, %dma_wait3A_614] : memref<8x128x16xf32, #tpu.memory_space<vmem>> -> memref<1x128x16xf32, #tpu.memory_space<vmem>>
        %dma_wait3A_616 = tpu.memref_squeeze %dma_wait3A_615 : memref<1x128x16xf32, #tpu.memory_space<vmem>> -> memref<128x16xf32, #tpu.memory_space<vmem>>
        %dma_wait3A_617 = arith.constant 0 : i32
        %dma_wait3A_618 = tpu.memref_slice %arg7[%sub3A_610, %dma_wait3A_617] : memref<80x128xi32, #tpu.memory_space<vmem>> -> memref<1x128xi32, #tpu.memory_space<vmem>>
        %dma_wait3A_619 = tpu.memref_squeeze %dma_wait3A_618 : memref<1x128xi32, #tpu.memory_space<vmem>> -> memref<128xi32, #tpu.memory_space<vmem>>
        %dma_wait3A_620 = arith.constant 0 : i32
        %dma_wait3A_621 = arith.constant 0 : i32
        %dma_wait3A_622 = tpu.memref_slice %arg10[%dma_wait3A_620, %dma_wait3A_621] : memref<10240x16xf32, #tpu.memory_space<vmem_shared>> -> memref<10240x16xf32, #tpu.memory_space<vmem_shared>>
        %dma_wait3A_623 = tpu.memref_slice %arg12[%dma_wait3A_612] : memref<8x!tpu.dma_semaphore, #tpu.memory_space<semaphore_mem>> -> memref<1x!tpu.dma_semaphore, #tpu.memory_space<semaphore_mem>>
        %dma_wait3A_624 = tpu.memref_squeeze %dma_wait3A_623 : memref<1x!tpu.dma_semaphore, #tpu.memory_space<semaphore_mem>> -> memref<!tpu.dma_semaphore, #tpu.memory_space<semaphore_mem>>
        tpu.wait_indirect_dma semaphore(%dma_wait3A_624 : memref<!tpu.dma_semaphore, #tpu.memory_space<semaphore_mem>>) src(%dma_wait3A_616 : memref<128x16xf32, #tpu.memory_space<vmem>>) dst(%dma_wait3A_622 : memref<10240x16xf32, #tpu.memory_space<vmem_shared>>)
      } else {
      }
      %dma_start3A_317 = arith.constant 6 : i32
      %dma_start3A_318 = arith.constant 6 : i32
      %dma_start3A_319 = arith.constant 0 : i32
      %dma_start3A_320 = arith.constant 0 : i32
      %dma_start3A_321 = tpu.memref_slice %arg8[%dma_start3A_317, %dma_start3A_319, %dma_start3A_320] : memref<8x128x16xf32, #tpu.memory_space<vmem>> -> memref<1x128x16xf32, #tpu.memory_space<vmem>>
      %dma_start3A_322 = tpu.memref_squeeze %dma_start3A_321 : memref<1x128x16xf32, #tpu.memory_space<vmem>> -> memref<128x16xf32, #tpu.memory_space<vmem>>
      %dma_start3A_323 = arith.constant 0 : i32
      %dma_start3A_324 = tpu.memref_slice %arg6[%add3A_311, %dma_start3A_323] : memref<80x128xi32, #tpu.memory_space<vmem>> -> memref<1x128xi32, #tpu.memory_space<vmem>>
      %dma_start3A_325 = tpu.memref_squeeze %dma_start3A_324 : memref<1x128xi32, #tpu.memory_space<vmem>> -> memref<128xi32, #tpu.memory_space<vmem>>
      %dma_start3A_326 = arith.constant 0 : i32
      %dma_start3A_327 = arith.constant 0 : i32
      %dma_start3A_328 = tpu.memref_slice %arg2[%dma_start3A_326, %dma_start3A_327] : memref<10240x16xf32, #tpu.memory_space<hbm>> -> memref<10240x16xf32, #tpu.memory_space<hbm>>
      %dma_start3A_329 = tpu.memref_slice %arg11[%dma_start3A_318] : memref<8x!tpu.dma_semaphore, #tpu.memory_space<semaphore_mem>> -> memref<1x!tpu.dma_semaphore, #tpu.memory_space<semaphore_mem>>
      %dma_start3A_330 = tpu.memref_squeeze %dma_start3A_329 : memref<1x!tpu.dma_semaphore, #tpu.memory_space<semaphore_mem>> -> memref<!tpu.dma_semaphore, #tpu.memory_space<semaphore_mem>>
      tpu.enqueue_indirect_dma source(%dma_start3A_328 : memref<10240x16xf32, #tpu.memory_space<hbm>>) target(%dma_start3A_322 : memref<128x16xf32, #tpu.memory_space<vmem>>) offsets(%dma_start3A_325 : memref<128xi32, #tpu.memory_space<vmem>>) semaphore(%dma_start3A_330 : memref<!tpu.dma_semaphore, #tpu.memory_space<semaphore_mem>>)
      %mul3A_331 = arith.constant 8 : i32
      %mul3A_332 = arith.muli %scan3A_173, %mul3A_331 : i32
      %add3A_333 = arith.constant 7 : i32
      %add3A_334 = arith.addi %mul3A_332, %add3A_333 : i32
      %gt3A_335 = arith.constant 0 : i32
      %gt3A_336 = arith.cmpi sgt, %scan3A_173, %gt3A_335 : i32
      %convert_element_type3A_337 = arith.extui %gt3A_336 : i1 to i32
      %cond3A_338 = arith.constant 0 : i32
      %cond3A_339 = arith.cmpi ne, %convert_element_type3A_337, %cond3A_338 : i32
      scf.if %cond3A_339 {
        %sub3A = arith.constant 8 : i32
        %sub3A_610 = arith.subi %add3A_334, %sub3A : i32
        %dma_wait3A_611 = arith.constant 7 : i32
        %dma_wait3A_612 = arith.constant 7 : i32
        %dma_wait3A_613 = arith.constant 0 : i32
        %dma_wait3A_614 = arith.constant 0 : i32
        %dma_wait3A_615 = tpu.memref_slice %arg8[%dma_wait3A_611, %dma_wait3A_613, %dma_wait3A_614] : memref<8x128x16xf32, #tpu.memory_space<vmem>> -> memref<1x128x16xf32, #tpu.memory_space<vmem>>
        %dma_wait3A_616 = tpu.memref_squeeze %dma_wait3A_615 : memref<1x128x16xf32, #tpu.memory_space<vmem>> -> memref<128x16xf32, #tpu.memory_space<vmem>>
        %dma_wait3A_617 = arith.constant 0 : i32
        %dma_wait3A_618 = tpu.memref_slice %arg7[%sub3A_610, %dma_wait3A_617] : memref<80x128xi32, #tpu.memory_space<vmem>> -> memref<1x128xi32, #tpu.memory_space<vmem>>
        %dma_wait3A_619 = tpu.memref_squeeze %dma_wait3A_618 : memref<1x128xi32, #tpu.memory_space<vmem>> -> memref<128xi32, #tpu.memory_space<vmem>>
        %dma_wait3A_620 = arith.constant 0 : i32
        %dma_wait3A_621 = arith.constant 0 : i32
        %dma_wait3A_622 = tpu.memref_slice %arg10[%dma_wait3A_620, %dma_wait3A_621] : memref<10240x16xf32, #tpu.memory_space<vmem_shared>> -> memref<10240x16xf32, #tpu.memory_space<vmem_shared>>
        %dma_wait3A_623 = tpu.memref_slice %arg12[%dma_wait3A_612] : memref<8x!tpu.dma_semaphore, #tpu.memory_space<semaphore_mem>> -> memref<1x!tpu.dma_semaphore, #tpu.memory_space<semaphore_mem>>
        %dma_wait3A_624 = tpu.memref_squeeze %dma_wait3A_623 : memref<1x!tpu.dma_semaphore, #tpu.memory_space<semaphore_mem>> -> memref<!tpu.dma_semaphore, #tpu.memory_space<semaphore_mem>>
        tpu.wait_indirect_dma semaphore(%dma_wait3A_624 : memref<!tpu.dma_semaphore, #tpu.memory_space<semaphore_mem>>) src(%dma_wait3A_616 : memref<128x16xf32, #tpu.memory_space<vmem>>) dst(%dma_wait3A_622 : memref<10240x16xf32, #tpu.memory_space<vmem_shared>>)
      } else {
      }
      %dma_start3A_340 = arith.constant 7 : i32
      %dma_start3A_341 = arith.constant 7 : i32
      %dma_start3A_342 = arith.constant 0 : i32
      %dma_start3A_343 = arith.constant 0 : i32
      %dma_start3A_344 = tpu.memref_slice %arg8[%dma_start3A_340, %dma_start3A_342, %dma_start3A_343] : memref<8x128x16xf32, #tpu.memory_space<vmem>> -> memref<1x128x16xf32, #tpu.memory_space<vmem>>
      %dma_start3A_345 = tpu.memref_squeeze %dma_start3A_344 : memref<1x128x16xf32, #tpu.memory_space<vmem>> -> memref<128x16xf32, #tpu.memory_space<vmem>>
      %dma_start3A_346 = arith.constant 0 : i32
      %dma_start3A_347 = tpu.memref_slice %arg6[%add3A_334, %dma_start3A_346] : memref<80x128xi32, #tpu.memory_space<vmem>> -> memref<1x128xi32, #tpu.memory_space<vmem>>
      %dma_start3A_348 = tpu.memref_squeeze %dma_start3A_347 : memref<1x128xi32, #tpu.memory_space<vmem>> -> memref<128xi32, #tpu.memory_space<vmem>>
      %dma_start3A_349 = arith.constant 0 : i32
      %dma_start3A_350 = arith.constant 0 : i32
      %dma_start3A_351 = tpu.memref_slice %arg2[%dma_start3A_349, %dma_start3A_350] : memref<10240x16xf32, #tpu.memory_space<hbm>> -> memref<10240x16xf32, #tpu.memory_space<hbm>>
      %dma_start3A_352 = tpu.memref_slice %arg11[%dma_start3A_341] : memref<8x!tpu.dma_semaphore, #tpu.memory_space<semaphore_mem>> -> memref<1x!tpu.dma_semaphore, #tpu.memory_space<semaphore_mem>>
      %dma_start3A_353 = tpu.memref_squeeze %dma_start3A_352 : memref<1x!tpu.dma_semaphore, #tpu.memory_space<semaphore_mem>> -> memref<!tpu.dma_semaphore, #tpu.memory_space<semaphore_mem>>
      tpu.enqueue_indirect_dma source(%dma_start3A_351 : memref<10240x16xf32, #tpu.memory_space<hbm>>) target(%dma_start3A_345 : memref<128x16xf32, #tpu.memory_space<vmem>>) offsets(%dma_start3A_348 : memref<128xi32, #tpu.memory_space<vmem>>) semaphore(%dma_start3A_353 : memref<!tpu.dma_semaphore, #tpu.memory_space<semaphore_mem>>)
      %mul3A_354 = arith.constant 8 : i32
      %mul3A_355 = arith.muli %scan3A_173, %mul3A_354 : i32
      %add3A_356 = arith.constant 0 : i32
      %add3A_357 = arith.addi %mul3A_355, %add3A_356 : i32
      %dma_wait3A_358 = arith.constant 0 : i32
      %dma_wait3A_359 = arith.constant 0 : i32
      %dma_wait3A_360 = arith.constant 0 : i32
      %dma_wait3A_361 = arith.constant 0 : i32
      %dma_wait3A_362 = tpu.memref_slice %arg8[%dma_wait3A_358, %dma_wait3A_360, %dma_wait3A_361] : memref<8x128x16xf32, #tpu.memory_space<vmem>> -> memref<1x128x16xf32, #tpu.memory_space<vmem>>
      %dma_wait3A_363 = tpu.memref_squeeze %dma_wait3A_362 : memref<1x128x16xf32, #tpu.memory_space<vmem>> -> memref<128x16xf32, #tpu.memory_space<vmem>>
      %dma_wait3A_364 = arith.constant 0 : i32
      %dma_wait3A_365 = tpu.memref_slice %arg6[%add3A_177, %dma_wait3A_364] : memref<80x128xi32, #tpu.memory_space<vmem>> -> memref<1x128xi32, #tpu.memory_space<vmem>>
      %dma_wait3A_366 = tpu.memref_squeeze %dma_wait3A_365 : memref<1x128xi32, #tpu.memory_space<vmem>> -> memref<128xi32, #tpu.memory_space<vmem>>
      %dma_wait3A_367 = arith.constant 0 : i32
      %dma_wait3A_368 = arith.constant 0 : i32
      %dma_wait3A_369 = tpu.memref_slice %arg2[%dma_wait3A_367, %dma_wait3A_368] : memref<10240x16xf32, #tpu.memory_space<hbm>> -> memref<10240x16xf32, #tpu.memory_space<hbm>>
      %dma_wait3A_370 = tpu.memref_slice %arg11[%dma_wait3A_359] : memref<8x!tpu.dma_semaphore, #tpu.memory_space<semaphore_mem>> -> memref<1x!tpu.dma_semaphore, #tpu.memory_space<semaphore_mem>>
      %dma_wait3A_371 = tpu.memref_squeeze %dma_wait3A_370 : memref<1x!tpu.dma_semaphore, #tpu.memory_space<semaphore_mem>> -> memref<!tpu.dma_semaphore, #tpu.memory_space<semaphore_mem>>
      tpu.wait_indirect_dma semaphore(%dma_wait3A_371 : memref<!tpu.dma_semaphore, #tpu.memory_space<semaphore_mem>>) src(%dma_wait3A_369 : memref<10240x16xf32, #tpu.memory_space<hbm>>) dst(%dma_wait3A_363 : memref<128x16xf32, #tpu.memory_space<vmem>>)
      %dma_start3A_372 = arith.constant 0 : i32
      %dma_start3A_373 = arith.constant 0 : i32
      %dma_start3A_374 = arith.constant 0 : i32
      %dma_start3A_375 = arith.constant 0 : i32
      %dma_start3A_376 = tpu.memref_slice %arg8[%dma_start3A_372, %dma_start3A_374, %dma_start3A_375] : memref<8x128x16xf32, #tpu.memory_space<vmem>> -> memref<1x128x16xf32, #tpu.memory_space<vmem>>
      %dma_start3A_377 = tpu.memref_squeeze %dma_start3A_376 : memref<1x128x16xf32, #tpu.memory_space<vmem>> -> memref<128x16xf32, #tpu.memory_space<vmem>>
      %dma_start3A_378 = arith.constant 0 : i32
      %dma_start3A_379 = tpu.memref_slice %arg7[%add3A_357, %dma_start3A_378] : memref<80x128xi32, #tpu.memory_space<vmem>> -> memref<1x128xi32, #tpu.memory_space<vmem>>
      %dma_start3A_380 = tpu.memref_squeeze %dma_start3A_379 : memref<1x128xi32, #tpu.memory_space<vmem>> -> memref<128xi32, #tpu.memory_space<vmem>>
      %dma_start3A_381 = arith.constant 0 : i32
      %dma_start3A_382 = arith.constant 0 : i32
      %dma_start3A_383 = tpu.memref_slice %arg10[%dma_start3A_381, %dma_start3A_382] : memref<10240x16xf32, #tpu.memory_space<vmem_shared>> -> memref<10240x16xf32, #tpu.memory_space<vmem_shared>>
      %dma_start3A_384 = tpu.memref_slice %arg12[%dma_start3A_373] : memref<8x!tpu.dma_semaphore, #tpu.memory_space<semaphore_mem>> -> memref<1x!tpu.dma_semaphore, #tpu.memory_space<semaphore_mem>>
      %dma_start3A_385 = tpu.memref_squeeze %dma_start3A_384 : memref<1x!tpu.dma_semaphore, #tpu.memory_space<semaphore_mem>> -> memref<!tpu.dma_semaphore, #tpu.memory_space<semaphore_mem>>
      tpu.enqueue_indirect_dma source(%dma_start3A_377 : memref<128x16xf32, #tpu.memory_space<vmem>>) target(%dma_start3A_383 : memref<10240x16xf32, #tpu.memory_space<vmem_shared>>) offsets(%dma_start3A_380 : memref<128xi32, #tpu.memory_space<vmem>>) semaphore(%dma_start3A_385 : memref<!tpu.dma_semaphore, #tpu.memory_space<semaphore_mem>>) {add = true}
      %mul3A_386 = arith.constant 8 : i32
      %mul3A_387 = arith.muli %scan3A_173, %mul3A_386 : i32
      %add3A_388 = arith.constant 1 : i32
      %add3A_389 = arith.addi %mul3A_387, %add3A_388 : i32
      %dma_wait3A_390 = arith.constant 1 : i32
      %dma_wait3A_391 = arith.constant 1 : i32
      %dma_wait3A_392 = arith.constant 0 : i32
      %dma_wait3A_393 = arith.constant 0 : i32
      %dma_wait3A_394 = tpu.memref_slice %arg8[%dma_wait3A_390, %dma_wait3A_392, %dma_wait3A_393] : memref<8x128x16xf32, #tpu.memory_space<vmem>> -> memref<1x128x16xf32, #tpu.memory_space<vmem>>
      %dma_wait3A_395 = tpu.memref_squeeze %dma_wait3A_394 : memref<1x128x16xf32, #tpu.memory_space<vmem>> -> memref<128x16xf32, #tpu.memory_space<vmem>>
      %dma_wait3A_396 = arith.constant 0 : i32
      %dma_wait3A_397 = tpu.memref_slice %arg6[%add3A_196, %dma_wait3A_396] : memref<80x128xi32, #tpu.memory_space<vmem>> -> memref<1x128xi32, #tpu.memory_space<vmem>>
      %dma_wait3A_398 = tpu.memref_squeeze %dma_wait3A_397 : memref<1x128xi32, #tpu.memory_space<vmem>> -> memref<128xi32, #tpu.memory_space<vmem>>
      %dma_wait3A_399 = arith.constant 0 : i32
      %dma_wait3A_400 = arith.constant 0 : i32
      %dma_wait3A_401 = tpu.memref_slice %arg2[%dma_wait3A_399, %dma_wait3A_400] : memref<10240x16xf32, #tpu.memory_space<hbm>> -> memref<10240x16xf32, #tpu.memory_space<hbm>>
      %dma_wait3A_402 = tpu.memref_slice %arg11[%dma_wait3A_391] : memref<8x!tpu.dma_semaphore, #tpu.memory_space<semaphore_mem>> -> memref<1x!tpu.dma_semaphore, #tpu.memory_space<semaphore_mem>>
      %dma_wait3A_403 = tpu.memref_squeeze %dma_wait3A_402 : memref<1x!tpu.dma_semaphore, #tpu.memory_space<semaphore_mem>> -> memref<!tpu.dma_semaphore, #tpu.memory_space<semaphore_mem>>
      tpu.wait_indirect_dma semaphore(%dma_wait3A_403 : memref<!tpu.dma_semaphore, #tpu.memory_space<semaphore_mem>>) src(%dma_wait3A_401 : memref<10240x16xf32, #tpu.memory_space<hbm>>) dst(%dma_wait3A_395 : memref<128x16xf32, #tpu.memory_space<vmem>>)
      %dma_start3A_404 = arith.constant 1 : i32
      %dma_start3A_405 = arith.constant 1 : i32
      %dma_start3A_406 = arith.constant 0 : i32
      %dma_start3A_407 = arith.constant 0 : i32
      %dma_start3A_408 = tpu.memref_slice %arg8[%dma_start3A_404, %dma_start3A_406, %dma_start3A_407] : memref<8x128x16xf32, #tpu.memory_space<vmem>> -> memref<1x128x16xf32, #tpu.memory_space<vmem>>
      %dma_start3A_409 = tpu.memref_squeeze %dma_start3A_408 : memref<1x128x16xf32, #tpu.memory_space<vmem>> -> memref<128x16xf32, #tpu.memory_space<vmem>>
      %dma_start3A_410 = arith.constant 0 : i32
      %dma_start3A_411 = tpu.memref_slice %arg7[%add3A_389, %dma_start3A_410] : memref<80x128xi32, #tpu.memory_space<vmem>> -> memref<1x128xi32, #tpu.memory_space<vmem>>
      %dma_start3A_412 = tpu.memref_squeeze %dma_start3A_411 : memref<1x128xi32, #tpu.memory_space<vmem>> -> memref<128xi32, #tpu.memory_space<vmem>>
      %dma_start3A_413 = arith.constant 0 : i32
      %dma_start3A_414 = arith.constant 0 : i32
      %dma_start3A_415 = tpu.memref_slice %arg10[%dma_start3A_413, %dma_start3A_414] : memref<10240x16xf32, #tpu.memory_space<vmem_shared>> -> memref<10240x16xf32, #tpu.memory_space<vmem_shared>>
      %dma_start3A_416 = tpu.memref_slice %arg12[%dma_start3A_405] : memref<8x!tpu.dma_semaphore, #tpu.memory_space<semaphore_mem>> -> memref<1x!tpu.dma_semaphore, #tpu.memory_space<semaphore_mem>>
      %dma_start3A_417 = tpu.memref_squeeze %dma_start3A_416 : memref<1x!tpu.dma_semaphore, #tpu.memory_space<semaphore_mem>> -> memref<!tpu.dma_semaphore, #tpu.memory_space<semaphore_mem>>
      tpu.enqueue_indirect_dma source(%dma_start3A_409 : memref<128x16xf32, #tpu.memory_space<vmem>>) target(%dma_start3A_415 : memref<10240x16xf32, #tpu.memory_space<vmem_shared>>) offsets(%dma_start3A_412 : memref<128xi32, #tpu.memory_space<vmem>>) semaphore(%dma_start3A_417 : memref<!tpu.dma_semaphore, #tpu.memory_space<semaphore_mem>>) {add = true}
      %mul3A_418 = arith.constant 8 : i32
      %mul3A_419 = arith.muli %scan3A_173, %mul3A_418 : i32
      %add3A_420 = arith.constant 2 : i32
      %add3A_421 = arith.addi %mul3A_419, %add3A_420 : i32
      %dma_wait3A_422 = arith.constant 2 : i32
      %dma_wait3A_423 = arith.constant 2 : i32
      %dma_wait3A_424 = arith.constant 0 : i32
      %dma_wait3A_425 = arith.constant 0 : i32
      %dma_wait3A_426 = tpu.memref_slice %arg8[%dma_wait3A_422, %dma_wait3A_424, %dma_wait3A_425] : memref<8x128x16xf32, #tpu.memory_space<vmem>> -> memref<1x128x16xf32, #tpu.memory_space<vmem>>
      %dma_wait3A_427 = tpu.memref_squeeze %dma_wait3A_426 : memref<1x128x16xf32, #tpu.memory_space<vmem>> -> memref<128x16xf32, #tpu.memory_space<vmem>>
      %dma_wait3A_428 = arith.constant 0 : i32
      %dma_wait3A_429 = tpu.memref_slice %arg6[%add3A_219, %dma_wait3A_428] : memref<80x128xi32, #tpu.memory_space<vmem>> -> memref<1x128xi32, #tpu.memory_space<vmem>>
      %dma_wait3A_430 = tpu.memref_squeeze %dma_wait3A_429 : memref<1x128xi32, #tpu.memory_space<vmem>> -> memref<128xi32, #tpu.memory_space<vmem>>
      %dma_wait3A_431 = arith.constant 0 : i32
      %dma_wait3A_432 = arith.constant 0 : i32
      %dma_wait3A_433 = tpu.memref_slice %arg2[%dma_wait3A_431, %dma_wait3A_432] : memref<10240x16xf32, #tpu.memory_space<hbm>> -> memref<10240x16xf32, #tpu.memory_space<hbm>>
      %dma_wait3A_434 = tpu.memref_slice %arg11[%dma_wait3A_423] : memref<8x!tpu.dma_semaphore, #tpu.memory_space<semaphore_mem>> -> memref<1x!tpu.dma_semaphore, #tpu.memory_space<semaphore_mem>>
      %dma_wait3A_435 = tpu.memref_squeeze %dma_wait3A_434 : memref<1x!tpu.dma_semaphore, #tpu.memory_space<semaphore_mem>> -> memref<!tpu.dma_semaphore, #tpu.memory_space<semaphore_mem>>
      tpu.wait_indirect_dma semaphore(%dma_wait3A_435 : memref<!tpu.dma_semaphore, #tpu.memory_space<semaphore_mem>>) src(%dma_wait3A_433 : memref<10240x16xf32, #tpu.memory_space<hbm>>) dst(%dma_wait3A_427 : memref<128x16xf32, #tpu.memory_space<vmem>>)
      %dma_start3A_436 = arith.constant 2 : i32
      %dma_start3A_437 = arith.constant 2 : i32
      %dma_start3A_438 = arith.constant 0 : i32
      %dma_start3A_439 = arith.constant 0 : i32
      %dma_start3A_440 = tpu.memref_slice %arg8[%dma_start3A_436, %dma_start3A_438, %dma_start3A_439] : memref<8x128x16xf32, #tpu.memory_space<vmem>> -> memref<1x128x16xf32, #tpu.memory_space<vmem>>
      %dma_start3A_441 = tpu.memref_squeeze %dma_start3A_440 : memref<1x128x16xf32, #tpu.memory_space<vmem>> -> memref<128x16xf32, #tpu.memory_space<vmem>>
      %dma_start3A_442 = arith.constant 0 : i32
      %dma_start3A_443 = tpu.memref_slice %arg7[%add3A_421, %dma_start3A_442] : memref<80x128xi32, #tpu.memory_space<vmem>> -> memref<1x128xi32, #tpu.memory_space<vmem>>
      %dma_start3A_444 = tpu.memref_squeeze %dma_start3A_443 : memref<1x128xi32, #tpu.memory_space<vmem>> -> memref<128xi32, #tpu.memory_space<vmem>>
      %dma_start3A_445 = arith.constant 0 : i32
      %dma_start3A_446 = arith.constant 0 : i32
      %dma_start3A_447 = tpu.memref_slice %arg10[%dma_start3A_445, %dma_start3A_446] : memref<10240x16xf32, #tpu.memory_space<vmem_shared>> -> memref<10240x16xf32, #tpu.memory_space<vmem_shared>>
      %dma_start3A_448 = tpu.memref_slice %arg12[%dma_start3A_437] : memref<8x!tpu.dma_semaphore, #tpu.memory_space<semaphore_mem>> -> memref<1x!tpu.dma_semaphore, #tpu.memory_space<semaphore_mem>>
      %dma_start3A_449 = tpu.memref_squeeze %dma_start3A_448 : memref<1x!tpu.dma_semaphore, #tpu.memory_space<semaphore_mem>> -> memref<!tpu.dma_semaphore, #tpu.memory_space<semaphore_mem>>
      tpu.enqueue_indirect_dma source(%dma_start3A_441 : memref<128x16xf32, #tpu.memory_space<vmem>>) target(%dma_start3A_447 : memref<10240x16xf32, #tpu.memory_space<vmem_shared>>) offsets(%dma_start3A_444 : memref<128xi32, #tpu.memory_space<vmem>>) semaphore(%dma_start3A_449 : memref<!tpu.dma_semaphore, #tpu.memory_space<semaphore_mem>>) {add = true}
      %mul3A_450 = arith.constant 8 : i32
      %mul3A_451 = arith.muli %scan3A_173, %mul3A_450 : i32
      %add3A_452 = arith.constant 3 : i32
      %add3A_453 = arith.addi %mul3A_451, %add3A_452 : i32
      %dma_wait3A_454 = arith.constant 3 : i32
      %dma_wait3A_455 = arith.constant 3 : i32
      %dma_wait3A_456 = arith.constant 0 : i32
      %dma_wait3A_457 = arith.constant 0 : i32
      %dma_wait3A_458 = tpu.memref_slice %arg8[%dma_wait3A_454, %dma_wait3A_456, %dma_wait3A_457] : memref<8x128x16xf32, #tpu.memory_space<vmem>> -> memref<1x128x16xf32, #tpu.memory_space<vmem>>
      %dma_wait3A_459 = tpu.memref_squeeze %dma_wait3A_458 : memref<1x128x16xf32, #tpu.memory_space<vmem>> -> memref<128x16xf32, #tpu.memory_space<vmem>>
      %dma_wait3A_460 = arith.constant 0 : i32
      %dma_wait3A_461 = tpu.memref_slice %arg6[%add3A_242, %dma_wait3A_460] : memref<80x128xi32, #tpu.memory_space<vmem>> -> memref<1x128xi32, #tpu.memory_space<vmem>>
      %dma_wait3A_462 = tpu.memref_squeeze %dma_wait3A_461 : memref<1x128xi32, #tpu.memory_space<vmem>> -> memref<128xi32, #tpu.memory_space<vmem>>
      %dma_wait3A_463 = arith.constant 0 : i32
      %dma_wait3A_464 = arith.constant 0 : i32
      %dma_wait3A_465 = tpu.memref_slice %arg2[%dma_wait3A_463, %dma_wait3A_464] : memref<10240x16xf32, #tpu.memory_space<hbm>> -> memref<10240x16xf32, #tpu.memory_space<hbm>>
      %dma_wait3A_466 = tpu.memref_slice %arg11[%dma_wait3A_455] : memref<8x!tpu.dma_semaphore, #tpu.memory_space<semaphore_mem>> -> memref<1x!tpu.dma_semaphore, #tpu.memory_space<semaphore_mem>>
      %dma_wait3A_467 = tpu.memref_squeeze %dma_wait3A_466 : memref<1x!tpu.dma_semaphore, #tpu.memory_space<semaphore_mem>> -> memref<!tpu.dma_semaphore, #tpu.memory_space<semaphore_mem>>
      tpu.wait_indirect_dma semaphore(%dma_wait3A_467 : memref<!tpu.dma_semaphore, #tpu.memory_space<semaphore_mem>>) src(%dma_wait3A_465 : memref<10240x16xf32, #tpu.memory_space<hbm>>) dst(%dma_wait3A_459 : memref<128x16xf32, #tpu.memory_space<vmem>>)
      %dma_start3A_468 = arith.constant 3 : i32
      %dma_start3A_469 = arith.constant 3 : i32
      %dma_start3A_470 = arith.constant 0 : i32
      %dma_start3A_471 = arith.constant 0 : i32
      %dma_start3A_472 = tpu.memref_slice %arg8[%dma_start3A_468, %dma_start3A_470, %dma_start3A_471] : memref<8x128x16xf32, #tpu.memory_space<vmem>> -> memref<1x128x16xf32, #tpu.memory_space<vmem>>
      %dma_start3A_473 = tpu.memref_squeeze %dma_start3A_472 : memref<1x128x16xf32, #tpu.memory_space<vmem>> -> memref<128x16xf32, #tpu.memory_space<vmem>>
      %dma_start3A_474 = arith.constant 0 : i32
      %dma_start3A_475 = tpu.memref_slice %arg7[%add3A_453, %dma_start3A_474] : memref<80x128xi32, #tpu.memory_space<vmem>> -> memref<1x128xi32, #tpu.memory_space<vmem>>
      %dma_start3A_476 = tpu.memref_squeeze %dma_start3A_475 : memref<1x128xi32, #tpu.memory_space<vmem>> -> memref<128xi32, #tpu.memory_space<vmem>>
      %dma_start3A_477 = arith.constant 0 : i32
      %dma_start3A_478 = arith.constant 0 : i32
      %dma_start3A_479 = tpu.memref_slice %arg10[%dma_start3A_477, %dma_start3A_478] : memref<10240x16xf32, #tpu.memory_space<vmem_shared>> -> memref<10240x16xf32, #tpu.memory_space<vmem_shared>>
      %dma_start3A_480 = tpu.memref_slice %arg12[%dma_start3A_469] : memref<8x!tpu.dma_semaphore, #tpu.memory_space<semaphore_mem>> -> memref<1x!tpu.dma_semaphore, #tpu.memory_space<semaphore_mem>>
      %dma_start3A_481 = tpu.memref_squeeze %dma_start3A_480 : memref<1x!tpu.dma_semaphore, #tpu.memory_space<semaphore_mem>> -> memref<!tpu.dma_semaphore, #tpu.memory_space<semaphore_mem>>
      tpu.enqueue_indirect_dma source(%dma_start3A_473 : memref<128x16xf32, #tpu.memory_space<vmem>>) target(%dma_start3A_479 : memref<10240x16xf32, #tpu.memory_space<vmem_shared>>) offsets(%dma_start3A_476 : memref<128xi32, #tpu.memory_space<vmem>>) semaphore(%dma_start3A_481 : memref<!tpu.dma_semaphore, #tpu.memory_space<semaphore_mem>>) {add = true}
      %mul3A_482 = arith.constant 8 : i32
      %mul3A_483 = arith.muli %scan3A_173, %mul3A_482 : i32
      %add3A_484 = arith.constant 4 : i32
      %add3A_485 = arith.addi %mul3A_483, %add3A_484 : i32
      %dma_wait3A_486 = arith.constant 4 : i32
      %dma_wait3A_487 = arith.constant 4 : i32
      %dma_wait3A_488 = arith.constant 0 : i32
      %dma_wait3A_489 = arith.constant 0 : i32
      %dma_wait3A_490 = tpu.memref_slice %arg8[%dma_wait3A_486, %dma_wait3A_488, %dma_wait3A_489] : memref<8x128x16xf32, #tpu.memory_space<vmem>> -> memref<1x128x16xf32, #tpu.memory_space<vmem>>
      %dma_wait3A_491 = tpu.memref_squeeze %dma_wait3A_490 : memref<1x128x16xf32, #tpu.memory_space<vmem>> -> memref<128x16xf32, #tpu.memory_space<vmem>>
      %dma_wait3A_492 = arith.constant 0 : i32
      %dma_wait3A_493 = tpu.memref_slice %arg6[%add3A_265, %dma_wait3A_492] : memref<80x128xi32, #tpu.memory_space<vmem>> -> memref<1x128xi32, #tpu.memory_space<vmem>>
      %dma_wait3A_494 = tpu.memref_squeeze %dma_wait3A_493 : memref<1x128xi32, #tpu.memory_space<vmem>> -> memref<128xi32, #tpu.memory_space<vmem>>
      %dma_wait3A_495 = arith.constant 0 : i32
      %dma_wait3A_496 = arith.constant 0 : i32
      %dma_wait3A_497 = tpu.memref_slice %arg2[%dma_wait3A_495, %dma_wait3A_496] : memref<10240x16xf32, #tpu.memory_space<hbm>> -> memref<10240x16xf32, #tpu.memory_space<hbm>>
      %dma_wait3A_498 = tpu.memref_slice %arg11[%dma_wait3A_487] : memref<8x!tpu.dma_semaphore, #tpu.memory_space<semaphore_mem>> -> memref<1x!tpu.dma_semaphore, #tpu.memory_space<semaphore_mem>>
      %dma_wait3A_499 = tpu.memref_squeeze %dma_wait3A_498 : memref<1x!tpu.dma_semaphore, #tpu.memory_space<semaphore_mem>> -> memref<!tpu.dma_semaphore, #tpu.memory_space<semaphore_mem>>
      tpu.wait_indirect_dma semaphore(%dma_wait3A_499 : memref<!tpu.dma_semaphore, #tpu.memory_space<semaphore_mem>>) src(%dma_wait3A_497 : memref<10240x16xf32, #tpu.memory_space<hbm>>) dst(%dma_wait3A_491 : memref<128x16xf32, #tpu.memory_space<vmem>>)
      %dma_start3A_500 = arith.constant 4 : i32
      %dma_start3A_501 = arith.constant 4 : i32
      %dma_start3A_502 = arith.constant 0 : i32
      %dma_start3A_503 = arith.constant 0 : i32
      %dma_start3A_504 = tpu.memref_slice %arg8[%dma_start3A_500, %dma_start3A_502, %dma_start3A_503] : memref<8x128x16xf32, #tpu.memory_space<vmem>> -> memref<1x128x16xf32, #tpu.memory_space<vmem>>
      %dma_start3A_505 = tpu.memref_squeeze %dma_start3A_504 : memref<1x128x16xf32, #tpu.memory_space<vmem>> -> memref<128x16xf32, #tpu.memory_space<vmem>>
      %dma_start3A_506 = arith.constant 0 : i32
      %dma_start3A_507 = tpu.memref_slice %arg7[%add3A_485, %dma_start3A_506] : memref<80x128xi32, #tpu.memory_space<vmem>> -> memref<1x128xi32, #tpu.memory_space<vmem>>
      %dma_start3A_508 = tpu.memref_squeeze %dma_start3A_507 : memref<1x128xi32, #tpu.memory_space<vmem>> -> memref<128xi32, #tpu.memory_space<vmem>>
      %dma_start3A_509 = arith.constant 0 : i32
      %dma_start3A_510 = arith.constant 0 : i32
      %dma_start3A_511 = tpu.memref_slice %arg10[%dma_start3A_509, %dma_start3A_510] : memref<10240x16xf32, #tpu.memory_space<vmem_shared>> -> memref<10240x16xf32, #tpu.memory_space<vmem_shared>>
      %dma_start3A_512 = tpu.memref_slice %arg12[%dma_start3A_501] : memref<8x!tpu.dma_semaphore, #tpu.memory_space<semaphore_mem>> -> memref<1x!tpu.dma_semaphore, #tpu.memory_space<semaphore_mem>>
      %dma_start3A_513 = tpu.memref_squeeze %dma_start3A_512 : memref<1x!tpu.dma_semaphore, #tpu.memory_space<semaphore_mem>> -> memref<!tpu.dma_semaphore, #tpu.memory_space<semaphore_mem>>
      tpu.enqueue_indirect_dma source(%dma_start3A_505 : memref<128x16xf32, #tpu.memory_space<vmem>>) target(%dma_start3A_511 : memref<10240x16xf32, #tpu.memory_space<vmem_shared>>) offsets(%dma_start3A_508 : memref<128xi32, #tpu.memory_space<vmem>>) semaphore(%dma_start3A_513 : memref<!tpu.dma_semaphore, #tpu.memory_space<semaphore_mem>>) {add = true}
      %mul3A_514 = arith.constant 8 : i32
      %mul3A_515 = arith.muli %scan3A_173, %mul3A_514 : i32
      %add3A_516 = arith.constant 5 : i32
      %add3A_517 = arith.addi %mul3A_515, %add3A_516 : i32
      %dma_wait3A_518 = arith.constant 5 : i32
      %dma_wait3A_519 = arith.constant 5 : i32
      %dma_wait3A_520 = arith.constant 0 : i32
      %dma_wait3A_521 = arith.constant 0 : i32
      %dma_wait3A_522 = tpu.memref_slice %arg8[%dma_wait3A_518, %dma_wait3A_520, %dma_wait3A_521] : memref<8x128x16xf32, #tpu.memory_space<vmem>> -> memref<1x128x16xf32, #tpu.memory_space<vmem>>
      %dma_wait3A_523 = tpu.memref_squeeze %dma_wait3A_522 : memref<1x128x16xf32, #tpu.memory_space<vmem>> -> memref<128x16xf32, #tpu.memory_space<vmem>>
      %dma_wait3A_524 = arith.constant 0 : i32
      %dma_wait3A_525 = tpu.memref_slice %arg6[%add3A_288, %dma_wait3A_524] : memref<80x128xi32, #tpu.memory_space<vmem>> -> memref<1x128xi32, #tpu.memory_space<vmem>>
      %dma_wait3A_526 = tpu.memref_squeeze %dma_wait3A_525 : memref<1x128xi32, #tpu.memory_space<vmem>> -> memref<128xi32, #tpu.memory_space<vmem>>
      %dma_wait3A_527 = arith.constant 0 : i32
      %dma_wait3A_528 = arith.constant 0 : i32
      %dma_wait3A_529 = tpu.memref_slice %arg2[%dma_wait3A_527, %dma_wait3A_528] : memref<10240x16xf32, #tpu.memory_space<hbm>> -> memref<10240x16xf32, #tpu.memory_space<hbm>>
      %dma_wait3A_530 = tpu.memref_slice %arg11[%dma_wait3A_519] : memref<8x!tpu.dma_semaphore, #tpu.memory_space<semaphore_mem>> -> memref<1x!tpu.dma_semaphore, #tpu.memory_space<semaphore_mem>>
      %dma_wait3A_531 = tpu.memref_squeeze %dma_wait3A_530 : memref<1x!tpu.dma_semaphore, #tpu.memory_space<semaphore_mem>> -> memref<!tpu.dma_semaphore, #tpu.memory_space<semaphore_mem>>
      tpu.wait_indirect_dma semaphore(%dma_wait3A_531 : memref<!tpu.dma_semaphore, #tpu.memory_space<semaphore_mem>>) src(%dma_wait3A_529 : memref<10240x16xf32, #tpu.memory_space<hbm>>) dst(%dma_wait3A_523 : memref<128x16xf32, #tpu.memory_space<vmem>>)
      %dma_start3A_532 = arith.constant 5 : i32
      %dma_start3A_533 = arith.constant 5 : i32
      %dma_start3A_534 = arith.constant 0 : i32
      %dma_start3A_535 = arith.constant 0 : i32
      %dma_start3A_536 = tpu.memref_slice %arg8[%dma_start3A_532, %dma_start3A_534, %dma_start3A_535] : memref<8x128x16xf32, #tpu.memory_space<vmem>> -> memref<1x128x16xf32, #tpu.memory_space<vmem>>
      %dma_start3A_537 = tpu.memref_squeeze %dma_start3A_536 : memref<1x128x16xf32, #tpu.memory_space<vmem>> -> memref<128x16xf32, #tpu.memory_space<vmem>>
      %dma_start3A_538 = arith.constant 0 : i32
      %dma_start3A_539 = tpu.memref_slice %arg7[%add3A_517, %dma_start3A_538] : memref<80x128xi32, #tpu.memory_space<vmem>> -> memref<1x128xi32, #tpu.memory_space<vmem>>
      %dma_start3A_540 = tpu.memref_squeeze %dma_start3A_539 : memref<1x128xi32, #tpu.memory_space<vmem>> -> memref<128xi32, #tpu.memory_space<vmem>>
      %dma_start3A_541 = arith.constant 0 : i32
      %dma_start3A_542 = arith.constant 0 : i32
      %dma_start3A_543 = tpu.memref_slice %arg10[%dma_start3A_541, %dma_start3A_542] : memref<10240x16xf32, #tpu.memory_space<vmem_shared>> -> memref<10240x16xf32, #tpu.memory_space<vmem_shared>>
      %dma_start3A_544 = tpu.memref_slice %arg12[%dma_start3A_533] : memref<8x!tpu.dma_semaphore, #tpu.memory_space<semaphore_mem>> -> memref<1x!tpu.dma_semaphore, #tpu.memory_space<semaphore_mem>>
      %dma_start3A_545 = tpu.memref_squeeze %dma_start3A_544 : memref<1x!tpu.dma_semaphore, #tpu.memory_space<semaphore_mem>> -> memref<!tpu.dma_semaphore, #tpu.memory_space<semaphore_mem>>
      tpu.enqueue_indirect_dma source(%dma_start3A_537 : memref<128x16xf32, #tpu.memory_space<vmem>>) target(%dma_start3A_543 : memref<10240x16xf32, #tpu.memory_space<vmem_shared>>) offsets(%dma_start3A_540 : memref<128xi32, #tpu.memory_space<vmem>>) semaphore(%dma_start3A_545 : memref<!tpu.dma_semaphore, #tpu.memory_space<semaphore_mem>>) {add = true}
      %mul3A_546 = arith.constant 8 : i32
      %mul3A_547 = arith.muli %scan3A_173, %mul3A_546 : i32
      %add3A_548 = arith.constant 6 : i32
      %add3A_549 = arith.addi %mul3A_547, %add3A_548 : i32
      %dma_wait3A_550 = arith.constant 6 : i32
      %dma_wait3A_551 = arith.constant 6 : i32
      %dma_wait3A_552 = arith.constant 0 : i32
      %dma_wait3A_553 = arith.constant 0 : i32
      %dma_wait3A_554 = tpu.memref_slice %arg8[%dma_wait3A_550, %dma_wait3A_552, %dma_wait3A_553] : memref<8x128x16xf32, #tpu.memory_space<vmem>> -> memref<1x128x16xf32, #tpu.memory_space<vmem>>
      %dma_wait3A_555 = tpu.memref_squeeze %dma_wait3A_554 : memref<1x128x16xf32, #tpu.memory_space<vmem>> -> memref<128x16xf32, #tpu.memory_space<vmem>>
      %dma_wait3A_556 = arith.constant 0 : i32
      %dma_wait3A_557 = tpu.memref_slice %arg6[%add3A_311, %dma_wait3A_556] : memref<80x128xi32, #tpu.memory_space<vmem>> -> memref<1x128xi32, #tpu.memory_space<vmem>>
      %dma_wait3A_558 = tpu.memref_squeeze %dma_wait3A_557 : memref<1x128xi32, #tpu.memory_space<vmem>> -> memref<128xi32, #tpu.memory_space<vmem>>
      %dma_wait3A_559 = arith.constant 0 : i32
      %dma_wait3A_560 = arith.constant 0 : i32
      %dma_wait3A_561 = tpu.memref_slice %arg2[%dma_wait3A_559, %dma_wait3A_560] : memref<10240x16xf32, #tpu.memory_space<hbm>> -> memref<10240x16xf32, #tpu.memory_space<hbm>>
      %dma_wait3A_562 = tpu.memref_slice %arg11[%dma_wait3A_551] : memref<8x!tpu.dma_semaphore, #tpu.memory_space<semaphore_mem>> -> memref<1x!tpu.dma_semaphore, #tpu.memory_space<semaphore_mem>>
      %dma_wait3A_563 = tpu.memref_squeeze %dma_wait3A_562 : memref<1x!tpu.dma_semaphore, #tpu.memory_space<semaphore_mem>> -> memref<!tpu.dma_semaphore, #tpu.memory_space<semaphore_mem>>
      tpu.wait_indirect_dma semaphore(%dma_wait3A_563 : memref<!tpu.dma_semaphore, #tpu.memory_space<semaphore_mem>>) src(%dma_wait3A_561 : memref<10240x16xf32, #tpu.memory_space<hbm>>) dst(%dma_wait3A_555 : memref<128x16xf32, #tpu.memory_space<vmem>>)
      %dma_start3A_564 = arith.constant 6 : i32
      %dma_start3A_565 = arith.constant 6 : i32
      %dma_start3A_566 = arith.constant 0 : i32
      %dma_start3A_567 = arith.constant 0 : i32
      %dma_start3A_568 = tpu.memref_slice %arg8[%dma_start3A_564, %dma_start3A_566, %dma_start3A_567] : memref<8x128x16xf32, #tpu.memory_space<vmem>> -> memref<1x128x16xf32, #tpu.memory_space<vmem>>
      %dma_start3A_569 = tpu.memref_squeeze %dma_start3A_568 : memref<1x128x16xf32, #tpu.memory_space<vmem>> -> memref<128x16xf32, #tpu.memory_space<vmem>>
      %dma_start3A_570 = arith.constant 0 : i32
      %dma_start3A_571 = tpu.memref_slice %arg7[%add3A_549, %dma_start3A_570] : memref<80x128xi32, #tpu.memory_space<vmem>> -> memref<1x128xi32, #tpu.memory_space<vmem>>
      %dma_start3A_572 = tpu.memref_squeeze %dma_start3A_571 : memref<1x128xi32, #tpu.memory_space<vmem>> -> memref<128xi32, #tpu.memory_space<vmem>>
      %dma_start3A_573 = arith.constant 0 : i32
      %dma_start3A_574 = arith.constant 0 : i32
      %dma_start3A_575 = tpu.memref_slice %arg10[%dma_start3A_573, %dma_start3A_574] : memref<10240x16xf32, #tpu.memory_space<vmem_shared>> -> memref<10240x16xf32, #tpu.memory_space<vmem_shared>>
      %dma_start3A_576 = tpu.memref_slice %arg12[%dma_start3A_565] : memref<8x!tpu.dma_semaphore, #tpu.memory_space<semaphore_mem>> -> memref<1x!tpu.dma_semaphore, #tpu.memory_space<semaphore_mem>>
      %dma_start3A_577 = tpu.memref_squeeze %dma_start3A_576 : memref<1x!tpu.dma_semaphore, #tpu.memory_space<semaphore_mem>> -> memref<!tpu.dma_semaphore, #tpu.memory_space<semaphore_mem>>
      tpu.enqueue_indirect_dma source(%dma_start3A_569 : memref<128x16xf32, #tpu.memory_space<vmem>>) target(%dma_start3A_575 : memref<10240x16xf32, #tpu.memory_space<vmem_shared>>) offsets(%dma_start3A_572 : memref<128xi32, #tpu.memory_space<vmem>>) semaphore(%dma_start3A_577 : memref<!tpu.dma_semaphore, #tpu.memory_space<semaphore_mem>>) {add = true}
      %mul3A_578 = arith.constant 8 : i32
      %mul3A_579 = arith.muli %scan3A_173, %mul3A_578 : i32
      %add3A_580 = arith.constant 7 : i32
      %add3A_581 = arith.addi %mul3A_579, %add3A_580 : i32
      %dma_wait3A_582 = arith.constant 7 : i32
      %dma_wait3A_583 = arith.constant 7 : i32
      %dma_wait3A_584 = arith.constant 0 : i32
      %dma_wait3A_585 = arith.constant 0 : i32
      %dma_wait3A_586 = tpu.memref_slice %arg8[%dma_wait3A_582, %dma_wait3A_584, %dma_wait3A_585] : memref<8x128x16xf32, #tpu.memory_space<vmem>> -> memref<1x128x16xf32, #tpu.memory_space<vmem>>
      %dma_wait3A_587 = tpu.memref_squeeze %dma_wait3A_586 : memref<1x128x16xf32, #tpu.memory_space<vmem>> -> memref<128x16xf32, #tpu.memory_space<vmem>>
      %dma_wait3A_588 = arith.constant 0 : i32
      %dma_wait3A_589 = tpu.memref_slice %arg6[%add3A_334, %dma_wait3A_588] : memref<80x128xi32, #tpu.memory_space<vmem>> -> memref<1x128xi32, #tpu.memory_space<vmem>>
      %dma_wait3A_590 = tpu.memref_squeeze %dma_wait3A_589 : memref<1x128xi32, #tpu.memory_space<vmem>> -> memref<128xi32, #tpu.memory_space<vmem>>
      %dma_wait3A_591 = arith.constant 0 : i32
      %dma_wait3A_592 = arith.constant 0 : i32
      %dma_wait3A_593 = tpu.memref_slice %arg2[%dma_wait3A_591, %dma_wait3A_592] : memref<10240x16xf32, #tpu.memory_space<hbm>> -> memref<10240x16xf32, #tpu.memory_space<hbm>>
      %dma_wait3A_594 = tpu.memref_slice %arg11[%dma_wait3A_583] : memref<8x!tpu.dma_semaphore, #tpu.memory_space<semaphore_mem>> -> memref<1x!tpu.dma_semaphore, #tpu.memory_space<semaphore_mem>>
      %dma_wait3A_595 = tpu.memref_squeeze %dma_wait3A_594 : memref<1x!tpu.dma_semaphore, #tpu.memory_space<semaphore_mem>> -> memref<!tpu.dma_semaphore, #tpu.memory_space<semaphore_mem>>
      tpu.wait_indirect_dma semaphore(%dma_wait3A_595 : memref<!tpu.dma_semaphore, #tpu.memory_space<semaphore_mem>>) src(%dma_wait3A_593 : memref<10240x16xf32, #tpu.memory_space<hbm>>) dst(%dma_wait3A_587 : memref<128x16xf32, #tpu.memory_space<vmem>>)
      %dma_start3A_596 = arith.constant 7 : i32
      %dma_start3A_597 = arith.constant 7 : i32
      %dma_start3A_598 = arith.constant 0 : i32
      %dma_start3A_599 = arith.constant 0 : i32
      %dma_start3A_600 = tpu.memref_slice %arg8[%dma_start3A_596, %dma_start3A_598, %dma_start3A_599] : memref<8x128x16xf32, #tpu.memory_space<vmem>> -> memref<1x128x16xf32, #tpu.memory_space<vmem>>
      %dma_start3A_601 = tpu.memref_squeeze %dma_start3A_600 : memref<1x128x16xf32, #tpu.memory_space<vmem>> -> memref<128x16xf32, #tpu.memory_space<vmem>>
      %dma_start3A_602 = arith.constant 0 : i32
      %dma_start3A_603 = tpu.memref_slice %arg7[%add3A_581, %dma_start3A_602] : memref<80x128xi32, #tpu.memory_space<vmem>> -> memref<1x128xi32, #tpu.memory_space<vmem>>
      %dma_start3A_604 = tpu.memref_squeeze %dma_start3A_603 : memref<1x128xi32, #tpu.memory_space<vmem>> -> memref<128xi32, #tpu.memory_space<vmem>>
      %dma_start3A_605 = arith.constant 0 : i32
      %dma_start3A_606 = arith.constant 0 : i32
      %dma_start3A_607 = tpu.memref_slice %arg10[%dma_start3A_605, %dma_start3A_606] : memref<10240x16xf32, #tpu.memory_space<vmem_shared>> -> memref<10240x16xf32, #tpu.memory_space<vmem_shared>>
      %dma_start3A_608 = tpu.memref_slice %arg12[%dma_start3A_597] : memref<8x!tpu.dma_semaphore, #tpu.memory_space<semaphore_mem>> -> memref<1x!tpu.dma_semaphore, #tpu.memory_space<semaphore_mem>>
      %dma_start3A_609 = tpu.memref_squeeze %dma_start3A_608 : memref<1x!tpu.dma_semaphore, #tpu.memory_space<semaphore_mem>> -> memref<!tpu.dma_semaphore, #tpu.memory_space<semaphore_mem>>
      tpu.enqueue_indirect_dma source(%dma_start3A_601 : memref<128x16xf32, #tpu.memory_space<vmem>>) target(%dma_start3A_607 : memref<10240x16xf32, #tpu.memory_space<vmem_shared>>) offsets(%dma_start3A_604 : memref<128xi32, #tpu.memory_space<vmem>>) semaphore(%dma_start3A_609 : memref<!tpu.dma_semaphore, #tpu.memory_space<semaphore_mem>>) {add = true}
    }
    %scan3A_52 = arith.constant 10 : i32
    %dma_wait3A = arith.constant 0 : i32
    %dma_wait3A_53 = arith.constant 72 : i32
    %dma_wait3A_54 = arith.constant 0 : i32
    %dma_wait3A_55 = arith.constant 0 : i32
    %dma_wait3A_56 = arith.constant 0 : i32
    %dma_wait3A_57 = tpu.memref_slice %arg8[%dma_wait3A, %dma_wait3A_55, %dma_wait3A_56] : memref<8x128x16xf32, #tpu.memory_space<vmem>> -> memref<1x128x16xf32, #tpu.memory_space<vmem>>
    %dma_wait3A_58 = tpu.memref_squeeze %dma_wait3A_57 : memref<1x128x16xf32, #tpu.memory_space<vmem>> -> memref<128x16xf32, #tpu.memory_space<vmem>>
    %dma_wait3A_59 = arith.constant 0 : i32
    %dma_wait3A_60 = tpu.memref_slice %arg7[%dma_wait3A_53, %dma_wait3A_59] : memref<80x128xi32, #tpu.memory_space<vmem>> -> memref<1x128xi32, #tpu.memory_space<vmem>>
    %dma_wait3A_61 = tpu.memref_squeeze %dma_wait3A_60 : memref<1x128xi32, #tpu.memory_space<vmem>> -> memref<128xi32, #tpu.memory_space<vmem>>
    %dma_wait3A_62 = arith.constant 0 : i32
    %dma_wait3A_63 = arith.constant 0 : i32
    %dma_wait3A_64 = tpu.memref_slice %arg10[%dma_wait3A_62, %dma_wait3A_63] : memref<10240x16xf32, #tpu.memory_space<vmem_shared>> -> memref<10240x16xf32, #tpu.memory_space<vmem_shared>>
    %dma_wait3A_65 = tpu.memref_slice %arg12[%dma_wait3A_54] : memref<8x!tpu.dma_semaphore, #tpu.memory_space<semaphore_mem>> -> memref<1x!tpu.dma_semaphore, #tpu.memory_space<semaphore_mem>>
    %dma_wait3A_66 = tpu.memref_squeeze %dma_wait3A_65 : memref<1x!tpu.dma_semaphore, #tpu.memory_space<semaphore_mem>> -> memref<!tpu.dma_semaphore, #tpu.memory_space<semaphore_mem>>
    tpu.wait_indirect_dma semaphore(%dma_wait3A_66 : memref<!tpu.dma_semaphore, #tpu.memory_space<semaphore_mem>>) src(%dma_wait3A_58 : memref<128x16xf32, #tpu.memory_space<vmem>>) dst(%dma_wait3A_64 : memref<10240x16xf32, #tpu.memory_space<vmem_shared>>)
    %dma_wait3A_67 = arith.constant 1 : i32
    %dma_wait3A_68 = arith.constant 73 : i32
    %dma_wait3A_69 = arith.constant 1 : i32
    %dma_wait3A_70 = arith.constant 0 : i32
    %dma_wait3A_71 = arith.constant 0 : i32
    %dma_wait3A_72 = tpu.memref_slice %arg8[%dma_wait3A_67, %dma_wait3A_70, %dma_wait3A_71] : memref<8x128x16xf32, #tpu.memory_space<vmem>> -> memref<1x128x16xf32, #tpu.memory_space<vmem>>
    %dma_wait3A_73 = tpu.memref_squeeze %dma_wait3A_72 : memref<1x128x16xf32, #tpu.memory_space<vmem>> -> memref<128x16xf32, #tpu.memory_space<vmem>>
    %dma_wait3A_74 = arith.constant 0 : i32
    %dma_wait3A_75 = tpu.memref_slice %arg7[%dma_wait3A_68, %dma_wait3A_74] : memref<80x128xi32, #tpu.memory_space<vmem>> -> memref<1x128xi32, #tpu.memory_space<vmem>>
    %dma_wait3A_76 = tpu.memref_squeeze %dma_wait3A_75 : memref<1x128xi32, #tpu.memory_space<vmem>> -> memref<128xi32, #tpu.memory_space<vmem>>
    %dma_wait3A_77 = arith.constant 0 : i32
    %dma_wait3A_78 = arith.constant 0 : i32
    %dma_wait3A_79 = tpu.memref_slice %arg10[%dma_wait3A_77, %dma_wait3A_78] : memref<10240x16xf32, #tpu.memory_space<vmem_shared>> -> memref<10240x16xf32, #tpu.memory_space<vmem_shared>>
    %dma_wait3A_80 = tpu.memref_slice %arg12[%dma_wait3A_69] : memref<8x!tpu.dma_semaphore, #tpu.memory_space<semaphore_mem>> -> memref<1x!tpu.dma_semaphore, #tpu.memory_space<semaphore_mem>>
    %dma_wait3A_81 = tpu.memref_squeeze %dma_wait3A_80 : memref<1x!tpu.dma_semaphore, #tpu.memory_space<semaphore_mem>> -> memref<!tpu.dma_semaphore, #tpu.memory_space<semaphore_mem>>
    tpu.wait_indirect_dma semaphore(%dma_wait3A_81 : memref<!tpu.dma_semaphore, #tpu.memory_space<semaphore_mem>>) src(%dma_wait3A_73 : memref<128x16xf32, #tpu.memory_space<vmem>>) dst(%dma_wait3A_79 : memref<10240x16xf32, #tpu.memory_space<vmem_shared>>)
    %dma_wait3A_82 = arith.constant 2 : i32
    %dma_wait3A_83 = arith.constant 74 : i32
    %dma_wait3A_84 = arith.constant 2 : i32
    %dma_wait3A_85 = arith.constant 0 : i32
    %dma_wait3A_86 = arith.constant 0 : i32
    %dma_wait3A_87 = tpu.memref_slice %arg8[%dma_wait3A_82, %dma_wait3A_85, %dma_wait3A_86] : memref<8x128x16xf32, #tpu.memory_space<vmem>> -> memref<1x128x16xf32, #tpu.memory_space<vmem>>
    %dma_wait3A_88 = tpu.memref_squeeze %dma_wait3A_87 : memref<1x128x16xf32, #tpu.memory_space<vmem>> -> memref<128x16xf32, #tpu.memory_space<vmem>>
    %dma_wait3A_89 = arith.constant 0 : i32
    %dma_wait3A_90 = tpu.memref_slice %arg7[%dma_wait3A_83, %dma_wait3A_89] : memref<80x128xi32, #tpu.memory_space<vmem>> -> memref<1x128xi32, #tpu.memory_space<vmem>>
    %dma_wait3A_91 = tpu.memref_squeeze %dma_wait3A_90 : memref<1x128xi32, #tpu.memory_space<vmem>> -> memref<128xi32, #tpu.memory_space<vmem>>
    %dma_wait3A_92 = arith.constant 0 : i32
    %dma_wait3A_93 = arith.constant 0 : i32
    %dma_wait3A_94 = tpu.memref_slice %arg10[%dma_wait3A_92, %dma_wait3A_93] : memref<10240x16xf32, #tpu.memory_space<vmem_shared>> -> memref<10240x16xf32, #tpu.memory_space<vmem_shared>>
    %dma_wait3A_95 = tpu.memref_slice %arg12[%dma_wait3A_84] : memref<8x!tpu.dma_semaphore, #tpu.memory_space<semaphore_mem>> -> memref<1x!tpu.dma_semaphore, #tpu.memory_space<semaphore_mem>>
    %dma_wait3A_96 = tpu.memref_squeeze %dma_wait3A_95 : memref<1x!tpu.dma_semaphore, #tpu.memory_space<semaphore_mem>> -> memref<!tpu.dma_semaphore, #tpu.memory_space<semaphore_mem>>
    tpu.wait_indirect_dma semaphore(%dma_wait3A_96 : memref<!tpu.dma_semaphore, #tpu.memory_space<semaphore_mem>>) src(%dma_wait3A_88 : memref<128x16xf32, #tpu.memory_space<vmem>>) dst(%dma_wait3A_94 : memref<10240x16xf32, #tpu.memory_space<vmem_shared>>)
    %dma_wait3A_97 = arith.constant 3 : i32
    %dma_wait3A_98 = arith.constant 75 : i32
    %dma_wait3A_99 = arith.constant 3 : i32
    %dma_wait3A_100 = arith.constant 0 : i32
    %dma_wait3A_101 = arith.constant 0 : i32
    %dma_wait3A_102 = tpu.memref_slice %arg8[%dma_wait3A_97, %dma_wait3A_100, %dma_wait3A_101] : memref<8x128x16xf32, #tpu.memory_space<vmem>> -> memref<1x128x16xf32, #tpu.memory_space<vmem>>
    %dma_wait3A_103 = tpu.memref_squeeze %dma_wait3A_102 : memref<1x128x16xf32, #tpu.memory_space<vmem>> -> memref<128x16xf32, #tpu.memory_space<vmem>>
    %dma_wait3A_104 = arith.constant 0 : i32
    %dma_wait3A_105 = tpu.memref_slice %arg7[%dma_wait3A_98, %dma_wait3A_104] : memref<80x128xi32, #tpu.memory_space<vmem>> -> memref<1x128xi32, #tpu.memory_space<vmem>>
    %dma_wait3A_106 = tpu.memref_squeeze %dma_wait3A_105 : memref<1x128xi32, #tpu.memory_space<vmem>> -> memref<128xi32, #tpu.memory_space<vmem>>
    %dma_wait3A_107 = arith.constant 0 : i32
    %dma_wait3A_108 = arith.constant 0 : i32
    %dma_wait3A_109 = tpu.memref_slice %arg10[%dma_wait3A_107, %dma_wait3A_108] : memref<10240x16xf32, #tpu.memory_space<vmem_shared>> -> memref<10240x16xf32, #tpu.memory_space<vmem_shared>>
    %dma_wait3A_110 = tpu.memref_slice %arg12[%dma_wait3A_99] : memref<8x!tpu.dma_semaphore, #tpu.memory_space<semaphore_mem>> -> memref<1x!tpu.dma_semaphore, #tpu.memory_space<semaphore_mem>>
    %dma_wait3A_111 = tpu.memref_squeeze %dma_wait3A_110 : memref<1x!tpu.dma_semaphore, #tpu.memory_space<semaphore_mem>> -> memref<!tpu.dma_semaphore, #tpu.memory_space<semaphore_mem>>
    tpu.wait_indirect_dma semaphore(%dma_wait3A_111 : memref<!tpu.dma_semaphore, #tpu.memory_space<semaphore_mem>>) src(%dma_wait3A_103 : memref<128x16xf32, #tpu.memory_space<vmem>>) dst(%dma_wait3A_109 : memref<10240x16xf32, #tpu.memory_space<vmem_shared>>)
    %dma_wait3A_112 = arith.constant 4 : i32
    %dma_wait3A_113 = arith.constant 76 : i32
    %dma_wait3A_114 = arith.constant 4 : i32
    %dma_wait3A_115 = arith.constant 0 : i32
    %dma_wait3A_116 = arith.constant 0 : i32
    %dma_wait3A_117 = tpu.memref_slice %arg8[%dma_wait3A_112, %dma_wait3A_115, %dma_wait3A_116] : memref<8x128x16xf32, #tpu.memory_space<vmem>> -> memref<1x128x16xf32, #tpu.memory_space<vmem>>
    %dma_wait3A_118 = tpu.memref_squeeze %dma_wait3A_117 : memref<1x128x16xf32, #tpu.memory_space<vmem>> -> memref<128x16xf32, #tpu.memory_space<vmem>>
    %dma_wait3A_119 = arith.constant 0 : i32
    %dma_wait3A_120 = tpu.memref_slice %arg7[%dma_wait3A_113, %dma_wait3A_119] : memref<80x128xi32, #tpu.memory_space<vmem>> -> memref<1x128xi32, #tpu.memory_space<vmem>>
    %dma_wait3A_121 = tpu.memref_squeeze %dma_wait3A_120 : memref<1x128xi32, #tpu.memory_space<vmem>> -> memref<128xi32, #tpu.memory_space<vmem>>
    %dma_wait3A_122 = arith.constant 0 : i32
    %dma_wait3A_123 = arith.constant 0 : i32
    %dma_wait3A_124 = tpu.memref_slice %arg10[%dma_wait3A_122, %dma_wait3A_123] : memref<10240x16xf32, #tpu.memory_space<vmem_shared>> -> memref<10240x16xf32, #tpu.memory_space<vmem_shared>>
    %dma_wait3A_125 = tpu.memref_slice %arg12[%dma_wait3A_114] : memref<8x!tpu.dma_semaphore, #tpu.memory_space<semaphore_mem>> -> memref<1x!tpu.dma_semaphore, #tpu.memory_space<semaphore_mem>>
    %dma_wait3A_126 = tpu.memref_squeeze %dma_wait3A_125 : memref<1x!tpu.dma_semaphore, #tpu.memory_space<semaphore_mem>> -> memref<!tpu.dma_semaphore, #tpu.memory_space<semaphore_mem>>
    tpu.wait_indirect_dma semaphore(%dma_wait3A_126 : memref<!tpu.dma_semaphore, #tpu.memory_space<semaphore_mem>>) src(%dma_wait3A_118 : memref<128x16xf32, #tpu.memory_space<vmem>>) dst(%dma_wait3A_124 : memref<10240x16xf32, #tpu.memory_space<vmem_shared>>)
    %dma_wait3A_127 = arith.constant 5 : i32
    %dma_wait3A_128 = arith.constant 77 : i32
    %dma_wait3A_129 = arith.constant 5 : i32
    %dma_wait3A_130 = arith.constant 0 : i32
    %dma_wait3A_131 = arith.constant 0 : i32
    %dma_wait3A_132 = tpu.memref_slice %arg8[%dma_wait3A_127, %dma_wait3A_130, %dma_wait3A_131] : memref<8x128x16xf32, #tpu.memory_space<vmem>> -> memref<1x128x16xf32, #tpu.memory_space<vmem>>
    %dma_wait3A_133 = tpu.memref_squeeze %dma_wait3A_132 : memref<1x128x16xf32, #tpu.memory_space<vmem>> -> memref<128x16xf32, #tpu.memory_space<vmem>>
    %dma_wait3A_134 = arith.constant 0 : i32
    %dma_wait3A_135 = tpu.memref_slice %arg7[%dma_wait3A_128, %dma_wait3A_134] : memref<80x128xi32, #tpu.memory_space<vmem>> -> memref<1x128xi32, #tpu.memory_space<vmem>>
    %dma_wait3A_136 = tpu.memref_squeeze %dma_wait3A_135 : memref<1x128xi32, #tpu.memory_space<vmem>> -> memref<128xi32, #tpu.memory_space<vmem>>
    %dma_wait3A_137 = arith.constant 0 : i32
    %dma_wait3A_138 = arith.constant 0 : i32
    %dma_wait3A_139 = tpu.memref_slice %arg10[%dma_wait3A_137, %dma_wait3A_138] : memref<10240x16xf32, #tpu.memory_space<vmem_shared>> -> memref<10240x16xf32, #tpu.memory_space<vmem_shared>>
    %dma_wait3A_140 = tpu.memref_slice %arg12[%dma_wait3A_129] : memref<8x!tpu.dma_semaphore, #tpu.memory_space<semaphore_mem>> -> memref<1x!tpu.dma_semaphore, #tpu.memory_space<semaphore_mem>>
    %dma_wait3A_141 = tpu.memref_squeeze %dma_wait3A_140 : memref<1x!tpu.dma_semaphore, #tpu.memory_space<semaphore_mem>> -> memref<!tpu.dma_semaphore, #tpu.memory_space<semaphore_mem>>
    tpu.wait_indirect_dma semaphore(%dma_wait3A_141 : memref<!tpu.dma_semaphore, #tpu.memory_space<semaphore_mem>>) src(%dma_wait3A_133 : memref<128x16xf32, #tpu.memory_space<vmem>>) dst(%dma_wait3A_139 : memref<10240x16xf32, #tpu.memory_space<vmem_shared>>)
    %dma_wait3A_142 = arith.constant 6 : i32
    %dma_wait3A_143 = arith.constant 78 : i32
    %dma_wait3A_144 = arith.constant 6 : i32
    %dma_wait3A_145 = arith.constant 0 : i32
    %dma_wait3A_146 = arith.constant 0 : i32
    %dma_wait3A_147 = tpu.memref_slice %arg8[%dma_wait3A_142, %dma_wait3A_145, %dma_wait3A_146] : memref<8x128x16xf32, #tpu.memory_space<vmem>> -> memref<1x128x16xf32, #tpu.memory_space<vmem>>
    %dma_wait3A_148 = tpu.memref_squeeze %dma_wait3A_147 : memref<1x128x16xf32, #tpu.memory_space<vmem>> -> memref<128x16xf32, #tpu.memory_space<vmem>>
    %dma_wait3A_149 = arith.constant 0 : i32
    %dma_wait3A_150 = tpu.memref_slice %arg7[%dma_wait3A_143, %dma_wait3A_149] : memref<80x128xi32, #tpu.memory_space<vmem>> -> memref<1x128xi32, #tpu.memory_space<vmem>>
    %dma_wait3A_151 = tpu.memref_squeeze %dma_wait3A_150 : memref<1x128xi32, #tpu.memory_space<vmem>> -> memref<128xi32, #tpu.memory_space<vmem>>
    %dma_wait3A_152 = arith.constant 0 : i32
    %dma_wait3A_153 = arith.constant 0 : i32
    %dma_wait3A_154 = tpu.memref_slice %arg10[%dma_wait3A_152, %dma_wait3A_153] : memref<10240x16xf32, #tpu.memory_space<vmem_shared>> -> memref<10240x16xf32, #tpu.memory_space<vmem_shared>>
    %dma_wait3A_155 = tpu.memref_slice %arg12[%dma_wait3A_144] : memref<8x!tpu.dma_semaphore, #tpu.memory_space<semaphore_mem>> -> memref<1x!tpu.dma_semaphore, #tpu.memory_space<semaphore_mem>>
    %dma_wait3A_156 = tpu.memref_squeeze %dma_wait3A_155 : memref<1x!tpu.dma_semaphore, #tpu.memory_space<semaphore_mem>> -> memref<!tpu.dma_semaphore, #tpu.memory_space<semaphore_mem>>
    tpu.wait_indirect_dma semaphore(%dma_wait3A_156 : memref<!tpu.dma_semaphore, #tpu.memory_space<semaphore_mem>>) src(%dma_wait3A_148 : memref<128x16xf32, #tpu.memory_space<vmem>>) dst(%dma_wait3A_154 : memref<10240x16xf32, #tpu.memory_space<vmem_shared>>)
    %dma_wait3A_157 = arith.constant 7 : i32
    %dma_wait3A_158 = arith.constant 79 : i32
    %dma_wait3A_159 = arith.constant 7 : i32
    %dma_wait3A_160 = arith.constant 0 : i32
    %dma_wait3A_161 = arith.constant 0 : i32
    %dma_wait3A_162 = tpu.memref_slice %arg8[%dma_wait3A_157, %dma_wait3A_160, %dma_wait3A_161] : memref<8x128x16xf32, #tpu.memory_space<vmem>> -> memref<1x128x16xf32, #tpu.memory_space<vmem>>
    %dma_wait3A_163 = tpu.memref_squeeze %dma_wait3A_162 : memref<1x128x16xf32, #tpu.memory_space<vmem>> -> memref<128x16xf32, #tpu.memory_space<vmem>>
    %dma_wait3A_164 = arith.constant 0 : i32
    %dma_wait3A_165 = tpu.memref_slice %arg7[%dma_wait3A_158, %dma_wait3A_164] : memref<80x128xi32, #tpu.memory_space<vmem>> -> memref<1x128xi32, #tpu.memory_space<vmem>>
    %dma_wait3A_166 = tpu.memref_squeeze %dma_wait3A_165 : memref<1x128xi32, #tpu.memory_space<vmem>> -> memref<128xi32, #tpu.memory_space<vmem>>
    %dma_wait3A_167 = arith.constant 0 : i32
    %dma_wait3A_168 = arith.constant 0 : i32
    %dma_wait3A_169 = tpu.memref_slice %arg10[%dma_wait3A_167, %dma_wait3A_168] : memref<10240x16xf32, #tpu.memory_space<vmem_shared>> -> memref<10240x16xf32, #tpu.memory_space<vmem_shared>>
    %dma_wait3A_170 = tpu.memref_slice %arg12[%dma_wait3A_159] : memref<8x!tpu.dma_semaphore, #tpu.memory_space<semaphore_mem>> -> memref<1x!tpu.dma_semaphore, #tpu.memory_space<semaphore_mem>>
    %dma_wait3A_171 = tpu.memref_squeeze %dma_wait3A_170 : memref<1x!tpu.dma_semaphore, #tpu.memory_space<semaphore_mem>> -> memref<!tpu.dma_semaphore, #tpu.memory_space<semaphore_mem>>
    tpu.wait_indirect_dma semaphore(%dma_wait3A_171 : memref<!tpu.dma_semaphore, #tpu.memory_space<semaphore_mem>>) src(%dma_wait3A_163 : memref<128x16xf32, #tpu.memory_space<vmem>>) dst(%dma_wait3A_169 : memref<10240x16xf32, #tpu.memory_space<vmem_shared>>)
    %barrier3A_172 = arith.constant 0 : index
    tpu.barrier barrier_id(%barrier3A_172)
    "tpu.region"() ({
      %run_scoped3A_173 = tpu.sem_alloc : memref<!tpu.dma_semaphore, #tpu.memory_space<semaphore_mem>>
      %dma_start3A = arith.constant 0 : i32
      %dma_start3A_174 = tpu.memref_slice %arg5[%arg0, %mul3A_2, %dma_start3A] : memref<2x10240x16xf32, #tpu.memory_space<hbm>> -> memref<1x640x16xf32, #tpu.memory_space<hbm>>
      %dma_start3A_175 = tpu.memref_squeeze %dma_start3A_174 : memref<1x640x16xf32, #tpu.memory_space<hbm>> -> memref<640x16xf32, #tpu.memory_space<hbm>>
      %dma_start3A_176 = arith.constant 0 : i32
      %dma_start3A_177 = tpu.memref_slice %arg10[%mul3A_2, %dma_start3A_176] : memref<10240x16xf32, #tpu.memory_space<vmem_shared>> -> memref<640x16xf32, #tpu.memory_space<vmem_shared>>
      tpu.enqueue_dma source(%dma_start3A_177 : memref<640x16xf32, #tpu.memory_space<vmem_shared>>) target(%dma_start3A_175 : memref<640x16xf32, #tpu.memory_space<hbm>>) target_semaphore(%run_scoped3A_173 : memref<!tpu.dma_semaphore, #tpu.memory_space<semaphore_mem>>)
      %dma_wait3A_178 = arith.constant 0 : i32
      %dma_wait3A_179 = tpu.memref_slice %arg5[%arg0, %mul3A_2, %dma_wait3A_178] : memref<2x10240x16xf32, #tpu.memory_space<hbm>> -> memref<1x640x16xf32, #tpu.memory_space<hbm>>
      %dma_wait3A_180 = tpu.memref_squeeze %dma_wait3A_179 : memref<1x640x16xf32, #tpu.memory_space<hbm>> -> memref<640x16xf32, #tpu.memory_space<hbm>>
      %dma_wait3A_181 = arith.constant 0 : i32
      %dma_wait3A_182 = tpu.memref_slice %arg10[%mul3A_2, %dma_wait3A_181] : memref<10240x16xf32, #tpu.memory_space<vmem_shared>> -> memref<640x16xf32, #tpu.memory_space<vmem_shared>>
      tpu.wait_dma2 semaphore(%run_scoped3A_173 : memref<!tpu.dma_semaphore, #tpu.memory_space<semaphore_mem>>) src(%dma_wait3A_182 : memref<640x16xf32, #tpu.memory_space<vmem_shared>>) dst(%dma_wait3A_180 : memref<640x16xf32, #tpu.memory_space<hbm>>)
      tpu.yield
    }) : () -> ()
    return
  }
}

module attributes {stable_mosaic.version = 14 : i64} {
  func.func @_tc_a0_body(%arg0: i32, %arg1: memref<1024x128xf32, #tpu.memory_space<vmem>>, %arg2: memref<1024x128xf32, #tpu.memory_space<vmem>>, %arg3: memref<128x64xf32, #tpu.memory_space<vmem>>, %arg4: memref<1024x128xf32, #tpu.memory_space<vmem>>) attributes {dimension_semantics = [#tpu.dimension_semantics<arbitrary>], iteration_bounds = array<i64: 5>, scalar_prefetch = 0 : i64, scratch_operands = 0 : i64, tpu.core_type = #tpu.core_type<tc>, window_params = [{transform_indices = @transform_0, window_bounds = array<i64: 1024, 128>}, {transform_indices = @transform_1, window_bounds = array<i64: 1024, 128>}, {pipeline_mode = #tpu.pipeline_mode<synchronous>, transform_indices = @transform_2, window_bounds = array<i64: 128, 64>}, {transform_indices = @transform_3, window_bounds = array<i64: 1024, 128>}]} {
    %get3A = arith.constant 0 : index
    %get3A_0 = arith.constant 0 : index
    %get3A_1 = vector.load %arg1[%get3A, %get3A_0] : memref<1024x128xf32, #tpu.memory_space<vmem>>, vector<1024x128xf32>
    %get3A_2 = arith.constant 0 : index
    %get3A_3 = arith.constant 0 : index
    %get3A_4 = vector.load %arg3[%get3A_2, %get3A_3] : memref<128x64xf32, #tpu.memory_space<vmem>>, vector<128x64xf32>
    %dot_general3A = arith.constant dense<0.000000e+00> : vector<1024x64xf32>
    %dot_general3A_5 = tpu.matmul %get3A_1, %get3A_4, %dot_general3A {dimension_numbers = #tpu.dot_dimension_numbers<[1], [0], [0], [1], [0, 0, 1, 1], [], []>, transpose_lhs_hint = false} : vector<1024x128xf32>, vector<128x64xf32>, vector<1024x64xf32> -> vector<1024x64xf32>
    %get3A_6 = arith.constant 0 : index
    %get3A_7 = arith.constant 0 : index
    %get3A_8 = vector.load %arg2[%get3A_6, %get3A_7] : memref<1024x128xf32, #tpu.memory_space<vmem>>, vector<1024x128xf32>
    %get3A_9 = arith.constant 0 : index
    %get3A_10 = arith.constant 0 : index
    %get3A_11 = vector.load %arg3[%get3A_9, %get3A_10] : memref<128x64xf32, #tpu.memory_space<vmem>>, vector<128x64xf32>
    %dot_general3A_12 = arith.constant dense<0.000000e+00> : vector<1024x64xf32>
    %dot_general3A_13 = tpu.matmul %get3A_8, %get3A_11, %dot_general3A_12 {dimension_numbers = #tpu.dot_dimension_numbers<[1], [0], [0], [1], [0, 0, 1, 1], [], []>, transpose_lhs_hint = false} : vector<1024x128xf32>, vector<128x64xf32>, vector<1024x64xf32> -> vector<1024x64xf32>
    %concatenate3A = tpu.concatenate %dot_general3A_5, %dot_general3A_13 in 1 : vector<1024x64xf32>, vector<1024x64xf32> -> vector<1024x128xf32>
    %swap3A = arith.constant 0 : index
    %swap3A_14 = arith.constant 0 : index
    %swap3A_15 = vector.load %arg4[%swap3A, %swap3A_14] : memref<1024x128xf32, #tpu.memory_space<vmem>>, vector<1024x128xf32>
    tpu.vector_store %arg4[%swap3A, %swap3A_14], %concatenate3A {strides = array<i32>} : memref<1024x128xf32, #tpu.memory_space<vmem>>, vector<1024x128xf32>,
    return
  }
  func.func @transform_0(%arg0: i32) -> (i32, i32) {
    %c0_i32 = arith.constant 0 : i32
    %c0_i32_0 = arith.constant 0 : i32
    return %arg0, %c0_i32 : i32, i32
  }
  func.func @transform_1(%arg0: i32) -> (i32, i32) {
    %add3A = arith.constant 5 : i32
    %add3A_0 = arith.addi %add3A, %arg0 : i32
    %c0_i32 = arith.constant 0 : i32
    %c0_i32_1 = arith.constant 0 : i32
    return %add3A_0, %c0_i32 : i32, i32
  }
  func.func @transform_2(%arg0: i32) -> (i32, i32) {
    %c0_i32 = arith.constant 0 : i32
    %c0_i32_0 = arith.constant 0 : i32
    %c0_i32_1 = arith.constant 0 : i32
    return %c0_i32, %c0_i32_0 : i32, i32
  }
  func.func @transform_3(%arg0: i32) -> (i32, i32) {
    %c0_i32 = arith.constant 0 : i32
    %c0_i32_0 = arith.constant 0 : i32
    return %arg0, %c0_i32 : i32, i32
  }
}

module attributes {stable_mosaic.version = 14 : i64} {
  func.func @_tc_da_body(%arg0: i32, %arg1: memref<1024x128xf32, #tpu.memory_space<vmem>>, %arg2: memref<2x1024x8xf32, #tpu.memory_space<vmem>>, %arg3: memref<2x1024x8xf32, #tpu.memory_space<vmem>>, %arg4: memref<2x256x8xf32, #tpu.memory_space<vmem>>, %arg5: memref<2x256x8xf32, #tpu.memory_space<vmem>>, %arg6: memref<2x256x8xf32, #tpu.memory_space<vmem>>, %arg7: memref<2x256x8xf32, #tpu.memory_space<vmem>>, %arg8: memref<2x256x8xf32, #tpu.memory_space<vmem>>, %arg9: memref<2x256x8xf32, #tpu.memory_space<vmem>>, %arg10: memref<2x256x8xf32, #tpu.memory_space<vmem>>, %arg11: memref<2x256x8xf32, #tpu.memory_space<vmem>>, %arg12: memref<1024x128xf32, #tpu.memory_space<vmem>>, %arg13: memref<256x128xf32, #tpu.memory_space<vmem>>, %arg14: memref<1024x128xf32, #tpu.memory_space<vmem>>) attributes {dimension_semantics = [#tpu.dimension_semantics<arbitrary>], iteration_bounds = array<i64: 5>, scalar_prefetch = 0 : i64, scratch_operands = 0 : i64, tpu.core_type = #tpu.core_type<tc>, window_params = [{transform_indices = @transform_0, window_bounds = array<i64: 1024, 128>}, {transform_indices = @transform_1, window_bounds = array<i64: 2, 1024, 8>}, {transform_indices = @transform_2, window_bounds = array<i64: 2, 1024, 8>}, {transform_indices = @transform_3, window_bounds = array<i64: 2, 256, 8>}, {transform_indices = @transform_4, window_bounds = array<i64: 2, 256, 8>}, {transform_indices = @transform_5, window_bounds = array<i64: 2, 256, 8>}, {transform_indices = @transform_6, window_bounds = array<i64: 2, 256, 8>}, {transform_indices = @transform_7, window_bounds = array<i64: 2, 256, 8>}, {transform_indices = @transform_8, window_bounds = array<i64: 2, 256, 8>}, {transform_indices = @transform_9, window_bounds = array<i64: 2, 256, 8>}, {transform_indices = @transform_10, window_bounds = array<i64: 2, 256, 8>}, {transform_indices = @transform_11, window_bounds = array<i64: 1024, 128>}, {transform_indices = @transform_12, window_bounds = array<i64: 256, 128>}, {transform_indices = @transform_13, window_bounds = array<i64: 1024, 128>}]} {
    %get3A = arith.constant 0 : index
    %get3A_0 = arith.constant 0 : index
    %get3A_1 = arith.constant 0 : index
    %get3A_2 = vector.load %arg2[%get3A, %get3A_0, %get3A_1] : memref<2x1024x8xf32, #tpu.memory_space<vmem>>, vector<1x1024x8xf32>
    %get3A_3 = vector.shape_cast %get3A_2 : vector<1x1024x8xf32> to vector<1024x8xf32>
    %get3A_4 = arith.constant 1 : index
    %get3A_5 = arith.constant 0 : index
    %get3A_6 = arith.constant 0 : index
    %get3A_7 = vector.load %arg2[%get3A_4, %get3A_5, %get3A_6] : memref<2x1024x8xf32, #tpu.memory_space<vmem>>, vector<1x1024x8xf32>
    %get3A_8 = vector.shape_cast %get3A_7 : vector<1x1024x8xf32> to vector<1024x8xf32>
    %add3A = arith.addf %get3A_3, %get3A_8 : vector<1024x8xf32>
    %add3A_9 = arith.constant 1.000000e+00 : f32
    %add3A_10 = vector.broadcast %add3A_9 : f32 to vector<1024x8xf32>
    %add3A_11 = arith.addf %add3A, %add3A_10 : vector<1024x8xf32>
    %slice3A = vector.extract_strided_slice %add3A_11 {offsets = [0, 0], sizes = [1024, 1], strides = [1, 1]} : vector<1024x8xf32> to vector<1024x1xf32>
    %max3A = arith.constant 1.000000e+00 : f32
    %max3A_12 = vector.broadcast %max3A : f32 to vector<1024x1xf32>
    %max3A_13 = arith.maximumf %slice3A, %max3A_12 : vector<1024x1xf32>
    %rsqrt3A = math.rsqrt %max3A_13 : vector<1024x1xf32>
    %broadcast_in_dim3A = vector.shape_cast %rsqrt3A : vector<1024x1xf32> to vector<1024x1xf32>
    %broadcast_in_dim3A_14 = vector.broadcast %broadcast_in_dim3A : vector<1024x1xf32> to vector<1024x64xf32>
    %get3A_15 = arith.constant 0 : index
    %get3A_16 = arith.constant 0 : index
    %get3A_17 = arith.constant 0 : index
    %get3A_18 = vector.load %arg3[%get3A_15, %get3A_16, %get3A_17] : memref<2x1024x8xf32, #tpu.memory_space<vmem>>, vector<1x1024x8xf32>
    %get3A_19 = vector.shape_cast %get3A_18 : vector<1x1024x8xf32> to vector<1024x8xf32>
    %get3A_20 = arith.constant 1 : index
    %get3A_21 = arith.constant 0 : index
    %get3A_22 = arith.constant 0 : index
    %get3A_23 = vector.load %arg3[%get3A_20, %get3A_21, %get3A_22] : memref<2x1024x8xf32, #tpu.memory_space<vmem>>, vector<1x1024x8xf32>
    %get3A_24 = vector.shape_cast %get3A_23 : vector<1x1024x8xf32> to vector<1024x8xf32>
    %add3A_25 = arith.addf %get3A_19, %get3A_24 : vector<1024x8xf32>
    %add3A_26 = arith.constant 1.000000e+00 : f32
    %add3A_27 = vector.broadcast %add3A_26 : f32 to vector<1024x8xf32>
    %add3A_28 = arith.addf %add3A_25, %add3A_27 : vector<1024x8xf32>
    %slice3A_29 = vector.extract_strided_slice %add3A_28 {offsets = [0, 0], sizes = [1024, 1], strides = [1, 1]} : vector<1024x8xf32> to vector<1024x1xf32>
    %max3A_30 = arith.constant 1.000000e+00 : f32
    %max3A_31 = vector.broadcast %max3A_30 : f32 to vector<1024x1xf32>
    %max3A_32 = arith.maximumf %slice3A_29, %max3A_31 : vector<1024x1xf32>
    %rsqrt3A_33 = math.rsqrt %max3A_32 : vector<1024x1xf32>
    %broadcast_in_dim3A_34 = vector.shape_cast %rsqrt3A_33 : vector<1024x1xf32> to vector<1024x1xf32>
    %broadcast_in_dim3A_35 = vector.broadcast %broadcast_in_dim3A_34 : vector<1024x1xf32> to vector<1024x64xf32>
    %concatenate3A = tpu.concatenate %broadcast_in_dim3A_14, %broadcast_in_dim3A_35 in 1 : vector<1024x64xf32>, vector<1024x64xf32> -> vector<1024x128xf32>
    %swap3A = arith.constant 0 : index
    %swap3A_36 = arith.constant 0 : index
    %swap3A_37 = vector.load %arg12[%swap3A, %swap3A_36] : memref<1024x128xf32, #tpu.memory_space<vmem>>, vector<1024x128xf32>
    tpu.vector_store %arg12[%swap3A, %swap3A_36], %concatenate3A {strides = array<i32>} : memref<1024x128xf32, #tpu.memory_space<vmem>>, vector<1024x128xf32>,
    %get3A_38 = arith.constant 0 : index
    %get3A_39 = arith.constant 0 : index
    %get3A_40 = vector.load %arg1[%get3A_38, %get3A_39] : memref<1024x128xf32, #tpu.memory_space<vmem>>, vector<1024x128xf32>
    %mul3A = arith.mulf %get3A_40, %concatenate3A : vector<1024x128xf32>
    %swap3A_41 = arith.constant 0 : index
    %swap3A_42 = arith.constant 0 : index
    %swap3A_43 = vector.load %arg14[%swap3A_41, %swap3A_42] : memref<1024x128xf32, #tpu.memory_space<vmem>>, vector<1024x128xf32>
    tpu.vector_store %arg14[%swap3A_41, %swap3A_42], %mul3A {strides = array<i32>} : memref<1024x128xf32, #tpu.memory_space<vmem>>, vector<1024x128xf32>,
    %get3A_44 = arith.constant 0 : index
    %get3A_45 = arith.constant 0 : index
    %get3A_46 = arith.constant 0 : index
    %get3A_47 = vector.load %arg4[%get3A_44, %get3A_45, %get3A_46] : memref<2x256x8xf32, #tpu.memory_space<vmem>>, vector<1x256x8xf32>
    %get3A_48 = vector.shape_cast %get3A_47 : vector<1x256x8xf32> to vector<256x8xf32>
    %get3A_49 = arith.constant 1 : index
    %get3A_50 = arith.constant 0 : index
    %get3A_51 = arith.constant 0 : index
    %get3A_52 = vector.load %arg4[%get3A_49, %get3A_50, %get3A_51] : memref<2x256x8xf32, #tpu.memory_space<vmem>>, vector<1x256x8xf32>
    %get3A_53 = vector.shape_cast %get3A_52 : vector<1x256x8xf32> to vector<256x8xf32>
    %add3A_54 = arith.addf %get3A_48, %get3A_53 : vector<256x8xf32>
    %add3A_55 = arith.constant 1.000000e+00 : f32
    %add3A_56 = vector.broadcast %add3A_55 : f32 to vector<256x8xf32>
    %add3A_57 = arith.addf %add3A_54, %add3A_56 : vector<256x8xf32>
    %slice3A_58 = vector.extract_strided_slice %add3A_57 {offsets = [0, 0], sizes = [256, 1], strides = [1, 1]} : vector<256x8xf32> to vector<256x1xf32>
    %max3A_59 = arith.constant 1.000000e+00 : f32
    %max3A_60 = vector.broadcast %max3A_59 : f32 to vector<256x1xf32>
    %max3A_61 = arith.maximumf %slice3A_58, %max3A_60 : vector<256x1xf32>
    %rsqrt3A_62 = math.rsqrt %max3A_61 : vector<256x1xf32>
    %broadcast_in_dim3A_63 = vector.shape_cast %rsqrt3A_62 : vector<256x1xf32> to vector<256x1xf32>
    %broadcast_in_dim3A_64 = vector.broadcast %broadcast_in_dim3A_63 : vector<256x1xf32> to vector<256x16xf32>
    %get3A_65 = arith.constant 0 : index
    %get3A_66 = arith.constant 0 : index
    %get3A_67 = arith.constant 0 : index
    %get3A_68 = vector.load %arg5[%get3A_65, %get3A_66, %get3A_67] : memref<2x256x8xf32, #tpu.memory_space<vmem>>, vector<1x256x8xf32>
    %get3A_69 = vector.shape_cast %get3A_68 : vector<1x256x8xf32> to vector<256x8xf32>
    %get3A_70 = arith.constant 1 : index
    %get3A_71 = arith.constant 0 : index
    %get3A_72 = arith.constant 0 : index
    %get3A_73 = vector.load %arg5[%get3A_70, %get3A_71, %get3A_72] : memref<2x256x8xf32, #tpu.memory_space<vmem>>, vector<1x256x8xf32>
    %get3A_74 = vector.shape_cast %get3A_73 : vector<1x256x8xf32> to vector<256x8xf32>
    %add3A_75 = arith.addf %get3A_69, %get3A_74 : vector<256x8xf32>
    %add3A_76 = arith.constant 1.000000e+00 : f32
    %add3A_77 = vector.broadcast %add3A_76 : f32 to vector<256x8xf32>
    %add3A_78 = arith.addf %add3A_75, %add3A_77 : vector<256x8xf32>
    %slice3A_79 = vector.extract_strided_slice %add3A_78 {offsets = [0, 0], sizes = [256, 1], strides = [1, 1]} : vector<256x8xf32> to vector<256x1xf32>
    %max3A_80 = arith.constant 1.000000e+00 : f32
    %max3A_81 = vector.broadcast %max3A_80 : f32 to vector<256x1xf32>
    %max3A_82 = arith.maximumf %slice3A_79, %max3A_81 : vector<256x1xf32>
    %rsqrt3A_83 = math.rsqrt %max3A_82 : vector<256x1xf32>
    %broadcast_in_dim3A_84 = vector.shape_cast %rsqrt3A_83 : vector<256x1xf32> to vector<256x1xf32>
    %broadcast_in_dim3A_85 = vector.broadcast %broadcast_in_dim3A_84 : vector<256x1xf32> to vector<256x16xf32>
    %get3A_86 = arith.constant 0 : index
    %get3A_87 = arith.constant 0 : index
    %get3A_88 = arith.constant 0 : index
    %get3A_89 = vector.load %arg6[%get3A_86, %get3A_87, %get3A_88] : memref<2x256x8xf32, #tpu.memory_space<vmem>>, vector<1x256x8xf32>
    %get3A_90 = vector.shape_cast %get3A_89 : vector<1x256x8xf32> to vector<256x8xf32>
    %get3A_91 = arith.constant 1 : index
    %get3A_92 = arith.constant 0 : index
    %get3A_93 = arith.constant 0 : index
    %get3A_94 = vector.load %arg6[%get3A_91, %get3A_92, %get3A_93] : memref<2x256x8xf32, #tpu.memory_space<vmem>>, vector<1x256x8xf32>
    %get3A_95 = vector.shape_cast %get3A_94 : vector<1x256x8xf32> to vector<256x8xf32>
    %add3A_96 = arith.addf %get3A_90, %get3A_95 : vector<256x8xf32>
    %add3A_97 = arith.constant 1.000000e+00 : f32
    %add3A_98 = vector.broadcast %add3A_97 : f32 to vector<256x8xf32>
    %add3A_99 = arith.addf %add3A_96, %add3A_98 : vector<256x8xf32>
    %slice3A_100 = vector.extract_strided_slice %add3A_99 {offsets = [0, 0], sizes = [256, 1], strides = [1, 1]} : vector<256x8xf32> to vector<256x1xf32>
    %max3A_101 = arith.constant 1.000000e+00 : f32
    %max3A_102 = vector.broadcast %max3A_101 : f32 to vector<256x1xf32>
    %max3A_103 = arith.maximumf %slice3A_100, %max3A_102 : vector<256x1xf32>
    %rsqrt3A_104 = math.rsqrt %max3A_103 : vector<256x1xf32>
    %broadcast_in_dim3A_105 = vector.shape_cast %rsqrt3A_104 : vector<256x1xf32> to vector<256x1xf32>
    %broadcast_in_dim3A_106 = vector.broadcast %broadcast_in_dim3A_105 : vector<256x1xf32> to vector<256x16xf32>
    %get3A_107 = arith.constant 0 : index
    %get3A_108 = arith.constant 0 : index
    %get3A_109 = arith.constant 0 : index
    %get3A_110 = vector.load %arg7[%get3A_107, %get3A_108, %get3A_109] : memref<2x256x8xf32, #tpu.memory_space<vmem>>, vector<1x256x8xf32>
    %get3A_111 = vector.shape_cast %get3A_110 : vector<1x256x8xf32> to vector<256x8xf32>
    %get3A_112 = arith.constant 1 : index
    %get3A_113 = arith.constant 0 : index
    %get3A_114 = arith.constant 0 : index
    %get3A_115 = vector.load %arg7[%get3A_112, %get3A_113, %get3A_114] : memref<2x256x8xf32, #tpu.memory_space<vmem>>, vector<1x256x8xf32>
    %get3A_116 = vector.shape_cast %get3A_115 : vector<1x256x8xf32> to vector<256x8xf32>
    %add3A_117 = arith.addf %get3A_111, %get3A_116 : vector<256x8xf32>
    %add3A_118 = arith.constant 1.000000e+00 : f32
    %add3A_119 = vector.broadcast %add3A_118 : f32 to vector<256x8xf32>
    %add3A_120 = arith.addf %add3A_117, %add3A_119 : vector<256x8xf32>
    %slice3A_121 = vector.extract_strided_slice %add3A_120 {offsets = [0, 0], sizes = [256, 1], strides = [1, 1]} : vector<256x8xf32> to vector<256x1xf32>
    %max3A_122 = arith.constant 1.000000e+00 : f32
    %max3A_123 = vector.broadcast %max3A_122 : f32 to vector<256x1xf32>
    %max3A_124 = arith.maximumf %slice3A_121, %max3A_123 : vector<256x1xf32>
    %rsqrt3A_125 = math.rsqrt %max3A_124 : vector<256x1xf32>
    %broadcast_in_dim3A_126 = vector.shape_cast %rsqrt3A_125 : vector<256x1xf32> to vector<256x1xf32>
    %broadcast_in_dim3A_127 = vector.broadcast %broadcast_in_dim3A_126 : vector<256x1xf32> to vector<256x16xf32>
    %get3A_128 = arith.constant 0 : index
    %get3A_129 = arith.constant 0 : index
    %get3A_130 = arith.constant 0 : index
    %get3A_131 = vector.load %arg8[%get3A_128, %get3A_129, %get3A_130] : memref<2x256x8xf32, #tpu.memory_space<vmem>>, vector<1x256x8xf32>
    %get3A_132 = vector.shape_cast %get3A_131 : vector<1x256x8xf32> to vector<256x8xf32>
    %get3A_133 = arith.constant 1 : index
    %get3A_134 = arith.constant 0 : index
    %get3A_135 = arith.constant 0 : index
    %get3A_136 = vector.load %arg8[%get3A_133, %get3A_134, %get3A_135] : memref<2x256x8xf32, #tpu.memory_space<vmem>>, vector<1x256x8xf32>
    %get3A_137 = vector.shape_cast %get3A_136 : vector<1x256x8xf32> to vector<256x8xf32>
    %add3A_138 = arith.addf %get3A_132, %get3A_137 : vector<256x8xf32>
    %add3A_139 = arith.constant 1.000000e+00 : f32
    %add3A_140 = vector.broadcast %add3A_139 : f32 to vector<256x8xf32>
    %add3A_141 = arith.addf %add3A_138, %add3A_140 : vector<256x8xf32>
    %slice3A_142 = vector.extract_strided_slice %add3A_141 {offsets = [0, 0], sizes = [256, 1], strides = [1, 1]} : vector<256x8xf32> to vector<256x1xf32>
    %max3A_143 = arith.constant 1.000000e+00 : f32
    %max3A_144 = vector.broadcast %max3A_143 : f32 to vector<256x1xf32>
    %max3A_145 = arith.maximumf %slice3A_142, %max3A_144 : vector<256x1xf32>
    %rsqrt3A_146 = math.rsqrt %max3A_145 : vector<256x1xf32>
    %broadcast_in_dim3A_147 = vector.shape_cast %rsqrt3A_146 : vector<256x1xf32> to vector<256x1xf32>
    %broadcast_in_dim3A_148 = vector.broadcast %broadcast_in_dim3A_147 : vector<256x1xf32> to vector<256x16xf32>
    %get3A_149 = arith.constant 0 : index
    %get3A_150 = arith.constant 0 : index
    %get3A_151 = arith.constant 0 : index
    %get3A_152 = vector.load %arg9[%get3A_149, %get3A_150, %get3A_151] : memref<2x256x8xf32, #tpu.memory_space<vmem>>, vector<1x256x8xf32>
    %get3A_153 = vector.shape_cast %get3A_152 : vector<1x256x8xf32> to vector<256x8xf32>
    %get3A_154 = arith.constant 1 : index
    %get3A_155 = arith.constant 0 : index
    %get3A_156 = arith.constant 0 : index
    %get3A_157 = vector.load %arg9[%get3A_154, %get3A_155, %get3A_156] : memref<2x256x8xf32, #tpu.memory_space<vmem>>, vector<1x256x8xf32>
    %get3A_158 = vector.shape_cast %get3A_157 : vector<1x256x8xf32> to vector<256x8xf32>
    %add3A_159 = arith.addf %get3A_153, %get3A_158 : vector<256x8xf32>
    %add3A_160 = arith.constant 1.000000e+00 : f32
    %add3A_161 = vector.broadcast %add3A_160 : f32 to vector<256x8xf32>
    %add3A_162 = arith.addf %add3A_159, %add3A_161 : vector<256x8xf32>
    %slice3A_163 = vector.extract_strided_slice %add3A_162 {offsets = [0, 0], sizes = [256, 1], strides = [1, 1]} : vector<256x8xf32> to vector<256x1xf32>
    %max3A_164 = arith.constant 1.000000e+00 : f32
    %max3A_165 = vector.broadcast %max3A_164 : f32 to vector<256x1xf32>
    %max3A_166 = arith.maximumf %slice3A_163, %max3A_165 : vector<256x1xf32>
    %rsqrt3A_167 = math.rsqrt %max3A_166 : vector<256x1xf32>
    %broadcast_in_dim3A_168 = vector.shape_cast %rsqrt3A_167 : vector<256x1xf32> to vector<256x1xf32>
    %broadcast_in_dim3A_169 = vector.broadcast %broadcast_in_dim3A_168 : vector<256x1xf32> to vector<256x16xf32>
    %get3A_170 = arith.constant 0 : index
    %get3A_171 = arith.constant 0 : index
    %get3A_172 = arith.constant 0 : index
    %get3A_173 = vector.load %arg10[%get3A_170, %get3A_171, %get3A_172] : memref<2x256x8xf32, #tpu.memory_space<vmem>>, vector<1x256x8xf32>
    %get3A_174 = vector.shape_cast %get3A_173 : vector<1x256x8xf32> to vector<256x8xf32>
    %get3A_175 = arith.constant 1 : index
    %get3A_176 = arith.constant 0 : index
    %get3A_177 = arith.constant 0 : index
    %get3A_178 = vector.load %arg10[%get3A_175, %get3A_176, %get3A_177] : memref<2x256x8xf32, #tpu.memory_space<vmem>>, vector<1x256x8xf32>
    %get3A_179 = vector.shape_cast %get3A_178 : vector<1x256x8xf32> to vector<256x8xf32>
    %add3A_180 = arith.addf %get3A_174, %get3A_179 : vector<256x8xf32>
    %add3A_181 = arith.constant 1.000000e+00 : f32
    %add3A_182 = vector.broadcast %add3A_181 : f32 to vector<256x8xf32>
    %add3A_183 = arith.addf %add3A_180, %add3A_182 : vector<256x8xf32>
    %slice3A_184 = vector.extract_strided_slice %add3A_183 {offsets = [0, 0], sizes = [256, 1], strides = [1, 1]} : vector<256x8xf32> to vector<256x1xf32>
    %max3A_185 = arith.constant 1.000000e+00 : f32
    %max3A_186 = vector.broadcast %max3A_185 : f32 to vector<256x1xf32>
    %max3A_187 = arith.maximumf %slice3A_184, %max3A_186 : vector<256x1xf32>
    %rsqrt3A_188 = math.rsqrt %max3A_187 : vector<256x1xf32>
    %broadcast_in_dim3A_189 = vector.shape_cast %rsqrt3A_188 : vector<256x1xf32> to vector<256x1xf32>
    %broadcast_in_dim3A_190 = vector.broadcast %broadcast_in_dim3A_189 : vector<256x1xf32> to vector<256x16xf32>
    %get3A_191 = arith.constant 0 : index
    %get3A_192 = arith.constant 0 : index
    %get3A_193 = arith.constant 0 : index
    %get3A_194 = vector.load %arg11[%get3A_191, %get3A_192, %get3A_193] : memref<2x256x8xf32, #tpu.memory_space<vmem>>, vector<1x256x8xf32>
    %get3A_195 = vector.shape_cast %get3A_194 : vector<1x256x8xf32> to vector<256x8xf32>
    %get3A_196 = arith.constant 1 : index
    %get3A_197 = arith.constant 0 : index
    %get3A_198 = arith.constant 0 : index
    %get3A_199 = vector.load %arg11[%get3A_196, %get3A_197, %get3A_198] : memref<2x256x8xf32, #tpu.memory_space<vmem>>, vector<1x256x8xf32>
    %get3A_200 = vector.shape_cast %get3A_199 : vector<1x256x8xf32> to vector<256x8xf32>
    %add3A_201 = arith.addf %get3A_195, %get3A_200 : vector<256x8xf32>
    %add3A_202 = arith.constant 1.000000e+00 : f32
    %add3A_203 = vector.broadcast %add3A_202 : f32 to vector<256x8xf32>
    %add3A_204 = arith.addf %add3A_201, %add3A_203 : vector<256x8xf32>
    %slice3A_205 = vector.extract_strided_slice %add3A_204 {offsets = [0, 0], sizes = [256, 1], strides = [1, 1]} : vector<256x8xf32> to vector<256x1xf32>
    %max3A_206 = arith.constant 1.000000e+00 : f32
    %max3A_207 = vector.broadcast %max3A_206 : f32 to vector<256x1xf32>
    %max3A_208 = arith.maximumf %slice3A_205, %max3A_207 : vector<256x1xf32>
    %rsqrt3A_209 = math.rsqrt %max3A_208 : vector<256x1xf32>
    %broadcast_in_dim3A_210 = vector.shape_cast %rsqrt3A_209 : vector<256x1xf32> to vector<256x1xf32>
    %broadcast_in_dim3A_211 = vector.broadcast %broadcast_in_dim3A_210 : vector<256x1xf32> to vector<256x16xf32>
    %concatenate3A_212 = tpu.concatenate %broadcast_in_dim3A_64, %broadcast_in_dim3A_85, %broadcast_in_dim3A_106, %broadcast_in_dim3A_127, %broadcast_in_dim3A_148, %broadcast_in_dim3A_169, %broadcast_in_dim3A_190, %broadcast_in_dim3A_211 in 1 : vector<256x16xf32>, vector<256x16xf32>, vector<256x16xf32>, vector<256x16xf32>, vector<256x16xf32>, vector<256x16xf32>, vector<256x16xf32>, vector<256x16xf32> -> vector<256x128xf32>
    %swap3A_213 = arith.constant 0 : index
    %swap3A_214 = arith.constant 0 : index
    %swap3A_215 = vector.load %arg13[%swap3A_213, %swap3A_214] : memref<256x128xf32, #tpu.memory_space<vmem>>, vector<256x128xf32>
    tpu.vector_store %arg13[%swap3A_213, %swap3A_214], %concatenate3A_212 {strides = array<i32>} : memref<256x128xf32, #tpu.memory_space<vmem>>, vector<256x128xf32>,
    return
  }
  func.func @transform_0(%arg0: i32) -> (i32, i32) {
    %c0_i32 = arith.constant 0 : i32
    %c0_i32_0 = arith.constant 0 : i32
    return %arg0, %c0_i32 : i32, i32
  }
  func.func @transform_1(%arg0: i32) -> (i32, i32, i32) {
    %c0_i32 = arith.constant 0 : i32
    %c0_i32_0 = arith.constant 0 : i32
    %c0_i32_1 = arith.constant 0 : i32
    return %c0_i32, %arg0, %c0_i32_0 : i32, i32, i32
  }
  func.func @transform_2(%arg0: i32) -> (i32, i32, i32) {
    %add3A = arith.constant 5 : i32
    %add3A_0 = arith.addi %add3A, %arg0 : i32
    %c0_i32 = arith.constant 0 : i32
    %c0_i32_1 = arith.constant 0 : i32
    %c0_i32_2 = arith.constant 0 : i32
    return %c0_i32, %add3A_0, %c0_i32_1 : i32, i32, i32
  }
  func.func @transform_3(%arg0: i32) -> (i32, i32, i32) {
    %add3A = arith.constant 0 : i32
    %add3A_0 = arith.addi %add3A, %arg0 : i32
    %c0_i32 = arith.constant 0 : i32
    %c0_i32_1 = arith.constant 0 : i32
    %c0_i32_2 = arith.constant 0 : i32
    return %c0_i32, %add3A_0, %c0_i32_1 : i32, i32, i32
  }
  func.func @transform_4(%arg0: i32) -> (i32, i32, i32) {
    %add3A = arith.constant 5 : i32
    %add3A_0 = arith.addi %add3A, %arg0 : i32
    %c0_i32 = arith.constant 0 : i32
    %c0_i32_1 = arith.constant 0 : i32
    %c0_i32_2 = arith.constant 0 : i32
    return %c0_i32, %add3A_0, %c0_i32_1 : i32, i32, i32
  }
  func.func @transform_5(%arg0: i32) -> (i32, i32, i32) {
    %add3A = arith.constant 10 : i32
    %add3A_0 = arith.addi %add3A, %arg0 : i32
    %c0_i32 = arith.constant 0 : i32
    %c0_i32_1 = arith.constant 0 : i32
    %c0_i32_2 = arith.constant 0 : i32
    return %c0_i32, %add3A_0, %c0_i32_1 : i32, i32, i32
  }
  func.func @transform_6(%arg0: i32) -> (i32, i32, i32) {
    %add3A = arith.constant 15 : i32
    %add3A_0 = arith.addi %add3A, %arg0 : i32
    %c0_i32 = arith.constant 0 : i32
    %c0_i32_1 = arith.constant 0 : i32
    %c0_i32_2 = arith.constant 0 : i32
    return %c0_i32, %add3A_0, %c0_i32_1 : i32, i32, i32
  }
  func.func @transform_7(%arg0: i32) -> (i32, i32, i32) {
    %add3A = arith.constant 20 : i32
    %add3A_0 = arith.addi %add3A, %arg0 : i32
    %c0_i32 = arith.constant 0 : i32
    %c0_i32_1 = arith.constant 0 : i32
    %c0_i32_2 = arith.constant 0 : i32
    return %c0_i32, %add3A_0, %c0_i32_1 : i32, i32, i32
  }
  func.func @transform_8(%arg0: i32) -> (i32, i32, i32) {
    %add3A = arith.constant 25 : i32
    %add3A_0 = arith.addi %add3A, %arg0 : i32
    %c0_i32 = arith.constant 0 : i32
    %c0_i32_1 = arith.constant 0 : i32
    %c0_i32_2 = arith.constant 0 : i32
    return %c0_i32, %add3A_0, %c0_i32_1 : i32, i32, i32
  }
  func.func @transform_9(%arg0: i32) -> (i32, i32, i32) {
    %add3A = arith.constant 30 : i32
    %add3A_0 = arith.addi %add3A, %arg0 : i32
    %c0_i32 = arith.constant 0 : i32
    %c0_i32_1 = arith.constant 0 : i32
    %c0_i32_2 = arith.constant 0 : i32
    return %c0_i32, %add3A_0, %c0_i32_1 : i32, i32, i32
  }
  func.func @transform_10(%arg0: i32) -> (i32, i32, i32) {
    %add3A = arith.constant 35 : i32
    %add3A_0 = arith.addi %add3A, %arg0 : i32
    %c0_i32 = arith.constant 0 : i32
    %c0_i32_1 = arith.constant 0 : i32
    %c0_i32_2 = arith.constant 0 : i32
    return %c0_i32, %add3A_0, %c0_i32_1 : i32, i32, i32
  }
  func.func @transform_11(%arg0: i32) -> (i32, i32) {
    %c0_i32 = arith.constant 0 : i32
    %c0_i32_0 = arith.constant 0 : i32
    return %arg0, %c0_i32 : i32, i32
  }
  func.func @transform_12(%arg0: i32) -> (i32, i32) {
    %c0_i32 = arith.constant 0 : i32
    %c0_i32_0 = arith.constant 0 : i32
    return %arg0, %c0_i32 : i32, i32
  }
  func.func @transform_13(%arg0: i32) -> (i32, i32) {
    %c0_i32 = arith.constant 0 : i32
    %c0_i32_0 = arith.constant 0 : i32
    return %arg0, %c0_i32 : i32, i32
  }
}

module attributes {stable_mosaic.version = 14 : i64} {
  func.func @_tc_b_body(%arg0: memref<2x5120x128xf32, #tpu.memory_space<vmem>>, %arg1: memref<5120x128xf32, #tpu.memory_space<vmem>>, %arg2: memref<5120x128xf32, #tpu.memory_space<vmem>>, %arg3: memref<1280x128xf32, #tpu.memory_space<vmem>>, %arg4: memref<1x128xf32, #tpu.memory_space<vmem>>, %arg5: memref<128x32xf32, #tpu.memory_space<vmem>>, %arg6: memref<1280x128xf32, #tpu.memory_space<vmem>>) attributes {dimension_semantics = [], scalar_prefetch = 0 : i64, scratch_operands = 0 : i64, tpu.core_type = #tpu.core_type<tc>} {
    %get3A = arith.constant 0 : index
    %get3A_0 = arith.constant 0 : index
    %get3A_1 = arith.constant 0 : index
    %get3A_2 = vector.load %arg0[%get3A, %get3A_0, %get3A_1] : memref<2x5120x128xf32, #tpu.memory_space<vmem>>, vector<1x5120x128xf32>
    %get3A_3 = vector.shape_cast %get3A_2 : vector<1x5120x128xf32> to vector<5120x128xf32>
    %get3A_4 = arith.constant 1 : index
    %get3A_5 = arith.constant 0 : index
    %get3A_6 = arith.constant 0 : index
    %get3A_7 = vector.load %arg0[%get3A_4, %get3A_5, %get3A_6] : memref<2x5120x128xf32, #tpu.memory_space<vmem>>, vector<1x5120x128xf32>
    %get3A_8 = vector.shape_cast %get3A_7 : vector<1x5120x128xf32> to vector<5120x128xf32>
    %add3A = arith.addf %get3A_3, %get3A_8 : vector<5120x128xf32>
    %get3A_9 = arith.constant 0 : index
    %get3A_10 = arith.constant 0 : index
    %get3A_11 = vector.load %arg1[%get3A_9, %get3A_10] : memref<5120x128xf32, #tpu.memory_space<vmem>>, vector<5120x128xf32>
    %add3A_12 = arith.addf %add3A, %get3A_11 : vector<5120x128xf32>
    %get3A_13 = arith.constant 0 : index
    %get3A_14 = arith.constant 0 : index
    %get3A_15 = vector.load %arg2[%get3A_13, %get3A_14] : memref<5120x128xf32, #tpu.memory_space<vmem>>, vector<5120x128xf32>
    %mul3A = arith.mulf %add3A_12, %get3A_15 : vector<5120x128xf32>
    %get3A_16 = arith.constant 0 : index
    %get3A_17 = arith.constant 0 : index
    %get3A_18 = vector.load %arg4[%get3A_16, %get3A_17] : memref<1x128xf32, #tpu.memory_space<vmem>>, vector<1x128xf32>
    %add3A_19 = vector.broadcast %get3A_18 : vector<1x128xf32> to vector<5120x128xf32>
    %add3A_20 = arith.addf %mul3A, %add3A_19 : vector<5120x128xf32>
    %tanh3A = math.tanh %add3A_20 : vector<5120x128xf32>
    %get3A_21 = arith.constant 0 : index
    %get3A_22 = arith.constant 0 : index
    %get3A_23 = vector.load %arg5[%get3A_21, %get3A_22] : memref<128x32xf32, #tpu.memory_space<vmem>>, vector<128x32xf32>
    %dot_general3A = arith.constant dense<0.000000e+00> : vector<5120x32xf32>
    %dot_general3A_24 = tpu.matmul %tanh3A, %get3A_23, %dot_general3A {dimension_numbers = #tpu.dot_dimension_numbers<[1], [0], [0], [1], [0, 0, 1, 1], [], []>, transpose_lhs_hint = false} : vector<5120x128xf32>, vector<128x32xf32>, vector<5120x32xf32> -> vector<5120x32xf32>
    %slice3A = vector.extract_strided_slice %dot_general3A_24 {offsets = [0, 0], sizes = [1280, 16], strides = [1, 1]} : vector<5120x32xf32> to vector<1280x16xf32>
    %slice3A_25 = vector.extract_strided_slice %dot_general3A_24 {offsets = [1280, 0], sizes = [1280, 16], strides = [1, 1]} : vector<5120x32xf32> to vector<1280x16xf32>
    %slice3A_26 = vector.extract_strided_slice %dot_general3A_24 {offsets = [2560, 0], sizes = [1280, 16], strides = [1, 1]} : vector<5120x32xf32> to vector<1280x16xf32>
    %slice3A_27 = vector.extract_strided_slice %dot_general3A_24 {offsets = [3840, 0], sizes = [1280, 16], strides = [1, 1]} : vector<5120x32xf32> to vector<1280x16xf32>
    %slice3A_28 = vector.extract_strided_slice %dot_general3A_24 {offsets = [0, 16], sizes = [1280, 16], strides = [1, 1]} : vector<5120x32xf32> to vector<1280x16xf32>
    %slice3A_29 = vector.extract_strided_slice %dot_general3A_24 {offsets = [1280, 16], sizes = [1280, 16], strides = [1, 1]} : vector<5120x32xf32> to vector<1280x16xf32>
    %slice3A_30 = vector.extract_strided_slice %dot_general3A_24 {offsets = [2560, 16], sizes = [1280, 16], strides = [1, 1]} : vector<5120x32xf32> to vector<1280x16xf32>
    %slice3A_31 = vector.extract_strided_slice %dot_general3A_24 {offsets = [3840, 16], sizes = [1280, 16], strides = [1, 1]} : vector<5120x32xf32> to vector<1280x16xf32>
    %concatenate3A = tpu.concatenate %slice3A, %slice3A_25, %slice3A_26, %slice3A_27, %slice3A_28, %slice3A_29, %slice3A_30, %slice3A_31 in 1 : vector<1280x16xf32>, vector<1280x16xf32>, vector<1280x16xf32>, vector<1280x16xf32>, vector<1280x16xf32>, vector<1280x16xf32>, vector<1280x16xf32>, vector<1280x16xf32> -> vector<1280x128xf32>
    %get3A_32 = arith.constant 0 : index
    %get3A_33 = arith.constant 0 : index
    %get3A_34 = vector.load %arg3[%get3A_32, %get3A_33] : memref<1280x128xf32, #tpu.memory_space<vmem>>, vector<1280x128xf32>
    %mul3A_35 = arith.mulf %concatenate3A, %get3A_34 : vector<1280x128xf32>
    %swap3A = arith.constant 0 : index
    %swap3A_36 = arith.constant 0 : index
    %swap3A_37 = vector.load %arg6[%swap3A, %swap3A_36] : memref<1280x128xf32, #tpu.memory_space<vmem>>, vector<1280x128xf32>
    tpu.vector_store %arg6[%swap3A, %swap3A_36], %mul3A_35 {strides = array<i32>} : memref<1280x128xf32, #tpu.memory_space<vmem>>, vector<1280x128xf32>,
    return
  }
}

module attributes {stable_mosaic.version = 14 : i64} {
  func.func @_tc_c_body(%arg0: memref<2x1280x128xf32, #tpu.memory_space<vmem>>, %arg1: memref<1280x128xf32, #tpu.memory_space<vmem>>, %arg2: memref<1280x128xf32, #tpu.memory_space<vmem>>, %arg3: memref<1x128xf32, #tpu.memory_space<vmem>>, %arg4: memref<16x10xf32, #tpu.memory_space<vmem>>, %arg5: memref<1x10xf32, #tpu.memory_space<vmem>>, %arg6: memref<10000x2xf32, #tpu.memory_space<vmem>>, %arg7: memref<10000x10xf32, #tpu.memory_space<vmem>>) attributes {dimension_semantics = [], scalar_prefetch = 0 : i64, scratch_operands = 0 : i64, tpu.core_type = #tpu.core_type<tc>} {
    %get3A = arith.constant 0 : index
    %get3A_0 = arith.constant 0 : index
    %get3A_1 = arith.constant 0 : index
    %get3A_2 = vector.load %arg0[%get3A, %get3A_0, %get3A_1] : memref<2x1280x128xf32, #tpu.memory_space<vmem>>, vector<1x1280x128xf32>
    %get3A_3 = vector.shape_cast %get3A_2 : vector<1x1280x128xf32> to vector<1280x128xf32>
    %get3A_4 = arith.constant 1 : index
    %get3A_5 = arith.constant 0 : index
    %get3A_6 = arith.constant 0 : index
    %get3A_7 = vector.load %arg0[%get3A_4, %get3A_5, %get3A_6] : memref<2x1280x128xf32, #tpu.memory_space<vmem>>, vector<1x1280x128xf32>
    %get3A_8 = vector.shape_cast %get3A_7 : vector<1x1280x128xf32> to vector<1280x128xf32>
    %add3A = arith.addf %get3A_3, %get3A_8 : vector<1280x128xf32>
    %get3A_9 = arith.constant 0 : index
    %get3A_10 = arith.constant 0 : index
    %get3A_11 = vector.load %arg1[%get3A_9, %get3A_10] : memref<1280x128xf32, #tpu.memory_space<vmem>>, vector<1280x128xf32>
    %add3A_12 = arith.addf %add3A, %get3A_11 : vector<1280x128xf32>
    %get3A_13 = arith.constant 0 : index
    %get3A_14 = arith.constant 0 : index
    %get3A_15 = vector.load %arg2[%get3A_13, %get3A_14] : memref<1280x128xf32, #tpu.memory_space<vmem>>, vector<1280x128xf32>
    %mul3A = arith.mulf %add3A_12, %get3A_15 : vector<1280x128xf32>
    %get3A_16 = arith.constant 0 : index
    %get3A_17 = arith.constant 0 : index
    %get3A_18 = vector.load %arg3[%get3A_16, %get3A_17] : memref<1x128xf32, #tpu.memory_space<vmem>>, vector<1x128xf32>
    %add3A_19 = vector.broadcast %get3A_18 : vector<1x128xf32> to vector<1280x128xf32>
    %add3A_20 = arith.addf %mul3A, %add3A_19 : vector<1280x128xf32>
    %tanh3A = math.tanh %add3A_20 : vector<1280x128xf32>
    %slice3A = vector.extract_strided_slice %tanh3A {offsets = [0, 0], sizes = [1280, 16], strides = [1, 1]} : vector<1280x128xf32> to vector<1280x16xf32>
    %slice3A_21 = vector.extract_strided_slice %tanh3A {offsets = [0, 16], sizes = [1280, 16], strides = [1, 1]} : vector<1280x128xf32> to vector<1280x16xf32>
    %slice3A_22 = vector.extract_strided_slice %tanh3A {offsets = [0, 32], sizes = [1280, 16], strides = [1, 1]} : vector<1280x128xf32> to vector<1280x16xf32>
    %slice3A_23 = vector.extract_strided_slice %tanh3A {offsets = [0, 48], sizes = [1280, 16], strides = [1, 1]} : vector<1280x128xf32> to vector<1280x16xf32>
    %slice3A_24 = vector.extract_strided_slice %tanh3A {offsets = [0, 64], sizes = [1280, 16], strides = [1, 1]} : vector<1280x128xf32> to vector<1280x16xf32>
    %slice3A_25 = vector.extract_strided_slice %tanh3A {offsets = [0, 80], sizes = [1280, 16], strides = [1, 1]} : vector<1280x128xf32> to vector<1280x16xf32>
    %slice3A_26 = vector.extract_strided_slice %tanh3A {offsets = [0, 96], sizes = [1280, 16], strides = [1, 1]} : vector<1280x128xf32> to vector<1280x16xf32>
    %slice3A_27 = vector.extract_strided_slice %tanh3A {offsets = [0, 112], sizes = [1280, 16], strides = [1, 1]} : vector<1280x128xf32> to vector<1280x16xf32>
    %concatenate3A = tpu.concatenate %slice3A, %slice3A_21, %slice3A_22, %slice3A_23, %slice3A_24, %slice3A_25, %slice3A_26, %slice3A_27 in 0 : vector<1280x16xf32>, vector<1280x16xf32>, vector<1280x16xf32>, vector<1280x16xf32>, vector<1280x16xf32>, vector<1280x16xf32>, vector<1280x16xf32>, vector<1280x16xf32> -> vector<10240x16xf32>
    %slice3A_28 = vector.extract_strided_slice %concatenate3A {offsets = [0, 0], sizes = [10000, 16], strides = [1, 1]} : vector<10240x16xf32> to vector<10000x16xf32>
    %slice3A_29 = vector.extract_strided_slice %slice3A_28 {offsets = [0, 0], sizes = [10000, 2], strides = [1, 1]} : vector<10000x16xf32> to vector<10000x2xf32>
    %swap3A = arith.constant 0 : index
    %swap3A_30 = arith.constant 0 : index
    %swap3A_31 = vector.load %arg6[%swap3A, %swap3A_30] : memref<10000x2xf32, #tpu.memory_space<vmem>>, vector<10000x2xf32>
    tpu.vector_store %arg6[%swap3A, %swap3A_30], %slice3A_29 {strides = array<i32>} : memref<10000x2xf32, #tpu.memory_space<vmem>>, vector<10000x2xf32>,
    %get3A_32 = arith.constant 0 : index
    %get3A_33 = arith.constant 0 : index
    %get3A_34 = vector.load %arg4[%get3A_32, %get3A_33] : memref<16x10xf32, #tpu.memory_space<vmem>>, vector<16x10xf32>
    %dot_general3A = arith.constant dense<0.000000e+00> : vector<10000x10xf32>
    %dot_general3A_35 = tpu.matmul %slice3A_28, %get3A_34, %dot_general3A {dimension_numbers = #tpu.dot_dimension_numbers<[1], [0], [0], [1], [0, 0, 1, 1], [], []>, transpose_lhs_hint = false} : vector<10000x16xf32>, vector<16x10xf32>, vector<10000x10xf32> -> vector<10000x10xf32>
    %get3A_36 = arith.constant 0 : index
    %get3A_37 = arith.constant 0 : index
    %get3A_38 = vector.load %arg5[%get3A_36, %get3A_37] : memref<1x10xf32, #tpu.memory_space<vmem>>, vector<1x10xf32>
    %add3A_39 = vector.broadcast %get3A_38 : vector<1x10xf32> to vector<10000x10xf32>
    %add3A_40 = arith.addf %dot_general3A_35, %add3A_39 : vector<10000x10xf32>
    %swap3A_41 = arith.constant 0 : index
    %swap3A_42 = arith.constant 0 : index
    %swap3A_43 = vector.load %arg7[%swap3A_41, %swap3A_42] : memref<10000x10xf32, #tpu.memory_space<vmem>>, vector<10000x10xf32>
    tpu.vector_store %arg7[%swap3A_41, %swap3A_42], %add3A_40 {strides = array<i32>} : memref<10000x10xf32, #tpu.memory_space<vmem>>, vector<10000x10xf32>,
    return
  }
}

</mosaic_0001>

<sc_bundles>
// kernel: kernel.12.cloned.1.call-start
scs
__scs_entry_jumppad:
0x0: {  	(pc) =	sbr.rel $0x88, $3  }
0x1: {  	(tag) =	ssettag $0x0;
	lr =	simm.s32 $0x1  }
0x2: {  	[smem:$0x3F99] =	sst lr;
	_ =	strace $0xD0000000  }
0x3: {  	_ = 	snop  }
0x4: {  	_ = 	snop  }
0x5: {  	_ = 	snop  }
0x6: {  	_ = 	snop  }
0x7: {  	_ = 	snop  }
__scs_overlays_trampoline_lowered:
0x8: {  	[smem:$0x3FA8] =	sst s0  }
0x9: {  	[smem:$0x3FA9] =	sst s1  }
0xa: {  	[smem:$0x3FAA] =	sst s2  }
0xb: {  	[smem:$0x3FAB] =	sst s3  }
0xc: {  	[smem:$0x3FAC] =	sst s4  }
0xd: {  	[smem:$0x3FAD] =	sst s5  }
0xe: {  	[smem:$0x3FAE] =	sst s6  }
0xf: {  	[smem:$0x3FAF] =	sst s7  }
0x10: {  	[smem:$0x3FB0] =	sst s8  }
0x11: {  	[smem:$0x3FB1] =	sst s9;
	s0 =	simm.s32 @!p0 $0x0  }
0x12: {  	s1 =	sld [smem:$0x3F97];
	s0 =	simm.s32 @p0 $0x1  }
0x13: {  	[smem:$0x3FB2] =	sst s0;
	s0 =	simm.s32 @!p1 $0x0  }
0x14: {  	s2 =	sld [smem:$0x3F96];
	s0 =	simm.s32 @p1 $0x1  }
0x15: {  	[smem:$0x3FB3] =	sst s0;
	s0 =	simm.s32 @!p2 $0x0  }
0x16: {  	s3 =	sld [smem:$0x3FDB];
	s0 =	simm.s32 @p2 $0x1  }
0x17: {  	s4 =	simm.s32 $0x1BF5;
	[smem:$0x3FB5] =	sst s0  }
0x18: {  	s0 =	sld [smem:$0x3F98];
	_ =	swait.ge [sflag:s4], $0x0  }
0x19: {  	s7 =	sld [smem:$0x3F99]  }
0x1a: {  	s8 =	sadd.s32 $0xFFFFE003, lr  }
0x1b: {  	s9 =	sadd.s32 $0xFFFFFEF7, lr;
	s5 =	simm.s32 $0xFFFFFFFF;
	p2 =	slt.u32 s8, $0xFFFFF086  }
0x1c: {  	p1 =	slt.u32 s9, $0xF7A;
	s5 =	simm.s32 @!p2 $0x0  }
0x1d: {  	s5 =	simm.s32 @p1 $0x1;
	p0 =	seq.s32 s7, s2  }
0x1e: {  	s7 =	smul.u32 @!p0 $0xF7A, s2;
	p2 =	seq.s32 @!p0 s5, $0x0  }
0x1f: {  	s9 =	smul.u32 $0xF7A, s1;
	s8 =	simm.s32 @!p0 $0x1BF5;
	p2 =	por !p2, p0  }
0x20: {  	[sflag:s8] =	ssyncset.s32 @!p0 $0xFFFFF086;
	s6 =	sadd.s32 @!p0 s3, s7;
	s7 =	simm.s32 @!p0 $0x108  }
0x21: {  	s3 =	sadd.s32 s3, s9;
	s6 =	sadd.s32 @!p0 $0x88, s6;
	s7 =	simm.s32 @p2 $0x1082  }
0x22: {  	[simem:s7], [sflag:s8] =	dma.local @!p0 [hbm:s6], $0xF7A  }
0x23: {  	s9 =	sor.u32 $0xD0000000, s2;
	s6 =	simm.s32 $0x108;
	_ =	swait.ge @!p0 [sflag:s8], $0x0  }
0x24: {  	s3 =	sadd.s32 $0x88, s3;
	s6 =	simm.s32 @!p1 $0x1082;
	[sflag:s4] =	ssyncset.s32 $0xFFFFF086  }
0x25: {  	[simem:s6], [sflag:s4] =	dma.local [hbm:s3], $0xF7A  }
0x26: {  	[smem:$0x3F99] =	sst s1;
	(tag) =	ssettag s2;
	_ =	strace s9  }
0x27: {  	s1 =	sld [smem:$0x3FA9]  }
0x28: {  	s2 =	sld [smem:$0x3FAA]  }
0x29: {  	s4 =	sld [smem:$0x3FAC]  }
0x2a: {  	p0 =	seq.s32 s5, $0x0;
	s5 =	sld [smem:$0x3FAD]  }
0x2b: {  	s6 =	sld [smem:$0x3FAE]  }
0x2c: {  	s7 =	sld [smem:$0x3FAF]  }
0x2d: {  	s3 =	simm.s32 $0x108;
	s8 =	sld [smem:$0x3FB0]  }
0x2e: {  	s3 =	simm.s32 @!p0 $0x1082;
	s9 =	sld [smem:$0x3FB1]  }
0x2f: {  	lr =	sadd.s32 s0, s3;
	s0 =	sld [smem:$0x3FA8]  }
0x30: {  	s3 =	sld [smem:$0x3FAB]  }
0x31: {  	[smem:$0x3FB4] =	sst s10  }
0x32: {  	s10 =	sld [smem:$0x3FB2];
	_ =	sdelay $0x3  }
0x33: {  	p0 =	seq.s32 s10, $0x1;
	s10 =	sld [smem:$0x3FB4];
	_ =	sdelay $0x3  }
0x34: {  	[smem:$0x3FB4] =	sst s10  }
0x35: {  	s10 =	sld [smem:$0x3FB3];
	_ =	sdelay $0x3  }
0x36: {  	p1 =	seq.s32 s10, $0x1;
	s10 =	sld [smem:$0x3FB4];
	_ =	sdelay $0x3  }
0x37: {  	[smem:$0x3FB4] =	sst s10  }
0x38: {  	s10 =	sld [smem:$0x3FB5]  }
0x39: {  	_ = 	snop;
	(pc) =	sbr.ind lr, $3  }
0x3a: {  	_ = 	snop  }
0x3b: {  	_ = 	snop  }
0x3c: {  	p2 =	seq.s32 s10, $0x1;
	s10 =	sld [smem:$0x3FB4]  }
0x3d: {  	_ =	shalt  }
0x3e: {  	_ =	shalt  }
0x3f: {  	_ =	shalt  }
0x40: {  	_ =	shalt  }
0x41: {  	_ =	shalt  }
0x42: {  	_ =	shalt  }
0x43: {  	_ =	shalt  }
0x44: {  	_ =	shalt  }
0x45: {  	_ =	shalt  }
0x46: {  	_ =	shalt  }
0x47: {  	_ =	shalt  }
0x48: {  	_ =	shalt  }
0x49: {  	_ =	shalt  }
0x4a: {  	_ =	shalt  }
0x4b: {  	_ =	shalt  }
0x4c: {  	_ =	shalt  }
0x4d: {  	_ =	shalt  }
0x4e: {  	_ =	shalt  }
0x4f: {  	_ =	shalt  }
0x50: {  	_ =	shalt  }
0x51: {  	_ =	shalt  }
0x52: {  	_ =	shalt  }
0x53: {  	_ =	shalt  }
0x54: {  	_ =	shalt  }
0x55: {  	_ =	shalt  }
0x56: {  	_ =	shalt  }
0x57: {  	_ =	shalt  }
0x58: {  	_ =	shalt  }
0x59: {  	_ =	shalt  }
0x5a: {  	_ =	shalt  }
0x5b: {  	_ =	shalt  }
0x5c: {  	_ =	shalt  }
0x5d: {  	_ =	shalt  }
0x5e: {  	_ =	shalt  }
0x5f: {  	_ =	shalt  }
0x60: {  	_ =	shalt  }
0x61: {  	_ =	shalt  }
0x62: {  	_ =	shalt  }
0x63: {  	_ =	shalt  }
0x64: {  	_ =	shalt  }
0x65: {  	_ =	shalt  }
0x66: {  	_ =	shalt  }
0x67: {  	_ =	shalt  }
0x68: {  	_ =	shalt  }
0x69: {  	_ =	shalt  }
0x6a: {  	_ =	shalt  }
0x6b: {  	_ =	shalt  }
0x6c: {  	_ =	shalt  }
0x6d: {  	_ =	shalt  }
0x6e: {  	_ =	shalt  }
0x6f: {  	_ =	shalt  }
0x70: {  	_ =	shalt  }
0x71: {  	_ =	shalt  }
0x72: {  	_ =	shalt  }
0x73: {  	_ =	shalt  }
0x74: {  	_ =	shalt  }
0x75: {  	_ =	shalt  }
0x76: {  	_ =	shalt  }
0x77: {  	_ =	shalt  }
0x78: {  	_ =	shalt  }
0x79: {  	_ =	shalt  }
0x7a: {  	_ =	shalt  }
0x7b: {  	_ =	shalt  }
0x7c: {  	_ =	shalt  }
0x7d: {  	_ =	shalt  }
0x7e: {  	_ =	shalt  }
0x7f: {  	_ =	shalt  }
0x80: {  	_ =	shalt  }
0x81: {  	_ =	shalt  }
0x82: {  	_ =	shalt  }
0x83: {  	_ =	shalt  }
0x84: {  	_ =	shalt  }
0x85: {  	_ =	shalt  }
0x86: {  	_ =	shalt  }
0x87: {  	_ =	shalt  }
.Lfunc_end0:
.L_simem_size_0:
called_computation.1_lowered:
.L_overlay_start_0:
0x88: {  	s2 =	sld [smem:$0x3FD9]  }
0x89: {  	s3 =	sld [smem:$0x3FFE];
	_ =	sdelay $0x1  }
0x8a: {  	s1 =	srdreg.scid  }
0x8b: {  	s0 =	sand.u32 $0x1, s1  }
0x8c: {  	s14 =	sshll.u32 s0, $0xA;
	s2 =	sadd.s32 s3, s2  }
0x8d: {  	s2 =	sadd.s32 s2, s14  }
0x8e: {  	[smem:$0x3FC0] =	sst s2  }
0x8f: {  	_ = 	snop  }
0x90: {  	s2 =	sld [smem:$0x3FD0];
	_ =	sdelay $0x2  }
0x91: {  	s15 =	simm.s32 $0xA;
	s4 =	simm.s32 $0x10  }
0x92: {  	[smem:s4], [sflag:s15] =	dma.local [hbm:s2], $0x1  }
0x93: {  	_ =	swait.eq [sflag:s15], $0x1  }
0x94: {  	[sflag:s15] =	ssyncset.done $0x0  }
0x95: {  	[sflag:s15] =	ssyncadd.s32 $0xFFFFFFFF  }
0x96: {  	s16 =	sld [smem:$0x11];
	(tm) =	ssettm $0x1  }
0x97: {  	s17 =	sld [smem:$0x3FFB];
	_ =	sdelay $0x3  }
0x98: {  	_ =	strace s17  }
0x99: {  	s3 =	sld [smem:$0x3FFC];
	_ =	sdelay $0x3  }
0x9a: {  	_ =	strace s3  }
0x9b: {  	s3 =	sld [smem:$0x3FFD];
	_ =	sdelay $0x3  }
0x9c: {  	_ =	strace s3  }
0x9d: {  	_ =	strace $0x8FFFFFFF  }
0x9e: {  	s18 =	sld [smem:$0x3FDB];
	_ =	sdelay $0x1  }
0x9f: {  	s19 =	simm.s32 $_scs_section_size  }
0xa0: {  	s5 =	simm.s32 $_size__tile_overlayer_lowered;
	s6 =	simm.s32 $_tile_overlayer_lowered  }
0xa1: {  	s22 =	simm.s32 $0x1BFF;
	s21 =	sshll.u32 s6, $0x1;
	s3 =	sadd.s32 s19, s18  }
0xa2: {  	s7 =	simm.s32 $0x0;
	s20 =	sshll.u32 s5, $0x1;
	s5 =	sadd.s32 s21, s3  }
0xa3: {  	[timem:s7], [sflag:s22] =	dma.local [hbm:s5], s20  }
0xa4: {  	_ =	swait.ge [sflag:s22], s20  }
0xa5: {  	s4 =	ssub.s32 $0x0, s20;
	[sflag:s22] =	ssyncset.done $0x0  }
0xa6: {  	[sflag:s22] =	ssyncadd.s32 s4;
	_ =	sdelay $0x1  }
0xa7: {  	s23 =	simm.s32 $0x1B8B  }
0xa8: {  	_ =	swait.ge [sflag:s23], $0x1  }
0xa9: {  	[sflag:s23] =	ssyncset.done $0x0  }
0xaa: {  	s25 =	simm.s32 $0x1B8E;
	s24 =	sld [smem:$0x3FFE];
	[sflag:s23] =	ssyncadd.s32 $0xFFFFFFFF  }
0xab: {  	s26 =	simm.s32 $execute0_lowered;
	[smem:$0x3FD2] =	sst s25  }
0xac: {  	s5 =	sshll.u32 s26, $0x1;
	_ =	strace $0x80000049;
	[dreg:$0x1] =	wrdreg $0xFFFFFFFF  }
0xad: {  	s28 =	simm.s32 $_size_execute0_lowered;
	s3 =	sadd.s32 s3, s5;
	[dreg:$0x0] =	wrdreg $0x0  }
0xae: {  	s5 =	sshll.u32 s28, $0x1;
	[dreg:$0x2] =	wrdreg s3  }
0xaf: {  	[dreg:$0x3] =	wrdreg s5  }
0xb0: {  	[dreg:$0x4] =	wrdreg $0xC0  }
0xb1: {  	_ =	task [dreg:s7], $0x5FFFF  }
0xb2: {  	[dreg:$0x1] =	wrdreg $0xFFFFFFFF  }
0xb3: {  	[dreg:$0x0] =	wrdreg $0x60  }
0xb4: {  	[dreg:$0x2] =	wrdreg s24  }
0xb5: {  	[dreg:$0x3] =	wrdreg s16  }
0xb6: {  	[dreg:$0x4] =	wrdreg $0x158000  }
0xb7: {  	[dreg:$0x5] =	wrdreg $0x9  }
0xb8: {  	_ =	task.clear_ibuf [dreg:s7], $0x6FFFF;
	_ =	strace $0x90000049  }
0xb9: {  	s29 =	simm.s32 $0x9;
	_ =	strace $0x8000004B  }
0xba: {  	_ =	swait.ge [sflag:s29], $0x1  }
0xbb: {  	[sflag:s29] =	ssyncadd.s32 $0xFFFFFFFF  }
0xbc: {  	_ =	strace $0x9000004B  }
0xbd: {  	_ =	sfence  }
0xbe: {  	s30 =	sld [smem:$0x0];
	_ =	sdelay $0x2  }
0xbf: {  	s31 =	sshll.u32 s1, $0xD;
	s1 =	sshrl.u32 s1, $0x2  }
0xc0: {  	s3 =	sand.u32 $0x4000, s31;
	s1 =	sadd.s32 s1, s30  }
0xc1: {  	s0 =	sor.u32 s3, s0;
	s1 =	sshll.u32 s1, $0x11  }
0xc2: {  	s0 =	sor.u32 s1, s0  }
0xc3: {  	s0 =	sadd.s32 $0x8F2B, s0  }
0xc4: {  	[sflag:s0] =	ssyncadd.remote.s32 $0x1  }
0xc5: {  	_ =	sfence.sel $0xFFFF  }
0xc6: {  	[dreg:$0x0] =	wrdreg $0xFFFFFFFF;
	(pc) =	sbr.abs _section_cstart, $3  }
0xc7: {  	[dreg:$0x1] =	wrdreg $0xFFFFFFFF  }
0xc8: {  	_ =	task.clear_ibuf [dreg:s7], $0x2FFFF;
	_ =	strace $0x9FFFFFFF  }
0xc9: {  	(tm) =	ssettm $0x7FFFFFFF  }
tec
execute0_lowered:
.L_overlay_start_1:
0x0: {  	(tag) =	ssettag $0x1  }
0x1: {  	s0 =	rddreg [dreg:$0x0];
	s1 =	srdreg.scid  }
0x2: {  	s4 =	stileid.u32;
	s3 =	rddreg [dreg:$0x2];
	s5 =	simm.s32 $0x0  }
0x3: {  	s11 =	simm.s32 $0x7000;
	s13 =	simm.s32 $0x9000;
	s15 =	simm.s32 $0xB000  }
0x4: {  	s17 =	simm.s32 $0xD000;
	s19 =	simm.s32 $0xF000;
	[smem:$0x7FF] =	sst s5  }
0x5: {  	s21 =	simm.s32 $0x11000;
	_ =	strace $0x8000004A;
	[dreg:$0x5] =	wrdreg s11  }
0x6: {  	s1 =	sand.u32 $0x1, s1;
	s2 =	sshll.u32 s4, $0x1;
	[dreg:$0x6] =	wrdreg s13  }
0x7: {  	s6 =	smul.u32 $0xA000, s4;
	s5 =	sadd.s32 $0x35200, s0;
	[dreg:$0x7] =	wrdreg s15  }
0x8: {  	s8 =	smul.u32 $0x28000, s4;
	s2 =	sor.u32 s1, s2;
	[dreg:$0x8] =	wrdreg s17  }
0x9: {  	s7 =	smul.u32 $0xA0000, s1;
	s1 =	ssub.s32 $0x2, s1;
	[dreg:$0x9] =	wrdreg s19  }
0xa: {  	[dreg:$0xa] =	wrdreg s21;
	s2 =	smul.u32 $0x2800, s2;
	s9 =	sshrl.u32 s1, $0x1  }
0xb: {  	s8 =	sshrl.u32 s8, $0x2;
	s7 =	sadd.s32 s6, s7;
	s1 =	ssub.s32 s1, s9  }
0xc: {  	s9 =	simm.s32 $0x5000;
	s2 =	sshrl.u32 s2, $0x3;
	s7 =	sshrl.u32 s7, $0x3  }
0xd: {  	s2 =	sadd.s32 s2, s0;
	s0 =	sadd.s32 s7, s0;
	s7 =	sadd.s32 s8, s3  }
0xe: {  	[dreg:$0x4] =	wrdreg s9;
	s24 =	sadd.s32 $0x800, s7  }
0xf: {  	s25 =	sadd.s32 $0x1000, s7;
	[dreg:$0xb] =	wrdreg s24  }
0x10: {  	s26 =	sadd.s32 $0x1800, s7;
	[dreg:$0xc] =	wrdreg s25  }
0x11: {  	s28 =	sadd.s32 $0x2000, s7;
	[dreg:$0xd] =	wrdreg s26  }
0x12: {  	s29 =	sadd.s32 $0x2800, s7;
	[dreg:$0xe] =	wrdreg s28  }
0x13: {  	s30 =	sadd.s32 $0x3000, s7;
	[dreg:$0xf] =	wrdreg s29  }
0x14: {  	s8 =	sadd.s32 $0x3800, s7;
	[dreg:$0x10] =	wrdreg s30  }
0x15: {  	s10 =	sadd.s32 $0x4000, s7;
	[dreg:$0x11] =	wrdreg s8  }
0x16: {  	s31 =	simm.s32 $0x15000;
	s12 =	sadd.s32 $0x4800, s7;
	[dreg:$0x12] =	wrdreg s10  }
0x17: {  	s11 =	simm.s32 $0x5;
	s14 =	sadd.s32 $0x5000, s7;
	[dreg:$0x13] =	wrdreg s12  }
0x18: {  	s13 =	simm.s32 $0x7;
	s16 =	sadd.s32 $0x5800, s7;
	[dreg:$0x14] =	wrdreg s14  }
0x19: {  	s21 =	simm.s32 $0xF;
	s18 =	sadd.s32 $0x6000, s7;
	[dreg:$0x15] =	wrdreg s16  }
0x1a: {  	s6 =	sadd.s32 s6, s3;
	s20 =	sadd.s32 $0x6800, s7;
	[dreg:$0x16] =	wrdreg s18  }
0x1b: {  	s9 =	simm.s32 $0x3;
	s22 =	sadd.s32 $0x7000, s7;
	[dreg:$0x17] =	wrdreg s20  }
0x1c: {  	s23 =	sadd.s32 $0x7800, s7;
	s0 =	sadd.s32 $0x49200, s0;
	[dreg:$0x18] =	wrdreg s22  }
0x1d: {  	[dreg:$0x19] =	wrdreg s23;
	s24 =	sadd.s32 $0x8000, s7;
	s25 =	sadd.s32 $0x8800, s7  }
0x1e: {  	s26 =	sadd.s32 $0x9000, s7;
	s28 =	sadd.s32 $0x9800, s7;
	[smem:$0x7FC] =	sst s0  }
0x1f: {  	s29 =	sadd.s32 $0xD200, s2;
	s2 =	sadd.s32 $0x17200, s2;
	[dreg:$0x1a] =	wrdreg s24  }
0x20: {  	s30 =	smax.u32 s1, $0x1;
	s1 =	simm.s32 $0x11;
	[dreg:$0x1b] =	wrdreg s25  }
0x21: {  	s0 =	simm.s32 $0x13000;
	s7 =	simm.s32 $0x1;
	[dreg:$0x1c] =	wrdreg s26  }
0x22: {  	s8 =	simm.s32 $0x2;
	s10 =	simm.s32 $0x4;
	[dreg:$0x1d] =	wrdreg s28  }
0x23: {  	s12 =	simm.s32 $0x6;
	s14 =	simm.s32 $0x8;
	[dreg:$0x1e] =	wrdreg s29  }
0x24: {  	s20 =	simm.s32 $0xE;
	s22 =	simm.s32 $0x10;
	[dreg:$0x1f] =	wrdreg s2  }
0x25: {  	s23 =	simm.s32 $0x0;
	[smem:$0x7FD] =	sst s30;
	s2 =	simm.s32 $0x80  }
.LBB2_1:
0x26: {  	s4 =	rddreg [dreg:$0x1];
	s15 =	simm.s32 $0x0  }
0x27: {  	[tilespmem:s31], [sflag:$0x11] =	stream.linear.gather [hbm4b:s4+s15], $0x800, $0x38;
	[tilespmem:$0x1F800] =	vst v63  }
0x28: {  	_ =	swait.ge [sflag:s1], $0x800  }
0x29: {  	[sflag:s1] =	ssyncset.done $0x0  }
0x2a: {  	[sflag:s1] =	ssyncadd.s32 $0xFFFFF800  }
0x2b: {  	[spmem:s6] =	stream.linear.scatter [tilespmem:s31], [sflag:$0x11], $0x800, $0x38;
	[tilespmem:$0x1F800] =	vst v63  }
0x2c: {  	_ =	swait.ge [sflag:s1], $0x800  }
0x2d: {  	[sflag:s1] =	ssyncset.done $0x0  }
0x2e: {  	s26 =	rddreg [dreg:$0xb];
	[sflag:s1] =	ssyncadd.s32 $0xFFFFF800  }
0x2f: {  	[spmem:s26] =	stream.linear.scatter [tilespmem:s31], [sflag:$0x11], $0x800, $0x38;
	[tilespmem:$0x1F800] =	vst v63  }
0x30: {  	_ =	swait.ge [sflag:s1], $0x800  }
0x31: {  	[sflag:s1] =	ssyncset.done $0x0  }
0x32: {  	s28 =	rddreg [dreg:$0xc];
	[sflag:s1] =	ssyncadd.s32 $0xFFFFF800  }
0x33: {  	[spmem:s28] =	stream.linear.scatter [tilespmem:s31], [sflag:$0x11], $0x800, $0x38;
	[tilespmem:$0x1F800] =	vst v63  }
0x34: {  	_ =	swait.ge [sflag:s1], $0x800  }
0x35: {  	[sflag:s1] =	ssyncset.done $0x0  }
0x36: {  	s30 =	rddreg [dreg:$0xd];
	[sflag:s1] =	ssyncadd.s32 $0xFFFFF800  }
0x37: {  	[spmem:s30] =	stream.linear.scatter [tilespmem:s31], [sflag:$0x11], $0x800, $0x38;
	[tilespmem:$0x1F800] =	vst v63  }
0x38: {  	_ =	swait.ge [sflag:s1], $0x800  }
0x39: {  	[sflag:s1] =	ssyncset.done $0x0  }
0x3a: {  	s16 =	rddreg [dreg:$0xe];
	[sflag:s1] =	ssyncadd.s32 $0xFFFFF800  }
0x3b: {  	[spmem:s16] =	stream.linear.scatter [tilespmem:s31], [sflag:$0x11], $0x800, $0x38;
	[tilespmem:$0x1F800] =	vst v63  }
0x3c: {  	_ =	swait.ge [sflag:s1], $0x800  }
0x3d: {  	[sflag:s1] =	ssyncset.done $0x0  }
0x3e: {  	s17 =	rddreg [dreg:$0xf];
	[sflag:s1] =	ssyncadd.s32 $0xFFFFF800  }
0x3f: {  	[spmem:s17] =	stream.linear.scatter [tilespmem:s31], [sflag:$0x11], $0x800, $0x38;
	[tilespmem:$0x1F800] =	vst v63  }
0x40: {  	_ =	swait.ge [sflag:s1], $0x800  }
0x41: {  	[sflag:s1] =	ssyncset.done $0x0  }
0x42: {  	s18 =	rddreg [dreg:$0x10];
	[sflag:s1] =	ssyncadd.s32 $0xFFFFF800  }
0x43: {  	[spmem:s18] =	stream.linear.scatter [tilespmem:s31], [sflag:$0x11], $0x800, $0x38;
	[tilespmem:$0x1F800] =	vst v63  }
0x44: {  	_ =	swait.ge [sflag:s1], $0x800  }
0x45: {  	[sflag:s1] =	ssyncset.done $0x0  }
0x46: {  	s19 =	rddreg [dreg:$0x11];
	[sflag:s1] =	ssyncadd.s32 $0xFFFFF800  }
0x47: {  	[spmem:s19] =	stream.linear.scatter [tilespmem:s31], [sflag:$0x11], $0x800, $0x38;
	[tilespmem:$0x1F800] =	vst v63  }
0x48: {  	_ =	swait.ge [sflag:s1], $0x800  }
0x49: {  	[sflag:s1] =	ssyncset.done $0x0  }
0x4a: {  	s24 =	rddreg [dreg:$0x12];
	[sflag:s1] =	ssyncadd.s32 $0xFFFFF800  }
0x4b: {  	[spmem:s24] =	stream.linear.scatter [tilespmem:s31], [sflag:$0x11], $0x800, $0x38;
	[tilespmem:$0x1F800] =	vst v63  }
0x4c: {  	_ =	swait.ge [sflag:s1], $0x800  }
0x4d: {  	[sflag:s1] =	ssyncset.done $0x0  }
0x4e: {  	s25 =	rddreg [dreg:$0x13];
	[sflag:s1] =	ssyncadd.s32 $0xFFFFF800  }
0x4f: {  	[spmem:s25] =	stream.linear.scatter [tilespmem:s31], [sflag:$0x11], $0x800, $0x38;
	[tilespmem:$0x1F800] =	vst v63  }
0x50: {  	_ =	swait.ge [sflag:s1], $0x800  }
0x51: {  	[sflag:s1] =	ssyncset.done $0x0  }
0x52: {  	s26 =	rddreg [dreg:$0x14];
	[sflag:s1] =	ssyncadd.s32 $0xFFFFF800  }
0x53: {  	[spmem:s26] =	stream.linear.scatter [tilespmem:s31], [sflag:$0x11], $0x800, $0x38;
	[tilespmem:$0x1F800] =	vst v63  }
0x54: {  	_ =	swait.ge [sflag:s1], $0x800  }
0x55: {  	[sflag:s1] =	ssyncset.done $0x0  }
0x56: {  	s28 =	rddreg [dreg:$0x15];
	[sflag:s1] =	ssyncadd.s32 $0xFFFFF800  }
0x57: {  	[spmem:s28] =	stream.linear.scatter [tilespmem:s31], [sflag:$0x11], $0x800, $0x38;
	[tilespmem:$0x1F800] =	vst v63  }
0x58: {  	_ =	swait.ge [sflag:s1], $0x800  }
0x59: {  	[sflag:s1] =	ssyncset.done $0x0  }
0x5a: {  	s30 =	rddreg [dreg:$0x16];
	[sflag:s1] =	ssyncadd.s32 $0xFFFFF800  }
0x5b: {  	[spmem:s30] =	stream.linear.scatter [tilespmem:s31], [sflag:$0x11], $0x800, $0x38;
	[tilespmem:$0x1F800] =	vst v63  }
0x5c: {  	_ =	swait.ge [sflag:s1], $0x800  }
0x5d: {  	[sflag:s1] =	ssyncset.done $0x0  }
0x5e: {  	s16 =	rddreg [dreg:$0x17];
	[sflag:s1] =	ssyncadd.s32 $0xFFFFF800  }
0x5f: {  	[spmem:s16] =	stream.linear.scatter [tilespmem:s31], [sflag:$0x11], $0x800, $0x38;
	[tilespmem:$0x1F800] =	vst v63  }
0x60: {  	_ =	swait.ge [sflag:s1], $0x800  }
0x61: {  	[sflag:s1] =	ssyncset.done $0x0  }
0x62: {  	s17 =	rddreg [dreg:$0x18];
	[sflag:s1] =	ssyncadd.s32 $0xFFFFF800  }
0x63: {  	[spmem:s17] =	stream.linear.scatter [tilespmem:s31], [sflag:$0x11], $0x800, $0x38;
	[tilespmem:$0x1F800] =	vst v63  }
0x64: {  	_ =	swait.ge [sflag:s1], $0x800  }
0x65: {  	[sflag:s1] =	ssyncset.done $0x0  }
0x66: {  	s18 =	rddreg [dreg:$0x19];
	[sflag:s1] =	ssyncadd.s32 $0xFFFFF800  }
0x67: {  	[spmem:s18] =	stream.linear.scatter [tilespmem:s31], [sflag:$0x11], $0x800, $0x38;
	[tilespmem:$0x1F800] =	vst v63  }
0x68: {  	_ =	swait.ge [sflag:s1], $0x800  }
0x69: {  	[sflag:s1] =	ssyncset.done $0x0  }
0x6a: {  	s19 =	rddreg [dreg:$0x1a];
	[sflag:s1] =	ssyncadd.s32 $0xFFFFF800  }
0x6b: {  	[spmem:s19] =	stream.linear.scatter [tilespmem:s31], [sflag:$0x11], $0x800, $0x38;
	[tilespmem:$0x1F800] =	vst v63  }
0x6c: {  	_ =	swait.ge [sflag:s1], $0x800  }
0x6d: {  	[sflag:s1] =	ssyncset.done $0x0  }
0x6e: {  	s24 =	rddreg [dreg:$0x1b];
	[sflag:s1] =	ssyncadd.s32 $0xFFFFF800  }
0x6f: {  	[spmem:s24] =	stream.linear.scatter [tilespmem:s31], [sflag:$0x11], $0x800, $0x38;
	[tilespmem:$0x1F800] =	vst v63  }
0x70: {  	_ =	swait.ge [sflag:s1], $0x800  }
0x71: {  	[sflag:s1] =	ssyncset.done $0x0  }
0x72: {  	s25 =	rddreg [dreg:$0x1c];
	[sflag:s1] =	ssyncadd.s32 $0xFFFFF800  }
0x73: {  	[spmem:s25] =	stream.linear.scatter [tilespmem:s31], [sflag:$0x11], $0x800, $0x38;
	[tilespmem:$0x1F800] =	vst v63  }
0x74: {  	_ =	swait.ge [sflag:s1], $0x800  }
0x75: {  	[sflag:s1] =	ssyncset.done $0x0  }
0x76: {  	s26 =	rddreg [dreg:$0x1d];
	[sflag:s1] =	ssyncadd.s32 $0xFFFFF800  }
0x77: {  	[spmem:s26] =	stream.linear.scatter [tilespmem:s31], [sflag:$0x11], $0x800, $0x38;
	[tilespmem:$0x1F800] =	vst v63  }
0x78: {  	_ =	swait.ge [sflag:s1], $0x800  }
0x79: {  	[sflag:s1] =	ssyncset.done $0x0  }
0x7a: {  	s28 =	rddreg [dreg:$0x1e];
	[sflag:s1] =	ssyncadd.s32 $0xFFFFF800  }
0x7b: {  	[tilespmem:s15], [sflag:$0x11] =	stream.linear.gather [hbm4b:s28+s15], $0x2800, $0x38;
	[tilespmem:$0x1F800] =	vst v63  }
0x7c: {  	_ =	swait.ge [sflag:s1], $0x2800  }
0x7d: {  	[sflag:s1] =	ssyncset.done $0x0  }
0x7e: {  	s16 =	simm.s32 $0x2800;
	s30 =	rddreg [dreg:$0x1f];
	[sflag:s1] =	ssyncadd.s32 $0xFFFFD800  }
0x7f: {  	[tilespmem:s16], [sflag:$0x11] =	stream.linear.gather [hbm4b:s30+s15], $0x2800, $0x38;
	[tilespmem:$0x1F800] =	vst v63  }
0x80: {  	_ =	swait.ge [sflag:s1], $0x2800  }
0x81: {  	[sflag:s1] =	ssyncset.done $0x0  }
0x82: {  	p0 =	por $0x0, $0x0;
	[sflag:s1] =	ssyncadd.s32 $0xFFFFD800  }
0x83: {  	s24 =	simm.s32 @p0 $0x9;
	[bflag:$0x0] =	sbarrier.arrive $0xFFFF  }
0x84: {  	_ =	swait.ge @p0 [sflag:s24], $0x2000  }
0x85: {  	s25 =	simm.s32 @p0 $0x5000;
	s26 =	simm.s32 @p0 $0xA;
	[sflag:s24] =	ssyncset.done @p0 $0x0  }
0x86: {  	s28 =	simm.s32 @p0 $0x80;
	[sflag:s24] =	ssyncadd.s32 @p0 $0xFFFFE000;
	s24 =	simm.s32 @p0 $0x0  }
0x87: {  	[tilespmem:s25], [sflag:$0x1] =	stream.indirect.gather @p0 [hbm4b:s5+s28], $0x40, s24, s28, $0xb8;
	[tilespmem:$0x1F800] =	vst v63  }
0x88: {  	_ =	swait.ge @p0 [sflag:s26], $0x2000  }
0x89: {  	s24 =	simm.s32 @p0 $0x80;
	[sflag:s26] =	ssyncset.done @p0 $0x0  }
0x8a: {  	s25 =	simm.s32 @p0 $0x7000;
	[sflag:s26] =	ssyncadd.s32 @p0 $0xFFFFE000;
	s26 =	simm.s32 @p0 $0xB  }
0x8b: {  	[tilespmem:s25], [sflag:$0x2] =	stream.indirect.gather @p0 [hbm4b:s5+s28], $0x40, s24, s28, $0xb8;
	[tilespmem:$0x1F800] =	vst v63  }
0x8c: {  	_ =	swait.ge @p0 [sflag:s26], $0x2000  }
0x8d: {  	s24 =	simm.s32 @p0 $0x100;
	[sflag:s26] =	ssyncset.done @p0 $0x0  }
0x8e: {  	s25 =	simm.s32 @p0 $0x9000;
	[sflag:s26] =	ssyncadd.s32 @p0 $0xFFFFE000;
	s26 =	simm.s32 @p0 $0xC  }
0x8f: {  	[tilespmem:s25], [sflag:$0x3] =	stream.indirect.gather @p0 [hbm4b:s5+s28], $0x40, s24, s28, $0xb8;
	[tilespmem:$0x1F800] =	vst v63  }
0x90: {  	_ =	swait.ge @p0 [sflag:s26], $0x2000  }
0x91: {  	s24 =	simm.s32 @p0 $0x180;
	[sflag:s26] =	ssyncset.done @p0 $0x0  }
0x92: {  	s25 =	simm.s32 @p0 $0xB000;
	[sflag:s26] =	ssyncadd.s32 @p0 $0xFFFFE000;
	s26 =	simm.s32 @p0 $0xD  }
0x93: {  	[tilespmem:s25], [sflag:$0x4] =	stream.indirect.gather @p0 [hbm4b:s5+s28], $0x40, s24, s28, $0xb8;
	[tilespmem:$0x1F800] =	vst v63  }
0x94: {  	_ =	swait.ge @p0 [sflag:s26], $0x2000  }
0x95: {  	s24 =	simm.s32 @p0 $0x200;
	[sflag:s26] =	ssyncset.done @p0 $0x0  }
0x96: {  	s25 =	simm.s32 @p0 $0xD000;
	[sflag:s26] =	ssyncadd.s32 @p0 $0xFFFFE000;
	s26 =	simm.s32 @p0 $0xE  }
0x97: {  	[tilespmem:s25], [sflag:$0x5] =	stream.indirect.gather @p0 [hbm4b:s5+s28], $0x40, s24, s28, $0xb8;
	[tilespmem:$0x1F800] =	vst v63  }
0x98: {  	_ =	swait.ge @p0 [sflag:s26], $0x2000  }
0x99: {  	s24 =	simm.s32 @p0 $0x280;
	[sflag:s26] =	ssyncset.done @p0 $0x0  }
0x9a: {  	s25 =	simm.s32 @p0 $0xF000;
	[sflag:s26] =	ssyncadd.s32 @p0 $0xFFFFE000;
	s26 =	simm.s32 @p0 $0xF  }
0x9b: {  	[tilespmem:s25], [sflag:$0x6] =	stream.indirect.gather @p0 [hbm4b:s5+s28], $0x40, s24, s28, $0xb8;
	[tilespmem:$0x1F800] =	vst v63  }
0x9c: {  	_ =	swait.ge @p0 [sflag:s26], $0x2000  }
0x9d: {  	s24 =	simm.s32 @p0 $0x300;
	[sflag:s26] =	ssyncset.done @p0 $0x0  }
0x9e: {  	s25 =	simm.s32 @p0 $0x11000;
	[sflag:s26] =	ssyncadd.s32 @p0 $0xFFFFE000;
	s26 =	simm.s32 @p0 $0x10  }
0x9f: {  	[tilespmem:s25], [sflag:$0x7] =	stream.indirect.gather @p0 [hbm4b:s5+s28], $0x40, s24, s28, $0xb8;
	[tilespmem:$0x1F800] =	vst v63  }
0xa0: {  	_ =	swait.ge @p0 [sflag:s26], $0x2000  }
0xa1: {  	s24 =	simm.s32 @!p0 $0x5000;
	[sflag:s26] =	ssyncset.done @p0 $0x0  }
0xa2: {  	s25 =	simm.s32 @!p0 $0x0;
	[sflag:s26] =	ssyncadd.s32 @p0 $0xFFFFE000;
	s26 =	simm.s32 @!p0 $0x80  }
0xa3: {  	[tilespmem:s24], [sflag:$0x1] =	stream.indirect.gather @!p0 [hbm4b:s5+s26], $0x40, s25, s26, $0xb8;
	[tilespmem:$0x1F800] =	vst v63  }
0xa4: {  	s24 =	simm.s32 @!p0 $0x7000  }
0xa5: {  	[tilespmem:s24], [sflag:$0x2] =	stream.indirect.gather @!p0 [hbm4b:s5+s26], $0x40, s26, s26, $0xb8;
	[tilespmem:$0x1F800] =	vst v63  }
0xa6: {  	s25 =	simm.s32 @!p0 $0x9000;
	s24 =	simm.s32 @!p0 $0x100  }
0xa7: {  	[tilespmem:s25], [sflag:$0x3] =	stream.indirect.gather @!p0 [hbm4b:s5+s26], $0x40, s24, s26, $0xb8;
	[tilespmem:$0x1F800] =	vst v63  }
0xa8: {  	s24 =	simm.s32 @!p0 $0x180;
	s25 =	simm.s32 @!p0 $0xB000  }
0xa9: {  	[tilespmem:s25], [sflag:$0x4] =	stream.indirect.gather @!p0 [hbm4b:s5+s26], $0x40, s24, s26, $0xb8;
	[tilespmem:$0x1F800] =	vst v63  }
0xaa: {  	s24 =	simm.s32 @!p0 $0x200;
	s25 =	simm.s32 @!p0 $0xD000  }
0xab: {  	[tilespmem:s25], [sflag:$0x5] =	stream.indirect.gather @!p0 [hbm4b:s5+s26], $0x40, s24, s26, $0xb8;
	[tilespmem:$0x1F800] =	vst v63  }
0xac: {  	s24 =	simm.s32 @!p0 $0x280;
	s25 =	simm.s32 @!p0 $0xF000  }
0xad: {  	[tilespmem:s25], [sflag:$0x6] =	stream.indirect.gather @!p0 [hbm4b:s5+s26], $0x40, s24, s26, $0xb8;
	[tilespmem:$0x1F800] =	vst v63  }
0xae: {  	s28 =	simm.s32 @!p0 $0x11000;
	s24 =	simm.s32 $0x380;
	s25 =	simm.s32 @!p0 $0x300  }
0xaf: {  	[tilespmem:s28], [sflag:$0x7] =	stream.indirect.gather @!p0 [hbm4b:s5+s26], $0x40, s25, s26, $0xb8;
	[tilespmem:$0x1F800] =	vst v63  }
0xb0: {  	s24 =	simm.s32 @!p0 $0x380  }
0xb1: {  	[tilespmem:s0], [sflag:$0x8] =	stream.indirect.gather [hbm4b:s5+s2], $0x40, s24, s2, $0xb8;
	[tilespmem:$0x1F800] =	vst v63  }
0xb2: {  	_ =	swait.ge [sflag:s7], $0x2000  }
0xb3: {  	[sflag:s7] =	ssyncset.done $0x0  }
0xb4: {  	s15 =	simm.s32 $0x2800;
	s4 =	rddreg [dreg:$0x4];
	[sflag:s7] =	ssyncadd.s32 $0xFFFFE000  }
0xb5: {  	[spmem:s3] =	stream.indirect.scatter.add.f32 [tilespmem:s4], [sflag:$0x9], $0x40, s15, s2, $0xb8;
	[tilespmem:$0x1F800] =	vst v63  }
0xb6: {  	s25 =	simm.s32 @p0 $0x80;
	_ =	swait.ge [sflag:s8], $0x2000  }
0xb7: {  	s25 =	simm.s32 @!p0 $0x80;
	[sflag:s8] =	ssyncset.done $0x0  }
0xb8: {  	s25 =	sadd.s32 $0x2800, s25;
	s16 =	rddreg [dreg:$0x5];
	[sflag:s8] =	ssyncadd.s32 $0xFFFFE000  }
0xb9: {  	[spmem:s3] =	stream.indirect.scatter.add.f32 [tilespmem:s16], [sflag:$0xA], $0x40, s25, s2, $0xb8;
	[tilespmem:$0x1F800] =	vst v63  }
0xba: {  	s25 =	simm.s32 @p0 $0x100;
	_ =	swait.ge [sflag:s9], $0x2000  }
0xbb: {  	s25 =	simm.s32 @!p0 $0x100;
	[sflag:s9] =	ssyncset.done $0x0  }
0xbc: {  	s17 =	rddreg [dreg:$0x6];
	s25 =	sadd.s32 $0x2800, s25;
	[sflag:s9] =	ssyncadd.s32 $0xFFFFE000  }
0xbd: {  	[spmem:s3] =	stream.indirect.scatter.add.f32 [tilespmem:s17], [sflag:$0xB], $0x40, s25, s2, $0xb8;
	[tilespmem:$0x1F800] =	vst v63  }
0xbe: {  	s25 =	simm.s32 @p0 $0x180;
	_ =	swait.ge [sflag:s10], $0x2000  }
0xbf: {  	s25 =	simm.s32 @!p0 $0x180;
	[sflag:s10] =	ssyncset.done $0x0  }
0xc0: {  	s18 =	rddreg [dreg:$0x7];
	s25 =	sadd.s32 $0x2800, s25;
	[sflag:s10] =	ssyncadd.s32 $0xFFFFE000  }
0xc1: {  	[spmem:s3] =	stream.indirect.scatter.add.f32 [tilespmem:s18], [sflag:$0xC], $0x40, s25, s2, $0xb8;
	[tilespmem:$0x1F800] =	vst v63  }
0xc2: {  	s25 =	simm.s32 @p0 $0x200;
	_ =	swait.ge [sflag:s11], $0x2000  }
0xc3: {  	s25 =	simm.s32 @!p0 $0x200;
	[sflag:s11] =	ssyncset.done $0x0  }
0xc4: {  	s19 =	rddreg [dreg:$0x8];
	s25 =	sadd.s32 $0x2800, s25;
	[sflag:s11] =	ssyncadd.s32 $0xFFFFE000  }
0xc5: {  	[spmem:s3] =	stream.indirect.scatter.add.f32 [tilespmem:s19], [sflag:$0xD], $0x40, s25, s2, $0xb8;
	[tilespmem:$0x1F800] =	vst v63  }
0xc6: {  	s25 =	simm.s32 @p0 $0x280;
	_ =	swait.ge [sflag:s12], $0x2000  }
0xc7: {  	s25 =	simm.s32 @!p0 $0x280;
	[sflag:s12] =	ssyncset.done $0x0  }
0xc8: {  	s28 =	rddreg [dreg:$0x9];
	s25 =	sadd.s32 $0x2800, s25;
	[sflag:s12] =	ssyncadd.s32 $0xFFFFE000  }
0xc9: {  	[spmem:s3] =	stream.indirect.scatter.add.f32 [tilespmem:s28], [sflag:$0xE], $0x40, s25, s2, $0xb8;
	[tilespmem:$0x1F800] =	vst v63  }
0xca: {  	s26 =	simm.s32 @p0 $0x300;
	_ =	swait.ge [sflag:s13], $0x2000  }
0xcb: {  	s29 =	simm.s32 $0x780;
	s26 =	simm.s32 @!p0 $0x300;
	[sflag:s13] =	ssyncset.done $0x0  }
0xcc: {  	s26 =	sadd.s32 $0x2800, s26;
	s30 =	rddreg [dreg:$0xa];
	[sflag:s13] =	ssyncadd.s32 $0xFFFFE000  }
0xcd: {  	[spmem:s3] =	stream.indirect.scatter.add.f32 [tilespmem:s30], [sflag:$0xF], $0x40, s26, s2, $0xb8;
	[tilespmem:$0x1F800] =	vst v63  }
0xce: {  	s24 =	sadd.s32 $0x2800, s24;
	p0 =	por $0x1, $0x1;
	_ =	swait.ge [sflag:s14], $0x2000  }
0xcf: {  	s25 =	simm.s32 $0x1000;
	s26 =	simm.s32 $0x2000;
	[sflag:s14] =	ssyncset.done $0x0  }
.LBB2_2:
0xd0: {  	s30 =	simm.s32 @p0 $0x9;
	[sflag:s14] =	ssyncadd.s32 $0xFFFFE000  }
0xd1: {  	[spmem:s3] =	stream.indirect.scatter.add.f32 [tilespmem:s0], [sflag:$0x10], $0x40, s24, s2, $0xb8;
	[tilespmem:$0x1F800] =	vst v63  }
0xd2: {  	_ =	swait.ge @p0 [sflag:s30], $0x2000  }
0xd3: {  	s4 =	simm.s32 @p0 $0x5000;
	s15 =	simm.s32 @p0 $0xA;
	[sflag:s30] =	ssyncset.done @p0 $0x0  }
0xd4: {  	s24 =	simm.s32 @p0 $0x80;
	[sflag:s30] =	ssyncadd.s32 @p0 $0xFFFFE000;
	s30 =	sshra.s32 @p0 s25, $0x2  }
0xd5: {  	[tilespmem:s4], [sflag:$0x1] =	stream.indirect.gather @p0 [hbm4b:s5+s24], $0x40, s30, s24, $0xb8;
	[tilespmem:$0x1F800] =	vst v63  }
0xd6: {  	_ =	swait.ge @p0 [sflag:s15], $0x2000  }
0xd7: {  	s19 =	simm.s32 @p0 $0xB;
	s4 =	sadd.s32 @p0 $0x80, s30;
	[sflag:s15] =	ssyncset.done @p0 $0x0  }
0xd8: {  	s16 =	sadd.s32 @p0 $0x100, s30;
	[sflag:s15] =	ssyncadd.s32 @p0 $0xFFFFE000;
	s15 =	simm.s32 @p0 $0x7000  }
0xd9: {  	[tilespmem:s15], [sflag:$0x2] =	stream.indirect.gather @p0 [hbm4b:s5+s24], $0x40, s4, s24, $0xb8;
	[tilespmem:$0x1F800] =	vst v63  }
0xda: {  	s17 =	sadd.s32 @p0 $0x180, s30;
	s18 =	sadd.s32 @p0 $0x200, s30;
	_ =	swait.ge @p0 [sflag:s19], $0x2000  }
0xdb: {  	s4 =	sadd.s32 @p0 $0x280, s30;
	s15 =	sadd.s32 @p0 $0x300, s30;
	[sflag:s19] =	ssyncset.done @p0 $0x0  }
0xdc: {  	s30 =	simm.s32 @p0 $0xC;
	[sflag:s19] =	ssyncadd.s32 @p0 $0xFFFFE000;
	s19 =	simm.s32 @p0 $0x9000  }
0xdd: {  	[tilespmem:s19], [sflag:$0x3] =	stream.indirect.gather @p0 [hbm4b:s5+s24], $0x40, s16, s24, $0xb8;
	[tilespmem:$0x1F800] =	vst v63  }
0xde: {  	_ =	swait.ge @p0 [sflag:s30], $0x2000  }
0xdf: {  	[sflag:s30] =	ssyncset.done @p0 $0x0  }
0xe0: {  	s16 =	simm.s32 @p0 $0xB000;
	s19 =	simm.s32 @p0 $0xD;
	[sflag:s30] =	ssyncadd.s32 @p0 $0xFFFFE000  }
0xe1: {  	[tilespmem:s16], [sflag:$0x4] =	stream.indirect.gather @p0 [hbm4b:s5+s24], $0x40, s17, s24, $0xb8;
	[tilespmem:$0x1F800] =	vst v63  }
0xe2: {  	_ =	swait.ge @p0 [sflag:s19], $0x2000  }
0xe3: {  	[sflag:s19] =	ssyncset.done @p0 $0x0  }
0xe4: {  	s16 =	simm.s32 @p0 $0xD000;
	s17 =	simm.s32 @p0 $0xE;
	[sflag:s19] =	ssyncadd.s32 @p0 $0xFFFFE000  }
0xe5: {  	[tilespmem:s16], [sflag:$0x5] =	stream.indirect.gather @p0 [hbm4b:s5+s24], $0x40, s18, s24, $0xb8;
	[tilespmem:$0x1F800] =	vst v63  }
0xe6: {  	_ =	swait.ge @p0 [sflag:s17], $0x2000  }
0xe7: {  	[sflag:s17] =	ssyncset.done @p0 $0x0  }
0xe8: {  	s16 =	simm.s32 @p0 $0xF000;
	[sflag:s17] =	ssyncadd.s32 @p0 $0xFFFFE000;
	s17 =	simm.s32 @p0 $0xF  }
0xe9: {  	[tilespmem:s16], [sflag:$0x6] =	stream.indirect.gather @p0 [hbm4b:s5+s24], $0x40, s4, s24, $0xb8;
	[tilespmem:$0x1F800] =	vst v63  }
0xea: {  	_ =	swait.ge @p0 [sflag:s17], $0x2000  }
0xeb: {  	[sflag:s17] =	ssyncset.done @p0 $0x0  }
0xec: {  	s4 =	simm.s32 @p0 $0x11000;
	s16 =	simm.s32 @p0 $0x10;
	[sflag:s17] =	ssyncadd.s32 @p0 $0xFFFFE000  }
0xed: {  	[tilespmem:s4], [sflag:$0x7] =	stream.indirect.gather @p0 [hbm4b:s5+s24], $0x40, s15, s24, $0xb8;
	[tilespmem:$0x1F800] =	vst v63  }
0xee: {  	_ =	swait.ge @p0 [sflag:s16], $0x2000  }
0xef: {  	s4 =	simm.s32 @!p0 $0x5000;
	[sflag:s16] =	ssyncset.done @p0 $0x0  }
0xf0: {  	s15 =	sshra.s32 @!p0 s25, $0x2;
	[sflag:s16] =	ssyncadd.s32 @p0 $0xFFFFE000;
	s16 =	simm.s32 @!p0 $0x80  }
0xf1: {  	[tilespmem:s4], [sflag:$0x1] =	stream.indirect.gather @!p0 [hbm4b:s5+s16], $0x40, s15, s16, $0xb8;
	[tilespmem:$0x1F800] =	vst v63  }
0xf2: {  	s4 =	simm.s32 @!p0 $0x7000  }
0xf3: {  	[tilespmem:s4], [sflag:$0x2] =	stream.indirect.gather @!p0 [hbm4b:s5+s16], $0x40, s16, s16, $0xb8;
	[tilespmem:$0x1F800] =	vst v63  }
0xf4: {  	s15 =	simm.s32 @!p0 $0x9000;
	s4 =	simm.s32 @!p0 $0x100  }
0xf5: {  	[tilespmem:s15], [sflag:$0x3] =	stream.indirect.gather @!p0 [hbm4b:s5+s16], $0x40, s4, s16, $0xb8;
	[tilespmem:$0x1F800] =	vst v63  }
0xf6: {  	s4 =	simm.s32 @!p0 $0x180;
	s15 =	simm.s32 @!p0 $0xB000  }
0xf7: {  	[tilespmem:s15], [sflag:$0x4] =	stream.indirect.gather @!p0 [hbm4b:s5+s16], $0x40, s4, s16, $0xb8;
	[tilespmem:$0x1F800] =	vst v63  }
0xf8: {  	s4 =	simm.s32 @!p0 $0x200;
	s15 =	simm.s32 @!p0 $0xD000  }
0xf9: {  	[tilespmem:s15], [sflag:$0x5] =	stream.indirect.gather @!p0 [hbm4b:s5+s16], $0x40, s4, s16, $0xb8;
	[tilespmem:$0x1F800] =	vst v63  }
0xfa: {  	s4 =	simm.s32 @!p0 $0x280;
	s15 =	simm.s32 @!p0 $0xF000  }
0xfb: {  	[tilespmem:s15], [sflag:$0x6] =	stream.indirect.gather @!p0 [hbm4b:s5+s16], $0x40, s4, s16, $0xb8;
	[tilespmem:$0x1F800] =	vst v63  }
0xfc: {  	s24 =	smov.u32 s29;
	s4 =	simm.s32 @!p0 $0x300;
	s15 =	simm.s32 @!p0 $0x11000  }
0xfd: {  	[tilespmem:s15], [sflag:$0x7] =	stream.indirect.gather @!p0 [hbm4b:s5+s16], $0x40, s4, s16, $0xb8;
	[tilespmem:$0x1F800] =	vst v63  }
0xfe: {  	s24 =	simm.s32 @!p0 $0x380  }
0xff: {  	[tilespmem:s0], [sflag:$0x8] =	stream.indirect.gather [hbm4b:s5+s2], $0x40, s24, s2, $0xb8;
	[tilespmem:$0x1F800] =	vst v63  }
0x100: {  	_ =	swait.ge [sflag:s7], $0x2000  }
0x101: {  	s30 =	sshra.s32 s25, $0x2;
	[sflag:s7] =	ssyncset.done $0x0  }
0x102: {  	s15 =	sadd.s32 $0x2800, s30;
	s19 =	rddreg [dreg:$0x4];
	[sflag:s7] =	ssyncadd.s32 $0xFFFFE000  }
0x103: {  	[spmem:s3] =	stream.indirect.scatter.add.f32 [tilespmem:s19], [sflag:$0x9], $0x40, s15, s2, $0xb8;
	[tilespmem:$0x1F800] =	vst v63  }
0x104: {  	s4 =	sadd.s32 @p0 $0xFFFFFD00, s29;
	_ =	swait.ge [sflag:s8], $0x2000  }
0x105: {  	s4 =	simm.s32 @!p0 $0x80;
	[sflag:s8] =	ssyncset.done $0x0  }
0x106: {  	s4 =	sadd.s32 $0x2800, s4;
	s16 =	rddreg [dreg:$0x5];
	[sflag:s8] =	ssyncadd.s32 $0xFFFFE000  }
0x107: {  	[spmem:s3] =	stream.indirect.scatter.add.f32 [tilespmem:s16], [sflag:$0xA], $0x40, s4, s2, $0xb8;
	[tilespmem:$0x1F800] =	vst v63  }
0x108: {  	s4 =	sadd.s32 @p0 $0xFFFFFD80, s29;
	_ =	swait.ge [sflag:s9], $0x2000  }
0x109: {  	s4 =	simm.s32 @!p0 $0x100;
	[sflag:s9] =	ssyncset.done $0x0  }
0x10a: {  	s17 =	rddreg [dreg:$0x6];
	s4 =	sadd.s32 $0x2800, s4;
	[sflag:s9] =	ssyncadd.s32 $0xFFFFE000  }
0x10b: {  	[spmem:s3] =	stream.indirect.scatter.add.f32 [tilespmem:s17], [sflag:$0xB], $0x40, s4, s2, $0xb8;
	[tilespmem:$0x1F800] =	vst v63  }
0x10c: {  	s4 =	sadd.s32 @p0 $0xFFFFFE00, s29;
	_ =	swait.ge [sflag:s10], $0x2000  }
0x10d: {  	s4 =	simm.s32 @!p0 $0x180;
	[sflag:s10] =	ssyncset.done $0x0  }
0x10e: {  	s18 =	rddreg [dreg:$0x7];
	s4 =	sadd.s32 $0x2800, s4;
	[sflag:s10] =	ssyncadd.s32 $0xFFFFE000  }
0x10f: {  	[spmem:s3] =	stream.indirect.scatter.add.f32 [tilespmem:s18], [sflag:$0xC], $0x40, s4, s2, $0xb8;
	[tilespmem:$0x1F800] =	vst v63  }
0x110: {  	s4 =	sadd.s32 @p0 $0xFFFFFE80, s29;
	_ =	swait.ge [sflag:s11], $0x2000  }
0x111: {  	s28 =	smov.u32 s26;
	s4 =	simm.s32 @!p0 $0x200;
	[sflag:s11] =	ssyncset.done $0x0  }
0x112: {  	s19 =	rddreg [dreg:$0x8];
	s4 =	sadd.s32 $0x2800, s4;
	[sflag:s11] =	ssyncadd.s32 $0xFFFFE000  }
0x113: {  	[spmem:s3] =	stream.indirect.scatter.add.f32 [tilespmem:s19], [sflag:$0xD], $0x40, s4, s2, $0xb8;
	[tilespmem:$0x1F800] =	vst v63  }
0x114: {  	s26 =	sadd.s32 $0x1000, s26;
	s4 =	sadd.s32 @p0 $0xFFFFFF00, s29;
	_ =	swait.ge [sflag:s12], $0x2000  }
0x115: {  	s25 =	smov.u32 s28;
	s4 =	simm.s32 @!p0 $0x280;
	[sflag:s12] =	ssyncset.done $0x0  }
0x116: {  	s28 =	rddreg [dreg:$0x9];
	s4 =	sadd.s32 $0x2800, s4;
	[sflag:s12] =	ssyncadd.s32 $0xFFFFE000  }
0x117: {  	[spmem:s3] =	stream.indirect.scatter.add.f32 [tilespmem:s28], [sflag:$0xE], $0x40, s4, s2, $0xb8;
	[tilespmem:$0x1F800] =	vst v63  }
0x118: {  	p1 =	sne.s32 s26, $0xA000;
	s4 =	sadd.s32 @p0 $0xFFFFFF80, s29;
	_ =	swait.ge [sflag:s13], $0x2000  }
.Ltmp0:
0x119: {  	s4 =	simm.s32 @!p0 $0x300;
	[sflag:s13] =	ssyncset.done $0x0;
	(pc) =	sbr.rel @p1 .LBB2_2-.Ltmp0, $4  }
0x11a: {  	s30 =	rddreg [dreg:$0xa];
	s4 =	sadd.s32 $0x2800, s4;
	[sflag:s13] =	ssyncadd.s32 $0xFFFFE000  }
0x11b: {  	[spmem:s3] =	stream.indirect.scatter.add.f32 [tilespmem:s30], [sflag:$0xF], $0x40, s4, s2, $0xb8;
	[tilespmem:$0x1F800] =	vst v63  }
0x11c: {  	s24 =	sadd.s32 $0x2800, s24;
	_ =	swait.ge [sflag:s14], $0x2000  }
0x11d: {  	s29 =	sadd.s32 $0x400, s29;
	p0 =	sne.s32 s25, $0x0;
	[sflag:s14] =	ssyncset.done $0x0  }
0x11e: {  	s4 =	simm.s32 @p0 $0x9;
	[sflag:s14] =	ssyncadd.s32 $0xFFFFE000  }
0x11f: {  	[spmem:s3] =	stream.indirect.scatter.add.f32 [tilespmem:s0], [sflag:$0x10], $0x40, s24, s2, $0xb8;
	[tilespmem:$0x1F800] =	vst v63  }
0x120: {  	_ =	swait.ge @p0 [sflag:s4], $0x2000  }
0x121: {  	s15 =	simm.s32 @p0 $0x5000;
	s16 =	simm.s32 @p0 $0xA;
	[sflag:s4] =	ssyncset.done @p0 $0x0  }
0x122: {  	s17 =	simm.s32 @p0 $0x80;
	[sflag:s4] =	ssyncadd.s32 @p0 $0xFFFFE000;
	s4 =	sshra.s32 @p0 s25, $0x2  }
0x123: {  	[tilespmem:s15], [sflag:$0x1] =	stream.indirect.gather @p0 [hbm4b:s5+s17], $0x40, s4, s17, $0xb8;
	[tilespmem:$0x1F800] =	vst v63  }
0x124: {  	_ =	swait.ge @p0 [sflag:s16], $0x2000  }
0x125: {  	[sflag:s16] =	ssyncset.done @p0 $0x0  }
0x126: {  	s15 =	sadd.s32 @p0 $0x80, s4;
	[sflag:s16] =	ssyncadd.s32 @p0 $0xFFFFE000;
	s16 =	simm.s32 @p0 $0x7000  }
0x127: {  	[tilespmem:s16], [sflag:$0x2] =	stream.indirect.gather @p0 [hbm4b:s5+s17], $0x40, s15, s17, $0xb8;
	[tilespmem:$0x1F800] =	vst v63  }
0x128: {  	s15 =	simm.s32 @p0 $0xB  }
0x129: {  	_ =	swait.ge @p0 [sflag:s15], $0x2000  }
0x12a: {  	[sflag:s15] =	ssyncset.done @p0 $0x0  }
0x12b: {  	s16 =	sadd.s32 @p0 $0x100, s4;
	[sflag:s15] =	ssyncadd.s32 @p0 $0xFFFFE000;
	s15 =	simm.s32 @p0 $0x9000  }
0x12c: {  	[tilespmem:s15], [sflag:$0x3] =	stream.indirect.gather @p0 [hbm4b:s5+s17], $0x40, s16, s17, $0xb8;
	[tilespmem:$0x1F800] =	vst v63  }
0x12d: {  	s15 =	simm.s32 @p0 $0xC  }
0x12e: {  	_ =	swait.ge @p0 [sflag:s15], $0x2000  }
0x12f: {  	[sflag:s15] =	ssyncset.done @p0 $0x0  }
0x130: {  	s16 =	sadd.s32 @p0 $0x180, s4;
	[sflag:s15] =	ssyncadd.s32 @p0 $0xFFFFE000;
	s15 =	simm.s32 @p0 $0xB000  }
0x131: {  	[tilespmem:s15], [sflag:$0x4] =	stream.indirect.gather @p0 [hbm4b:s5+s17], $0x40, s16, s17, $0xb8;
	[tilespmem:$0x1F800] =	vst v63  }
0x132: {  	s15 =	simm.s32 @p0 $0xD  }
0x133: {  	_ =	swait.ge @p0 [sflag:s15], $0x2000  }
0x134: {  	[sflag:s15] =	ssyncset.done @p0 $0x0  }
0x135: {  	s16 =	sadd.s32 @p0 $0x200, s4;
	[sflag:s15] =	ssyncadd.s32 @p0 $0xFFFFE000;
	s15 =	simm.s32 @p0 $0xD000  }
0x136: {  	[tilespmem:s15], [sflag:$0x5] =	stream.indirect.gather @p0 [hbm4b:s5+s17], $0x40, s16, s17, $0xb8;
	[tilespmem:$0x1F800] =	vst v63  }
0x137: {  	s15 =	simm.s32 @p0 $0xE  }
0x138: {  	_ =	swait.ge @p0 [sflag:s15], $0x2000  }
0x139: {  	[sflag:s15] =	ssyncset.done @p0 $0x0  }
0x13a: {  	s16 =	sadd.s32 @p0 $0x280, s4;
	[sflag:s15] =	ssyncadd.s32 @p0 $0xFFFFE000;
	s15 =	simm.s32 @p0 $0xF000  }
0x13b: {  	[tilespmem:s15], [sflag:$0x6] =	stream.indirect.gather @p0 [hbm4b:s5+s17], $0x40, s16, s17, $0xb8;
	[tilespmem:$0x1F800] =	vst v63  }
0x13c: {  	s15 =	simm.s32 @p0 $0xF  }
0x13d: {  	_ =	swait.ge @p0 [sflag:s15], $0x2000  }
0x13e: {  	[sflag:s15] =	ssyncset.done @p0 $0x0  }
0x13f: {  	s4 =	sadd.s32 @p0 $0x300, s4;
	[sflag:s15] =	ssyncadd.s32 @p0 $0xFFFFE000;
	s15 =	simm.s32 @p0 $0x11000  }
0x140: {  	[tilespmem:s15], [sflag:$0x7] =	stream.indirect.gather @p0 [hbm4b:s5+s17], $0x40, s4, s17, $0xb8;
	[tilespmem:$0x1F800] =	vst v63  }
0x141: {  	s4 =	simm.s32 @p0 $0x10  }
0x142: {  	_ =	swait.ge @p0 [sflag:s4], $0x2000  }
0x143: {  	s16 =	simm.s32 @!p0 $0x80;
	[sflag:s4] =	ssyncset.done @p0 $0x0  }
0x144: {  	s15 =	simm.s32 @!p0 $0x5000;
	[sflag:s4] =	ssyncadd.s32 @p0 $0xFFFFE000;
	s4 =	sshra.s32 @!p0 s25, $0x2  }
0x145: {  	[tilespmem:s15], [sflag:$0x1] =	stream.indirect.gather @!p0 [hbm4b:s5+s16], $0x40, s4, s16, $0xb8;
	[tilespmem:$0x1F800] =	vst v63  }
0x146: {  	s4 =	simm.s32 @!p0 $0x7000  }
0x147: {  	[tilespmem:s4], [sflag:$0x2] =	stream.indirect.gather @!p0 [hbm4b:s5+s16], $0x40, s16, s16, $0xb8;
	[tilespmem:$0x1F800] =	vst v63  }
0x148: {  	s15 =	simm.s32 @!p0 $0x9000;
	s4 =	simm.s32 @!p0 $0x100  }
0x149: {  	[tilespmem:s15], [sflag:$0x3] =	stream.indirect.gather @!p0 [hbm4b:s5+s16], $0x40, s4, s16, $0xb8;
	[tilespmem:$0x1F800] =	vst v63  }
0x14a: {  	s4 =	simm.s32 @!p0 $0x180;
	s15 =	simm.s32 @!p0 $0xB000  }
0x14b: {  	[tilespmem:s15], [sflag:$0x4] =	stream.indirect.gather @!p0 [hbm4b:s5+s16], $0x40, s4, s16, $0xb8;
	[tilespmem:$0x1F800] =	vst v63  }
0x14c: {  	s4 =	simm.s32 @!p0 $0x200;
	s15 =	simm.s32 @!p0 $0xD000  }
0x14d: {  	[tilespmem:s15], [sflag:$0x5] =	stream.indirect.gather @!p0 [hbm4b:s5+s16], $0x40, s4, s16, $0xb8;
	[tilespmem:$0x1F800] =	vst v63  }
0x14e: {  	s4 =	simm.s32 @!p0 $0x280;
	s15 =	simm.s32 @!p0 $0xF000  }
0x14f: {  	[tilespmem:s15], [sflag:$0x6] =	stream.indirect.gather @!p0 [hbm4b:s5+s16], $0x40, s4, s16, $0xb8;
	[tilespmem:$0x1F800] =	vst v63  }
0x150: {  	s4 =	simm.s32 @!p0 $0x300;
	s15 =	simm.s32 @!p0 $0x11000  }
0x151: {  	[tilespmem:s15], [sflag:$0x7] =	stream.indirect.gather @!p0 [hbm4b:s5+s16], $0x40, s4, s16, $0xb8;
	[tilespmem:$0x1F800] =	vst v63  }
0x152: {  	s4 =	smov.u32 s29  }
0x153: {  	s4 =	simm.s32 @!p0 $0x380  }
0x154: {  	[tilespmem:s0], [sflag:$0x8] =	stream.indirect.gather [hbm4b:s5+s2], $0x40, s4, s2, $0xb8;
	[tilespmem:$0x1F800] =	vst v63  }
0x155: {  	_ =	swait.ge [sflag:s7], $0x2000  }
0x156: {  	s18 =	sshra.s32 s25, $0x2;
	[sflag:s7] =	ssyncset.done $0x0  }
0x157: {  	s16 =	sadd.s32 $0x2800, s18;
	s17 =	rddreg [dreg:$0x4];
	[sflag:s7] =	ssyncadd.s32 $0xFFFFE000  }
0x158: {  	[spmem:s3] =	stream.indirect.scatter.add.f32 [tilespmem:s17], [sflag:$0x9], $0x40, s16, s2, $0xb8;
	[tilespmem:$0x1F800] =	vst v63  }
0x159: {  	s15 =	sadd.s32 @p0 $0xFFFFFD00, s29;
	_ =	swait.ge [sflag:s8], $0x2000  }
0x15a: {  	s15 =	simm.s32 @!p0 $0x80;
	[sflag:s8] =	ssyncset.done $0x0  }
0x15b: {  	s15 =	sadd.s32 $0x2800, s15;
	s19 =	rddreg [dreg:$0x5];
	[sflag:s8] =	ssyncadd.s32 $0xFFFFE000  }
0x15c: {  	[spmem:s3] =	stream.indirect.scatter.add.f32 [tilespmem:s19], [sflag:$0xA], $0x40, s15, s2, $0xb8;
	[tilespmem:$0x1F800] =	vst v63  }
0x15d: {  	s15 =	sadd.s32 @p0 $0xFFFFFD80, s29;
	_ =	swait.ge [sflag:s9], $0x2000  }
0x15e: {  	s15 =	simm.s32 @!p0 $0x100;
	[sflag:s9] =	ssyncset.done $0x0  }
0x15f: {  	s24 =	rddreg [dreg:$0x6];
	s15 =	sadd.s32 $0x2800, s15;
	[sflag:s9] =	ssyncadd.s32 $0xFFFFE000  }
0x160: {  	[spmem:s3] =	stream.indirect.scatter.add.f32 [tilespmem:s24], [sflag:$0xB], $0x40, s15, s2, $0xb8;
	[tilespmem:$0x1F800] =	vst v63  }
0x161: {  	s15 =	sadd.s32 @p0 $0xFFFFFE00, s29;
	_ =	swait.ge [sflag:s10], $0x2000  }
0x162: {  	s15 =	simm.s32 @!p0 $0x180;
	[sflag:s10] =	ssyncset.done $0x0  }
0x163: {  	s25 =	rddreg [dreg:$0x7];
	s15 =	sadd.s32 $0x2800, s15;
	[sflag:s10] =	ssyncadd.s32 $0xFFFFE000  }
0x164: {  	[spmem:s3] =	stream.indirect.scatter.add.f32 [tilespmem:s25], [sflag:$0xC], $0x40, s15, s2, $0xb8;
	[tilespmem:$0x1F800] =	vst v63  }
0x165: {  	s15 =	sadd.s32 @p0 $0xFFFFFE80, s29;
	_ =	swait.ge [sflag:s11], $0x2000  }
0x166: {  	s15 =	simm.s32 @!p0 $0x200;
	[sflag:s11] =	ssyncset.done $0x0  }
0x167: {  	s26 =	rddreg [dreg:$0x8];
	s15 =	sadd.s32 $0x2800, s15;
	[sflag:s11] =	ssyncadd.s32 $0xFFFFE000  }
0x168: {  	[spmem:s3] =	stream.indirect.scatter.add.f32 [tilespmem:s26], [sflag:$0xD], $0x40, s15, s2, $0xb8;
	[tilespmem:$0x1F800] =	vst v63  }
0x169: {  	s15 =	sadd.s32 @p0 $0xFFFFFF00, s29;
	_ =	swait.ge [sflag:s12], $0x2000  }
0x16a: {  	s15 =	simm.s32 @!p0 $0x280;
	[sflag:s12] =	ssyncset.done $0x0  }
0x16b: {  	s28 =	rddreg [dreg:$0x9];
	s15 =	sadd.s32 $0x2800, s15;
	[sflag:s12] =	ssyncadd.s32 $0xFFFFE000  }
0x16c: {  	[spmem:s3] =	stream.indirect.scatter.add.f32 [tilespmem:s28], [sflag:$0xE], $0x40, s15, s2, $0xb8;
	[tilespmem:$0x1F800] =	vst v63  }
0x16d: {  	s15 =	sadd.s32 @p0 $0xFFFFFF80, s29;
	_ =	swait.ge [sflag:s13], $0x2000  }
0x16e: {  	s15 =	simm.s32 @!p0 $0x300;
	[sflag:s13] =	ssyncset.done $0x0  }
0x16f: {  	s30 =	rddreg [dreg:$0xa];
	s15 =	sadd.s32 $0x2800, s15;
	[sflag:s13] =	ssyncadd.s32 $0xFFFFE000  }
0x170: {  	[spmem:s3] =	stream.indirect.scatter.add.f32 [tilespmem:s30], [sflag:$0xF], $0x40, s15, s2, $0xb8;
	[tilespmem:$0x1F800] =	vst v63  }
0x171: {  	_ =	swait.ge [sflag:s14], $0x2000  }
0x172: {  	[sflag:s14] =	ssyncset.done $0x0  }
0x173: {  	s4 =	sadd.s32 $0x2800, s4;
	s17 =	simm.s32 $0x9;
	[sflag:s14] =	ssyncadd.s32 $0xFFFFE000  }
0x174: {  	[spmem:s3] =	stream.indirect.scatter.add.f32 [tilespmem:s0], [sflag:$0x10], $0x40, s4, s2, $0xb8;
	[tilespmem:$0x1F800] =	vst v63  }
0x175: {  	_ =	swait.ge [sflag:s17], $0x2000  }
0x176: {  	[sflag:s17] =	ssyncset.done $0x0  }
0x177: {  	s18 =	simm.s32 $0xA;
	[sflag:s17] =	ssyncadd.s32 $0xFFFFE000  }
0x178: {  	_ =	swait.ge [sflag:s18], $0x2000  }
0x179: {  	[sflag:s18] =	ssyncset.done $0x0  }
0x17a: {  	s19 =	simm.s32 $0xB;
	[sflag:s18] =	ssyncadd.s32 $0xFFFFE000  }
0x17b: {  	_ =	swait.ge [sflag:s19], $0x2000  }
0x17c: {  	[sflag:s19] =	ssyncset.done $0x0  }
0x17d: {  	s24 =	simm.s32 $0xC;
	[sflag:s19] =	ssyncadd.s32 $0xFFFFE000  }
0x17e: {  	_ =	swait.ge [sflag:s24], $0x2000  }
0x17f: {  	[sflag:s24] =	ssyncset.done $0x0  }
0x180: {  	s25 =	simm.s32 $0xD;
	[sflag:s24] =	ssyncadd.s32 $0xFFFFE000  }
0x181: {  	_ =	swait.ge [sflag:s25], $0x2000  }
0x182: {  	[sflag:s25] =	ssyncset.done $0x0  }
0x183: {  	[sflag:s25] =	ssyncadd.s32 $0xFFFFE000  }
0x184: {  	_ =	swait.ge [sflag:s20], $0x2000  }
0x185: {  	[sflag:s20] =	ssyncset.done $0x0  }
0x186: {  	[sflag:s20] =	ssyncadd.s32 $0xFFFFE000  }
0x187: {  	_ =	swait.ge [sflag:s21], $0x2000  }
0x188: {  	[sflag:s21] =	ssyncset.done $0x0  }
0x189: {  	[sflag:s21] =	ssyncadd.s32 $0xFFFFE000  }
0x18a: {  	_ =	swait.ge [sflag:s22], $0x2000  }
0x18b: {  	[sflag:s22] =	ssyncset.done $0x0  }
0x18c: {  	[sflag:s22] =	ssyncadd.s32 $0xFFFFE000  }
0x18d: {  	[bflag:$0x0] =	sbarrier.arrive $0xFFFF  }
0x18e: {  	s26 =	stileid.u32;
	s29 =	sld [smem:$0x7FC]  }
0x18f: {  	s4 =	sshll.u32 s26, $0x6  }
0x190: {  	s28 =	sshrl.u32 s6, $0x3;
	s4 =	sor.u32 $0x1C11, s4  }
0x191: {  	[hbm:s29], [sflag:s4] =	dma.local [spmem:s28], $0x1400  }
0x192: {  	_ =	swait.ge [sflag:s1], $0x1400  }
0x193: {  	s30 =	sld [smem:$0x7FD];
	_ =	sdelay $0x1  }
0x194: {  	s23 =	sadd.s32 $0x1, s23  }
0x195: {  	p0 =	sne.s32 s23, s30  }
.Ltmp1:
0x196: {  	_ = 	snop;
	(pc) =	sbr.rel @p0 .LBB2_1-.Ltmp1, $3  }
0x197: {  	_ =	sdelay $0x1  }
0x198: {  	[sflag:s1] =	ssyncset.done $0x0  }
0x199: {  	[sflag:s1] =	ssyncadd.s32 $0xFFFFEC00  }
0x19a: {  	_ =	sfence.sel $0x180000  }
0x19b: {  	[bflag:$0x0] =	sbarrier.arrive $0xFFFF  }
0x19c: {  	_ =	strace $0x9000004A  }
0x19d: {  	s0 =	stileid.u32;
	[bflag:$0x2] =	sbarrier.arrive $0xFFFF  }
0x19e: {  	p0 =	sne.s32 s0, $0x0;
	s0 =	rddreg [dreg:$0x3]  }
0x19f: {  	s0 =	sadd.s32 @!p0 $0x100000, s0  }
0x1a0: {  	[sflag:s0] =	ssyncadd.tile.s32 @!p0 $0x1;
	_ =	shalt  }
.Lfunc_end2:
_tile_overlayer_lowered:
.L_overlay_start_2:
0x1a1: {  	(tag) =	ssettag $0x2  }
0x1a2: {  	s0 =	rddreg [dreg:$0x0];
	s2 =	stileid.u32  }
0x1a3: {  	s1 =	rddreg [dreg:$0x1];
	p0 =	sne.s32 s2, $0x0  }
0x1a4: {  	s3 =	rddreg [dreg:$0x2];
	[bflag:$0x3] =	sbarrier.arrive $0xFFFF;
	s2 =	simm.s32 @!p0 $0x1C11  }
0x1a5: {  	[timem:s3], [sflag:s2] =	dma.local @!p0 [hbm:s0], s1  }
0x1a6: {  	s0 =	simm.s32 @!p0 $0x11  }
0x1a7: {  	_ =	swait.ge @!p0 [sflag:s0], s1  }
0x1a8: {  	s1 =	ssub.s32 @!p0 $0x0, s1;
	[sflag:s0] =	ssyncset.done @!p0 $0x0  }
0x1a9: {  	[sflag:s0] =	ssyncadd.s32 @!p0 s1  }
0x1aa: {  	[bflag:$0x3] =	sbarrier.arrive $0xFFFF  }
0x1ab: {  	_ =	shalt  }

// kernel: kernel.15.cloned.1.call-start
scs
__scs_entry_jumppad:
0x0: {  	(pc) =	sbr.rel $0x88, $3  }
0x1: {  	(tag) =	ssettag $0x0;
	lr =	simm.s32 $0x1  }
0x2: {  	[smem:$0x3F99] =	sst lr;
	_ =	strace $0xD0000000  }
0x3: {  	_ = 	snop  }
0x4: {  	_ = 	snop  }
0x5: {  	_ = 	snop  }
0x6: {  	_ = 	snop  }
0x7: {  	_ = 	snop  }
__scs_overlays_trampoline_lowered:
0x8: {  	[smem:$0x3FA8] =	sst s0  }
0x9: {  	[smem:$0x3FA9] =	sst s1  }
0xa: {  	[smem:$0x3FAA] =	sst s2  }
0xb: {  	[smem:$0x3FAB] =	sst s3  }
0xc: {  	[smem:$0x3FAC] =	sst s4  }
0xd: {  	[smem:$0x3FAD] =	sst s5  }
0xe: {  	[smem:$0x3FAE] =	sst s6  }
0xf: {  	[smem:$0x3FAF] =	sst s7  }
0x10: {  	[smem:$0x3FB0] =	sst s8  }
0x11: {  	[smem:$0x3FB1] =	sst s9;
	s0 =	simm.s32 @!p0 $0x0  }
0x12: {  	s1 =	sld [smem:$0x3F97];
	s0 =	simm.s32 @p0 $0x1  }
0x13: {  	[smem:$0x3FB2] =	sst s0;
	s0 =	simm.s32 @!p1 $0x0  }
0x14: {  	s2 =	sld [smem:$0x3F96];
	s0 =	simm.s32 @p1 $0x1  }
0x15: {  	[smem:$0x3FB3] =	sst s0;
	s0 =	simm.s32 @!p2 $0x0  }
0x16: {  	s3 =	sld [smem:$0x3FDB];
	s0 =	simm.s32 @p2 $0x1  }
0x17: {  	s4 =	simm.s32 $0x1BF5;
	[smem:$0x3FB5] =	sst s0  }
0x18: {  	s0 =	sld [smem:$0x3F98];
	_ =	swait.ge [sflag:s4], $0x0  }
0x19: {  	s7 =	sld [smem:$0x3F99]  }
0x1a: {  	s8 =	sadd.s32 $0xFFFFE003, lr  }
0x1b: {  	s9 =	sadd.s32 $0xFFFFFEF7, lr;
	s5 =	simm.s32 $0xFFFFFFFF;
	p2 =	slt.u32 s8, $0xFFFFF086  }
0x1c: {  	p1 =	slt.u32 s9, $0xF7A;
	s5 =	simm.s32 @!p2 $0x0  }
0x1d: {  	s5 =	simm.s32 @p1 $0x1;
	p0 =	seq.s32 s7, s2  }
0x1e: {  	s7 =	smul.u32 @!p0 $0xF7A, s2;
	p2 =	seq.s32 @!p0 s5, $0x0  }
0x1f: {  	s9 =	smul.u32 $0xF7A, s1;
	s8 =	simm.s32 @!p0 $0x1BF5;
	p2 =	por !p2, p0  }
0x20: {  	[sflag:s8] =	ssyncset.s32 @!p0 $0xFFFFF086;
	s6 =	sadd.s32 @!p0 s3, s7;
	s7 =	simm.s32 @!p0 $0x108  }
0x21: {  	s3 =	sadd.s32 s3, s9;
	s6 =	sadd.s32 @!p0 $0x88, s6;
	s7 =	simm.s32 @p2 $0x1082  }
0x22: {  	[simem:s7], [sflag:s8] =	dma.local @!p0 [hbm:s6], $0xF7A  }
0x23: {  	s9 =	sor.u32 $0xD0000000, s2;
	s6 =	simm.s32 $0x108;
	_ =	swait.ge @!p0 [sflag:s8], $0x0  }
0x24: {  	s3 =	sadd.s32 $0x88, s3;
	s6 =	simm.s32 @!p1 $0x1082;
	[sflag:s4] =	ssyncset.s32 $0xFFFFF086  }
0x25: {  	[simem:s6], [sflag:s4] =	dma.local [hbm:s3], $0xF7A  }
0x26: {  	[smem:$0x3F99] =	sst s1;
	(tag) =	ssettag s2;
	_ =	strace s9  }
0x27: {  	s1 =	sld [smem:$0x3FA9]  }
0x28: {  	s2 =	sld [smem:$0x3FAA]  }
0x29: {  	s4 =	sld [smem:$0x3FAC]  }
0x2a: {  	p0 =	seq.s32 s5, $0x0;
	s5 =	sld [smem:$0x3FAD]  }
0x2b: {  	s6 =	sld [smem:$0x3FAE]  }
0x2c: {  	s7 =	sld [smem:$0x3FAF]  }
0x2d: {  	s3 =	simm.s32 $0x108;
	s8 =	sld [smem:$0x3FB0]  }
0x2e: {  	s3 =	simm.s32 @!p0 $0x1082;
	s9 =	sld [smem:$0x3FB1]  }
0x2f: {  	lr =	sadd.s32 s0, s3;
	s0 =	sld [smem:$0x3FA8]  }
0x30: {  	s3 =	sld [smem:$0x3FAB]  }
0x31: {  	[smem:$0x3FB4] =	sst s10  }
0x32: {  	s10 =	sld [smem:$0x3FB2];
	_ =	sdelay $0x3  }
0x33: {  	p0 =	seq.s32 s10, $0x1;
	s10 =	sld [smem:$0x3FB4];
	_ =	sdelay $0x3  }
0x34: {  	[smem:$0x3FB4] =	sst s10  }
0x35: {  	s10 =	sld [smem:$0x3FB3];
	_ =	sdelay $0x3  }
0x36: {  	p1 =	seq.s32 s10, $0x1;
	s10 =	sld [smem:$0x3FB4];
	_ =	sdelay $0x3  }
0x37: {  	[smem:$0x3FB4] =	sst s10  }
0x38: {  	s10 =	sld [smem:$0x3FB5]  }
0x39: {  	_ = 	snop;
	(pc) =	sbr.ind lr, $3  }
0x3a: {  	_ = 	snop  }
0x3b: {  	_ = 	snop  }
0x3c: {  	p2 =	seq.s32 s10, $0x1;
	s10 =	sld [smem:$0x3FB4]  }
0x3d: {  	_ =	shalt  }
0x3e: {  	_ =	shalt  }
0x3f: {  	_ =	shalt  }
0x40: {  	_ =	shalt  }
0x41: {  	_ =	shalt  }
0x42: {  	_ =	shalt  }
0x43: {  	_ =	shalt  }
0x44: {  	_ =	shalt  }
0x45: {  	_ =	shalt  }
0x46: {  	_ =	shalt  }
0x47: {  	_ =	shalt  }
0x48: {  	_ =	shalt  }
0x49: {  	_ =	shalt  }
0x4a: {  	_ =	shalt  }
0x4b: {  	_ =	shalt  }
0x4c: {  	_ =	shalt  }
0x4d: {  	_ =	shalt  }
0x4e: {  	_ =	shalt  }
0x4f: {  	_ =	shalt  }
0x50: {  	_ =	shalt  }
0x51: {  	_ =	shalt  }
0x52: {  	_ =	shalt  }
0x53: {  	_ =	shalt  }
0x54: {  	_ =	shalt  }
0x55: {  	_ =	shalt  }
0x56: {  	_ =	shalt  }
0x57: {  	_ =	shalt  }
0x58: {  	_ =	shalt  }
0x59: {  	_ =	shalt  }
0x5a: {  	_ =	shalt  }
0x5b: {  	_ =	shalt  }
0x5c: {  	_ =	shalt  }
0x5d: {  	_ =	shalt  }
0x5e: {  	_ =	shalt  }
0x5f: {  	_ =	shalt  }
0x60: {  	_ =	shalt  }
0x61: {  	_ =	shalt  }
0x62: {  	_ =	shalt  }
0x63: {  	_ =	shalt  }
0x64: {  	_ =	shalt  }
0x65: {  	_ =	shalt  }
0x66: {  	_ =	shalt  }
0x67: {  	_ =	shalt  }
0x68: {  	_ =	shalt  }
0x69: {  	_ =	shalt  }
0x6a: {  	_ =	shalt  }
0x6b: {  	_ =	shalt  }
0x6c: {  	_ =	shalt  }
0x6d: {  	_ =	shalt  }
0x6e: {  	_ =	shalt  }
0x6f: {  	_ =	shalt  }
0x70: {  	_ =	shalt  }
0x71: {  	_ =	shalt  }
0x72: {  	_ =	shalt  }
0x73: {  	_ =	shalt  }
0x74: {  	_ =	shalt  }
0x75: {  	_ =	shalt  }
0x76: {  	_ =	shalt  }
0x77: {  	_ =	shalt  }
0x78: {  	_ =	shalt  }
0x79: {  	_ =	shalt  }
0x7a: {  	_ =	shalt  }
0x7b: {  	_ =	shalt  }
0x7c: {  	_ =	shalt  }
0x7d: {  	_ =	shalt  }
0x7e: {  	_ =	shalt  }
0x7f: {  	_ =	shalt  }
0x80: {  	_ =	shalt  }
0x81: {  	_ =	shalt  }
0x82: {  	_ =	shalt  }
0x83: {  	_ =	shalt  }
0x84: {  	_ =	shalt  }
0x85: {  	_ =	shalt  }
0x86: {  	_ =	shalt  }
0x87: {  	_ =	shalt  }
.Lfunc_end0:
.L_simem_size_0:
called_computation.2_lowered:
.L_overlay_start_0:
0x88: {  	s2 =	sld [smem:$0x3FD9]  }
0x89: {  	s3 =	sld [smem:$0x3FFE];
	_ =	sdelay $0x1  }
0x8a: {  	s1 =	srdreg.scid  }
0x8b: {  	s0 =	sand.u32 $0x1, s1  }
0x8c: {  	s14 =	sshll.u32 s0, $0xA;
	s2 =	sadd.s32 s3, s2  }
0x8d: {  	s2 =	sadd.s32 s2, s14  }
0x8e: {  	[smem:$0x3FC0] =	sst s2  }
0x8f: {  	_ = 	snop  }
0x90: {  	s2 =	sld [smem:$0x3FD0];
	_ =	sdelay $0x2  }
0x91: {  	s15 =	simm.s32 $0xA;
	s4 =	simm.s32 $0x10  }
0x92: {  	[smem:s4], [sflag:s15] =	dma.local [hbm:s2], $0x1  }
0x93: {  	_ =	swait.eq [sflag:s15], $0x1  }
0x94: {  	[sflag:s15] =	ssyncset.done $0x0  }
0x95: {  	[sflag:s15] =	ssyncadd.s32 $0xFFFFFFFF  }
0x96: {  	s16 =	sld [smem:$0x11];
	(tm) =	ssettm $0x1  }
0x97: {  	s17 =	sld [smem:$0x3FFB];
	_ =	sdelay $0x3  }
0x98: {  	_ =	strace s17  }
0x99: {  	s3 =	sld [smem:$0x3FFC];
	_ =	sdelay $0x3  }
0x9a: {  	_ =	strace s3  }
0x9b: {  	s3 =	sld [smem:$0x3FFD];
	_ =	sdelay $0x3  }
0x9c: {  	_ =	strace s3  }
0x9d: {  	_ =	strace $0x8FFFFFFF  }
0x9e: {  	s18 =	sld [smem:$0x3FDB];
	_ =	sdelay $0x1  }
0x9f: {  	s19 =	simm.s32 $_scs_section_size  }
0xa0: {  	s5 =	simm.s32 $_size__tile_overlayer_lowered;
	s6 =	simm.s32 $_tile_overlayer_lowered  }
0xa1: {  	s22 =	simm.s32 $0x1BFF;
	s21 =	sshll.u32 s6, $0x1;
	s3 =	sadd.s32 s19, s18  }
0xa2: {  	s7 =	simm.s32 $0x0;
	s20 =	sshll.u32 s5, $0x1;
	s5 =	sadd.s32 s21, s3  }
0xa3: {  	[timem:s7], [sflag:s22] =	dma.local [hbm:s5], s20  }
0xa4: {  	_ =	swait.ge [sflag:s22], s20  }
0xa5: {  	s4 =	ssub.s32 $0x0, s20;
	[sflag:s22] =	ssyncset.done $0x0  }
0xa6: {  	[sflag:s22] =	ssyncadd.s32 s4;
	_ =	sdelay $0x1  }
0xa7: {  	s23 =	simm.s32 $0x1B8B  }
0xa8: {  	_ =	swait.ge [sflag:s23], $0x1  }
0xa9: {  	[sflag:s23] =	ssyncset.done $0x0  }
0xaa: {  	s25 =	simm.s32 $0x1B8E;
	s24 =	sld [smem:$0x3FFE];
	[sflag:s23] =	ssyncadd.s32 $0xFFFFFFFF  }
0xab: {  	s26 =	simm.s32 $execute0_lowered;
	[smem:$0x3FD2] =	sst s25  }
0xac: {  	s5 =	sshll.u32 s26, $0x1;
	_ =	strace $0x8000004C;
	[dreg:$0x1] =	wrdreg $0xFFFFFFFF  }
0xad: {  	s28 =	simm.s32 $_size_execute0_lowered;
	s3 =	sadd.s32 s3, s5;
	[dreg:$0x0] =	wrdreg $0x0  }
0xae: {  	s5 =	sshll.u32 s28, $0x1;
	[dreg:$0x2] =	wrdreg s3  }
0xaf: {  	[dreg:$0x3] =	wrdreg s5  }
0xb0: {  	[dreg:$0x4] =	wrdreg $0xC0  }
0xb1: {  	_ =	task [dreg:s7], $0x5FFFF  }
0xb2: {  	[dreg:$0x1] =	wrdreg $0xFFFFFFFF  }
0xb3: {  	[dreg:$0x0] =	wrdreg $0x60  }
0xb4: {  	[dreg:$0x2] =	wrdreg s24  }
0xb5: {  	[dreg:$0x3] =	wrdreg s16  }
0xb6: {  	[dreg:$0x4] =	wrdreg $0x92000  }
0xb7: {  	[dreg:$0x5] =	wrdreg $0x9  }
0xb8: {  	_ =	task.clear_ibuf [dreg:s7], $0x6FFFF;
	_ =	strace $0x9000004C  }
0xb9: {  	s29 =	simm.s32 $0x9;
	_ =	strace $0x8000004E  }
0xba: {  	_ =	swait.ge [sflag:s29], $0x1  }
0xbb: {  	[sflag:s29] =	ssyncadd.s32 $0xFFFFFFFF  }
0xbc: {  	_ =	strace $0x9000004E  }
0xbd: {  	_ =	sfence  }
0xbe: {  	s30 =	sld [smem:$0x0];
	_ =	sdelay $0x2  }
0xbf: {  	s31 =	sshll.u32 s1, $0xD;
	s1 =	sshrl.u32 s1, $0x2  }
0xc0: {  	s3 =	sand.u32 $0x4000, s31;
	s1 =	sadd.s32 s1, s30  }
0xc1: {  	s0 =	sor.u32 s3, s0;
	s1 =	sshll.u32 s1, $0x11  }
0xc2: {  	s0 =	sor.u32 s1, s0  }
0xc3: {  	s0 =	sadd.s32 $0x8F2B, s0  }
0xc4: {  	[sflag:s0] =	ssyncadd.remote.s32 $0x1  }
0xc5: {  	_ =	sfence.sel $0xFFFF  }
0xc6: {  	[dreg:$0x0] =	wrdreg $0xFFFFFFFF;
	(pc) =	sbr.abs _section_cstart, $3  }
0xc7: {  	[dreg:$0x1] =	wrdreg $0xFFFFFFFF  }
0xc8: {  	_ =	task.clear_ibuf [dreg:s7], $0x2FFFF;
	_ =	strace $0x9FFFFFFF  }
0xc9: {  	(tm) =	ssettm $0x7FFFFFFF  }
tec
execute0_lowered:
.L_overlay_start_1:
0x0: {  	(tag) =	ssettag $0x1  }
0x1: {  	s0 =	rddreg [dreg:$0x0];
	s1 =	srdreg.scid  }
0x2: {  	s4 =	stileid.u32;
	s3 =	rddreg [dreg:$0x2];
	s5 =	simm.s32 $0x0  }
0x3: {  	s11 =	simm.s32 $0x5800;
	s13 =	simm.s32 $0x6000;
	s15 =	simm.s32 $0x6800  }
0x4: {  	s17 =	simm.s32 $0x7000;
	s19 =	simm.s32 $0x7800;
	[smem:$0x7FF] =	sst s5  }
0x5: {  	s21 =	simm.s32 $0x8000;
	_ =	strace $0x8000004D;
	[dreg:$0x5] =	wrdreg s11  }
0x6: {  	s1 =	sand.u32 $0x1, s1;
	s2 =	sshll.u32 s4, $0x1;
	[dreg:$0x6] =	wrdreg s13  }
0x7: {  	s6 =	smul.u32 $0x2800, s4;
	s5 =	sadd.s32 $0x35200, s0;
	[dreg:$0x7] =	wrdreg s15  }
0x8: {  	s8 =	smul.u32 $0xA000, s4;
	s2 =	sor.u32 s1, s2;
	[dreg:$0x8] =	wrdreg s17  }
0x9: {  	s7 =	smul.u32 $0x28000, s1;
	s1 =	ssub.s32 $0x2, s1;
	[dreg:$0x9] =	wrdreg s19  }
0xa: {  	[dreg:$0xa] =	wrdreg s21;
	s2 =	smul.u32 $0x2800, s2;
	s9 =	sshrl.u32 s1, $0x1  }
0xb: {  	s8 =	sshrl.u32 s8, $0x2;
	s7 =	sadd.s32 s6, s7;
	s1 =	ssub.s32 s1, s9  }
0xc: {  	s9 =	simm.s32 $0x5000;
	s2 =	sshrl.u32 s2, $0x3;
	s7 =	sshrl.u32 s7, $0x3  }
0xd: {  	s2 =	sadd.s32 s2, s0;
	s0 =	sadd.s32 s7, s0;
	s7 =	sadd.s32 s8, s3  }
0xe: {  	[dreg:$0x4] =	wrdreg s9;
	s24 =	sadd.s32 $0x200, s7  }
0xf: {  	s25 =	sadd.s32 $0x400, s7;
	[dreg:$0xb] =	wrdreg s24  }
0x10: {  	s26 =	sadd.s32 $0x600, s7;
	[dreg:$0xc] =	wrdreg s25  }
0x11: {  	s28 =	sadd.s32 $0x800, s7;
	[dreg:$0xd] =	wrdreg s26  }
0x12: {  	s29 =	sadd.s32 $0xA00, s7;
	[dreg:$0xe] =	wrdreg s28  }
0x13: {  	s30 =	sadd.s32 $0xC00, s7;
	[dreg:$0xf] =	wrdreg s29  }
0x14: {  	s8 =	sadd.s32 $0xE00, s7;
	[dreg:$0x10] =	wrdreg s30  }
0x15: {  	s10 =	sadd.s32 $0x1000, s7;
	[dreg:$0x11] =	wrdreg s8  }
0x16: {  	s31 =	simm.s32 $0x9000;
	s12 =	sadd.s32 $0x1200, s7;
	[dreg:$0x12] =	wrdreg s10  }
0x17: {  	s11 =	simm.s32 $0x5;
	s14 =	sadd.s32 $0x1400, s7;
	[dreg:$0x13] =	wrdreg s12  }
0x18: {  	s13 =	simm.s32 $0x7;
	s16 =	sadd.s32 $0x1600, s7;
	[dreg:$0x14] =	wrdreg s14  }
0x19: {  	s21 =	simm.s32 $0xF;
	s18 =	sadd.s32 $0x1800, s7;
	[dreg:$0x15] =	wrdreg s16  }
0x1a: {  	s6 =	sadd.s32 s6, s3;
	s20 =	sadd.s32 $0x1A00, s7;
	[dreg:$0x16] =	wrdreg s18  }
0x1b: {  	s9 =	simm.s32 $0x3;
	s22 =	sadd.s32 $0x1C00, s7;
	[dreg:$0x17] =	wrdreg s20  }
0x1c: {  	s23 =	sadd.s32 $0x1E00, s7;
	s0 =	sadd.s32 $0x3A200, s0;
	[dreg:$0x18] =	wrdreg s22  }
0x1d: {  	[dreg:$0x19] =	wrdreg s23;
	s24 =	sadd.s32 $0x2000, s7;
	s25 =	sadd.s32 $0x2200, s7  }
0x1e: {  	s26 =	sadd.s32 $0x2400, s7;
	s28 =	sadd.s32 $0x2600, s7;
	[smem:$0x7FC] =	sst s0  }
0x1f: {  	s29 =	sadd.s32 $0x21200, s2;
	s2 =	sadd.s32 $0x2B200, s2;
	[dreg:$0x1a] =	wrdreg s24  }
0x20: {  	s30 =	smax.u32 s1, $0x1;
	s1 =	simm.s32 $0x11;
	[dreg:$0x1b] =	wrdreg s25  }
0x21: {  	s0 =	simm.s32 $0x8800;
	s7 =	simm.s32 $0x1;
	[dreg:$0x1c] =	wrdreg s26  }
0x22: {  	s8 =	simm.s32 $0x2;
	s10 =	simm.s32 $0x4;
	[dreg:$0x1d] =	wrdreg s28  }
0x23: {  	s12 =	simm.s32 $0x6;
	s14 =	simm.s32 $0x8;
	[dreg:$0x1e] =	wrdreg s29  }
0x24: {  	s20 =	simm.s32 $0xE;
	s22 =	simm.s32 $0x10;
	[dreg:$0x1f] =	wrdreg s2  }
0x25: {  	s23 =	simm.s32 $0x0;
	[smem:$0x7FD] =	sst s30;
	s2 =	simm.s32 $0x80  }
.LBB2_1:
0x26: {  	s4 =	rddreg [dreg:$0x1];
	s15 =	simm.s32 $0x0  }
0x27: {  	[tilespmem:s31], [sflag:$0x11] =	stream.linear.gather [hbm4b:s4+s15], $0x200, $0x38;
	[tilespmem:$0xBA00] =	vst v63  }
0x28: {  	_ =	swait.ge [sflag:s1], $0x200  }
0x29: {  	[sflag:s1] =	ssyncset.done $0x0  }
0x2a: {  	[sflag:s1] =	ssyncadd.s32 $0xFFFFFE00  }
0x2b: {  	[spmem:s6] =	stream.linear.scatter [tilespmem:s31], [sflag:$0x11], $0x200, $0x38;
	[tilespmem:$0xBA00] =	vst v63  }
0x2c: {  	_ =	swait.ge [sflag:s1], $0x200  }
0x2d: {  	[sflag:s1] =	ssyncset.done $0x0  }
0x2e: {  	s26 =	rddreg [dreg:$0xb];
	[sflag:s1] =	ssyncadd.s32 $0xFFFFFE00  }
0x2f: {  	[spmem:s26] =	stream.linear.scatter [tilespmem:s31], [sflag:$0x11], $0x200, $0x38;
	[tilespmem:$0xBA00] =	vst v63  }
0x30: {  	_ =	swait.ge [sflag:s1], $0x200  }
0x31: {  	[sflag:s1] =	ssyncset.done $0x0  }
0x32: {  	s28 =	rddreg [dreg:$0xc];
	[sflag:s1] =	ssyncadd.s32 $0xFFFFFE00  }
0x33: {  	[spmem:s28] =	stream.linear.scatter [tilespmem:s31], [sflag:$0x11], $0x200, $0x38;
	[tilespmem:$0xBA00] =	vst v63  }
0x34: {  	_ =	swait.ge [sflag:s1], $0x200  }
0x35: {  	[sflag:s1] =	ssyncset.done $0x0  }
0x36: {  	s30 =	rddreg [dreg:$0xd];
	[sflag:s1] =	ssyncadd.s32 $0xFFFFFE00  }
0x37: {  	[spmem:s30] =	stream.linear.scatter [tilespmem:s31], [sflag:$0x11], $0x200, $0x38;
	[tilespmem:$0xBA00] =	vst v63  }
0x38: {  	_ =	swait.ge [sflag:s1], $0x200  }
0x39: {  	[sflag:s1] =	ssyncset.done $0x0  }
0x3a: {  	s16 =	rddreg [dreg:$0xe];
	[sflag:s1] =	ssyncadd.s32 $0xFFFFFE00  }
0x3b: {  	[spmem:s16] =	stream.linear.scatter [tilespmem:s31], [sflag:$0x11], $0x200, $0x38;
	[tilespmem:$0xBA00] =	vst v63  }
0x3c: {  	_ =	swait.ge [sflag:s1], $0x200  }
0x3d: {  	[sflag:s1] =	ssyncset.done $0x0  }
0x3e: {  	s17 =	rddreg [dreg:$0xf];
	[sflag:s1] =	ssyncadd.s32 $0xFFFFFE00  }
0x3f: {  	[spmem:s17] =	stream.linear.scatter [tilespmem:s31], [sflag:$0x11], $0x200, $0x38;
	[tilespmem:$0xBA00] =	vst v63  }
0x40: {  	_ =	swait.ge [sflag:s1], $0x200  }
0x41: {  	[sflag:s1] =	ssyncset.done $0x0  }
0x42: {  	s18 =	rddreg [dreg:$0x10];
	[sflag:s1] =	ssyncadd.s32 $0xFFFFFE00  }
0x43: {  	[spmem:s18] =	stream.linear.scatter [tilespmem:s31], [sflag:$0x11], $0x200, $0x38;
	[tilespmem:$0xBA00] =	vst v63  }
0x44: {  	_ =	swait.ge [sflag:s1], $0x200  }
0x45: {  	[sflag:s1] =	ssyncset.done $0x0  }
0x46: {  	s19 =	rddreg [dreg:$0x11];
	[sflag:s1] =	ssyncadd.s32 $0xFFFFFE00  }
0x47: {  	[spmem:s19] =	stream.linear.scatter [tilespmem:s31], [sflag:$0x11], $0x200, $0x38;
	[tilespmem:$0xBA00] =	vst v63  }
0x48: {  	_ =	swait.ge [sflag:s1], $0x200  }
0x49: {  	[sflag:s1] =	ssyncset.done $0x0  }
0x4a: {  	s24 =	rddreg [dreg:$0x12];
	[sflag:s1] =	ssyncadd.s32 $0xFFFFFE00  }
0x4b: {  	[spmem:s24] =	stream.linear.scatter [tilespmem:s31], [sflag:$0x11], $0x200, $0x38;
	[tilespmem:$0xBA00] =	vst v63  }
0x4c: {  	_ =	swait.ge [sflag:s1], $0x200  }
0x4d: {  	[sflag:s1] =	ssyncset.done $0x0  }
0x4e: {  	s25 =	rddreg [dreg:$0x13];
	[sflag:s1] =	ssyncadd.s32 $0xFFFFFE00  }
0x4f: {  	[spmem:s25] =	stream.linear.scatter [tilespmem:s31], [sflag:$0x11], $0x200, $0x38;
	[tilespmem:$0xBA00] =	vst v63  }
0x50: {  	_ =	swait.ge [sflag:s1], $0x200  }
0x51: {  	[sflag:s1] =	ssyncset.done $0x0  }
0x52: {  	s26 =	rddreg [dreg:$0x14];
	[sflag:s1] =	ssyncadd.s32 $0xFFFFFE00  }
0x53: {  	[spmem:s26] =	stream.linear.scatter [tilespmem:s31], [sflag:$0x11], $0x200, $0x38;
	[tilespmem:$0xBA00] =	vst v63  }
0x54: {  	_ =	swait.ge [sflag:s1], $0x200  }
0x55: {  	[sflag:s1] =	ssyncset.done $0x0  }
0x56: {  	s28 =	rddreg [dreg:$0x15];
	[sflag:s1] =	ssyncadd.s32 $0xFFFFFE00  }
0x57: {  	[spmem:s28] =	stream.linear.scatter [tilespmem:s31], [sflag:$0x11], $0x200, $0x38;
	[tilespmem:$0xBA00] =	vst v63  }
0x58: {  	_ =	swait.ge [sflag:s1], $0x200  }
0x59: {  	[sflag:s1] =	ssyncset.done $0x0  }
0x5a: {  	s30 =	rddreg [dreg:$0x16];
	[sflag:s1] =	ssyncadd.s32 $0xFFFFFE00  }
0x5b: {  	[spmem:s30] =	stream.linear.scatter [tilespmem:s31], [sflag:$0x11], $0x200, $0x38;
	[tilespmem:$0xBA00] =	vst v63  }
0x5c: {  	_ =	swait.ge [sflag:s1], $0x200  }
0x5d: {  	[sflag:s1] =	ssyncset.done $0x0  }
0x5e: {  	s16 =	rddreg [dreg:$0x17];
	[sflag:s1] =	ssyncadd.s32 $0xFFFFFE00  }
0x5f: {  	[spmem:s16] =	stream.linear.scatter [tilespmem:s31], [sflag:$0x11], $0x200, $0x38;
	[tilespmem:$0xBA00] =	vst v63  }
0x60: {  	_ =	swait.ge [sflag:s1], $0x200  }
0x61: {  	[sflag:s1] =	ssyncset.done $0x0  }
0x62: {  	s17 =	rddreg [dreg:$0x18];
	[sflag:s1] =	ssyncadd.s32 $0xFFFFFE00  }
0x63: {  	[spmem:s17] =	stream.linear.scatter [tilespmem:s31], [sflag:$0x11], $0x200, $0x38;
	[tilespmem:$0xBA00] =	vst v63  }
0x64: {  	_ =	swait.ge [sflag:s1], $0x200  }
0x65: {  	[sflag:s1] =	ssyncset.done $0x0  }
0x66: {  	s18 =	rddreg [dreg:$0x19];
	[sflag:s1] =	ssyncadd.s32 $0xFFFFFE00  }
0x67: {  	[spmem:s18] =	stream.linear.scatter [tilespmem:s31], [sflag:$0x11], $0x200, $0x38;
	[tilespmem:$0xBA00] =	vst v63  }
0x68: {  	_ =	swait.ge [sflag:s1], $0x200  }
0x69: {  	[sflag:s1] =	ssyncset.done $0x0  }
0x6a: {  	s19 =	rddreg [dreg:$0x1a];
	[sflag:s1] =	ssyncadd.s32 $0xFFFFFE00  }
0x6b: {  	[spmem:s19] =	stream.linear.scatter [tilespmem:s31], [sflag:$0x11], $0x200, $0x38;
	[tilespmem:$0xBA00] =	vst v63  }
0x6c: {  	_ =	swait.ge [sflag:s1], $0x200  }
0x6d: {  	[sflag:s1] =	ssyncset.done $0x0  }
0x6e: {  	s24 =	rddreg [dreg:$0x1b];
	[sflag:s1] =	ssyncadd.s32 $0xFFFFFE00  }
0x6f: {  	[spmem:s24] =	stream.linear.scatter [tilespmem:s31], [sflag:$0x11], $0x200, $0x38;
	[tilespmem:$0xBA00] =	vst v63  }
0x70: {  	_ =	swait.ge [sflag:s1], $0x200  }
0x71: {  	[sflag:s1] =	ssyncset.done $0x0  }
0x72: {  	s25 =	rddreg [dreg:$0x1c];
	[sflag:s1] =	ssyncadd.s32 $0xFFFFFE00  }
0x73: {  	[spmem:s25] =	stream.linear.scatter [tilespmem:s31], [sflag:$0x11], $0x200, $0x38;
	[tilespmem:$0xBA00] =	vst v63  }
0x74: {  	_ =	swait.ge [sflag:s1], $0x200  }
0x75: {  	[sflag:s1] =	ssyncset.done $0x0  }
0x76: {  	s26 =	rddreg [dreg:$0x1d];
	[sflag:s1] =	ssyncadd.s32 $0xFFFFFE00  }
0x77: {  	[spmem:s26] =	stream.linear.scatter [tilespmem:s31], [sflag:$0x11], $0x200, $0x38;
	[tilespmem:$0xBA00] =	vst v63  }
0x78: {  	_ =	swait.ge [sflag:s1], $0x200  }
0x79: {  	[sflag:s1] =	ssyncset.done $0x0  }
0x7a: {  	s28 =	rddreg [dreg:$0x1e];
	[sflag:s1] =	ssyncadd.s32 $0xFFFFFE00  }
0x7b: {  	[tilespmem:s15], [sflag:$0x11] =	stream.linear.gather [hbm4b:s28+s15], $0x2800, $0x38;
	[tilespmem:$0xBA00] =	vst v63  }
0x7c: {  	_ =	swait.ge [sflag:s1], $0x2800  }
0x7d: {  	[sflag:s1] =	ssyncset.done $0x0  }
0x7e: {  	s16 =	simm.s32 $0x2800;
	s30 =	rddreg [dreg:$0x1f];
	[sflag:s1] =	ssyncadd.s32 $0xFFFFD800  }
0x7f: {  	[tilespmem:s16], [sflag:$0x11] =	stream.linear.gather [hbm4b:s30+s15], $0x2800, $0x38;
	[tilespmem:$0xBA00] =	vst v63  }
0x80: {  	_ =	swait.ge [sflag:s1], $0x2800  }
0x81: {  	[sflag:s1] =	ssyncset.done $0x0  }
0x82: {  	p0 =	por $0x0, $0x0;
	[sflag:s1] =	ssyncadd.s32 $0xFFFFD800  }
0x83: {  	s24 =	simm.s32 @p0 $0x9;
	[bflag:$0x0] =	sbarrier.arrive $0xFFFF  }
0x84: {  	_ =	swait.ge @p0 [sflag:s24], $0x800  }
0x85: {  	s25 =	simm.s32 @p0 $0x5000;
	s26 =	simm.s32 @p0 $0xA;
	[sflag:s24] =	ssyncset.done @p0 $0x0  }
0x86: {  	s28 =	simm.s32 @p0 $0x80;
	[sflag:s24] =	ssyncadd.s32 @p0 $0xFFFFF800;
	s24 =	simm.s32 @p0 $0x0  }
0x87: {  	[tilespmem:s25], [sflag:$0x1] =	stream.indirect.gather @p0 [hbm4b:s5+s28], $0x10, s24, s28, $0xb8;
	[tilespmem:$0xBA00] =	vst v63  }
0x88: {  	_ =	swait.ge @p0 [sflag:s26], $0x800  }
0x89: {  	s24 =	simm.s32 @p0 $0x80;
	[sflag:s26] =	ssyncset.done @p0 $0x0  }
0x8a: {  	s25 =	simm.s32 @p0 $0x5800;
	[sflag:s26] =	ssyncadd.s32 @p0 $0xFFFFF800;
	s26 =	simm.s32 @p0 $0xB  }
0x8b: {  	[tilespmem:s25], [sflag:$0x2] =	stream.indirect.gather @p0 [hbm4b:s5+s28], $0x10, s24, s28, $0xb8;
	[tilespmem:$0xBA00] =	vst v63  }
0x8c: {  	_ =	swait.ge @p0 [sflag:s26], $0x800  }
0x8d: {  	s24 =	simm.s32 @p0 $0x100;
	[sflag:s26] =	ssyncset.done @p0 $0x0  }
0x8e: {  	s25 =	simm.s32 @p0 $0x6000;
	[sflag:s26] =	ssyncadd.s32 @p0 $0xFFFFF800;
	s26 =	simm.s32 @p0 $0xC  }
0x8f: {  	[tilespmem:s25], [sflag:$0x3] =	stream.indirect.gather @p0 [hbm4b:s5+s28], $0x10, s24, s28, $0xb8;
	[tilespmem:$0xBA00] =	vst v63  }
0x90: {  	_ =	swait.ge @p0 [sflag:s26], $0x800  }
0x91: {  	s24 =	simm.s32 @p0 $0x180;
	[sflag:s26] =	ssyncset.done @p0 $0x0  }
0x92: {  	s25 =	simm.s32 @p0 $0x6800;
	[sflag:s26] =	ssyncadd.s32 @p0 $0xFFFFF800;
	s26 =	simm.s32 @p0 $0xD  }
0x93: {  	[tilespmem:s25], [sflag:$0x4] =	stream.indirect.gather @p0 [hbm4b:s5+s28], $0x10, s24, s28, $0xb8;
	[tilespmem:$0xBA00] =	vst v63  }
0x94: {  	_ =	swait.ge @p0 [sflag:s26], $0x800  }
0x95: {  	s24 =	simm.s32 @p0 $0x200;
	[sflag:s26] =	ssyncset.done @p0 $0x0  }
0x96: {  	s25 =	simm.s32 @p0 $0x7000;
	[sflag:s26] =	ssyncadd.s32 @p0 $0xFFFFF800;
	s26 =	simm.s32 @p0 $0xE  }
0x97: {  	[tilespmem:s25], [sflag:$0x5] =	stream.indirect.gather @p0 [hbm4b:s5+s28], $0x10, s24, s28, $0xb8;
	[tilespmem:$0xBA00] =	vst v63  }
0x98: {  	_ =	swait.ge @p0 [sflag:s26], $0x800  }
0x99: {  	s24 =	simm.s32 @p0 $0x280;
	[sflag:s26] =	ssyncset.done @p0 $0x0  }
0x9a: {  	s25 =	simm.s32 @p0 $0x7800;
	[sflag:s26] =	ssyncadd.s32 @p0 $0xFFFFF800;
	s26 =	simm.s32 @p0 $0xF  }
0x9b: {  	[tilespmem:s25], [sflag:$0x6] =	stream.indirect.gather @p0 [hbm4b:s5+s28], $0x10, s24, s28, $0xb8;
	[tilespmem:$0xBA00] =	vst v63  }
0x9c: {  	_ =	swait.ge @p0 [sflag:s26], $0x800  }
0x9d: {  	s24 =	simm.s32 @p0 $0x300;
	[sflag:s26] =	ssyncset.done @p0 $0x0  }
0x9e: {  	s25 =	simm.s32 @p0 $0x8000;
	[sflag:s26] =	ssyncadd.s32 @p0 $0xFFFFF800;
	s26 =	simm.s32 @p0 $0x10  }
0x9f: {  	[tilespmem:s25], [sflag:$0x7] =	stream.indirect.gather @p0 [hbm4b:s5+s28], $0x10, s24, s28, $0xb8;
	[tilespmem:$0xBA00] =	vst v63  }
0xa0: {  	_ =	swait.ge @p0 [sflag:s26], $0x800  }
0xa1: {  	s24 =	simm.s32 @!p0 $0x5000;
	[sflag:s26] =	ssyncset.done @p0 $0x0  }
0xa2: {  	s25 =	simm.s32 @!p0 $0x0;
	[sflag:s26] =	ssyncadd.s32 @p0 $0xFFFFF800;
	s26 =	simm.s32 @!p0 $0x80  }
0xa3: {  	[tilespmem:s24], [sflag:$0x1] =	stream.indirect.gather @!p0 [hbm4b:s5+s26], $0x10, s25, s26, $0xb8;
	[tilespmem:$0xBA00] =	vst v63  }
0xa4: {  	s24 =	simm.s32 @!p0 $0x5800  }
0xa5: {  	[tilespmem:s24], [sflag:$0x2] =	stream.indirect.gather @!p0 [hbm4b:s5+s26], $0x10, s26, s26, $0xb8;
	[tilespmem:$0xBA00] =	vst v63  }
0xa6: {  	s25 =	simm.s32 @!p0 $0x6000;
	s24 =	simm.s32 @!p0 $0x100  }
0xa7: {  	[tilespmem:s25], [sflag:$0x3] =	stream.indirect.gather @!p0 [hbm4b:s5+s26], $0x10, s24, s26, $0xb8;
	[tilespmem:$0xBA00] =	vst v63  }
0xa8: {  	s24 =	simm.s32 @!p0 $0x180;
	s25 =	simm.s32 @!p0 $0x6800  }
0xa9: {  	[tilespmem:s25], [sflag:$0x4] =	stream.indirect.gather @!p0 [hbm4b:s5+s26], $0x10, s24, s26, $0xb8;
	[tilespmem:$0xBA00] =	vst v63  }
0xaa: {  	s24 =	simm.s32 @!p0 $0x200;
	s25 =	simm.s32 @!p0 $0x7000  }
0xab: {  	[tilespmem:s25], [sflag:$0x5] =	stream.indirect.gather @!p0 [hbm4b:s5+s26], $0x10, s24, s26, $0xb8;
	[tilespmem:$0xBA00] =	vst v63  }
0xac: {  	s24 =	simm.s32 @!p0 $0x280;
	s25 =	simm.s32 @!p0 $0x7800  }
0xad: {  	[tilespmem:s25], [sflag:$0x6] =	stream.indirect.gather @!p0 [hbm4b:s5+s26], $0x10, s24, s26, $0xb8;
	[tilespmem:$0xBA00] =	vst v63  }
0xae: {  	s28 =	simm.s32 @!p0 $0x8000;
	s24 =	simm.s32 $0x380;
	s25 =	simm.s32 @!p0 $0x300  }
0xaf: {  	[tilespmem:s28], [sflag:$0x7] =	stream.indirect.gather @!p0 [hbm4b:s5+s26], $0x10, s25, s26, $0xb8;
	[tilespmem:$0xBA00] =	vst v63  }
0xb0: {  	s24 =	simm.s32 @!p0 $0x380  }
0xb1: {  	[tilespmem:s0], [sflag:$0x8] =	stream.indirect.gather [hbm4b:s5+s2], $0x10, s24, s2, $0xb8;
	[tilespmem:$0xBA00] =	vst v63  }
0xb2: {  	_ =	swait.ge [sflag:s7], $0x800  }
0xb3: {  	[sflag:s7] =	ssyncset.done $0x0  }
0xb4: {  	s15 =	simm.s32 $0x2800;
	s4 =	rddreg [dreg:$0x4];
	[sflag:s7] =	ssyncadd.s32 $0xFFFFF800  }
0xb5: {  	[spmem:s3] =	stream.indirect.scatter.add.f32 [tilespmem:s4], [sflag:$0x9], $0x10, s15, s2, $0xb8;
	[tilespmem:$0xBA00] =	vst v63  }
0xb6: {  	s25 =	simm.s32 @p0 $0x80;
	_ =	swait.ge [sflag:s8], $0x800  }
0xb7: {  	s25 =	simm.s32 @!p0 $0x80;
	[sflag:s8] =	ssyncset.done $0x0  }
0xb8: {  	s25 =	sadd.s32 $0x2800, s25;
	s16 =	rddreg [dreg:$0x5];
	[sflag:s8] =	ssyncadd.s32 $0xFFFFF800  }
0xb9: {  	[spmem:s3] =	stream.indirect.scatter.add.f32 [tilespmem:s16], [sflag:$0xA], $0x10, s25, s2, $0xb8;
	[tilespmem:$0xBA00] =	vst v63  }
0xba: {  	s25 =	simm.s32 @p0 $0x100;
	_ =	swait.ge [sflag:s9], $0x800  }
0xbb: {  	s25 =	simm.s32 @!p0 $0x100;
	[sflag:s9] =	ssyncset.done $0x0  }
0xbc: {  	s17 =	rddreg [dreg:$0x6];
	s25 =	sadd.s32 $0x2800, s25;
	[sflag:s9] =	ssyncadd.s32 $0xFFFFF800  }
0xbd: {  	[spmem:s3] =	stream.indirect.scatter.add.f32 [tilespmem:s17], [sflag:$0xB], $0x10, s25, s2, $0xb8;
	[tilespmem:$0xBA00] =	vst v63  }
0xbe: {  	s25 =	simm.s32 @p0 $0x180;
	_ =	swait.ge [sflag:s10], $0x800  }
0xbf: {  	s25 =	simm.s32 @!p0 $0x180;
	[sflag:s10] =	ssyncset.done $0x0  }
0xc0: {  	s18 =	rddreg [dreg:$0x7];
	s25 =	sadd.s32 $0x2800, s25;
	[sflag:s10] =	ssyncadd.s32 $0xFFFFF800  }
0xc1: {  	[spmem:s3] =	stream.indirect.scatter.add.f32 [tilespmem:s18], [sflag:$0xC], $0x10, s25, s2, $0xb8;
	[tilespmem:$0xBA00] =	vst v63  }
0xc2: {  	s25 =	simm.s32 @p0 $0x200;
	_ =	swait.ge [sflag:s11], $0x800  }
0xc3: {  	s25 =	simm.s32 @!p0 $0x200;
	[sflag:s11] =	ssyncset.done $0x0  }
0xc4: {  	s19 =	rddreg [dreg:$0x8];
	s25 =	sadd.s32 $0x2800, s25;
	[sflag:s11] =	ssyncadd.s32 $0xFFFFF800  }
0xc5: {  	[spmem:s3] =	stream.indirect.scatter.add.f32 [tilespmem:s19], [sflag:$0xD], $0x10, s25, s2, $0xb8;
	[tilespmem:$0xBA00] =	vst v63  }
0xc6: {  	s25 =	simm.s32 @p0 $0x280;
	_ =	swait.ge [sflag:s12], $0x800  }
0xc7: {  	s25 =	simm.s32 @!p0 $0x280;
	[sflag:s12] =	ssyncset.done $0x0  }
0xc8: {  	s28 =	rddreg [dreg:$0x9];
	s25 =	sadd.s32 $0x2800, s25;
	[sflag:s12] =	ssyncadd.s32 $0xFFFFF800  }
0xc9: {  	[spmem:s3] =	stream.indirect.scatter.add.f32 [tilespmem:s28], [sflag:$0xE], $0x10, s25, s2, $0xb8;
	[tilespmem:$0xBA00] =	vst v63  }
0xca: {  	s26 =	simm.s32 @p0 $0x300;
	_ =	swait.ge [sflag:s13], $0x800  }
0xcb: {  	s29 =	simm.s32 $0x780;
	s26 =	simm.s32 @!p0 $0x300;
	[sflag:s13] =	ssyncset.done $0x0  }
0xcc: {  	s26 =	sadd.s32 $0x2800, s26;
	s30 =	rddreg [dreg:$0xa];
	[sflag:s13] =	ssyncadd.s32 $0xFFFFF800  }
0xcd: {  	[spmem:s3] =	stream.indirect.scatter.add.f32 [tilespmem:s30], [sflag:$0xF], $0x10, s26, s2, $0xb8;
	[tilespmem:$0xBA00] =	vst v63  }
0xce: {  	s24 =	sadd.s32 $0x2800, s24;
	p0 =	por $0x1, $0x1;
	_ =	swait.ge [sflag:s14], $0x800  }
0xcf: {  	s25 =	simm.s32 $0x1000;
	s26 =	simm.s32 $0x2000;
	[sflag:s14] =	ssyncset.done $0x0  }
.LBB2_2:
0xd0: {  	s30 =	simm.s32 @p0 $0x9;
	[sflag:s14] =	ssyncadd.s32 $0xFFFFF800  }
0xd1: {  	[spmem:s3] =	stream.indirect.scatter.add.f32 [tilespmem:s0], [sflag:$0x10], $0x10, s24, s2, $0xb8;
	[tilespmem:$0xBA00] =	vst v63  }
0xd2: {  	_ =	swait.ge @p0 [sflag:s30], $0x800  }
0xd3: {  	s4 =	simm.s32 @p0 $0x5000;
	s15 =	simm.s32 @p0 $0xA;
	[sflag:s30] =	ssyncset.done @p0 $0x0  }
0xd4: {  	s24 =	simm.s32 @p0 $0x80;
	[sflag:s30] =	ssyncadd.s32 @p0 $0xFFFFF800;
	s30 =	sshra.s32 @p0 s25, $0x2  }
0xd5: {  	[tilespmem:s4], [sflag:$0x1] =	stream.indirect.gather @p0 [hbm4b:s5+s24], $0x10, s30, s24, $0xb8;
	[tilespmem:$0xBA00] =	vst v63  }
0xd6: {  	_ =	swait.ge @p0 [sflag:s15], $0x800  }
0xd7: {  	s19 =	simm.s32 @p0 $0xB;
	s4 =	sadd.s32 @p0 $0x80, s30;
	[sflag:s15] =	ssyncset.done @p0 $0x0  }
0xd8: {  	s16 =	sadd.s32 @p0 $0x100, s30;
	[sflag:s15] =	ssyncadd.s32 @p0 $0xFFFFF800;
	s15 =	simm.s32 @p0 $0x5800  }
0xd9: {  	[tilespmem:s15], [sflag:$0x2] =	stream.indirect.gather @p0 [hbm4b:s5+s24], $0x10, s4, s24, $0xb8;
	[tilespmem:$0xBA00] =	vst v63  }
0xda: {  	s17 =	sadd.s32 @p0 $0x180, s30;
	s18 =	sadd.s32 @p0 $0x200, s30;
	_ =	swait.ge @p0 [sflag:s19], $0x800  }
0xdb: {  	s4 =	sadd.s32 @p0 $0x280, s30;
	s15 =	sadd.s32 @p0 $0x300, s30;
	[sflag:s19] =	ssyncset.done @p0 $0x0  }
0xdc: {  	s30 =	simm.s32 @p0 $0xC;
	[sflag:s19] =	ssyncadd.s32 @p0 $0xFFFFF800;
	s19 =	simm.s32 @p0 $0x6000  }
0xdd: {  	[tilespmem:s19], [sflag:$0x3] =	stream.indirect.gather @p0 [hbm4b:s5+s24], $0x10, s16, s24, $0xb8;
	[tilespmem:$0xBA00] =	vst v63  }
0xde: {  	_ =	swait.ge @p0 [sflag:s30], $0x800  }
0xdf: {  	[sflag:s30] =	ssyncset.done @p0 $0x0  }
0xe0: {  	s16 =	simm.s32 @p0 $0x6800;
	s19 =	simm.s32 @p0 $0xD;
	[sflag:s30] =	ssyncadd.s32 @p0 $0xFFFFF800  }
0xe1: {  	[tilespmem:s16], [sflag:$0x4] =	stream.indirect.gather @p0 [hbm4b:s5+s24], $0x10, s17, s24, $0xb8;
	[tilespmem:$0xBA00] =	vst v63  }
0xe2: {  	_ =	swait.ge @p0 [sflag:s19], $0x800  }
0xe3: {  	[sflag:s19] =	ssyncset.done @p0 $0x0  }
0xe4: {  	s16 =	simm.s32 @p0 $0x7000;
	s17 =	simm.s32 @p0 $0xE;
	[sflag:s19] =	ssyncadd.s32 @p0 $0xFFFFF800  }
0xe5: {  	[tilespmem:s16], [sflag:$0x5] =	stream.indirect.gather @p0 [hbm4b:s5+s24], $0x10, s18, s24, $0xb8;
	[tilespmem:$0xBA00] =	vst v63  }
0xe6: {  	_ =	swait.ge @p0 [sflag:s17], $0x800  }
0xe7: {  	[sflag:s17] =	ssyncset.done @p0 $0x0  }
0xe8: {  	s16 =	simm.s32 @p0 $0x7800;
	[sflag:s17] =	ssyncadd.s32 @p0 $0xFFFFF800;
	s17 =	simm.s32 @p0 $0xF  }
0xe9: {  	[tilespmem:s16], [sflag:$0x6] =	stream.indirect.gather @p0 [hbm4b:s5+s24], $0x10, s4, s24, $0xb8;
	[tilespmem:$0xBA00] =	vst v63  }
0xea: {  	_ =	swait.ge @p0 [sflag:s17], $0x800  }
0xeb: {  	[sflag:s17] =	ssyncset.done @p0 $0x0  }
0xec: {  	s4 =	simm.s32 @p0 $0x8000;
	s16 =	simm.s32 @p0 $0x10;
	[sflag:s17] =	ssyncadd.s32 @p0 $0xFFFFF800  }
0xed: {  	[tilespmem:s4], [sflag:$0x7] =	stream.indirect.gather @p0 [hbm4b:s5+s24], $0x10, s15, s24, $0xb8;
	[tilespmem:$0xBA00] =	vst v63  }
0xee: {  	_ =	swait.ge @p0 [sflag:s16], $0x800  }
0xef: {  	s4 =	simm.s32 @!p0 $0x5000;
	[sflag:s16] =	ssyncset.done @p0 $0x0  }
0xf0: {  	s15 =	sshra.s32 @!p0 s25, $0x2;
	[sflag:s16] =	ssyncadd.s32 @p0 $0xFFFFF800;
	s16 =	simm.s32 @!p0 $0x80  }
0xf1: {  	[tilespmem:s4], [sflag:$0x1] =	stream.indirect.gather @!p0 [hbm4b:s5+s16], $0x10, s15, s16, $0xb8;
	[tilespmem:$0xBA00] =	vst v63  }
0xf2: {  	s4 =	simm.s32 @!p0 $0x5800  }
0xf3: {  	[tilespmem:s4], [sflag:$0x2] =	stream.indirect.gather @!p0 [hbm4b:s5+s16], $0x10, s16, s16, $0xb8;
	[tilespmem:$0xBA00] =	vst v63  }
0xf4: {  	s15 =	simm.s32 @!p0 $0x6000;
	s4 =	simm.s32 @!p0 $0x100  }
0xf5: {  	[tilespmem:s15], [sflag:$0x3] =	stream.indirect.gather @!p0 [hbm4b:s5+s16], $0x10, s4, s16, $0xb8;
	[tilespmem:$0xBA00] =	vst v63  }
0xf6: {  	s4 =	simm.s32 @!p0 $0x180;
	s15 =	simm.s32 @!p0 $0x6800  }
0xf7: {  	[tilespmem:s15], [sflag:$0x4] =	stream.indirect.gather @!p0 [hbm4b:s5+s16], $0x10, s4, s16, $0xb8;
	[tilespmem:$0xBA00] =	vst v63  }
0xf8: {  	s4 =	simm.s32 @!p0 $0x200;
	s15 =	simm.s32 @!p0 $0x7000  }
0xf9: {  	[tilespmem:s15], [sflag:$0x5] =	stream.indirect.gather @!p0 [hbm4b:s5+s16], $0x10, s4, s16, $0xb8;
	[tilespmem:$0xBA00] =	vst v63  }
0xfa: {  	s4 =	simm.s32 @!p0 $0x280;
	s15 =	simm.s32 @!p0 $0x7800  }
0xfb: {  	[tilespmem:s15], [sflag:$0x6] =	stream.indirect.gather @!p0 [hbm4b:s5+s16], $0x10, s4, s16, $0xb8;
	[tilespmem:$0xBA00] =	vst v63  }
0xfc: {  	s24 =	smov.u32 s29;
	s4 =	simm.s32 @!p0 $0x300;
	s15 =	simm.s32 @!p0 $0x8000  }
0xfd: {  	[tilespmem:s15], [sflag:$0x7] =	stream.indirect.gather @!p0 [hbm4b:s5+s16], $0x10, s4, s16, $0xb8;
	[tilespmem:$0xBA00] =	vst v63  }
0xfe: {  	s24 =	simm.s32 @!p0 $0x380  }
0xff: {  	[tilespmem:s0], [sflag:$0x8] =	stream.indirect.gather [hbm4b:s5+s2], $0x10, s24, s2, $0xb8;
	[tilespmem:$0xBA00] =	vst v63  }
0x100: {  	_ =	swait.ge [sflag:s7], $0x800  }
0x101: {  	s30 =	sshra.s32 s25, $0x2;
	[sflag:s7] =	ssyncset.done $0x0  }
0x102: {  	s15 =	sadd.s32 $0x2800, s30;
	s19 =	rddreg [dreg:$0x4];
	[sflag:s7] =	ssyncadd.s32 $0xFFFFF800  }
0x103: {  	[spmem:s3] =	stream.indirect.scatter.add.f32 [tilespmem:s19], [sflag:$0x9], $0x10, s15, s2, $0xb8;
	[tilespmem:$0xBA00] =	vst v63  }
0x104: {  	s4 =	sadd.s32 @p0 $0xFFFFFD00, s29;
	_ =	swait.ge [sflag:s8], $0x800  }
0x105: {  	s4 =	simm.s32 @!p0 $0x80;
	[sflag:s8] =	ssyncset.done $0x0  }
0x106: {  	s4 =	sadd.s32 $0x2800, s4;
	s16 =	rddreg [dreg:$0x5];
	[sflag:s8] =	ssyncadd.s32 $0xFFFFF800  }
0x107: {  	[spmem:s3] =	stream.indirect.scatter.add.f32 [tilespmem:s16], [sflag:$0xA], $0x10, s4, s2, $0xb8;
	[tilespmem:$0xBA00] =	vst v63  }
0x108: {  	s4 =	sadd.s32 @p0 $0xFFFFFD80, s29;
	_ =	swait.ge [sflag:s9], $0x800  }
0x109: {  	s4 =	simm.s32 @!p0 $0x100;
	[sflag:s9] =	ssyncset.done $0x0  }
0x10a: {  	s17 =	rddreg [dreg:$0x6];
	s4 =	sadd.s32 $0x2800, s4;
	[sflag:s9] =	ssyncadd.s32 $0xFFFFF800  }
0x10b: {  	[spmem:s3] =	stream.indirect.scatter.add.f32 [tilespmem:s17], [sflag:$0xB], $0x10, s4, s2, $0xb8;
	[tilespmem:$0xBA00] =	vst v63  }
0x10c: {  	s4 =	sadd.s32 @p0 $0xFFFFFE00, s29;
	_ =	swait.ge [sflag:s10], $0x800  }
0x10d: {  	s4 =	simm.s32 @!p0 $0x180;
	[sflag:s10] =	ssyncset.done $0x0  }
0x10e: {  	s18 =	rddreg [dreg:$0x7];
	s4 =	sadd.s32 $0x2800, s4;
	[sflag:s10] =	ssyncadd.s32 $0xFFFFF800  }
0x10f: {  	[spmem:s3] =	stream.indirect.scatter.add.f32 [tilespmem:s18], [sflag:$0xC], $0x10, s4, s2, $0xb8;
	[tilespmem:$0xBA00] =	vst v63  }
0x110: {  	s4 =	sadd.s32 @p0 $0xFFFFFE80, s29;
	_ =	swait.ge [sflag:s11], $0x800  }
0x111: {  	s28 =	smov.u32 s26;
	s4 =	simm.s32 @!p0 $0x200;
	[sflag:s11] =	ssyncset.done $0x0  }
0x112: {  	s19 =	rddreg [dreg:$0x8];
	s4 =	sadd.s32 $0x2800, s4;
	[sflag:s11] =	ssyncadd.s32 $0xFFFFF800  }
0x113: {  	[spmem:s3] =	stream.indirect.scatter.add.f32 [tilespmem:s19], [sflag:$0xD], $0x10, s4, s2, $0xb8;
	[tilespmem:$0xBA00] =	vst v63  }
0x114: {  	s26 =	sadd.s32 $0x1000, s26;
	s4 =	sadd.s32 @p0 $0xFFFFFF00, s29;
	_ =	swait.ge [sflag:s12], $0x800  }
0x115: {  	s25 =	smov.u32 s28;
	s4 =	simm.s32 @!p0 $0x280;
	[sflag:s12] =	ssyncset.done $0x0  }
0x116: {  	s28 =	rddreg [dreg:$0x9];
	s4 =	sadd.s32 $0x2800, s4;
	[sflag:s12] =	ssyncadd.s32 $0xFFFFF800  }
0x117: {  	[spmem:s3] =	stream.indirect.scatter.add.f32 [tilespmem:s28], [sflag:$0xE], $0x10, s4, s2, $0xb8;
	[tilespmem:$0xBA00] =	vst v63  }
0x118: {  	p1 =	sne.s32 s26, $0xA000;
	s4 =	sadd.s32 @p0 $0xFFFFFF80, s29;
	_ =	swait.ge [sflag:s13], $0x800  }
.Ltmp0:
0x119: {  	s4 =	simm.s32 @!p0 $0x300;
	[sflag:s13] =	ssyncset.done $0x0;
	(pc) =	sbr.rel @p1 .LBB2_2-.Ltmp0, $4  }
0x11a: {  	s30 =	rddreg [dreg:$0xa];
	s4 =	sadd.s32 $0x2800, s4;
	[sflag:s13] =	ssyncadd.s32 $0xFFFFF800  }
0x11b: {  	[spmem:s3] =	stream.indirect.scatter.add.f32 [tilespmem:s30], [sflag:$0xF], $0x10, s4, s2, $0xb8;
	[tilespmem:$0xBA00] =	vst v63  }
0x11c: {  	s24 =	sadd.s32 $0x2800, s24;
	_ =	swait.ge [sflag:s14], $0x800  }
0x11d: {  	s29 =	sadd.s32 $0x400, s29;
	p0 =	sne.s32 s25, $0x0;
	[sflag:s14] =	ssyncset.done $0x0  }
0x11e: {  	s4 =	simm.s32 @p0 $0x9;
	[sflag:s14] =	ssyncadd.s32 $0xFFFFF800  }
0x11f: {  	[spmem:s3] =	stream.indirect.scatter.add.f32 [tilespmem:s0], [sflag:$0x10], $0x10, s24, s2, $0xb8;
	[tilespmem:$0xBA00] =	vst v63  }
0x120: {  	_ =	swait.ge @p0 [sflag:s4], $0x800  }
0x121: {  	s15 =	simm.s32 @p0 $0x5000;
	s16 =	simm.s32 @p0 $0xA;
	[sflag:s4] =	ssyncset.done @p0 $0x0  }
0x122: {  	s17 =	simm.s32 @p0 $0x80;
	[sflag:s4] =	ssyncadd.s32 @p0 $0xFFFFF800;
	s4 =	sshra.s32 @p0 s25, $0x2  }
0x123: {  	[tilespmem:s15], [sflag:$0x1] =	stream.indirect.gather @p0 [hbm4b:s5+s17], $0x10, s4, s17, $0xb8;
	[tilespmem:$0xBA00] =	vst v63  }
0x124: {  	_ =	swait.ge @p0 [sflag:s16], $0x800  }
0x125: {  	[sflag:s16] =	ssyncset.done @p0 $0x0  }
0x126: {  	s15 =	sadd.s32 @p0 $0x80, s4;
	[sflag:s16] =	ssyncadd.s32 @p0 $0xFFFFF800;
	s16 =	simm.s32 @p0 $0x5800  }
0x127: {  	[tilespmem:s16], [sflag:$0x2] =	stream.indirect.gather @p0 [hbm4b:s5+s17], $0x10, s15, s17, $0xb8;
	[tilespmem:$0xBA00] =	vst v63  }
0x128: {  	s15 =	simm.s32 @p0 $0xB  }
0x129: {  	_ =	swait.ge @p0 [sflag:s15], $0x800  }
0x12a: {  	[sflag:s15] =	ssyncset.done @p0 $0x0  }
0x12b: {  	s16 =	sadd.s32 @p0 $0x100, s4;
	[sflag:s15] =	ssyncadd.s32 @p0 $0xFFFFF800;
	s15 =	simm.s32 @p0 $0x6000  }
0x12c: {  	[tilespmem:s15], [sflag:$0x3] =	stream.indirect.gather @p0 [hbm4b:s5+s17], $0x10, s16, s17, $0xb8;
	[tilespmem:$0xBA00] =	vst v63  }
0x12d: {  	s15 =	simm.s32 @p0 $0xC  }
0x12e: {  	_ =	swait.ge @p0 [sflag:s15], $0x800  }
0x12f: {  	[sflag:s15] =	ssyncset.done @p0 $0x0  }
0x130: {  	s16 =	sadd.s32 @p0 $0x180, s4;
	[sflag:s15] =	ssyncadd.s32 @p0 $0xFFFFF800;
	s15 =	simm.s32 @p0 $0x6800  }
0x131: {  	[tilespmem:s15], [sflag:$0x4] =	stream.indirect.gather @p0 [hbm4b:s5+s17], $0x10, s16, s17, $0xb8;
	[tilespmem:$0xBA00] =	vst v63  }
0x132: {  	s15 =	simm.s32 @p0 $0xD  }
0x133: {  	_ =	swait.ge @p0 [sflag:s15], $0x800  }
0x134: {  	[sflag:s15] =	ssyncset.done @p0 $0x0  }
0x135: {  	s16 =	sadd.s32 @p0 $0x200, s4;
	[sflag:s15] =	ssyncadd.s32 @p0 $0xFFFFF800;
	s15 =	simm.s32 @p0 $0x7000  }
0x136: {  	[tilespmem:s15], [sflag:$0x5] =	stream.indirect.gather @p0 [hbm4b:s5+s17], $0x10, s16, s17, $0xb8;
	[tilespmem:$0xBA00] =	vst v63  }
0x137: {  	s15 =	simm.s32 @p0 $0xE  }
0x138: {  	_ =	swait.ge @p0 [sflag:s15], $0x800  }
0x139: {  	[sflag:s15] =	ssyncset.done @p0 $0x0  }
0x13a: {  	s16 =	sadd.s32 @p0 $0x280, s4;
	[sflag:s15] =	ssyncadd.s32 @p0 $0xFFFFF800;
	s15 =	simm.s32 @p0 $0x7800  }
0x13b: {  	[tilespmem:s15], [sflag:$0x6] =	stream.indirect.gather @p0 [hbm4b:s5+s17], $0x10, s16, s17, $0xb8;
	[tilespmem:$0xBA00] =	vst v63  }
0x13c: {  	s15 =	simm.s32 @p0 $0xF  }
0x13d: {  	_ =	swait.ge @p0 [sflag:s15], $0x800  }
0x13e: {  	[sflag:s15] =	ssyncset.done @p0 $0x0  }
0x13f: {  	s4 =	sadd.s32 @p0 $0x300, s4;
	[sflag:s15] =	ssyncadd.s32 @p0 $0xFFFFF800;
	s15 =	simm.s32 @p0 $0x8000  }
0x140: {  	[tilespmem:s15], [sflag:$0x7] =	stream.indirect.gather @p0 [hbm4b:s5+s17], $0x10, s4, s17, $0xb8;
	[tilespmem:$0xBA00] =	vst v63  }
0x141: {  	s4 =	simm.s32 @p0 $0x10  }
0x142: {  	_ =	swait.ge @p0 [sflag:s4], $0x800  }
0x143: {  	s16 =	simm.s32 @!p0 $0x80;
	[sflag:s4] =	ssyncset.done @p0 $0x0  }
0x144: {  	s15 =	simm.s32 @!p0 $0x5000;
	[sflag:s4] =	ssyncadd.s32 @p0 $0xFFFFF800;
	s4 =	sshra.s32 @!p0 s25, $0x2  }
0x145: {  	[tilespmem:s15], [sflag:$0x1] =	stream.indirect.gather @!p0 [hbm4b:s5+s16], $0x10, s4, s16, $0xb8;
	[tilespmem:$0xBA00] =	vst v63  }
0x146: {  	s4 =	simm.s32 @!p0 $0x5800  }
0x147: {  	[tilespmem:s4], [sflag:$0x2] =	stream.indirect.gather @!p0 [hbm4b:s5+s16], $0x10, s16, s16, $0xb8;
	[tilespmem:$0xBA00] =	vst v63  }
0x148: {  	s15 =	simm.s32 @!p0 $0x6000;
	s4 =	simm.s32 @!p0 $0x100  }
0x149: {  	[tilespmem:s15], [sflag:$0x3] =	stream.indirect.gather @!p0 [hbm4b:s5+s16], $0x10, s4, s16, $0xb8;
	[tilespmem:$0xBA00] =	vst v63  }
0x14a: {  	s4 =	simm.s32 @!p0 $0x180;
	s15 =	simm.s32 @!p0 $0x6800  }
0x14b: {  	[tilespmem:s15], [sflag:$0x4] =	stream.indirect.gather @!p0 [hbm4b:s5+s16], $0x10, s4, s16, $0xb8;
	[tilespmem:$0xBA00] =	vst v63  }
0x14c: {  	s4 =	simm.s32 @!p0 $0x200;
	s15 =	simm.s32 @!p0 $0x7000  }
0x14d: {  	[tilespmem:s15], [sflag:$0x5] =	stream.indirect.gather @!p0 [hbm4b:s5+s16], $0x10, s4, s16, $0xb8;
	[tilespmem:$0xBA00] =	vst v63  }
0x14e: {  	s4 =	simm.s32 @!p0 $0x280;
	s15 =	simm.s32 @!p0 $0x7800  }
0x14f: {  	[tilespmem:s15], [sflag:$0x6] =	stream.indirect.gather @!p0 [hbm4b:s5+s16], $0x10, s4, s16, $0xb8;
	[tilespmem:$0xBA00] =	vst v63  }
0x150: {  	s4 =	simm.s32 @!p0 $0x300;
	s15 =	simm.s32 @!p0 $0x8000  }
0x151: {  	[tilespmem:s15], [sflag:$0x7] =	stream.indirect.gather @!p0 [hbm4b:s5+s16], $0x10, s4, s16, $0xb8;
	[tilespmem:$0xBA00] =	vst v63  }
0x152: {  	s4 =	smov.u32 s29  }
0x153: {  	s4 =	simm.s32 @!p0 $0x380  }
0x154: {  	[tilespmem:s0], [sflag:$0x8] =	stream.indirect.gather [hbm4b:s5+s2], $0x10, s4, s2, $0xb8;
	[tilespmem:$0xBA00] =	vst v63  }
0x155: {  	_ =	swait.ge [sflag:s7], $0x800  }
0x156: {  	s18 =	sshra.s32 s25, $0x2;
	[sflag:s7] =	ssyncset.done $0x0  }
0x157: {  	s16 =	sadd.s32 $0x2800, s18;
	s17 =	rddreg [dreg:$0x4];
	[sflag:s7] =	ssyncadd.s32 $0xFFFFF800  }
0x158: {  	[spmem:s3] =	stream.indirect.scatter.add.f32 [tilespmem:s17], [sflag:$0x9], $0x10, s16, s2, $0xb8;
	[tilespmem:$0xBA00] =	vst v63  }
0x159: {  	s15 =	sadd.s32 @p0 $0xFFFFFD00, s29;
	_ =	swait.ge [sflag:s8], $0x800  }
0x15a: {  	s15 =	simm.s32 @!p0 $0x80;
	[sflag:s8] =	ssyncset.done $0x0  }
0x15b: {  	s15 =	sadd.s32 $0x2800, s15;
	s19 =	rddreg [dreg:$0x5];
	[sflag:s8] =	ssyncadd.s32 $0xFFFFF800  }
0x15c: {  	[spmem:s3] =	stream.indirect.scatter.add.f32 [tilespmem:s19], [sflag:$0xA], $0x10, s15, s2, $0xb8;
	[tilespmem:$0xBA00] =	vst v63  }
0x15d: {  	s15 =	sadd.s32 @p0 $0xFFFFFD80, s29;
	_ =	swait.ge [sflag:s9], $0x800  }
0x15e: {  	s15 =	simm.s32 @!p0 $0x100;
	[sflag:s9] =	ssyncset.done $0x0  }
0x15f: {  	s24 =	rddreg [dreg:$0x6];
	s15 =	sadd.s32 $0x2800, s15;
	[sflag:s9] =	ssyncadd.s32 $0xFFFFF800  }
0x160: {  	[spmem:s3] =	stream.indirect.scatter.add.f32 [tilespmem:s24], [sflag:$0xB], $0x10, s15, s2, $0xb8;
	[tilespmem:$0xBA00] =	vst v63  }
0x161: {  	s15 =	sadd.s32 @p0 $0xFFFFFE00, s29;
	_ =	swait.ge [sflag:s10], $0x800  }
0x162: {  	s15 =	simm.s32 @!p0 $0x180;
	[sflag:s10] =	ssyncset.done $0x0  }
0x163: {  	s25 =	rddreg [dreg:$0x7];
	s15 =	sadd.s32 $0x2800, s15;
	[sflag:s10] =	ssyncadd.s32 $0xFFFFF800  }
0x164: {  	[spmem:s3] =	stream.indirect.scatter.add.f32 [tilespmem:s25], [sflag:$0xC], $0x10, s15, s2, $0xb8;
	[tilespmem:$0xBA00] =	vst v63  }
0x165: {  	s15 =	sadd.s32 @p0 $0xFFFFFE80, s29;
	_ =	swait.ge [sflag:s11], $0x800  }
0x166: {  	s15 =	simm.s32 @!p0 $0x200;
	[sflag:s11] =	ssyncset.done $0x0  }
0x167: {  	s26 =	rddreg [dreg:$0x8];
	s15 =	sadd.s32 $0x2800, s15;
	[sflag:s11] =	ssyncadd.s32 $0xFFFFF800  }
0x168: {  	[spmem:s3] =	stream.indirect.scatter.add.f32 [tilespmem:s26], [sflag:$0xD], $0x10, s15, s2, $0xb8;
	[tilespmem:$0xBA00] =	vst v63  }
0x169: {  	s15 =	sadd.s32 @p0 $0xFFFFFF00, s29;
	_ =	swait.ge [sflag:s12], $0x800  }
0x16a: {  	s15 =	simm.s32 @!p0 $0x280;
	[sflag:s12] =	ssyncset.done $0x0  }
0x16b: {  	s28 =	rddreg [dreg:$0x9];
	s15 =	sadd.s32 $0x2800, s15;
	[sflag:s12] =	ssyncadd.s32 $0xFFFFF800  }
0x16c: {  	[spmem:s3] =	stream.indirect.scatter.add.f32 [tilespmem:s28], [sflag:$0xE], $0x10, s15, s2, $0xb8;
	[tilespmem:$0xBA00] =	vst v63  }
0x16d: {  	s15 =	sadd.s32 @p0 $0xFFFFFF80, s29;
	_ =	swait.ge [sflag:s13], $0x800  }
0x16e: {  	s15 =	simm.s32 @!p0 $0x300;
	[sflag:s13] =	ssyncset.done $0x0  }
0x16f: {  	s30 =	rddreg [dreg:$0xa];
	s15 =	sadd.s32 $0x2800, s15;
	[sflag:s13] =	ssyncadd.s32 $0xFFFFF800  }
0x170: {  	[spmem:s3] =	stream.indirect.scatter.add.f32 [tilespmem:s30], [sflag:$0xF], $0x10, s15, s2, $0xb8;
	[tilespmem:$0xBA00] =	vst v63  }
0x171: {  	_ =	swait.ge [sflag:s14], $0x800  }
0x172: {  	[sflag:s14] =	ssyncset.done $0x0  }
0x173: {  	s4 =	sadd.s32 $0x2800, s4;
	s17 =	simm.s32 $0x9;
	[sflag:s14] =	ssyncadd.s32 $0xFFFFF800  }
0x174: {  	[spmem:s3] =	stream.indirect.scatter.add.f32 [tilespmem:s0], [sflag:$0x10], $0x10, s4, s2, $0xb8;
	[tilespmem:$0xBA00] =	vst v63  }
0x175: {  	_ =	swait.ge [sflag:s17], $0x800  }
0x176: {  	[sflag:s17] =	ssyncset.done $0x0  }
0x177: {  	s18 =	simm.s32 $0xA;
	[sflag:s17] =	ssyncadd.s32 $0xFFFFF800  }
0x178: {  	_ =	swait.ge [sflag:s18], $0x800  }
0x179: {  	[sflag:s18] =	ssyncset.done $0x0  }
0x17a: {  	s19 =	simm.s32 $0xB;
	[sflag:s18] =	ssyncadd.s32 $0xFFFFF800  }
0x17b: {  	_ =	swait.ge [sflag:s19], $0x800  }
0x17c: {  	[sflag:s19] =	ssyncset.done $0x0  }
0x17d: {  	s24 =	simm.s32 $0xC;
	[sflag:s19] =	ssyncadd.s32 $0xFFFFF800  }
0x17e: {  	_ =	swait.ge [sflag:s24], $0x800  }
0x17f: {  	[sflag:s24] =	ssyncset.done $0x0  }
0x180: {  	s25 =	simm.s32 $0xD;
	[sflag:s24] =	ssyncadd.s32 $0xFFFFF800  }
0x181: {  	_ =	swait.ge [sflag:s25], $0x800  }
0x182: {  	[sflag:s25] =	ssyncset.done $0x0  }
0x183: {  	[sflag:s25] =	ssyncadd.s32 $0xFFFFF800  }
0x184: {  	_ =	swait.ge [sflag:s20], $0x800  }
0x185: {  	[sflag:s20] =	ssyncset.done $0x0  }
0x186: {  	[sflag:s20] =	ssyncadd.s32 $0xFFFFF800  }
0x187: {  	_ =	swait.ge [sflag:s21], $0x800  }
0x188: {  	[sflag:s21] =	ssyncset.done $0x0  }
0x189: {  	[sflag:s21] =	ssyncadd.s32 $0xFFFFF800  }
0x18a: {  	_ =	swait.ge [sflag:s22], $0x800  }
0x18b: {  	[sflag:s22] =	ssyncset.done $0x0  }
0x18c: {  	[sflag:s22] =	ssyncadd.s32 $0xFFFFF800  }
0x18d: {  	[bflag:$0x0] =	sbarrier.arrive $0xFFFF  }
0x18e: {  	s26 =	stileid.u32;
	s29 =	sld [smem:$0x7FC]  }
0x18f: {  	s4 =	sshll.u32 s26, $0x6  }
0x190: {  	s28 =	sshrl.u32 s6, $0x3;
	s4 =	sor.u32 $0x1C11, s4  }
0x191: {  	[hbm:s29], [sflag:s4] =	dma.local [spmem:s28], $0x500  }
0x192: {  	_ =	swait.ge [sflag:s1], $0x500  }
0x193: {  	s30 =	sld [smem:$0x7FD];
	_ =	sdelay $0x1  }
0x194: {  	s23 =	sadd.s32 $0x1, s23  }
0x195: {  	p0 =	sne.s32 s23, s30  }
.Ltmp1:
0x196: {  	_ = 	snop;
	(pc) =	sbr.rel @p0 .LBB2_1-.Ltmp1, $3  }
0x197: {  	_ =	sdelay $0x1  }
0x198: {  	[sflag:s1] =	ssyncset.done $0x0  }
0x199: {  	[sflag:s1] =	ssyncadd.s32 $0xFFFFFB00  }
0x19a: {  	_ =	sfence.sel $0x180000  }
0x19b: {  	[bflag:$0x0] =	sbarrier.arrive $0xFFFF  }
0x19c: {  	_ =	strace $0x9000004D  }
0x19d: {  	s0 =	stileid.u32;
	[bflag:$0x2] =	sbarrier.arrive $0xFFFF  }
0x19e: {  	p0 =	sne.s32 s0, $0x0;
	s0 =	rddreg [dreg:$0x3]  }
0x19f: {  	s0 =	sadd.s32 @!p0 $0x100000, s0  }
0x1a0: {  	[sflag:s0] =	ssyncadd.tile.s32 @!p0 $0x1;
	_ =	shalt  }
.Lfunc_end2:
_tile_overlayer_lowered:
.L_overlay_start_2:
0x1a1: {  	(tag) =	ssettag $0x2  }
0x1a2: {  	s0 =	rddreg [dreg:$0x0];
	s2 =	stileid.u32  }
0x1a3: {  	s1 =	rddreg [dreg:$0x1];
	p0 =	sne.s32 s2, $0x0  }
0x1a4: {  	s3 =	rddreg [dreg:$0x2];
	[bflag:$0x3] =	sbarrier.arrive $0xFFFF;
	s2 =	simm.s32 @!p0 $0x1C11  }
0x1a5: {  	[timem:s3], [sflag:s2] =	dma.local @!p0 [hbm:s0], s1  }
0x1a6: {  	s0 =	simm.s32 @!p0 $0x11  }
0x1a7: {  	_ =	swait.ge @!p0 [sflag:s0], s1  }
0x1a8: {  	s1 =	ssub.s32 @!p0 $0x0, s1;
	[sflag:s0] =	ssyncset.done @!p0 $0x0  }
0x1a9: {  	[sflag:s0] =	ssyncadd.s32 @!p0 s1  }
0x1aa: {  	[bflag:$0x3] =	sbarrier.arrive $0xFFFF  }
0x1ab: {  	_ =	shalt  }

// kernel: kernel.9.cloned.1.call-start
scs
__scs_entry_jumppad:
0x0: {  	(pc) =	sbr.rel $0x88, $3  }
0x1: {  	(tag) =	ssettag $0x0;
	lr =	simm.s32 $0x1  }
0x2: {  	[smem:$0x3F99] =	sst lr;
	_ =	strace $0xD0000000  }
0x3: {  	_ = 	snop  }
0x4: {  	_ = 	snop  }
0x5: {  	_ = 	snop  }
0x6: {  	_ = 	snop  }
0x7: {  	_ = 	snop  }
__scs_overlays_trampoline_lowered:
0x8: {  	[smem:$0x3FA8] =	sst s0  }
0x9: {  	[smem:$0x3FA9] =	sst s1  }
0xa: {  	[smem:$0x3FAA] =	sst s2  }
0xb: {  	[smem:$0x3FAB] =	sst s3  }
0xc: {  	[smem:$0x3FAC] =	sst s4  }
0xd: {  	[smem:$0x3FAD] =	sst s5  }
0xe: {  	[smem:$0x3FAE] =	sst s6  }
0xf: {  	[smem:$0x3FAF] =	sst s7  }
0x10: {  	[smem:$0x3FB0] =	sst s8  }
0x11: {  	[smem:$0x3FB1] =	sst s9;
	s0 =	simm.s32 @!p0 $0x0  }
0x12: {  	s1 =	sld [smem:$0x3F97];
	s0 =	simm.s32 @p0 $0x1  }
0x13: {  	[smem:$0x3FB2] =	sst s0;
	s0 =	simm.s32 @!p1 $0x0  }
0x14: {  	s2 =	sld [smem:$0x3F96];
	s0 =	simm.s32 @p1 $0x1  }
0x15: {  	[smem:$0x3FB3] =	sst s0;
	s0 =	simm.s32 @!p2 $0x0  }
0x16: {  	s3 =	sld [smem:$0x3FDB];
	s0 =	simm.s32 @p2 $0x1  }
0x17: {  	s4 =	simm.s32 $0x1BF5;
	[smem:$0x3FB5] =	sst s0  }
0x18: {  	s0 =	sld [smem:$0x3F98];
	_ =	swait.ge [sflag:s4], $0x0  }
0x19: {  	s7 =	sld [smem:$0x3F99]  }
0x1a: {  	s8 =	sadd.s32 $0xFFFFE003, lr  }
0x1b: {  	s9 =	sadd.s32 $0xFFFFFEF7, lr;
	s5 =	simm.s32 $0xFFFFFFFF;
	p2 =	slt.u32 s8, $0xFFFFF086  }
0x1c: {  	p1 =	slt.u32 s9, $0xF7A;
	s5 =	simm.s32 @!p2 $0x0  }
0x1d: {  	s5 =	simm.s32 @p1 $0x1;
	p0 =	seq.s32 s7, s2  }
0x1e: {  	s7 =	smul.u32 @!p0 $0xF7A, s2;
	p2 =	seq.s32 @!p0 s5, $0x0  }
0x1f: {  	s9 =	smul.u32 $0xF7A, s1;
	s8 =	simm.s32 @!p0 $0x1BF5;
	p2 =	por !p2, p0  }
0x20: {  	[sflag:s8] =	ssyncset.s32 @!p0 $0xFFFFF086;
	s6 =	sadd.s32 @!p0 s3, s7;
	s7 =	simm.s32 @!p0 $0x108  }
0x21: {  	s3 =	sadd.s32 s3, s9;
	s6 =	sadd.s32 @!p0 $0x88, s6;
	s7 =	simm.s32 @p2 $0x1082  }
0x22: {  	[simem:s7], [sflag:s8] =	dma.local @!p0 [hbm:s6], $0xF7A  }
0x23: {  	s9 =	sor.u32 $0xD0000000, s2;
	s6 =	simm.s32 $0x108;
	_ =	swait.ge @!p0 [sflag:s8], $0x0  }
0x24: {  	s3 =	sadd.s32 $0x88, s3;
	s6 =	simm.s32 @!p1 $0x1082;
	[sflag:s4] =	ssyncset.s32 $0xFFFFF086  }
0x25: {  	[simem:s6], [sflag:s4] =	dma.local [hbm:s3], $0xF7A  }
0x26: {  	[smem:$0x3F99] =	sst s1;
	(tag) =	ssettag s2;
	_ =	strace s9  }
0x27: {  	s1 =	sld [smem:$0x3FA9]  }
0x28: {  	s2 =	sld [smem:$0x3FAA]  }
0x29: {  	s4 =	sld [smem:$0x3FAC]  }
0x2a: {  	p0 =	seq.s32 s5, $0x0;
	s5 =	sld [smem:$0x3FAD]  }
0x2b: {  	s6 =	sld [smem:$0x3FAE]  }
0x2c: {  	s7 =	sld [smem:$0x3FAF]  }
0x2d: {  	s3 =	simm.s32 $0x108;
	s8 =	sld [smem:$0x3FB0]  }
0x2e: {  	s3 =	simm.s32 @!p0 $0x1082;
	s9 =	sld [smem:$0x3FB1]  }
0x2f: {  	lr =	sadd.s32 s0, s3;
	s0 =	sld [smem:$0x3FA8]  }
0x30: {  	s3 =	sld [smem:$0x3FAB]  }
0x31: {  	[smem:$0x3FB4] =	sst s10  }
0x32: {  	s10 =	sld [smem:$0x3FB2];
	_ =	sdelay $0x3  }
0x33: {  	p0 =	seq.s32 s10, $0x1;
	s10 =	sld [smem:$0x3FB4];
	_ =	sdelay $0x3  }
0x34: {  	[smem:$0x3FB4] =	sst s10  }
0x35: {  	s10 =	sld [smem:$0x3FB3];
	_ =	sdelay $0x3  }
0x36: {  	p1 =	seq.s32 s10, $0x1;
	s10 =	sld [smem:$0x3FB4];
	_ =	sdelay $0x3  }
0x37: {  	[smem:$0x3FB4] =	sst s10  }
0x38: {  	s10 =	sld [smem:$0x3FB5]  }
0x39: {  	_ = 	snop;
	(pc) =	sbr.ind lr, $3  }
0x3a: {  	_ = 	snop  }
0x3b: {  	_ = 	snop  }
0x3c: {  	p2 =	seq.s32 s10, $0x1;
	s10 =	sld [smem:$0x3FB4]  }
0x3d: {  	_ =	shalt  }
0x3e: {  	_ =	shalt  }
0x3f: {  	_ =	shalt  }
0x40: {  	_ =	shalt  }
0x41: {  	_ =	shalt  }
0x42: {  	_ =	shalt  }
0x43: {  	_ =	shalt  }
0x44: {  	_ =	shalt  }
0x45: {  	_ =	shalt  }
0x46: {  	_ =	shalt  }
0x47: {  	_ =	shalt  }
0x48: {  	_ =	shalt  }
0x49: {  	_ =	shalt  }
0x4a: {  	_ =	shalt  }
0x4b: {  	_ =	shalt  }
0x4c: {  	_ =	shalt  }
0x4d: {  	_ =	shalt  }
0x4e: {  	_ =	shalt  }
0x4f: {  	_ =	shalt  }
0x50: {  	_ =	shalt  }
0x51: {  	_ =	shalt  }
0x52: {  	_ =	shalt  }
0x53: {  	_ =	shalt  }
0x54: {  	_ =	shalt  }
0x55: {  	_ =	shalt  }
0x56: {  	_ =	shalt  }
0x57: {  	_ =	shalt  }
0x58: {  	_ =	shalt  }
0x59: {  	_ =	shalt  }
0x5a: {  	_ =	shalt  }
0x5b: {  	_ =	shalt  }
0x5c: {  	_ =	shalt  }
0x5d: {  	_ =	shalt  }
0x5e: {  	_ =	shalt  }
0x5f: {  	_ =	shalt  }
0x60: {  	_ =	shalt  }
0x61: {  	_ =	shalt  }
0x62: {  	_ =	shalt  }
0x63: {  	_ =	shalt  }
0x64: {  	_ =	shalt  }
0x65: {  	_ =	shalt  }
0x66: {  	_ =	shalt  }
0x67: {  	_ =	shalt  }
0x68: {  	_ =	shalt  }
0x69: {  	_ =	shalt  }
0x6a: {  	_ =	shalt  }
0x6b: {  	_ =	shalt  }
0x6c: {  	_ =	shalt  }
0x6d: {  	_ =	shalt  }
0x6e: {  	_ =	shalt  }
0x6f: {  	_ =	shalt  }
0x70: {  	_ =	shalt  }
0x71: {  	_ =	shalt  }
0x72: {  	_ =	shalt  }
0x73: {  	_ =	shalt  }
0x74: {  	_ =	shalt  }
0x75: {  	_ =	shalt  }
0x76: {  	_ =	shalt  }
0x77: {  	_ =	shalt  }
0x78: {  	_ =	shalt  }
0x79: {  	_ =	shalt  }
0x7a: {  	_ =	shalt  }
0x7b: {  	_ =	shalt  }
0x7c: {  	_ =	shalt  }
0x7d: {  	_ =	shalt  }
0x7e: {  	_ =	shalt  }
0x7f: {  	_ =	shalt  }
0x80: {  	_ =	shalt  }
0x81: {  	_ =	shalt  }
0x82: {  	_ =	shalt  }
0x83: {  	_ =	shalt  }
0x84: {  	_ =	shalt  }
0x85: {  	_ =	shalt  }
0x86: {  	_ =	shalt  }
0x87: {  	_ =	shalt  }
.Lfunc_end0:
.L_simem_size_0:
called_computation_lowered:
.L_overlay_start_0:
0x88: {  	s2 =	sld [smem:$0x3FD9]  }
0x89: {  	s3 =	sld [smem:$0x3FFE];
	_ =	sdelay $0x1  }
0x8a: {  	s1 =	srdreg.scid  }
0x8b: {  	s0 =	sand.u32 $0x1, s1  }
0x8c: {  	s14 =	sshll.u32 s0, $0xA;
	s2 =	sadd.s32 s3, s2  }
0x8d: {  	s2 =	sadd.s32 s2, s14  }
0x8e: {  	[smem:$0x3FC0] =	sst s2  }
0x8f: {  	_ = 	snop  }
0x90: {  	s2 =	sld [smem:$0x3FD0];
	_ =	sdelay $0x2  }
0x91: {  	s15 =	simm.s32 $0xA;
	s4 =	simm.s32 $0x10  }
0x92: {  	[smem:s4], [sflag:s15] =	dma.local [hbm:s2], $0x1  }
0x93: {  	_ =	swait.eq [sflag:s15], $0x1  }
0x94: {  	[sflag:s15] =	ssyncset.done $0x0  }
0x95: {  	s16 =	sld [smem:$0x10];
	[sflag:s15] =	ssyncadd.s32 $0xFFFFFFFF  }
0x96: {  	s17 =	sld [smem:$0x11];
	(tm) =	ssettm $0x1  }
0x97: {  	s18 =	sld [smem:$0x3FFB];
	_ =	sdelay $0x3  }
0x98: {  	_ =	strace s18  }
0x99: {  	s4 =	sld [smem:$0x3FFC];
	_ =	sdelay $0x3  }
0x9a: {  	_ =	strace s4  }
0x9b: {  	s4 =	sld [smem:$0x3FFD];
	_ =	sdelay $0x3  }
0x9c: {  	_ =	strace s4  }
0x9d: {  	_ =	strace $0x8FFFFFFF  }
0x9e: {  	s19 =	sld [smem:$0x3FDB];
	_ =	sdelay $0x1  }
0x9f: {  	s5 =	simm.s32 $_scs_section_size  }
0xa0: {  	s6 =	simm.s32 $_size__tile_overlayer_lowered;
	s7 =	simm.s32 $_tile_overlayer_lowered  }
0xa1: {  	s22 =	simm.s32 $0x1BFF;
	s21 =	sshll.u32 s7, $0x1;
	s4 =	sadd.s32 s5, s19  }
0xa2: {  	s8 =	simm.s32 $0x0;
	s20 =	sshll.u32 s6, $0x1;
	s6 =	sadd.s32 s21, s4  }
0xa3: {  	[timem:s8], [sflag:s22] =	dma.local [hbm:s6], s20  }
0xa4: {  	_ =	swait.ge [sflag:s22], s20  }
0xa5: {  	s5 =	ssub.s32 $0x0, s20;
	[sflag:s22] =	ssyncset.done $0x0  }
0xa6: {  	[sflag:s22] =	ssyncadd.s32 s5;
	_ =	sdelay $0x1  }
0xa7: {  	s23 =	simm.s32 $0x1B8B  }
0xa8: {  	_ =	swait.ge [sflag:s23], $0x1  }
0xa9: {  	[sflag:s23] =	ssyncset.done $0x0  }
0xaa: {  	s25 =	simm.s32 $0x1B8E;
	s24 =	sld [smem:$0x3FFE];
	[sflag:s23] =	ssyncadd.s32 $0xFFFFFFFF  }
0xab: {  	s26 =	simm.s32 $execute0_lowered;
	[smem:$0x3FD2] =	sst s25  }
0xac: {  	s6 =	sshll.u32 s26, $0x1;
	_ =	strace $0x80000046;
	[dreg:$0x1] =	wrdreg $0xFFFFFFFF  }
0xad: {  	s28 =	simm.s32 $_size_execute0_lowered;
	s4 =	sadd.s32 s4, s6;
	[dreg:$0x0] =	wrdreg $0x0  }
0xae: {  	s6 =	sshll.u32 s28, $0x1;
	[dreg:$0x2] =	wrdreg s4  }
0xaf: {  	[dreg:$0x3] =	wrdreg s6  }
0xb0: {  	[dreg:$0x4] =	wrdreg $0xC0  }
0xb1: {  	_ =	task [dreg:s8], $0x5FFFF  }
0xb2: {  	[dreg:$0x1] =	wrdreg $0xFFFFFFFF  }
0xb3: {  	[dreg:$0x0] =	wrdreg $0x60  }
0xb4: {  	[dreg:$0x2] =	wrdreg s24  }
0xb5: {  	[dreg:$0x3] =	wrdreg s17  }
0xb6: {  	[dreg:$0x4] =	wrdreg s16  }
0xb7: {  	[dreg:$0x5] =	wrdreg $0x2D000  }
0xb8: {  	[dreg:$0x6] =	wrdreg $0x9  }
0xb9: {  	_ =	task.clear_ibuf [dreg:s8], $0x7FFFF;
	_ =	strace $0x90000046  }
0xba: {  	s29 =	simm.s32 $0x9;
	_ =	strace $0x80000048  }
0xbb: {  	_ =	swait.ge [sflag:s29], $0x1  }
0xbc: {  	[sflag:s29] =	ssyncadd.s32 $0xFFFFFFFF  }
0xbd: {  	_ =	strace $0x90000048  }
0xbe: {  	_ =	sfence  }
0xbf: {  	s30 =	sld [smem:$0x0];
	_ =	sdelay $0x2  }
0xc0: {  	s31 =	sshll.u32 s1, $0xD;
	s1 =	sshrl.u32 s1, $0x2  }
0xc1: {  	s3 =	sand.u32 $0x4000, s31;
	s1 =	sadd.s32 s1, s30  }
0xc2: {  	s0 =	sor.u32 s3, s0;
	s1 =	sshll.u32 s1, $0x11  }
0xc3: {  	s0 =	sor.u32 s1, s0  }
0xc4: {  	s0 =	sadd.s32 $0x8F2B, s0  }
0xc5: {  	[sflag:s0] =	ssyncadd.remote.s32 $0x1  }
0xc6: {  	_ =	sfence.sel $0xFFFF  }
0xc7: {  	[dreg:$0x0] =	wrdreg $0xFFFFFFFF;
	(pc) =	sbr.abs _section_cstart, $3  }
0xc8: {  	[dreg:$0x1] =	wrdreg $0xFFFFFFFF  }
0xc9: {  	_ =	task.clear_ibuf [dreg:s8], $0x2FFFF;
	_ =	strace $0x9FFFFFFF  }
0xca: {  	(tm) =	ssettm $0x7FFFFFFF  }
0xcb: {  	_ =	shalt  }
tec
execute0_lowered:
.L_overlay_start_1:
0x0: {  	(tag) =	ssettag $0x1  }
0x1: {  	s0 =	rddreg [dreg:$0x0];
	s1 =	srdreg.scid  }
0x2: {  	s7 =	stileid.u32;
	s4 =	rddreg [dreg:$0x3]  }
0x3: {  	s5 =	simm.s32 $0x0;
	s30 =	simm.s32 $0x2C00;
	s31 =	simm.s32 $0x9  }
0x4: {  	s9 =	simm.s32 $0x5;
	s10 =	simm.s32 $0x6;
	s3 =	smul.u32 $0x1400, s7  }
0x5: {  	s11 =	simm.s32 $0x7;
	s2 =	sshll.u32 s7, $0x1;
	s7 =	smul.u32 $0x5000, s7  }
0x6: {  	s12 =	simm.s32 $0x8;
	s13 =	simm.s32 $0x0;
	s1 =	sand.u32 $0x1, s1  }
0x7: {  	[smem:$0x7FF] =	sst s5;
	s2 =	sor.u32 s1, s2;
	s7 =	sshrl.u32 s7, $0x2  }
0x8: {  	s6 =	smul.u32 $0x14000, s1;
	_ =	strace $0x80000047;
	s7 =	sadd.s32 s7, s4  }
0x9: {  	s1 =	ssub.s32 $0x2, s1;
	s2 =	smul.u32 $0x500, s2;
	s16 =	sadd.s32 $0x100, s7  }
0xa: {  	s8 =	sshrl.u32 s1, $0x1;
	s17 =	sadd.s32 $0x200, s7;
	[dreg:$0x5] =	wrdreg s16  }
0xb: {  	s6 =	sadd.s32 s3, s6;
	s18 =	sadd.s32 $0x300, s7;
	[dreg:$0x6] =	wrdreg s17  }
0xc: {  	s1 =	ssub.s32 s1, s8;
	s19 =	sadd.s32 $0x400, s7;
	[dreg:$0x7] =	wrdreg s18  }
0xd: {  	s8 =	simm.s32 $0x4;
	s20 =	sadd.s32 $0x500, s7;
	[dreg:$0x8] =	wrdreg s19  }
0xe: {  	s2 =	sadd.s32 s2, s0;
	s21 =	sadd.s32 $0x600, s7;
	[dreg:$0x9] =	wrdreg s20  }
0xf: {  	s6 =	sshrl.u32 s6, $0x3;
	s22 =	sadd.s32 $0x700, s7;
	[dreg:$0xa] =	wrdreg s21  }
0x10: {  	s23 =	sadd.s32 $0x800, s7;
	s24 =	sadd.s32 $0x900, s7;
	[dreg:$0xb] =	wrdreg s22  }
0x11: {  	s25 =	sadd.s32 $0xA00, s7;
	s26 =	sadd.s32 $0xB00, s7;
	[dreg:$0xc] =	wrdreg s23  }
0x12: {  	s29 =	smax.u32 s1, $0x1;
	s1 =	simm.s32 $0x80;
	[dreg:$0xd] =	wrdreg s24  }
0x13: {  	s0 =	sadd.s32 s6, s0;
	s6 =	sadd.s32 s3, s4;
	[dreg:$0xe] =	wrdreg s25  }
0x14: {  	[dreg:$0xf] =	wrdreg s26;
	s18 =	sadd.s32 $0xC00, s7;
	s19 =	sadd.s32 $0xD00, s7  }
0x15: {  	s20 =	sadd.s32 $0xE00, s7;
	s21 =	sadd.s32 $0xF00, s7;
	s22 =	sadd.s32 $0x1000, s7  }
0x16: {  	s23 =	sadd.s32 $0x1100, s7;
	s24 =	sadd.s32 $0x1200, s7;
	s25 =	sadd.s32 $0x1300, s7  }
0x17: {  	s26 =	sadd.s32 $0x3200, s2;
	s2 =	simm.s32 $0x2800;
	s3 =	simm.s32 $0x1  }
0x18: {  	s7 =	simm.s32 $0x3;
	s28 =	sadd.s32 $0x35200, s0;
	s0 =	simm.s32 $0x2  }
.LBB2_1:
0x19: {  	s14 =	rddreg [dreg:$0x2]  }
0x1a: {  	[tilespmem:s30], [sflag:$0x9] =	stream.linear.gather [hbm4b:s14+s5], $0x100, $0x38;
	[tilespmem:$0x4100] =	vst v63  }
0x1b: {  	_ =	swait.ge [sflag:s31], $0x100  }
0x1c: {  	[sflag:s31] =	ssyncset.done $0x0  }
0x1d: {  	[sflag:s31] =	ssyncadd.s32 $0xFFFFFF00  }
0x1e: {  	[spmem:s6] =	stream.linear.scatter [tilespmem:s30], [sflag:$0x9], $0x100, $0x38;
	[tilespmem:$0x4100] =	vst v63  }
0x1f: {  	_ =	swait.ge [sflag:s31], $0x100  }
0x20: {  	[sflag:s31] =	ssyncset.done $0x0  }
0x21: {  	s16 =	rddreg [dreg:$0x5];
	[sflag:s31] =	ssyncadd.s32 $0xFFFFFF00  }
0x22: {  	[spmem:s16] =	stream.linear.scatter [tilespmem:s30], [sflag:$0x9], $0x100, $0x38;
	[tilespmem:$0x4100] =	vst v63  }
0x23: {  	_ =	swait.ge [sflag:s31], $0x100  }
0x24: {  	[sflag:s31] =	ssyncset.done $0x0  }
0x25: {  	s17 =	rddreg [dreg:$0x6];
	[sflag:s31] =	ssyncadd.s32 $0xFFFFFF00  }
0x26: {  	[spmem:s17] =	stream.linear.scatter [tilespmem:s30], [sflag:$0x9], $0x100, $0x38;
	[tilespmem:$0x4100] =	vst v63  }
0x27: {  	_ =	swait.ge [sflag:s31], $0x100  }
0x28: {  	[sflag:s31] =	ssyncset.done $0x0  }
0x29: {  	s15 =	rddreg [dreg:$0x7];
	[sflag:s31] =	ssyncadd.s32 $0xFFFFFF00  }
0x2a: {  	[spmem:s15] =	stream.linear.scatter [tilespmem:s30], [sflag:$0x9], $0x100, $0x38;
	[tilespmem:$0x4100] =	vst v63  }
0x2b: {  	_ =	swait.ge [sflag:s31], $0x100  }
0x2c: {  	[sflag:s31] =	ssyncset.done $0x0  }
0x2d: {  	s16 =	rddreg [dreg:$0x8];
	[sflag:s31] =	ssyncadd.s32 $0xFFFFFF00  }
0x2e: {  	[spmem:s16] =	stream.linear.scatter [tilespmem:s30], [sflag:$0x9], $0x100, $0x38;
	[tilespmem:$0x4100] =	vst v63  }
0x2f: {  	_ =	swait.ge [sflag:s31], $0x100  }
0x30: {  	[sflag:s31] =	ssyncset.done $0x0  }
0x31: {  	s17 =	rddreg [dreg:$0x9];
	[sflag:s31] =	ssyncadd.s32 $0xFFFFFF00  }
0x32: {  	[spmem:s17] =	stream.linear.scatter [tilespmem:s30], [sflag:$0x9], $0x100, $0x38;
	[tilespmem:$0x4100] =	vst v63  }
0x33: {  	_ =	swait.ge [sflag:s31], $0x100  }
0x34: {  	[sflag:s31] =	ssyncset.done $0x0  }
0x35: {  	s15 =	rddreg [dreg:$0xa];
	[sflag:s31] =	ssyncadd.s32 $0xFFFFFF00  }
0x36: {  	[spmem:s15] =	stream.linear.scatter [tilespmem:s30], [sflag:$0x9], $0x100, $0x38;
	[tilespmem:$0x4100] =	vst v63  }
0x37: {  	_ =	swait.ge [sflag:s31], $0x100  }
0x38: {  	[sflag:s31] =	ssyncset.done $0x0  }
0x39: {  	s16 =	rddreg [dreg:$0xb];
	[sflag:s31] =	ssyncadd.s32 $0xFFFFFF00  }
0x3a: {  	[spmem:s16] =	stream.linear.scatter [tilespmem:s30], [sflag:$0x9], $0x100, $0x38;
	[tilespmem:$0x4100] =	vst v63  }
0x3b: {  	_ =	swait.ge [sflag:s31], $0x100  }
0x3c: {  	[sflag:s31] =	ssyncset.done $0x0  }
0x3d: {  	s17 =	rddreg [dreg:$0xc];
	[sflag:s31] =	ssyncadd.s32 $0xFFFFFF00  }
0x3e: {  	[spmem:s17] =	stream.linear.scatter [tilespmem:s30], [sflag:$0x9], $0x100, $0x38;
	[tilespmem:$0x4100] =	vst v63  }
0x3f: {  	_ =	swait.ge [sflag:s31], $0x100  }
0x40: {  	[sflag:s31] =	ssyncset.done $0x0  }
0x41: {  	s15 =	rddreg [dreg:$0xd];
	[sflag:s31] =	ssyncadd.s32 $0xFFFFFF00  }
0x42: {  	[spmem:s15] =	stream.linear.scatter [tilespmem:s30], [sflag:$0x9], $0x100, $0x38;
	[tilespmem:$0x4100] =	vst v63  }
0x43: {  	_ =	swait.ge [sflag:s31], $0x100  }
0x44: {  	[sflag:s31] =	ssyncset.done $0x0  }
0x45: {  	s16 =	rddreg [dreg:$0xe];
	[sflag:s31] =	ssyncadd.s32 $0xFFFFFF00  }
0x46: {  	[spmem:s16] =	stream.linear.scatter [tilespmem:s30], [sflag:$0x9], $0x100, $0x38;
	[tilespmem:$0x4100] =	vst v63  }
0x47: {  	_ =	swait.ge [sflag:s31], $0x100  }
0x48: {  	[sflag:s31] =	ssyncset.done $0x0  }
0x49: {  	s17 =	rddreg [dreg:$0xf];
	[sflag:s31] =	ssyncadd.s32 $0xFFFFFF00  }
0x4a: {  	[spmem:s17] =	stream.linear.scatter [tilespmem:s30], [sflag:$0x9], $0x100, $0x38;
	[tilespmem:$0x4100] =	vst v63  }
0x4b: {  	_ =	swait.ge [sflag:s31], $0x100  }
0x4c: {  	[sflag:s31] =	ssyncset.done $0x0  }
0x4d: {  	[sflag:s31] =	ssyncadd.s32 $0xFFFFFF00  }
0x4e: {  	[spmem:s18] =	stream.linear.scatter [tilespmem:s30], [sflag:$0x9], $0x100, $0x38;
	[tilespmem:$0x4100] =	vst v63  }
0x4f: {  	_ =	swait.ge [sflag:s31], $0x100  }
0x50: {  	[sflag:s31] =	ssyncset.done $0x0  }
0x51: {  	[sflag:s31] =	ssyncadd.s32 $0xFFFFFF00  }
0x52: {  	[spmem:s19] =	stream.linear.scatter [tilespmem:s30], [sflag:$0x9], $0x100, $0x38;
	[tilespmem:$0x4100] =	vst v63  }
0x53: {  	_ =	swait.ge [sflag:s31], $0x100  }
0x54: {  	[sflag:s31] =	ssyncset.done $0x0  }
0x55: {  	[sflag:s31] =	ssyncadd.s32 $0xFFFFFF00  }
0x56: {  	[spmem:s20] =	stream.linear.scatter [tilespmem:s30], [sflag:$0x9], $0x100, $0x38;
	[tilespmem:$0x4100] =	vst v63  }
0x57: {  	_ =	swait.ge [sflag:s31], $0x100  }
0x58: {  	[sflag:s31] =	ssyncset.done $0x0  }
0x59: {  	[sflag:s31] =	ssyncadd.s32 $0xFFFFFF00  }
0x5a: {  	[spmem:s21] =	stream.linear.scatter [tilespmem:s30], [sflag:$0x9], $0x100, $0x38;
	[tilespmem:$0x4100] =	vst v63  }
0x5b: {  	_ =	swait.ge [sflag:s31], $0x100  }
0x5c: {  	[sflag:s31] =	ssyncset.done $0x0  }
0x5d: {  	[sflag:s31] =	ssyncadd.s32 $0xFFFFFF00  }
0x5e: {  	[spmem:s22] =	stream.linear.scatter [tilespmem:s30], [sflag:$0x9], $0x100, $0x38;
	[tilespmem:$0x4100] =	vst v63  }
0x5f: {  	_ =	swait.ge [sflag:s31], $0x100  }
0x60: {  	[sflag:s31] =	ssyncset.done $0x0  }
0x61: {  	[sflag:s31] =	ssyncadd.s32 $0xFFFFFF00  }
0x62: {  	[spmem:s23] =	stream.linear.scatter [tilespmem:s30], [sflag:$0x9], $0x100, $0x38;
	[tilespmem:$0x4100] =	vst v63  }
0x63: {  	_ =	swait.ge [sflag:s31], $0x100  }
0x64: {  	[sflag:s31] =	ssyncset.done $0x0  }
0x65: {  	[sflag:s31] =	ssyncadd.s32 $0xFFFFFF00  }
0x66: {  	[spmem:s24] =	stream.linear.scatter [tilespmem:s30], [sflag:$0x9], $0x100, $0x38;
	[tilespmem:$0x4100] =	vst v63  }
0x67: {  	_ =	swait.ge [sflag:s31], $0x100  }
0x68: {  	[sflag:s31] =	ssyncset.done $0x0  }
0x69: {  	[sflag:s31] =	ssyncadd.s32 $0xFFFFFF00  }
0x6a: {  	[spmem:s25] =	stream.linear.scatter [tilespmem:s30], [sflag:$0x9], $0x100, $0x38;
	[tilespmem:$0x4100] =	vst v63  }
0x6b: {  	_ =	swait.ge [sflag:s31], $0x100  }
0x6c: {  	[sflag:s31] =	ssyncset.done $0x0  }
0x6d: {  	[sflag:s31] =	ssyncadd.s32 $0xFFFFFF00  }
0x6e: {  	s15 =	rddreg [dreg:$0x1]  }
0x6f: {  	[tilespmem:s2], [sflag:$0x9] =	stream.linear.gather [hbm4b:s15+s5], $0x400, $0x38;
	[tilespmem:$0x4100] =	vst v63  }
0x70: {  	_ =	swait.ge [sflag:s31], $0x400  }
0x71: {  	[sflag:s31] =	ssyncset.done $0x0  }
0x72: {  	[sflag:s31] =	ssyncadd.s32 $0xFFFFFC00  }
0x73: {  	[tilespmem:s5], [sflag:$0x9] =	stream.linear.gather [hbm4b:s26+s5], $0x2800, $0x38;
	[tilespmem:$0x4100] =	vst v63  }
0x74: {  	_ =	swait.ge [sflag:s31], $0x2800  }
0x75: {  	[sflag:s31] =	ssyncset.done $0x0  }
0x76: {  	[sflag:s31] =	ssyncadd.s32 $0xFFFFD800  }
0x77: {  	s16 =	simm.s32 $0x0;
	[bflag:$0x0] =	sbarrier.arrive $0xFFFF  }
0x78: {  	[spmem:s4] =	stream.indirect.scatter.add.f32 [tilespmem:s2], [sflag:$0x1], $0x8, s16, s1, $0xb8;
	[tilespmem:$0x4100] =	vst v63  }
0x79: {  	s17 =	simm.s32 $0x80  }
0x7a: {  	[spmem:s4] =	stream.indirect.scatter.add.f32 [tilespmem:s2], [sflag:$0x2], $0x8, s17, s1, $0xb8;
	[tilespmem:$0x4100] =	vst v63  }
0x7b: {  	s15 =	simm.s32 $0x100  }
0x7c: {  	[spmem:s4] =	stream.indirect.scatter.add.f32 [tilespmem:s2], [sflag:$0x3], $0x8, s15, s1, $0xb8;
	[tilespmem:$0x4100] =	vst v63  }
0x7d: {  	s16 =	simm.s32 $0x180  }
0x7e: {  	[spmem:s4] =	stream.indirect.scatter.add.f32 [tilespmem:s2], [sflag:$0x4], $0x8, s16, s1, $0xb8;
	[tilespmem:$0x4100] =	vst v63  }
0x7f: {  	s17 =	simm.s32 $0x200  }
0x80: {  	[spmem:s4] =	stream.indirect.scatter.add.f32 [tilespmem:s2], [sflag:$0x5], $0x8, s17, s1, $0xb8;
	[tilespmem:$0x4100] =	vst v63  }
0x81: {  	s15 =	simm.s32 $0x280  }
0x82: {  	[spmem:s4] =	stream.indirect.scatter.add.f32 [tilespmem:s2], [sflag:$0x6], $0x8, s15, s1, $0xb8;
	[tilespmem:$0x4100] =	vst v63  }
0x83: {  	s16 =	simm.s32 $0x300  }
0x84: {  	[spmem:s4] =	stream.indirect.scatter.add.f32 [tilespmem:s2], [sflag:$0x7], $0x8, s16, s1, $0xb8;
	[tilespmem:$0x4100] =	vst v63  }
0x85: {  	s17 =	simm.s32 $0x380  }
0x86: {  	[spmem:s4] =	stream.indirect.scatter.add.f32 [tilespmem:s2], [sflag:$0x8], $0x8, s17, s1, $0xb8;
	[tilespmem:$0x4100] =	vst v63  }
0x87: {  	_ =	swait.ge [sflag:s3], $0x400  }
0x88: {  	[sflag:s3] =	ssyncset.done $0x0  }
0x89: {  	[sflag:s3] =	ssyncadd.s32 $0xFFFFFC00  }
0x8a: {  	_ =	swait.ge [sflag:s0], $0x400  }
0x8b: {  	[sflag:s0] =	ssyncset.done $0x0  }
0x8c: {  	[sflag:s0] =	ssyncadd.s32 $0xFFFFFC00  }
0x8d: {  	_ =	swait.ge [sflag:s7], $0x400  }
0x8e: {  	[sflag:s7] =	ssyncset.done $0x0  }
0x8f: {  	[sflag:s7] =	ssyncadd.s32 $0xFFFFFC00  }
0x90: {  	_ =	swait.ge [sflag:s8], $0x400  }
0x91: {  	[sflag:s8] =	ssyncset.done $0x0  }
0x92: {  	[sflag:s8] =	ssyncadd.s32 $0xFFFFFC00  }
0x93: {  	_ =	swait.ge [sflag:s9], $0x400  }
0x94: {  	[sflag:s9] =	ssyncset.done $0x0  }
0x95: {  	[sflag:s9] =	ssyncadd.s32 $0xFFFFFC00  }
0x96: {  	_ =	swait.ge [sflag:s10], $0x400  }
0x97: {  	[sflag:s10] =	ssyncset.done $0x0  }
0x98: {  	[sflag:s10] =	ssyncadd.s32 $0xFFFFFC00  }
0x99: {  	_ =	swait.ge [sflag:s11], $0x400  }
0x9a: {  	[sflag:s11] =	ssyncset.done $0x0  }
0x9b: {  	[sflag:s11] =	ssyncadd.s32 $0xFFFFFC00  }
0x9c: {  	_ =	swait.ge [sflag:s12], $0x400  }
0x9d: {  	s14 =	simm.s32 $0x1000;
	s15 =	simm.s32 $0x2000;
	[sflag:s12] =	ssyncset.done $0x0  }
.LBB2_2:
0x9e: {  	s17 =	sshra.s32 s14, $0x2  }
0x9f: {  	[sflag:s12] =	ssyncadd.s32 $0xFFFFFC00;
	s14 =	smov.u32 s15;
	s16 =	sadd.s32 $0x1000, s15  }
0xa0: {  	[spmem:s4] =	stream.indirect.scatter.add.f32 [tilespmem:s2], [sflag:$0x1], $0x8, s17, s1, $0xb8;
	[tilespmem:$0x4100] =	vst v63  }
0xa1: {  	p0 =	sne.s32 s15, $0x9000;
	s15 =	sadd.s32 $0x80, s17  }
0xa2: {  	[spmem:s4] =	stream.indirect.scatter.add.f32 [tilespmem:s2], [sflag:$0x2], $0x8, s15, s1, $0xb8;
	[tilespmem:$0x4100] =	vst v63  }
0xa3: {  	s15 =	sadd.s32 $0x100, s17  }
0xa4: {  	[spmem:s4] =	stream.indirect.scatter.add.f32 [tilespmem:s2], [sflag:$0x3], $0x8, s15, s1, $0xb8;
	[tilespmem:$0x4100] =	vst v63  }
0xa5: {  	s15 =	sadd.s32 $0x180, s17  }
0xa6: {  	[spmem:s4] =	stream.indirect.scatter.add.f32 [tilespmem:s2], [sflag:$0x4], $0x8, s15, s1, $0xb8;
	[tilespmem:$0x4100] =	vst v63  }
0xa7: {  	s15 =	sadd.s32 $0x200, s17  }
0xa8: {  	[spmem:s4] =	stream.indirect.scatter.add.f32 [tilespmem:s2], [sflag:$0x5], $0x8, s15, s1, $0xb8;
	[tilespmem:$0x4100] =	vst v63  }
0xa9: {  	s15 =	sadd.s32 $0x280, s17  }
0xaa: {  	[spmem:s4] =	stream.indirect.scatter.add.f32 [tilespmem:s2], [sflag:$0x6], $0x8, s15, s1, $0xb8;
	[tilespmem:$0x4100] =	vst v63  }
0xab: {  	s15 =	sadd.s32 $0x300, s17  }
0xac: {  	[spmem:s4] =	stream.indirect.scatter.add.f32 [tilespmem:s2], [sflag:$0x7], $0x8, s15, s1, $0xb8;
	[tilespmem:$0x4100] =	vst v63  }
0xad: {  	s15 =	sadd.s32 $0x380, s17  }
0xae: {  	[spmem:s4] =	stream.indirect.scatter.add.f32 [tilespmem:s2], [sflag:$0x8], $0x8, s15, s1, $0xb8;
	[tilespmem:$0x4100] =	vst v63  }
0xaf: {  	_ =	swait.ge [sflag:s3], $0x400  }
0xb0: {  	[sflag:s3] =	ssyncset.done $0x0  }
0xb1: {  	[sflag:s3] =	ssyncadd.s32 $0xFFFFFC00  }
0xb2: {  	_ =	swait.ge [sflag:s0], $0x400  }
0xb3: {  	[sflag:s0] =	ssyncset.done $0x0  }
0xb4: {  	[sflag:s0] =	ssyncadd.s32 $0xFFFFFC00  }
0xb5: {  	_ =	swait.ge [sflag:s7], $0x400  }
0xb6: {  	[sflag:s7] =	ssyncset.done $0x0  }
0xb7: {  	[sflag:s7] =	ssyncadd.s32 $0xFFFFFC00  }
0xb8: {  	_ =	swait.ge [sflag:s8], $0x400  }
0xb9: {  	[sflag:s8] =	ssyncset.done $0x0  }
0xba: {  	[sflag:s8] =	ssyncadd.s32 $0xFFFFFC00  }
0xbb: {  	_ =	swait.ge [sflag:s9], $0x400  }
0xbc: {  	[sflag:s9] =	ssyncset.done $0x0  }
0xbd: {  	[sflag:s9] =	ssyncadd.s32 $0xFFFFFC00  }
0xbe: {  	_ =	swait.ge [sflag:s10], $0x400  }
0xbf: {  	[sflag:s10] =	ssyncset.done $0x0  }
0xc0: {  	[sflag:s10] =	ssyncadd.s32 $0xFFFFFC00  }
.Ltmp0:
0xc1: {  	_ =	swait.ge [sflag:s11], $0x400;
	(pc) =	sbr.rel @p0 .LBB2_2-.Ltmp0, $4  }
0xc2: {  	[sflag:s11] =	ssyncset.done $0x0  }
0xc3: {  	[sflag:s11] =	ssyncadd.s32 $0xFFFFFC00  }
0xc4: {  	_ =	swait.ge [sflag:s12], $0x400  }
0xc5: {  	s15 =	smov.u32 s16;
	[sflag:s12] =	ssyncset.done $0x0  }
0xc6: {  	s14 =	sshra.s32 s14, $0x2;
	[sflag:s12] =	ssyncadd.s32 $0xFFFFFC00  }
0xc7: {  	[spmem:s4] =	stream.indirect.scatter.add.f32 [tilespmem:s2], [sflag:$0x1], $0x8, s14, s1, $0xb8;
	[tilespmem:$0x4100] =	vst v63  }
0xc8: {  	s15 =	sadd.s32 $0x80, s14  }
0xc9: {  	[spmem:s4] =	stream.indirect.scatter.add.f32 [tilespmem:s2], [sflag:$0x2], $0x8, s15, s1, $0xb8;
	[tilespmem:$0x4100] =	vst v63  }
0xca: {  	s17 =	sadd.s32 $0x100, s14  }
0xcb: {  	[spmem:s4] =	stream.indirect.scatter.add.f32 [tilespmem:s2], [sflag:$0x3], $0x8, s17, s1, $0xb8;
	[tilespmem:$0x4100] =	vst v63  }
0xcc: {  	s16 =	sadd.s32 $0x180, s14  }
0xcd: {  	[spmem:s4] =	stream.indirect.scatter.add.f32 [tilespmem:s2], [sflag:$0x4], $0x8, s16, s1, $0xb8;
	[tilespmem:$0x4100] =	vst v63  }
0xce: {  	s17 =	sadd.s32 $0x200, s14  }
0xcf: {  	[spmem:s4] =	stream.indirect.scatter.add.f32 [tilespmem:s2], [sflag:$0x5], $0x8, s17, s1, $0xb8;
	[tilespmem:$0x4100] =	vst v63  }
0xd0: {  	s16 =	sadd.s32 $0x280, s14  }
0xd1: {  	[spmem:s4] =	stream.indirect.scatter.add.f32 [tilespmem:s2], [sflag:$0x6], $0x8, s16, s1, $0xb8;
	[tilespmem:$0x4100] =	vst v63  }
0xd2: {  	s17 =	sadd.s32 $0x300, s14  }
0xd3: {  	[spmem:s4] =	stream.indirect.scatter.add.f32 [tilespmem:s2], [sflag:$0x7], $0x8, s17, s1, $0xb8;
	[tilespmem:$0x4100] =	vst v63  }
0xd4: {  	s14 =	sadd.s32 $0x380, s14  }
0xd5: {  	[spmem:s4] =	stream.indirect.scatter.add.f32 [tilespmem:s2], [sflag:$0x8], $0x8, s14, s1, $0xb8;
	[tilespmem:$0x4100] =	vst v63  }
0xd6: {  	_ =	swait.ge [sflag:s3], $0x400  }
0xd7: {  	[sflag:s3] =	ssyncset.done $0x0  }
0xd8: {  	[sflag:s3] =	ssyncadd.s32 $0xFFFFFC00  }
0xd9: {  	_ =	swait.ge [sflag:s0], $0x400  }
0xda: {  	[sflag:s0] =	ssyncset.done $0x0  }
0xdb: {  	[sflag:s0] =	ssyncadd.s32 $0xFFFFFC00  }
0xdc: {  	_ =	swait.ge [sflag:s7], $0x400  }
0xdd: {  	[sflag:s7] =	ssyncset.done $0x0  }
0xde: {  	[sflag:s7] =	ssyncadd.s32 $0xFFFFFC00  }
0xdf: {  	_ =	swait.ge [sflag:s8], $0x400  }
0xe0: {  	[sflag:s8] =	ssyncset.done $0x0  }
0xe1: {  	[sflag:s8] =	ssyncadd.s32 $0xFFFFFC00  }
0xe2: {  	_ =	swait.ge [sflag:s9], $0x400  }
0xe3: {  	[sflag:s9] =	ssyncset.done $0x0  }
0xe4: {  	[sflag:s9] =	ssyncadd.s32 $0xFFFFFC00  }
0xe5: {  	_ =	swait.ge [sflag:s10], $0x400  }
0xe6: {  	[sflag:s10] =	ssyncset.done $0x0  }
0xe7: {  	[sflag:s10] =	ssyncadd.s32 $0xFFFFFC00  }
0xe8: {  	_ =	swait.ge [sflag:s11], $0x400  }
0xe9: {  	[sflag:s11] =	ssyncset.done $0x0  }
0xea: {  	[sflag:s11] =	ssyncadd.s32 $0xFFFFFC00  }
0xeb: {  	s13 =	sadd.s32 $0x1, s13;
	_ =	swait.ge [sflag:s12], $0x400  }
0xec: {  	p0 =	sne.s32 s13, s29;
	s16 =	stileid.u32;
	[sflag:s12] =	ssyncset.done $0x0  }
0xed: {  	s17 =	sshrl.u32 s6, $0x3;
	s14 =	sshll.u32 s16, $0x6;
	[sflag:s12] =	ssyncadd.s32 $0xFFFFFC00  }
.Ltmp1:
0xee: {  	s14 =	sor.u32 $0x1C09, s14;
	[bflag:$0x0] =	sbarrier.arrive $0xFFFF;
	(pc) =	sbr.rel @p0 .LBB2_1-.Ltmp1, $4  }
0xef: {  	[hbm:s28], [sflag:s14] =	dma.local [spmem:s17], $0x280  }
0xf0: {  	_ =	swait.ge [sflag:s31], $0x280  }
0xf1: {  	[sflag:s31] =	ssyncset.done $0x0  }
0xf2: {  	[sflag:s31] =	ssyncadd.s32 $0xFFFFFD80  }
0xf3: {  	_ =	sfence.sel $0x180000  }
0xf4: {  	[bflag:$0x0] =	sbarrier.arrive $0xFFFF  }
0xf5: {  	_ =	strace $0x90000047  }
0xf6: {  	s0 =	stileid.u32;
	[bflag:$0x2] =	sbarrier.arrive $0xFFFF  }
0xf7: {  	p0 =	sne.s32 s0, $0x0;
	s0 =	rddreg [dreg:$0x4]  }
0xf8: {  	s0 =	sadd.s32 @!p0 $0x100000, s0  }
0xf9: {  	[sflag:s0] =	ssyncadd.tile.s32 @!p0 $0x1;
	_ =	shalt  }
.Lfunc_end2:
_tile_overlayer_lowered:
.L_overlay_start_2:
0xfa: {  	(tag) =	ssettag $0x2  }
0xfb: {  	s0 =	rddreg [dreg:$0x0];
	s2 =	stileid.u32  }
0xfc: {  	s1 =	rddreg [dreg:$0x1];
	p0 =	sne.s32 s2, $0x0  }
0xfd: {  	s3 =	rddreg [dreg:$0x2];
	[bflag:$0x3] =	sbarrier.arrive $0xFFFF;
	s2 =	simm.s32 @!p0 $0x1C09  }
0xfe: {  	[timem:s3], [sflag:s2] =	dma.local @!p0 [hbm:s0], s1  }
0xff: {  	s0 =	simm.s32 @!p0 $0x9  }
0x100: {  	_ =	swait.ge @!p0 [sflag:s0], s1  }
0x101: {  	s1 =	ssub.s32 @!p0 $0x0, s1;
	[sflag:s0] =	ssyncset.done @!p0 $0x0  }
0x102: {  	[sflag:s0] =	ssyncadd.s32 @!p0 s1  }
0x103: {  	[bflag:$0x3] =	sbarrier.arrive $0xFFFF  }
0x104: {  	_ =	shalt  }

</sc_bundles>
